<compile_context>
chip_gen: v7x
topology: tpu7x:2x2x1
jax: 0.10.2.dev20260603
libtpu: 0.0.44.dev20260713+nightly
codegen_flags: <defaults>
</compile_context>

<pallas_src>
import functools
import math

import jax
import jax.numpy as jnp
from jax import lax
from jax.experimental import pallas as pl
from jax.experimental.pallas import tpu as pltpu
from jax.experimental.pallas import tpu_sc as plsc

N_NODES = 10000
NP = 10240
IN_CH = 128
L1 = IN_CH - math.floor((IN_CH - 32) / 3)
L2 = IN_CH - math.floor(2 * (IN_CH - 32) / 3)
OUT_CH = 32
E = 320000
EP = 327680
EROWS = EP // 128
RG = 8
RT0 = 120
RT1 = 40
G0 = RT0 // RG
G1 = RT1 // RG
RPT = NP // 16

_BLK = 256
_NBLK = NP // _BLK


def _make_segsum(D):
    mesh = plsc.VectorSubcoreMesh(core_axis_name="c", subcore_axis_name="s")

    nbuf = 2

    @functools.partial(
        pl.kernel,
        out_type=[jax.ShapeDtypeStruct((2, NP, D), jnp.float32)],
        mesh=mesh,
        scratch_types=[
            pltpu.VMEM((RG, 128), jnp.int32),
            pltpu.VMEM((RG, 128), jnp.int32),
            pltpu.VMEM((128, D), jnp.float32),
            pltpu.VMEM((128, D), jnp.float32),
            pltpu.VMEM_SHARED((NP, D), jnp.float32),
            pltpu.SemaphoreType.DMA,
            pltpu.SemaphoreType.DMA,
            pltpu.SemaphoreType.DMA,
            pltpu.SemaphoreType.DMA,
        ],
    )
    def seg(table_hbm, src_hbm, dst_hbm, zeros_hbm,
            out_hbm, src_buf, dst_buf, r0, r1, acc, sg0, sg1, ss0, ss1):
        rows = [r0, r1]
        sem_g = [sg0, sg1]
        sem_s = [ss0, ss1]
        c = lax.axis_index("c")
        s = lax.axis_index("s")

        pltpu.sync_copy(zeros_hbm, rows[0])
        for t in range(RPT // 128):
            pltpu.sync_copy(rows[0], acc.at[pl.ds(s * RPT + t * 128, 128)])
        plsc.subcore_barrier()

        row0 = jnp.where(c == 0, s * RT0, 16 * RT0 + s * RT1)
        ngroups = jnp.where(c == 0, G0, G1)

        def group(g, carry):
            pltpu.sync_copy(src_hbm.at[pl.ds(row0 + g * RG, RG)], src_buf)
            pltpu.sync_copy(dst_hbm.at[pl.ds(row0 + g * RG, RG)], dst_buf)
            cg = [None] * RG
            cs = [None] * RG
            for j in range(nbuf):
                cg[j] = pltpu.async_copy(
                    table_hbm.at[src_buf.at[j]], rows[j], sem_g[j % nbuf])
            for j in range(RG):
                if j >= nbuf:
                    cs[j - nbuf].wait()
                    cg[j] = pltpu.async_copy(
                        table_hbm.at[src_buf.at[j]], rows[j % nbuf],
                        sem_g[j % nbuf])
                cg[j].wait()
                cs[j] = pltpu.async_copy(
                    rows[j % nbuf], acc.at[dst_buf.at[j]], sem_s[j % nbuf],
                    add=True)
            for j in range(RG - nbuf, RG):
                cs[j].wait()
            return carry

        lax.fori_loop(0, ngroups, group, 0)
        plsc.subcore_barrier()

        pltpu.sync_copy(acc.at[pl.ds(s * RPT, RPT)],
                        out_hbm.at[c, pl.ds(s * RPT, RPT)])

    return seg


_seg128 = _make_segsum(IN_CH)


def _row_spec(d):
    return pl.BlockSpec((_BLK, d), lambda i: (i, 0))


def _full_spec(a, b):
    return pl.BlockSpec((a, b), lambda i: (0, 0))


def _layer1_body(x, p0, p1, wr, wn, b, o):
    agg = p0[...] + p1[...]
    h = (jnp.dot(x[...], wr[...], preferred_element_type=jnp.float32)
         + jnp.dot(agg, wn[...], preferred_element_type=jnp.float32)
         + b[...])
    h = jnp.maximum(h, 0.0)
    o[...] = jnp.concatenate(
        [h, jnp.zeros((_BLK, 127 - L1), jnp.float32),
         jnp.ones((_BLK, 1), jnp.float32)], axis=1)


_layer1 = pl.pallas_call(
    _layer1_body,
    grid=(_NBLK,),
    in_specs=[_row_spec(IN_CH), _row_spec(IN_CH), _row_spec(IN_CH),
              _full_spec(IN_CH, L1), _full_spec(IN_CH, L1), _full_spec(1, L1)],
    out_specs=_row_spec(128),
    out_shape=jax.ShapeDtypeStruct((NP, 128), jnp.float32),
)


def _layer2_body(h1, q0, q1, wr, wn, b, g_o, dv_o):
    agg = q0[:, :L1] + q1[:, :L1]
    h2 = (jnp.dot(h1[:, :L1], wr[...], preferred_element_type=jnp.float32)
          + jnp.dot(agg, wn[...], preferred_element_type=jnp.float32)
          + b[...])
    h2 = jnp.maximum(h2, 0.0)
    deg = q0[:, 127:128] + q1[:, 127:128] + 1.0
    dv = jnp.broadcast_to(lax.rsqrt(deg), (_BLK, 16))
    dv_o[...] = dv
    g = dv[:, 0:1] * h2
    g_o[...] = jnp.concatenate(
        [g, jnp.zeros((_BLK, 128 - L2), jnp.float32)], axis=1)


_layer2 = pl.pallas_call(
    _layer2_body,
    grid=(_NBLK,),
    in_specs=[_row_spec(128), _row_spec(128), _row_spec(128),
              _full_spec(L1, L2), _full_spec(L1, L2), _full_spec(1, L2)],
    out_specs=[_row_spec(128), _row_spec(16)],
    out_shape=[jax.ShapeDtypeStruct((NP, 128), jnp.float32),
               jax.ShapeDtypeStruct((NP, 16), jnp.float32)],
)


def _heads_body(g, s0, s1, dv, wmu, bmu, wls, bls, mu_o, ls_o):
    t = dv[:, 0:1] * (s0[:, :L2] + s1[:, :L2] + g[:, :L2])
    mu_o[...] = jnp.dot(t, wmu[...], preferred_element_type=jnp.float32) + bmu[...]
    ls_o[...] = jnp.dot(t, wls[...], preferred_element_type=jnp.float32) + bls[...]


_heads = pl.pallas_call(
    _heads_body,
    grid=(_NBLK,),
    in_specs=[_row_spec(128), _row_spec(128), _row_spec(128), _row_spec(16),
              _full_spec(L2, OUT_CH), _full_spec(1, OUT_CH),
              _full_spec(L2, OUT_CH), _full_spec(1, OUT_CH)],
    out_specs=[_row_spec(OUT_CH), _row_spec(OUT_CH)],
    out_shape=[jax.ShapeDtypeStruct((NP, OUT_CH), jnp.float32),
               jax.ShapeDtypeStruct((NP, OUT_CH), jnp.float32)],
)


def kernel(x, W1_root, W1_nbr, b1, W2_root, W2_nbr, b2, W_mu, b_mu, W_ls,
           b_ls, edge_index):
    xp = jnp.pad(x, ((0, NP - N_NODES), (0, 0)))
    src = edge_index[0].astype(jnp.int32)
    dst = edge_index[1].astype(jnp.int32)
    pad = jnp.full((EP - E,), N_NODES, dtype=jnp.int32)
    src2 = jnp.concatenate([src, pad]).reshape(EROWS, 128)
    dst2 = jnp.concatenate([dst, pad]).reshape(EROWS, 128)

    z128 = jnp.zeros((128, IN_CH), jnp.float32)

    b1r = b1.reshape(1, L1)
    b2r = b2.reshape(1, L2)
    bmur = b_mu.reshape(1, OUT_CH)
    blsr = b_ls.reshape(1, OUT_CH)

    p = _seg128(xp, src2, dst2, z128)
    p = p[0] if isinstance(p, (list, tuple)) else p
    h1 = _layer1(xp, p[0], p[1], W1_root, W1_nbr, b1r)
    q = _seg128(h1, src2, dst2, z128)
    q = q[0] if isinstance(q, (list, tuple)) else q
    g, dv = _layer2(h1, q[0], q[1], W2_root, W2_nbr, b2r)
    sagg = _seg128(g, src2, dst2, z128)
    sagg = sagg[0] if isinstance(sagg, (list, tuple)) else sagg
    mu, ls = _heads(g, sagg[0], sagg[1], dv, W_mu, bmur, W_ls, blsr)

    return (mu[:N_NODES], ls[:N_NODES])

# --- scband reference (transcript-rebuilt; emitter-appended) ---
"""Pipeline reference for scband-v-pfae-graph-64690797412362 (READ-ONLY COPY).

The authoritative reference and input builder live on the scoring server;
editing this copy changes nothing except your own understanding.
"""

import jax, jax.numpy as jnp
import numpy as np
import math

N_NODES = 10000
IN_CH = 128
OUT_CH = 32
L1 = IN_CH - math.floor((IN_CH - OUT_CH) / 3)  # 96
L2 = IN_CH - math.floor(2 * (IN_CH - OUT_CH) / 3)  # 64


def setup_inputs(seed: int = 0) -> dict:
    key = jax.random.key(seed)
    ks = [jax.random.fold_in(key, i) for i in range(16)]
    x = jax.random.normal(ks[0], (N_NODES, IN_CH), dtype=jnp.float32)
    edge_index = jax.random.randint(ks[1], (2, 320000), 0, N_NODES, dtype=jnp.int64)

    def glorot(k, fan_in, fan_out):
        s = (6.0 / (fan_in + fan_out)) ** 0.5
        return jax.random.uniform(k, (fan_in, fan_out), dtype=jnp.float32, minval=-s, maxval=s)

    return {
        "x": x,
        "W1_root": glorot(ks[2], IN_CH, L1),
        "W1_nbr": glorot(ks[3], IN_CH, L1),
        "b1": jnp.zeros((L1,), dtype=jnp.float32),
        "W2_root": glorot(ks[4], L1, L2),
        "W2_nbr": glorot(ks[5], L1, L2),
        "b2": jnp.zeros((L2,), dtype=jnp.float32),
        "W_mu": glorot(ks[6], L2, OUT_CH),
        "b_mu": jnp.zeros((OUT_CH,), dtype=jnp.float32),
        "W_ls": glorot(ks[7], L2, OUT_CH),
        "b_ls": jnp.zeros((OUT_CH,), dtype=jnp.float32),
        "edge_index": edge_index,
    }


def _graph_conv(x, W_root, W_nbr, b, src, dst, n):
    # PyG GraphConv (aggr='add'): out_i = W_root x_i + W_nbr * sum_{j->i} x_j + b
    agg = jax.ops.segment_sum(jnp.take(x, src, axis=0), dst, num_segments=n)
    return x @ W_root + agg @ W_nbr + b


def _gcn_conv(x, W, b, src, dst, n):
    # PyG GCNConv: add self-loops, symmetric normalization
    h = x @ W
    loop = jnp.arange(n, dtype=src.dtype)
    src2 = jnp.concatenate([src, loop])
    dst2 = jnp.concatenate([dst, loop])
    ones = jnp.ones((src2.shape[0],), dtype=x.dtype)
    deg = jax.ops.segment_sum(ones, dst2, num_segments=n)
    dinv = jnp.where(deg > 0, deg ** -0.5, 0.0)
    norm = jnp.take(dinv, src2) * jnp.take(dinv, dst2)
    out = jax.ops.segment_sum(jnp.take(h, src2, axis=0) * norm[:, None], dst2, num_segments=n)
    return out + b


def reference(x, W1_root, W1_nbr, b1, W2_root, W2_nbr, b2, W_mu, b_mu, W_ls, b_ls, edge_index):
    n = x.shape[0]
    src = edge_index[0]
    dst = edge_index[1]
    h = jax.nn.relu(_graph_conv(x, W1_root, W1_nbr, b1, src, dst, n))
    h = jax.nn.relu(_graph_conv(h, W2_root, W2_nbr, b2, src, dst, n))
    mu = _gcn_conv(h, W_mu, b_mu, src, dst, n)
    logstd = _gcn_conv(h, W_ls, b_ls, src, dst, n)
    return (mu, logstd)

if __name__ == "__main__":
    import jax
    _d = setup_inputs()
    print(jax.jit(kernel)(*tuple(_d.values())))

</pallas_src>

<mosaic_0001>
#map = affine_map<(d0, d1) -> (0, 0)>
#map1 = affine_map<(d0, d1) -> (0, 0, 0)>
module attributes {stable_mosaic.version = 14 : i64} {
  func.func @seg(%arg0: i32, %arg1: i32, %arg2: memref<10240x128xf32, #tpu.memory_space<hbm>>, %arg3: memref<2560x128xi32, #tpu.memory_space<hbm>>, %arg4: memref<2560x128xi32, #tpu.memory_space<hbm>>, %arg5: memref<128x128xf32, #tpu.memory_space<hbm>>, %arg6: memref<2x10240x128xf32, #tpu.memory_space<hbm>>, %arg7: memref<8x128xi32, #tpu.memory_space<vmem>>, %arg8: memref<8x128xi32, #tpu.memory_space<vmem>>, %arg9: memref<128x128xf32, #tpu.memory_space<vmem>>, %arg10: memref<128x128xf32, #tpu.memory_space<vmem>>, %arg11: memref<10240x128xf32, #tpu.memory_space<vmem_shared>>, %arg12: memref<!tpu.dma_semaphore, #tpu.memory_space<semaphore_mem>>, %arg13: memref<!tpu.dma_semaphore, #tpu.memory_space<semaphore_mem>>, %arg14: memref<!tpu.dma_semaphore, #tpu.memory_space<semaphore_mem>>, %arg15: memref<!tpu.dma_semaphore, #tpu.memory_space<semaphore_mem>>) attributes {dimension_semantics = [#tpu.dimension_semantics<core_parallel>, #tpu.dimension_semantics<subcore_parallel>], iteration_bounds = array<i64: 2, 16>, scalar_prefetch = 0 : i64, scratch_operands = 9 : i64, tpu.core_type = #tpu.core_type<sc_vector_subcore>, window_params = [{transform_indices = #map}, {transform_indices = #map}, {transform_indices = #map}, {transform_indices = #map}, {transform_indices = #map1}]} {
    "tpu.region"() ({
      %run_scoped3A = tpu.sem_alloc : memref<!tpu.dma_semaphore, #tpu.memory_space<semaphore_mem>>
      tpu.enqueue_dma source(%arg5 : memref<128x128xf32, #tpu.memory_space<hbm>>) target(%arg9 : memref<128x128xf32, #tpu.memory_space<vmem>>) target_semaphore(%run_scoped3A : memref<!tpu.dma_semaphore, #tpu.memory_space<semaphore_mem>>)
      tpu.wait_dma2 semaphore(%run_scoped3A : memref<!tpu.dma_semaphore, #tpu.memory_space<semaphore_mem>>) src(%arg5 : memref<128x128xf32, #tpu.memory_space<hbm>>) dst(%arg9 : memref<128x128xf32, #tpu.memory_space<vmem>>)
      tpu.yield
    }) : () -> ()
    %mul3A = arith.constant 640 : i32
    %mul3A_0 = arith.muli %arg1, %mul3A : i32
    %add3A = arith.constant 0 : i32
    %add3A_1 = arith.addi %mul3A_0, %add3A : i32
    "tpu.region"() ({
      %run_scoped3A = tpu.sem_alloc : memref<!tpu.dma_semaphore, #tpu.memory_space<semaphore_mem>>
      %dma_start3A = arith.constant 0 : i32
      %dma_start3A_43 = tpu.memref_slice %arg11[%add3A_1, %dma_start3A] : memref<10240x128xf32, #tpu.memory_space<vmem_shared>> -> memref<128x128xf32, #tpu.memory_space<vmem_shared>>
      %dma_start3A_44 = arith.constant 0 : i32
      %dma_start3A_45 = tpu.memref_slice %arg11[%add3A_1, %dma_start3A_44] : memref<10240x128xf32, #tpu.memory_space<vmem_shared>> -> memref<128x128xf32, #tpu.memory_space<vmem_shared>>
      tpu.enqueue_dma source(%arg9 : memref<128x128xf32, #tpu.memory_space<vmem>>) target(%dma_start3A_45 : memref<128x128xf32, #tpu.memory_space<vmem_shared>>) target_semaphore(%run_scoped3A : memref<!tpu.dma_semaphore, #tpu.memory_space<semaphore_mem>>)
      %dma_wait3A = arith.constant 0 : i32
      %dma_wait3A_46 = tpu.memref_slice %arg11[%add3A_1, %dma_wait3A] : memref<10240x128xf32, #tpu.memory_space<vmem_shared>> -> memref<128x128xf32, #tpu.memory_space<vmem_shared>>
      %dma_wait3A_47 = arith.constant 0 : i32
      %dma_wait3A_48 = tpu.memref_slice %arg11[%add3A_1, %dma_wait3A_47] : memref<10240x128xf32, #tpu.memory_space<vmem_shared>> -> memref<128x128xf32, #tpu.memory_space<vmem_shared>>
      tpu.wait_dma2 semaphore(%run_scoped3A : memref<!tpu.dma_semaphore, #tpu.memory_space<semaphore_mem>>) src(%arg9 : memref<128x128xf32, #tpu.memory_space<vmem>>) dst(%dma_wait3A_48 : memref<128x128xf32, #tpu.memory_space<vmem_shared>>)
      tpu.yield
    }) : () -> ()
    %mul3A_2 = arith.constant 640 : i32
    %mul3A_3 = arith.muli %arg1, %mul3A_2 : i32
    %add3A_4 = arith.constant 128 : i32
    %add3A_5 = arith.addi %mul3A_3, %add3A_4 : i32
    "tpu.region"() ({
      %run_scoped3A = tpu.sem_alloc : memref<!tpu.dma_semaphore, #tpu.memory_space<semaphore_mem>>
      %dma_start3A = arith.constant 0 : i32
      %dma_start3A_43 = tpu.memref_slice %arg11[%add3A_5, %dma_start3A] : memref<10240x128xf32, #tpu.memory_space<vmem_shared>> -> memref<128x128xf32, #tpu.memory_space<vmem_shared>>
      %dma_start3A_44 = arith.constant 0 : i32
      %dma_start3A_45 = tpu.memref_slice %arg11[%add3A_5, %dma_start3A_44] : memref<10240x128xf32, #tpu.memory_space<vmem_shared>> -> memref<128x128xf32, #tpu.memory_space<vmem_shared>>
      tpu.enqueue_dma source(%arg9 : memref<128x128xf32, #tpu.memory_space<vmem>>) target(%dma_start3A_45 : memref<128x128xf32, #tpu.memory_space<vmem_shared>>) target_semaphore(%run_scoped3A : memref<!tpu.dma_semaphore, #tpu.memory_space<semaphore_mem>>)
      %dma_wait3A = arith.constant 0 : i32
      %dma_wait3A_46 = tpu.memref_slice %arg11[%add3A_5, %dma_wait3A] : memref<10240x128xf32, #tpu.memory_space<vmem_shared>> -> memref<128x128xf32, #tpu.memory_space<vmem_shared>>
      %dma_wait3A_47 = arith.constant 0 : i32
      %dma_wait3A_48 = tpu.memref_slice %arg11[%add3A_5, %dma_wait3A_47] : memref<10240x128xf32, #tpu.memory_space<vmem_shared>> -> memref<128x128xf32, #tpu.memory_space<vmem_shared>>
      tpu.wait_dma2 semaphore(%run_scoped3A : memref<!tpu.dma_semaphore, #tpu.memory_space<semaphore_mem>>) src(%arg9 : memref<128x128xf32, #tpu.memory_space<vmem>>) dst(%dma_wait3A_48 : memref<128x128xf32, #tpu.memory_space<vmem_shared>>)
      tpu.yield
    }) : () -> ()
    %mul3A_6 = arith.constant 640 : i32
    %mul3A_7 = arith.muli %arg1, %mul3A_6 : i32
    %add3A_8 = arith.constant 256 : i32
    %add3A_9 = arith.addi %mul3A_7, %add3A_8 : i32
    "tpu.region"() ({
      %run_scoped3A = tpu.sem_alloc : memref<!tpu.dma_semaphore, #tpu.memory_space<semaphore_mem>>
      %dma_start3A = arith.constant 0 : i32
      %dma_start3A_43 = tpu.memref_slice %arg11[%add3A_9, %dma_start3A] : memref<10240x128xf32, #tpu.memory_space<vmem_shared>> -> memref<128x128xf32, #tpu.memory_space<vmem_shared>>
      %dma_start3A_44 = arith.constant 0 : i32
      %dma_start3A_45 = tpu.memref_slice %arg11[%add3A_9, %dma_start3A_44] : memref<10240x128xf32, #tpu.memory_space<vmem_shared>> -> memref<128x128xf32, #tpu.memory_space<vmem_shared>>
      tpu.enqueue_dma source(%arg9 : memref<128x128xf32, #tpu.memory_space<vmem>>) target(%dma_start3A_45 : memref<128x128xf32, #tpu.memory_space<vmem_shared>>) target_semaphore(%run_scoped3A : memref<!tpu.dma_semaphore, #tpu.memory_space<semaphore_mem>>)
      %dma_wait3A = arith.constant 0 : i32
      %dma_wait3A_46 = tpu.memref_slice %arg11[%add3A_9, %dma_wait3A] : memref<10240x128xf32, #tpu.memory_space<vmem_shared>> -> memref<128x128xf32, #tpu.memory_space<vmem_shared>>
      %dma_wait3A_47 = arith.constant 0 : i32
      %dma_wait3A_48 = tpu.memref_slice %arg11[%add3A_9, %dma_wait3A_47] : memref<10240x128xf32, #tpu.memory_space<vmem_shared>> -> memref<128x128xf32, #tpu.memory_space<vmem_shared>>
      tpu.wait_dma2 semaphore(%run_scoped3A : memref<!tpu.dma_semaphore, #tpu.memory_space<semaphore_mem>>) src(%arg9 : memref<128x128xf32, #tpu.memory_space<vmem>>) dst(%dma_wait3A_48 : memref<128x128xf32, #tpu.memory_space<vmem_shared>>)
      tpu.yield
    }) : () -> ()
    %mul3A_10 = arith.constant 640 : i32
    %mul3A_11 = arith.muli %arg1, %mul3A_10 : i32
    %add3A_12 = arith.constant 384 : i32
    %add3A_13 = arith.addi %mul3A_11, %add3A_12 : i32
    "tpu.region"() ({
      %run_scoped3A = tpu.sem_alloc : memref<!tpu.dma_semaphore, #tpu.memory_space<semaphore_mem>>
      %dma_start3A = arith.constant 0 : i32
      %dma_start3A_43 = tpu.memref_slice %arg11[%add3A_13, %dma_start3A] : memref<10240x128xf32, #tpu.memory_space<vmem_shared>> -> memref<128x128xf32, #tpu.memory_space<vmem_shared>>
      %dma_start3A_44 = arith.constant 0 : i32
      %dma_start3A_45 = tpu.memref_slice %arg11[%add3A_13, %dma_start3A_44] : memref<10240x128xf32, #tpu.memory_space<vmem_shared>> -> memref<128x128xf32, #tpu.memory_space<vmem_shared>>
      tpu.enqueue_dma source(%arg9 : memref<128x128xf32, #tpu.memory_space<vmem>>) target(%dma_start3A_45 : memref<128x128xf32, #tpu.memory_space<vmem_shared>>) target_semaphore(%run_scoped3A : memref<!tpu.dma_semaphore, #tpu.memory_space<semaphore_mem>>)
      %dma_wait3A = arith.constant 0 : i32
      %dma_wait3A_46 = tpu.memref_slice %arg11[%add3A_13, %dma_wait3A] : memref<10240x128xf32, #tpu.memory_space<vmem_shared>> -> memref<128x128xf32, #tpu.memory_space<vmem_shared>>
      %dma_wait3A_47 = arith.constant 0 : i32
      %dma_wait3A_48 = tpu.memref_slice %arg11[%add3A_13, %dma_wait3A_47] : memref<10240x128xf32, #tpu.memory_space<vmem_shared>> -> memref<128x128xf32, #tpu.memory_space<vmem_shared>>
      tpu.wait_dma2 semaphore(%run_scoped3A : memref<!tpu.dma_semaphore, #tpu.memory_space<semaphore_mem>>) src(%arg9 : memref<128x128xf32, #tpu.memory_space<vmem>>) dst(%dma_wait3A_48 : memref<128x128xf32, #tpu.memory_space<vmem_shared>>)
      tpu.yield
    }) : () -> ()
    %mul3A_14 = arith.constant 640 : i32
    %mul3A_15 = arith.muli %arg1, %mul3A_14 : i32
    %add3A_16 = arith.constant 512 : i32
    %add3A_17 = arith.addi %mul3A_15, %add3A_16 : i32
    "tpu.region"() ({
      %run_scoped3A = tpu.sem_alloc : memref<!tpu.dma_semaphore, #tpu.memory_space<semaphore_mem>>
      %dma_start3A = arith.constant 0 : i32
      %dma_start3A_43 = tpu.memref_slice %arg11[%add3A_17, %dma_start3A] : memref<10240x128xf32, #tpu.memory_space<vmem_shared>> -> memref<128x128xf32, #tpu.memory_space<vmem_shared>>
      %dma_start3A_44 = arith.constant 0 : i32
      %dma_start3A_45 = tpu.memref_slice %arg11[%add3A_17, %dma_start3A_44] : memref<10240x128xf32, #tpu.memory_space<vmem_shared>> -> memref<128x128xf32, #tpu.memory_space<vmem_shared>>
      tpu.enqueue_dma source(%arg9 : memref<128x128xf32, #tpu.memory_space<vmem>>) target(%dma_start3A_45 : memref<128x128xf32, #tpu.memory_space<vmem_shared>>) target_semaphore(%run_scoped3A : memref<!tpu.dma_semaphore, #tpu.memory_space<semaphore_mem>>)
      %dma_wait3A = arith.constant 0 : i32
      %dma_wait3A_46 = tpu.memref_slice %arg11[%add3A_17, %dma_wait3A] : memref<10240x128xf32, #tpu.memory_space<vmem_shared>> -> memref<128x128xf32, #tpu.memory_space<vmem_shared>>
      %dma_wait3A_47 = arith.constant 0 : i32
      %dma_wait3A_48 = tpu.memref_slice %arg11[%add3A_17, %dma_wait3A_47] : memref<10240x128xf32, #tpu.memory_space<vmem_shared>> -> memref<128x128xf32, #tpu.memory_space<vmem_shared>>
      tpu.wait_dma2 semaphore(%run_scoped3A : memref<!tpu.dma_semaphore, #tpu.memory_space<semaphore_mem>>) src(%arg9 : memref<128x128xf32, #tpu.memory_space<vmem>>) dst(%dma_wait3A_48 : memref<128x128xf32, #tpu.memory_space<vmem_shared>>)
      tpu.yield
    }) : () -> ()
    %barrier3A = arith.constant 0 : index
    tpu.barrier barrier_id(%barrier3A)
    %eq3A = arith.constant 0 : i32
    %eq3A_18 = arith.cmpi eq, %arg0, %eq3A : i32
    %mul3A_19 = arith.constant 120 : i32
    %mul3A_20 = arith.muli %arg1, %mul3A_19 : i32
    %mul3A_21 = arith.constant 40 : i32
    %mul3A_22 = arith.muli %arg1, %mul3A_21 : i32
    %add3A_23 = arith.constant 1920 : i32
    %add3A_24 = arith.addi %add3A_23, %mul3A_22 : i32
    %select_n3A = arith.select %eq3A_18, %mul3A_20, %add3A_24 : i32
    %eq3A_25 = arith.constant 0 : i32
    %eq3A_26 = arith.cmpi eq, %arg0, %eq3A_25 : i32
    %jit3A = arith.constant 15 : i32
    %jit3A_27 = arith.constant 5 : i32
    %select_n3A_28 = arith.select %eq3A_26, %jit3A, %jit3A_27 : i32
    %while3A = arith.constant 0 : i32
    %while3A_29 = arith.constant 0 : i32
    %while3A_30 = arith.subi %select_n3A_28, %while3A_29 : i32
    %while3A_31 = arith.addi %while3A_29, %while3A_30 : i32
    %while3A_32 = arith.constant 1 : i32
    %while3A_33 = arith.divsi %while3A_30, %while3A_32 : i32
    %while3A_34 = arith.muli %while3A_33, %while3A_32 : i32
    %while3A_35 = arith.addi %while3A_29, %while3A_34 : i32
    %while3A_36 = arith.constant 1 : i32
    scf.for %while3A_43 = %while3A_29 to %while3A_35 step %while3A_36  : i32 {
      %mul3A_44 = arith.constant 8 : i32
      %mul3A_45 = arith.muli %while3A_43, %mul3A_44 : i32
      %add3A_46 = arith.addi %select_n3A, %mul3A_45 : i32
      "tpu.region"() ({
        %run_scoped3A = tpu.sem_alloc : memref<!tpu.dma_semaphore, #tpu.memory_space<semaphore_mem>>
        %dma_start3A_272 = arith.constant 0 : i32
        %dma_start3A_273 = tpu.memref_slice %arg3[%add3A_46, %dma_start3A_272] : memref<2560x128xi32, #tpu.memory_space<hbm>> -> memref<8x128xi32, #tpu.memory_space<hbm>>
        %dma_start3A_274 = arith.constant 0 : i32
        %dma_start3A_275 = tpu.memref_slice %arg3[%add3A_46, %dma_start3A_274] : memref<2560x128xi32, #tpu.memory_space<hbm>> -> memref<8x128xi32, #tpu.memory_space<hbm>>
        tpu.enqueue_dma source(%dma_start3A_275 : memref<8x128xi32, #tpu.memory_space<hbm>>) target(%arg7 : memref<8x128xi32, #tpu.memory_space<vmem>>) target_semaphore(%run_scoped3A : memref<!tpu.dma_semaphore, #tpu.memory_space<semaphore_mem>>)
        %dma_wait3A_276 = arith.constant 0 : i32
        %dma_wait3A_277 = tpu.memref_slice %arg3[%add3A_46, %dma_wait3A_276] : memref<2560x128xi32, #tpu.memory_space<hbm>> -> memref<8x128xi32, #tpu.memory_space<hbm>>
        %dma_wait3A_278 = arith.constant 0 : i32
        %dma_wait3A_279 = tpu.memref_slice %arg3[%add3A_46, %dma_wait3A_278] : memref<2560x128xi32, #tpu.memory_space<hbm>> -> memref<8x128xi32, #tpu.memory_space<hbm>>
        tpu.wait_dma2 semaphore(%run_scoped3A : memref<!tpu.dma_semaphore, #tpu.memory_space<semaphore_mem>>) src(%dma_wait3A_279 : memref<8x128xi32, #tpu.memory_space<hbm>>) dst(%arg7 : memref<8x128xi32, #tpu.memory_space<vmem>>)
        tpu.yield
      }) : () -> ()
      %mul3A_47 = arith.constant 8 : i32
      %mul3A_48 = arith.muli %while3A_43, %mul3A_47 : i32
      %add3A_49 = arith.addi %select_n3A, %mul3A_48 : i32
      "tpu.region"() ({
        %run_scoped3A = tpu.sem_alloc : memref<!tpu.dma_semaphore, #tpu.memory_space<semaphore_mem>>
        %dma_start3A_272 = arith.constant 0 : i32
        %dma_start3A_273 = tpu.memref_slice %arg4[%add3A_49, %dma_start3A_272] : memref<2560x128xi32, #tpu.memory_space<hbm>> -> memref<8x128xi32, #tpu.memory_space<hbm>>
        %dma_start3A_274 = arith.constant 0 : i32
        %dma_start3A_275 = tpu.memref_slice %arg4[%add3A_49, %dma_start3A_274] : memref<2560x128xi32, #tpu.memory_space<hbm>> -> memref<8x128xi32, #tpu.memory_space<hbm>>
        tpu.enqueue_dma source(%dma_start3A_275 : memref<8x128xi32, #tpu.memory_space<hbm>>) target(%arg8 : memref<8x128xi32, #tpu.memory_space<vmem>>) target_semaphore(%run_scoped3A : memref<!tpu.dma_semaphore, #tpu.memory_space<semaphore_mem>>)
        %dma_wait3A_276 = arith.constant 0 : i32
        %dma_wait3A_277 = tpu.memref_slice %arg4[%add3A_49, %dma_wait3A_276] : memref<2560x128xi32, #tpu.memory_space<hbm>> -> memref<8x128xi32, #tpu.memory_space<hbm>>
        %dma_wait3A_278 = arith.constant 0 : i32
        %dma_wait3A_279 = tpu.memref_slice %arg4[%add3A_49, %dma_wait3A_278] : memref<2560x128xi32, #tpu.memory_space<hbm>> -> memref<8x128xi32, #tpu.memory_space<hbm>>
        tpu.wait_dma2 semaphore(%run_scoped3A : memref<!tpu.dma_semaphore, #tpu.memory_space<semaphore_mem>>) src(%dma_wait3A_279 : memref<8x128xi32, #tpu.memory_space<hbm>>) dst(%arg8 : memref<8x128xi32, #tpu.memory_space<vmem>>)
        tpu.yield
      }) : () -> ()
      %dma_start3A = arith.constant 0 : i32
      %dma_start3A_50 = arith.constant 0 : i32
      %dma_start3A_51 = tpu.memref_slice %arg7[%dma_start3A, %dma_start3A_50] : memref<8x128xi32, #tpu.memory_space<vmem>> -> memref<1x128xi32, #tpu.memory_space<vmem>>
      %dma_start3A_52 = tpu.memref_squeeze %dma_start3A_51 : memref<1x128xi32, #tpu.memory_space<vmem>> -> memref<128xi32, #tpu.memory_space<vmem>>
      %dma_start3A_53 = arith.constant 0 : i32
      %dma_start3A_54 = arith.constant 0 : i32
      %dma_start3A_55 = tpu.memref_slice %arg2[%dma_start3A_53, %dma_start3A_54] : memref<10240x128xf32, #tpu.memory_space<hbm>> -> memref<10240x128xf32, #tpu.memory_space<hbm>>
      tpu.enqueue_indirect_dma source(%dma_start3A_55 : memref<10240x128xf32, #tpu.memory_space<hbm>>) target(%arg9 : memref<128x128xf32, #tpu.memory_space<vmem>>) offsets(%dma_start3A_52 : memref<128xi32, #tpu.memory_space<vmem>>) semaphore(%arg12 : memref<!tpu.dma_semaphore, #tpu.memory_space<semaphore_mem>>)
      %dma_start3A_56 = arith.constant 1 : i32
      %dma_start3A_57 = arith.constant 0 : i32
      %dma_start3A_58 = tpu.memref_slice %arg7[%dma_start3A_56, %dma_start3A_57] : memref<8x128xi32, #tpu.memory_space<vmem>> -> memref<1x128xi32, #tpu.memory_space<vmem>>
      %dma_start3A_59 = tpu.memref_squeeze %dma_start3A_58 : memref<1x128xi32, #tpu.memory_space<vmem>> -> memref<128xi32, #tpu.memory_space<vmem>>
      %dma_start3A_60 = arith.constant 0 : i32
      %dma_start3A_61 = arith.constant 0 : i32
      %dma_start3A_62 = tpu.memref_slice %arg2[%dma_start3A_60, %dma_start3A_61] : memref<10240x128xf32, #tpu.memory_space<hbm>> -> memref<10240x128xf32, #tpu.memory_space<hbm>>
      tpu.enqueue_indirect_dma source(%dma_start3A_62 : memref<10240x128xf32, #tpu.memory_space<hbm>>) target(%arg10 : memref<128x128xf32, #tpu.memory_space<vmem>>) offsets(%dma_start3A_59 : memref<128xi32, #tpu.memory_space<vmem>>) semaphore(%arg13 : memref<!tpu.dma_semaphore, #tpu.memory_space<semaphore_mem>>)
      %dma_wait3A = arith.constant 0 : i32
      %dma_wait3A_63 = arith.constant 0 : i32
      %dma_wait3A_64 = tpu.memref_slice %arg7[%dma_wait3A, %dma_wait3A_63] : memref<8x128xi32, #tpu.memory_space<vmem>> -> memref<1x128xi32, #tpu.memory_space<vmem>>
      %dma_wait3A_65 = tpu.memref_squeeze %dma_wait3A_64 : memref<1x128xi32, #tpu.memory_space<vmem>> -> memref<128xi32, #tpu.memory_space<vmem>>
      %dma_wait3A_66 = arith.constant 0 : i32
      %dma_wait3A_67 = arith.constant 0 : i32
      %dma_wait3A_68 = tpu.memref_slice %arg2[%dma_wait3A_66, %dma_wait3A_67] : memref<10240x128xf32, #tpu.memory_space<hbm>> -> memref<10240x128xf32, #tpu.memory_space<hbm>>
      tpu.wait_indirect_dma semaphore(%arg12 : memref<!tpu.dma_semaphore, #tpu.memory_space<semaphore_mem>>) src(%dma_wait3A_68 : memref<10240x128xf32, #tpu.memory_space<hbm>>) dst(%arg9 : memref<128x128xf32, #tpu.memory_space<vmem>>)
      %dma_start3A_69 = arith.constant 0 : i32
      %dma_start3A_70 = arith.constant 0 : i32
      %dma_start3A_71 = tpu.memref_slice %arg8[%dma_start3A_69, %dma_start3A_70] : memref<8x128xi32, #tpu.memory_space<vmem>> -> memref<1x128xi32, #tpu.memory_space<vmem>>
      %dma_start3A_72 = tpu.memref_squeeze %dma_start3A_71 : memref<1x128xi32, #tpu.memory_space<vmem>> -> memref<128xi32, #tpu.memory_space<vmem>>
      %dma_start3A_73 = arith.constant 0 : i32
      %dma_start3A_74 = arith.constant 0 : i32
      %dma_start3A_75 = tpu.memref_slice %arg11[%dma_start3A_73, %dma_start3A_74] : memref<10240x128xf32, #tpu.memory_space<vmem_shared>> -> memref<10240x128xf32, #tpu.memory_space<vmem_shared>>
      tpu.enqueue_indirect_dma source(%arg9 : memref<128x128xf32, #tpu.memory_space<vmem>>) target(%dma_start3A_75 : memref<10240x128xf32, #tpu.memory_space<vmem_shared>>) offsets(%dma_start3A_72 : memref<128xi32, #tpu.memory_space<vmem>>) semaphore(%arg14 : memref<!tpu.dma_semaphore, #tpu.memory_space<semaphore_mem>>) {add = true}
      %dma_wait3A_76 = arith.constant 1 : i32
      %dma_wait3A_77 = arith.constant 0 : i32
      %dma_wait3A_78 = tpu.memref_slice %arg7[%dma_wait3A_76, %dma_wait3A_77] : memref<8x128xi32, #tpu.memory_space<vmem>> -> memref<1x128xi32, #tpu.memory_space<vmem>>
      %dma_wait3A_79 = tpu.memref_squeeze %dma_wait3A_78 : memref<1x128xi32, #tpu.memory_space<vmem>> -> memref<128xi32, #tpu.memory_space<vmem>>
      %dma_wait3A_80 = arith.constant 0 : i32
      %dma_wait3A_81 = arith.constant 0 : i32
      %dma_wait3A_82 = tpu.memref_slice %arg2[%dma_wait3A_80, %dma_wait3A_81] : memref<10240x128xf32, #tpu.memory_space<hbm>> -> memref<10240x128xf32, #tpu.memory_space<hbm>>
      tpu.wait_indirect_dma semaphore(%arg13 : memref<!tpu.dma_semaphore, #tpu.memory_space<semaphore_mem>>) src(%dma_wait3A_82 : memref<10240x128xf32, #tpu.memory_space<hbm>>) dst(%arg10 : memref<128x128xf32, #tpu.memory_space<vmem>>)
      %dma_start3A_83 = arith.constant 1 : i32
      %dma_start3A_84 = arith.constant 0 : i32
      %dma_start3A_85 = tpu.memref_slice %arg8[%dma_start3A_83, %dma_start3A_84] : memref<8x128xi32, #tpu.memory_space<vmem>> -> memref<1x128xi32, #tpu.memory_space<vmem>>
      %dma_start3A_86 = tpu.memref_squeeze %dma_start3A_85 : memref<1x128xi32, #tpu.memory_space<vmem>> -> memref<128xi32, #tpu.memory_space<vmem>>
      %dma_start3A_87 = arith.constant 0 : i32
      %dma_start3A_88 = arith.constant 0 : i32
      %dma_start3A_89 = tpu.memref_slice %arg11[%dma_start3A_87, %dma_start3A_88] : memref<10240x128xf32, #tpu.memory_space<vmem_shared>> -> memref<10240x128xf32, #tpu.memory_space<vmem_shared>>
      tpu.enqueue_indirect_dma source(%arg10 : memref<128x128xf32, #tpu.memory_space<vmem>>) target(%dma_start3A_89 : memref<10240x128xf32, #tpu.memory_space<vmem_shared>>) offsets(%dma_start3A_86 : memref<128xi32, #tpu.memory_space<vmem>>) semaphore(%arg15 : memref<!tpu.dma_semaphore, #tpu.memory_space<semaphore_mem>>) {add = true}
      %dma_wait3A_90 = arith.constant 0 : i32
      %dma_wait3A_91 = arith.constant 0 : i32
      %dma_wait3A_92 = tpu.memref_slice %arg8[%dma_wait3A_90, %dma_wait3A_91] : memref<8x128xi32, #tpu.memory_space<vmem>> -> memref<1x128xi32, #tpu.memory_space<vmem>>
      %dma_wait3A_93 = tpu.memref_squeeze %dma_wait3A_92 : memref<1x128xi32, #tpu.memory_space<vmem>> -> memref<128xi32, #tpu.memory_space<vmem>>
      %dma_wait3A_94 = arith.constant 0 : i32
      %dma_wait3A_95 = arith.constant 0 : i32
      %dma_wait3A_96 = tpu.memref_slice %arg11[%dma_wait3A_94, %dma_wait3A_95] : memref<10240x128xf32, #tpu.memory_space<vmem_shared>> -> memref<10240x128xf32, #tpu.memory_space<vmem_shared>>
      tpu.wait_indirect_dma semaphore(%arg14 : memref<!tpu.dma_semaphore, #tpu.memory_space<semaphore_mem>>) src(%arg9 : memref<128x128xf32, #tpu.memory_space<vmem>>) dst(%dma_wait3A_96 : memref<10240x128xf32, #tpu.memory_space<vmem_shared>>)
      %dma_start3A_97 = arith.constant 2 : i32
      %dma_start3A_98 = arith.constant 0 : i32
      %dma_start3A_99 = tpu.memref_slice %arg7[%dma_start3A_97, %dma_start3A_98] : memref<8x128xi32, #tpu.memory_space<vmem>> -> memref<1x128xi32, #tpu.memory_space<vmem>>
      %dma_start3A_100 = tpu.memref_squeeze %dma_start3A_99 : memref<1x128xi32, #tpu.memory_space<vmem>> -> memref<128xi32, #tpu.memory_space<vmem>>
      %dma_start3A_101 = arith.constant 0 : i32
      %dma_start3A_102 = arith.constant 0 : i32
      %dma_start3A_103 = tpu.memref_slice %arg2[%dma_start3A_101, %dma_start3A_102] : memref<10240x128xf32, #tpu.memory_space<hbm>> -> memref<10240x128xf32, #tpu.memory_space<hbm>>
      tpu.enqueue_indirect_dma source(%dma_start3A_103 : memref<10240x128xf32, #tpu.memory_space<hbm>>) target(%arg9 : memref<128x128xf32, #tpu.memory_space<vmem>>) offsets(%dma_start3A_100 : memref<128xi32, #tpu.memory_space<vmem>>) semaphore(%arg12 : memref<!tpu.dma_semaphore, #tpu.memory_space<semaphore_mem>>)
      %dma_wait3A_104 = arith.constant 2 : i32
      %dma_wait3A_105 = arith.constant 0 : i32
      %dma_wait3A_106 = tpu.memref_slice %arg7[%dma_wait3A_104, %dma_wait3A_105] : memref<8x128xi32, #tpu.memory_space<vmem>> -> memref<1x128xi32, #tpu.memory_space<vmem>>
      %dma_wait3A_107 = tpu.memref_squeeze %dma_wait3A_106 : memref<1x128xi32, #tpu.memory_space<vmem>> -> memref<128xi32, #tpu.memory_space<vmem>>
      %dma_wait3A_108 = arith.constant 0 : i32
      %dma_wait3A_109 = arith.constant 0 : i32
      %dma_wait3A_110 = tpu.memref_slice %arg2[%dma_wait3A_108, %dma_wait3A_109] : memref<10240x128xf32, #tpu.memory_space<hbm>> -> memref<10240x128xf32, #tpu.memory_space<hbm>>
      tpu.wait_indirect_dma semaphore(%arg12 : memref<!tpu.dma_semaphore, #tpu.memory_space<semaphore_mem>>) src(%dma_wait3A_110 : memref<10240x128xf32, #tpu.memory_space<hbm>>) dst(%arg9 : memref<128x128xf32, #tpu.memory_space<vmem>>)
      %dma_start3A_111 = arith.constant 2 : i32
      %dma_start3A_112 = arith.constant 0 : i32
      %dma_start3A_113 = tpu.memref_slice %arg8[%dma_start3A_111, %dma_start3A_112] : memref<8x128xi32, #tpu.memory_space<vmem>> -> memref<1x128xi32, #tpu.memory_space<vmem>>
      %dma_start3A_114 = tpu.memref_squeeze %dma_start3A_113 : memref<1x128xi32, #tpu.memory_space<vmem>> -> memref<128xi32, #tpu.memory_space<vmem>>
      %dma_start3A_115 = arith.constant 0 : i32
      %dma_start3A_116 = arith.constant 0 : i32
      %dma_start3A_117 = tpu.memref_slice %arg11[%dma_start3A_115, %dma_start3A_116] : memref<10240x128xf32, #tpu.memory_space<vmem_shared>> -> memref<10240x128xf32, #tpu.memory_space<vmem_shared>>
      tpu.enqueue_indirect_dma source(%arg9 : memref<128x128xf32, #tpu.memory_space<vmem>>) target(%dma_start3A_117 : memref<10240x128xf32, #tpu.memory_space<vmem_shared>>) offsets(%dma_start3A_114 : memref<128xi32, #tpu.memory_space<vmem>>) semaphore(%arg14 : memref<!tpu.dma_semaphore, #tpu.memory_space<semaphore_mem>>) {add = true}
      %dma_wait3A_118 = arith.constant 1 : i32
      %dma_wait3A_119 = arith.constant 0 : i32
      %dma_wait3A_120 = tpu.memref_slice %arg8[%dma_wait3A_118, %dma_wait3A_119] : memref<8x128xi32, #tpu.memory_space<vmem>> -> memref<1x128xi32, #tpu.memory_space<vmem>>
      %dma_wait3A_121 = tpu.memref_squeeze %dma_wait3A_120 : memref<1x128xi32, #tpu.memory_space<vmem>> -> memref<128xi32, #tpu.memory_space<vmem>>
      %dma_wait3A_122 = arith.constant 0 : i32
      %dma_wait3A_123 = arith.constant 0 : i32
      %dma_wait3A_124 = tpu.memref_slice %arg11[%dma_wait3A_122, %dma_wait3A_123] : memref<10240x128xf32, #tpu.memory_space<vmem_shared>> -> memref<10240x128xf32, #tpu.memory_space<vmem_shared>>
      tpu.wait_indirect_dma semaphore(%arg15 : memref<!tpu.dma_semaphore, #tpu.memory_space<semaphore_mem>>) src(%arg10 : memref<128x128xf32, #tpu.memory_space<vmem>>) dst(%dma_wait3A_124 : memref<10240x128xf32, #tpu.memory_space<vmem_shared>>)
      %dma_start3A_125 = arith.constant 3 : i32
      %dma_start3A_126 = arith.constant 0 : i32
      %dma_start3A_127 = tpu.memref_slice %arg7[%dma_start3A_125, %dma_start3A_126] : memref<8x128xi32, #tpu.memory_space<vmem>> -> memref<1x128xi32, #tpu.memory_space<vmem>>
      %dma_start3A_128 = tpu.memref_squeeze %dma_start3A_127 : memref<1x128xi32, #tpu.memory_space<vmem>> -> memref<128xi32, #tpu.memory_space<vmem>>
      %dma_start3A_129 = arith.constant 0 : i32
      %dma_start3A_130 = arith.constant 0 : i32
      %dma_start3A_131 = tpu.memref_slice %arg2[%dma_start3A_129, %dma_start3A_130] : memref<10240x128xf32, #tpu.memory_space<hbm>> -> memref<10240x128xf32, #tpu.memory_space<hbm>>
      tpu.enqueue_indirect_dma source(%dma_start3A_131 : memref<10240x128xf32, #tpu.memory_space<hbm>>) target(%arg10 : memref<128x128xf32, #tpu.memory_space<vmem>>) offsets(%dma_start3A_128 : memref<128xi32, #tpu.memory_space<vmem>>) semaphore(%arg13 : memref<!tpu.dma_semaphore, #tpu.memory_space<semaphore_mem>>)
      %dma_wait3A_132 = arith.constant 3 : i32
      %dma_wait3A_133 = arith.constant 0 : i32
      %dma_wait3A_134 = tpu.memref_slice %arg7[%dma_wait3A_132, %dma_wait3A_133] : memref<8x128xi32, #tpu.memory_space<vmem>> -> memref<1x128xi32, #tpu.memory_space<vmem>>
      %dma_wait3A_135 = tpu.memref_squeeze %dma_wait3A_134 : memref<1x128xi32, #tpu.memory_space<vmem>> -> memref<128xi32, #tpu.memory_space<vmem>>
      %dma_wait3A_136 = arith.constant 0 : i32
      %dma_wait3A_137 = arith.constant 0 : i32
      %dma_wait3A_138 = tpu.memref_slice %arg2[%dma_wait3A_136, %dma_wait3A_137] : memref<10240x128xf32, #tpu.memory_space<hbm>> -> memref<10240x128xf32, #tpu.memory_space<hbm>>
      tpu.wait_indirect_dma semaphore(%arg13 : memref<!tpu.dma_semaphore, #tpu.memory_space<semaphore_mem>>) src(%dma_wait3A_138 : memref<10240x128xf32, #tpu.memory_space<hbm>>) dst(%arg10 : memref<128x128xf32, #tpu.memory_space<vmem>>)
      %dma_start3A_139 = arith.constant 3 : i32
      %dma_start3A_140 = arith.constant 0 : i32
      %dma_start3A_141 = tpu.memref_slice %arg8[%dma_start3A_139, %dma_start3A_140] : memref<8x128xi32, #tpu.memory_space<vmem>> -> memref<1x128xi32, #tpu.memory_space<vmem>>
      %dma_start3A_142 = tpu.memref_squeeze %dma_start3A_141 : memref<1x128xi32, #tpu.memory_space<vmem>> -> memref<128xi32, #tpu.memory_space<vmem>>
      %dma_start3A_143 = arith.constant 0 : i32
      %dma_start3A_144 = arith.constant 0 : i32
      %dma_start3A_145 = tpu.memref_slice %arg11[%dma_start3A_143, %dma_start3A_144] : memref<10240x128xf32, #tpu.memory_space<vmem_shared>> -> memref<10240x128xf32, #tpu.memory_space<vmem_shared>>
      tpu.enqueue_indirect_dma source(%arg10 : memref<128x128xf32, #tpu.memory_space<vmem>>) target(%dma_start3A_145 : memref<10240x128xf32, #tpu.memory_space<vmem_shared>>) offsets(%dma_start3A_142 : memref<128xi32, #tpu.memory_space<vmem>>) semaphore(%arg15 : memref<!tpu.dma_semaphore, #tpu.memory_space<semaphore_mem>>) {add = true}
      %dma_wait3A_146 = arith.constant 2 : i32
      %dma_wait3A_147 = arith.constant 0 : i32
      %dma_wait3A_148 = tpu.memref_slice %arg8[%dma_wait3A_146, %dma_wait3A_147] : memref<8x128xi32, #tpu.memory_space<vmem>> -> memref<1x128xi32, #tpu.memory_space<vmem>>
      %dma_wait3A_149 = tpu.memref_squeeze %dma_wait3A_148 : memref<1x128xi32, #tpu.memory_space<vmem>> -> memref<128xi32, #tpu.memory_space<vmem>>
      %dma_wait3A_150 = arith.constant 0 : i32
      %dma_wait3A_151 = arith.constant 0 : i32
      %dma_wait3A_152 = tpu.memref_slice %arg11[%dma_wait3A_150, %dma_wait3A_151] : memref<10240x128xf32, #tpu.memory_space<vmem_shared>> -> memref<10240x128xf32, #tpu.memory_space<vmem_shared>>
      tpu.wait_indirect_dma semaphore(%arg14 : memref<!tpu.dma_semaphore, #tpu.memory_space<semaphore_mem>>) src(%arg9 : memref<128x128xf32, #tpu.memory_space<vmem>>) dst(%dma_wait3A_152 : memref<10240x128xf32, #tpu.memory_space<vmem_shared>>)
      %dma_start3A_153 = arith.constant 4 : i32
      %dma_start3A_154 = arith.constant 0 : i32
      %dma_start3A_155 = tpu.memref_slice %arg7[%dma_start3A_153, %dma_start3A_154] : memref<8x128xi32, #tpu.memory_space<vmem>> -> memref<1x128xi32, #tpu.memory_space<vmem>>
      %dma_start3A_156 = tpu.memref_squeeze %dma_start3A_155 : memref<1x128xi32, #tpu.memory_space<vmem>> -> memref<128xi32, #tpu.memory_space<vmem>>
      %dma_start3A_157 = arith.constant 0 : i32
      %dma_start3A_158 = arith.constant 0 : i32
      %dma_start3A_159 = tpu.memref_slice %arg2[%dma_start3A_157, %dma_start3A_158] : memref<10240x128xf32, #tpu.memory_space<hbm>> -> memref<10240x128xf32, #tpu.memory_space<hbm>>
      tpu.enqueue_indirect_dma source(%dma_start3A_159 : memref<10240x128xf32, #tpu.memory_space<hbm>>) target(%arg9 : memref<128x128xf32, #tpu.memory_space<vmem>>) offsets(%dma_start3A_156 : memref<128xi32, #tpu.memory_space<vmem>>) semaphore(%arg12 : memref<!tpu.dma_semaphore, #tpu.memory_space<semaphore_mem>>)
      %dma_wait3A_160 = arith.constant 4 : i32
      %dma_wait3A_161 = arith.constant 0 : i32
      %dma_wait3A_162 = tpu.memref_slice %arg7[%dma_wait3A_160, %dma_wait3A_161] : memref<8x128xi32, #tpu.memory_space<vmem>> -> memref<1x128xi32, #tpu.memory_space<vmem>>
      %dma_wait3A_163 = tpu.memref_squeeze %dma_wait3A_162 : memref<1x128xi32, #tpu.memory_space<vmem>> -> memref<128xi32, #tpu.memory_space<vmem>>
      %dma_wait3A_164 = arith.constant 0 : i32
      %dma_wait3A_165 = arith.constant 0 : i32
      %dma_wait3A_166 = tpu.memref_slice %arg2[%dma_wait3A_164, %dma_wait3A_165] : memref<10240x128xf32, #tpu.memory_space<hbm>> -> memref<10240x128xf32, #tpu.memory_space<hbm>>
      tpu.wait_indirect_dma semaphore(%arg12 : memref<!tpu.dma_semaphore, #tpu.memory_space<semaphore_mem>>) src(%dma_wait3A_166 : memref<10240x128xf32, #tpu.memory_space<hbm>>) dst(%arg9 : memref<128x128xf32, #tpu.memory_space<vmem>>)
      %dma_start3A_167 = arith.constant 4 : i32
      %dma_start3A_168 = arith.constant 0 : i32
      %dma_start3A_169 = tpu.memref_slice %arg8[%dma_start3A_167, %dma_start3A_168] : memref<8x128xi32, #tpu.memory_space<vmem>> -> memref<1x128xi32, #tpu.memory_space<vmem>>
      %dma_start3A_170 = tpu.memref_squeeze %dma_start3A_169 : memref<1x128xi32, #tpu.memory_space<vmem>> -> memref<128xi32, #tpu.memory_space<vmem>>
      %dma_start3A_171 = arith.constant 0 : i32
      %dma_start3A_172 = arith.constant 0 : i32
      %dma_start3A_173 = tpu.memref_slice %arg11[%dma_start3A_171, %dma_start3A_172] : memref<10240x128xf32, #tpu.memory_space<vmem_shared>> -> memref<10240x128xf32, #tpu.memory_space<vmem_shared>>
      tpu.enqueue_indirect_dma source(%arg9 : memref<128x128xf32, #tpu.memory_space<vmem>>) target(%dma_start3A_173 : memref<10240x128xf32, #tpu.memory_space<vmem_shared>>) offsets(%dma_start3A_170 : memref<128xi32, #tpu.memory_space<vmem>>) semaphore(%arg14 : memref<!tpu.dma_semaphore, #tpu.memory_space<semaphore_mem>>) {add = true}
      %dma_wait3A_174 = arith.constant 3 : i32
      %dma_wait3A_175 = arith.constant 0 : i32
      %dma_wait3A_176 = tpu.memref_slice %arg8[%dma_wait3A_174, %dma_wait3A_175] : memref<8x128xi32, #tpu.memory_space<vmem>> -> memref<1x128xi32, #tpu.memory_space<vmem>>
      %dma_wait3A_177 = tpu.memref_squeeze %dma_wait3A_176 : memref<1x128xi32, #tpu.memory_space<vmem>> -> memref<128xi32, #tpu.memory_space<vmem>>
      %dma_wait3A_178 = arith.constant 0 : i32
      %dma_wait3A_179 = arith.constant 0 : i32
      %dma_wait3A_180 = tpu.memref_slice %arg11[%dma_wait3A_178, %dma_wait3A_179] : memref<10240x128xf32, #tpu.memory_space<vmem_shared>> -> memref<10240x128xf32, #tpu.memory_space<vmem_shared>>
      tpu.wait_indirect_dma semaphore(%arg15 : memref<!tpu.dma_semaphore, #tpu.memory_space<semaphore_mem>>) src(%arg10 : memref<128x128xf32, #tpu.memory_space<vmem>>) dst(%dma_wait3A_180 : memref<10240x128xf32, #tpu.memory_space<vmem_shared>>)
      %dma_start3A_181 = arith.constant 5 : i32
      %dma_start3A_182 = arith.constant 0 : i32
      %dma_start3A_183 = tpu.memref_slice %arg7[%dma_start3A_181, %dma_start3A_182] : memref<8x128xi32, #tpu.memory_space<vmem>> -> memref<1x128xi32, #tpu.memory_space<vmem>>
      %dma_start3A_184 = tpu.memref_squeeze %dma_start3A_183 : memref<1x128xi32, #tpu.memory_space<vmem>> -> memref<128xi32, #tpu.memory_space<vmem>>
      %dma_start3A_185 = arith.constant 0 : i32
      %dma_start3A_186 = arith.constant 0 : i32
      %dma_start3A_187 = tpu.memref_slice %arg2[%dma_start3A_185, %dma_start3A_186] : memref<10240x128xf32, #tpu.memory_space<hbm>> -> memref<10240x128xf32, #tpu.memory_space<hbm>>
      tpu.enqueue_indirect_dma source(%dma_start3A_187 : memref<10240x128xf32, #tpu.memory_space<hbm>>) target(%arg10 : memref<128x128xf32, #tpu.memory_space<vmem>>) offsets(%dma_start3A_184 : memref<128xi32, #tpu.memory_space<vmem>>) semaphore(%arg13 : memref<!tpu.dma_semaphore, #tpu.memory_space<semaphore_mem>>)
      %dma_wait3A_188 = arith.constant 5 : i32
      %dma_wait3A_189 = arith.constant 0 : i32
      %dma_wait3A_190 = tpu.memref_slice %arg7[%dma_wait3A_188, %dma_wait3A_189] : memref<8x128xi32, #tpu.memory_space<vmem>> -> memref<1x128xi32, #tpu.memory_space<vmem>>
      %dma_wait3A_191 = tpu.memref_squeeze %dma_wait3A_190 : memref<1x128xi32, #tpu.memory_space<vmem>> -> memref<128xi32, #tpu.memory_space<vmem>>
      %dma_wait3A_192 = arith.constant 0 : i32
      %dma_wait3A_193 = arith.constant 0 : i32
      %dma_wait3A_194 = tpu.memref_slice %arg2[%dma_wait3A_192, %dma_wait3A_193] : memref<10240x128xf32, #tpu.memory_space<hbm>> -> memref<10240x128xf32, #tpu.memory_space<hbm>>
      tpu.wait_indirect_dma semaphore(%arg13 : memref<!tpu.dma_semaphore, #tpu.memory_space<semaphore_mem>>) src(%dma_wait3A_194 : memref<10240x128xf32, #tpu.memory_space<hbm>>) dst(%arg10 : memref<128x128xf32, #tpu.memory_space<vmem>>)
      %dma_start3A_195 = arith.constant 5 : i32
      %dma_start3A_196 = arith.constant 0 : i32
      %dma_start3A_197 = tpu.memref_slice %arg8[%dma_start3A_195, %dma_start3A_196] : memref<8x128xi32, #tpu.memory_space<vmem>> -> memref<1x128xi32, #tpu.memory_space<vmem>>
      %dma_start3A_198 = tpu.memref_squeeze %dma_start3A_197 : memref<1x128xi32, #tpu.memory_space<vmem>> -> memref<128xi32, #tpu.memory_space<vmem>>
      %dma_start3A_199 = arith.constant 0 : i32
      %dma_start3A_200 = arith.constant 0 : i32
      %dma_start3A_201 = tpu.memref_slice %arg11[%dma_start3A_199, %dma_start3A_200] : memref<10240x128xf32, #tpu.memory_space<vmem_shared>> -> memref<10240x128xf32, #tpu.memory_space<vmem_shared>>
      tpu.enqueue_indirect_dma source(%arg10 : memref<128x128xf32, #tpu.memory_space<vmem>>) target(%dma_start3A_201 : memref<10240x128xf32, #tpu.memory_space<vmem_shared>>) offsets(%dma_start3A_198 : memref<128xi32, #tpu.memory_space<vmem>>) semaphore(%arg15 : memref<!tpu.dma_semaphore, #tpu.memory_space<semaphore_mem>>) {add = true}
      %dma_wait3A_202 = arith.constant 4 : i32
      %dma_wait3A_203 = arith.constant 0 : i32
      %dma_wait3A_204 = tpu.memref_slice %arg8[%dma_wait3A_202, %dma_wait3A_203] : memref<8x128xi32, #tpu.memory_space<vmem>> -> memref<1x128xi32, #tpu.memory_space<vmem>>
      %dma_wait3A_205 = tpu.memref_squeeze %dma_wait3A_204 : memref<1x128xi32, #tpu.memory_space<vmem>> -> memref<128xi32, #tpu.memory_space<vmem>>
      %dma_wait3A_206 = arith.constant 0 : i32
      %dma_wait3A_207 = arith.constant 0 : i32
      %dma_wait3A_208 = tpu.memref_slice %arg11[%dma_wait3A_206, %dma_wait3A_207] : memref<10240x128xf32, #tpu.memory_space<vmem_shared>> -> memref<10240x128xf32, #tpu.memory_space<vmem_shared>>
      tpu.wait_indirect_dma semaphore(%arg14 : memref<!tpu.dma_semaphore, #tpu.memory_space<semaphore_mem>>) src(%arg9 : memref<128x128xf32, #tpu.memory_space<vmem>>) dst(%dma_wait3A_208 : memref<10240x128xf32, #tpu.memory_space<vmem_shared>>)
      %dma_start3A_209 = arith.constant 6 : i32
      %dma_start3A_210 = arith.constant 0 : i32
      %dma_start3A_211 = tpu.memref_slice %arg7[%dma_start3A_209, %dma_start3A_210] : memref<8x128xi32, #tpu.memory_space<vmem>> -> memref<1x128xi32, #tpu.memory_space<vmem>>
      %dma_start3A_212 = tpu.memref_squeeze %dma_start3A_211 : memref<1x128xi32, #tpu.memory_space<vmem>> -> memref<128xi32, #tpu.memory_space<vmem>>
      %dma_start3A_213 = arith.constant 0 : i32
      %dma_start3A_214 = arith.constant 0 : i32
      %dma_start3A_215 = tpu.memref_slice %arg2[%dma_start3A_213, %dma_start3A_214] : memref<10240x128xf32, #tpu.memory_space<hbm>> -> memref<10240x128xf32, #tpu.memory_space<hbm>>
      tpu.enqueue_indirect_dma source(%dma_start3A_215 : memref<10240x128xf32, #tpu.memory_space<hbm>>) target(%arg9 : memref<128x128xf32, #tpu.memory_space<vmem>>) offsets(%dma_start3A_212 : memref<128xi32, #tpu.memory_space<vmem>>) semaphore(%arg12 : memref<!tpu.dma_semaphore, #tpu.memory_space<semaphore_mem>>)
      %dma_wait3A_216 = arith.constant 6 : i32
      %dma_wait3A_217 = arith.constant 0 : i32
      %dma_wait3A_218 = tpu.memref_slice %arg7[%dma_wait3A_216, %dma_wait3A_217] : memref<8x128xi32, #tpu.memory_space<vmem>> -> memref<1x128xi32, #tpu.memory_space<vmem>>
      %dma_wait3A_219 = tpu.memref_squeeze %dma_wait3A_218 : memref<1x128xi32, #tpu.memory_space<vmem>> -> memref<128xi32, #tpu.memory_space<vmem>>
      %dma_wait3A_220 = arith.constant 0 : i32
      %dma_wait3A_221 = arith.constant 0 : i32
      %dma_wait3A_222 = tpu.memref_slice %arg2[%dma_wait3A_220, %dma_wait3A_221] : memref<10240x128xf32, #tpu.memory_space<hbm>> -> memref<10240x128xf32, #tpu.memory_space<hbm>>
      tpu.wait_indirect_dma semaphore(%arg12 : memref<!tpu.dma_semaphore, #tpu.memory_space<semaphore_mem>>) src(%dma_wait3A_222 : memref<10240x128xf32, #tpu.memory_space<hbm>>) dst(%arg9 : memref<128x128xf32, #tpu.memory_space<vmem>>)
      %dma_start3A_223 = arith.constant 6 : i32
      %dma_start3A_224 = arith.constant 0 : i32
      %dma_start3A_225 = tpu.memref_slice %arg8[%dma_start3A_223, %dma_start3A_224] : memref<8x128xi32, #tpu.memory_space<vmem>> -> memref<1x128xi32, #tpu.memory_space<vmem>>
      %dma_start3A_226 = tpu.memref_squeeze %dma_start3A_225 : memref<1x128xi32, #tpu.memory_space<vmem>> -> memref<128xi32, #tpu.memory_space<vmem>>
      %dma_start3A_227 = arith.constant 0 : i32
      %dma_start3A_228 = arith.constant 0 : i32
      %dma_start3A_229 = tpu.memref_slice %arg11[%dma_start3A_227, %dma_start3A_228] : memref<10240x128xf32, #tpu.memory_space<vmem_shared>> -> memref<10240x128xf32, #tpu.memory_space<vmem_shared>>
      tpu.enqueue_indirect_dma source(%arg9 : memref<128x128xf32, #tpu.memory_space<vmem>>) target(%dma_start3A_229 : memref<10240x128xf32, #tpu.memory_space<vmem_shared>>) offsets(%dma_start3A_226 : memref<128xi32, #tpu.memory_space<vmem>>) semaphore(%arg14 : memref<!tpu.dma_semaphore, #tpu.memory_space<semaphore_mem>>) {add = true}
      %dma_wait3A_230 = arith.constant 5 : i32
      %dma_wait3A_231 = arith.constant 0 : i32
      %dma_wait3A_232 = tpu.memref_slice %arg8[%dma_wait3A_230, %dma_wait3A_231] : memref<8x128xi32, #tpu.memory_space<vmem>> -> memref<1x128xi32, #tpu.memory_space<vmem>>
      %dma_wait3A_233 = tpu.memref_squeeze %dma_wait3A_232 : memref<1x128xi32, #tpu.memory_space<vmem>> -> memref<128xi32, #tpu.memory_space<vmem>>
      %dma_wait3A_234 = arith.constant 0 : i32
      %dma_wait3A_235 = arith.constant 0 : i32
      %dma_wait3A_236 = tpu.memref_slice %arg11[%dma_wait3A_234, %dma_wait3A_235] : memref<10240x128xf32, #tpu.memory_space<vmem_shared>> -> memref<10240x128xf32, #tpu.memory_space<vmem_shared>>
      tpu.wait_indirect_dma semaphore(%arg15 : memref<!tpu.dma_semaphore, #tpu.memory_space<semaphore_mem>>) src(%arg10 : memref<128x128xf32, #tpu.memory_space<vmem>>) dst(%dma_wait3A_236 : memref<10240x128xf32, #tpu.memory_space<vmem_shared>>)
      %dma_start3A_237 = arith.constant 7 : i32
      %dma_start3A_238 = arith.constant 0 : i32
      %dma_start3A_239 = tpu.memref_slice %arg7[%dma_start3A_237, %dma_start3A_238] : memref<8x128xi32, #tpu.memory_space<vmem>> -> memref<1x128xi32, #tpu.memory_space<vmem>>
      %dma_start3A_240 = tpu.memref_squeeze %dma_start3A_239 : memref<1x128xi32, #tpu.memory_space<vmem>> -> memref<128xi32, #tpu.memory_space<vmem>>
      %dma_start3A_241 = arith.constant 0 : i32
      %dma_start3A_242 = arith.constant 0 : i32
      %dma_start3A_243 = tpu.memref_slice %arg2[%dma_start3A_241, %dma_start3A_242] : memref<10240x128xf32, #tpu.memory_space<hbm>> -> memref<10240x128xf32, #tpu.memory_space<hbm>>
      tpu.enqueue_indirect_dma source(%dma_start3A_243 : memref<10240x128xf32, #tpu.memory_space<hbm>>) target(%arg10 : memref<128x128xf32, #tpu.memory_space<vmem>>) offsets(%dma_start3A_240 : memref<128xi32, #tpu.memory_space<vmem>>) semaphore(%arg13 : memref<!tpu.dma_semaphore, #tpu.memory_space<semaphore_mem>>)
      %dma_wait3A_244 = arith.constant 7 : i32
      %dma_wait3A_245 = arith.constant 0 : i32
      %dma_wait3A_246 = tpu.memref_slice %arg7[%dma_wait3A_244, %dma_wait3A_245] : memref<8x128xi32, #tpu.memory_space<vmem>> -> memref<1x128xi32, #tpu.memory_space<vmem>>
      %dma_wait3A_247 = tpu.memref_squeeze %dma_wait3A_246 : memref<1x128xi32, #tpu.memory_space<vmem>> -> memref<128xi32, #tpu.memory_space<vmem>>
      %dma_wait3A_248 = arith.constant 0 : i32
      %dma_wait3A_249 = arith.constant 0 : i32
      %dma_wait3A_250 = tpu.memref_slice %arg2[%dma_wait3A_248, %dma_wait3A_249] : memref<10240x128xf32, #tpu.memory_space<hbm>> -> memref<10240x128xf32, #tpu.memory_space<hbm>>
      tpu.wait_indirect_dma semaphore(%arg13 : memref<!tpu.dma_semaphore, #tpu.memory_space<semaphore_mem>>) src(%dma_wait3A_250 : memref<10240x128xf32, #tpu.memory_space<hbm>>) dst(%arg10 : memref<128x128xf32, #tpu.memory_space<vmem>>)
      %dma_start3A_251 = arith.constant 7 : i32
      %dma_start3A_252 = arith.constant 0 : i32
      %dma_start3A_253 = tpu.memref_slice %arg8[%dma_start3A_251, %dma_start3A_252] : memref<8x128xi32, #tpu.memory_space<vmem>> -> memref<1x128xi32, #tpu.memory_space<vmem>>
      %dma_start3A_254 = tpu.memref_squeeze %dma_start3A_253 : memref<1x128xi32, #tpu.memory_space<vmem>> -> memref<128xi32, #tpu.memory_space<vmem>>
      %dma_start3A_255 = arith.constant 0 : i32
      %dma_start3A_256 = arith.constant 0 : i32
      %dma_start3A_257 = tpu.memref_slice %arg11[%dma_start3A_255, %dma_start3A_256] : memref<10240x128xf32, #tpu.memory_space<vmem_shared>> -> memref<10240x128xf32, #tpu.memory_space<vmem_shared>>
      tpu.enqueue_indirect_dma source(%arg10 : memref<128x128xf32, #tpu.memory_space<vmem>>) target(%dma_start3A_257 : memref<10240x128xf32, #tpu.memory_space<vmem_shared>>) offsets(%dma_start3A_254 : memref<128xi32, #tpu.memory_space<vmem>>) semaphore(%arg15 : memref<!tpu.dma_semaphore, #tpu.memory_space<semaphore_mem>>) {add = true}
      %dma_wait3A_258 = arith.constant 6 : i32
      %dma_wait3A_259 = arith.constant 0 : i32
      %dma_wait3A_260 = tpu.memref_slice %arg8[%dma_wait3A_258, %dma_wait3A_259] : memref<8x128xi32, #tpu.memory_space<vmem>> -> memref<1x128xi32, #tpu.memory_space<vmem>>
      %dma_wait3A_261 = tpu.memref_squeeze %dma_wait3A_260 : memref<1x128xi32, #tpu.memory_space<vmem>> -> memref<128xi32, #tpu.memory_space<vmem>>
      %dma_wait3A_262 = arith.constant 0 : i32
      %dma_wait3A_263 = arith.constant 0 : i32
      %dma_wait3A_264 = tpu.memref_slice %arg11[%dma_wait3A_262, %dma_wait3A_263] : memref<10240x128xf32, #tpu.memory_space<vmem_shared>> -> memref<10240x128xf32, #tpu.memory_space<vmem_shared>>
      tpu.wait_indirect_dma semaphore(%arg14 : memref<!tpu.dma_semaphore, #tpu.memory_space<semaphore_mem>>) src(%arg9 : memref<128x128xf32, #tpu.memory_space<vmem>>) dst(%dma_wait3A_264 : memref<10240x128xf32, #tpu.memory_space<vmem_shared>>)
      %dma_wait3A_265 = arith.constant 7 : i32
      %dma_wait3A_266 = arith.constant 0 : i32
      %dma_wait3A_267 = tpu.memref_slice %arg8[%dma_wait3A_265, %dma_wait3A_266] : memref<8x128xi32, #tpu.memory_space<vmem>> -> memref<1x128xi32, #tpu.memory_space<vmem>>
      %dma_wait3A_268 = tpu.memref_squeeze %dma_wait3A_267 : memref<1x128xi32, #tpu.memory_space<vmem>> -> memref<128xi32, #tpu.memory_space<vmem>>
      %dma_wait3A_269 = arith.constant 0 : i32
      %dma_wait3A_270 = arith.constant 0 : i32
      %dma_wait3A_271 = tpu.memref_slice %arg11[%dma_wait3A_269, %dma_wait3A_270] : memref<10240x128xf32, #tpu.memory_space<vmem_shared>> -> memref<10240x128xf32, #tpu.memory_space<vmem_shared>>
      tpu.wait_indirect_dma semaphore(%arg15 : memref<!tpu.dma_semaphore, #tpu.memory_space<semaphore_mem>>) src(%arg10 : memref<128x128xf32, #tpu.memory_space<vmem>>) dst(%dma_wait3A_271 : memref<10240x128xf32, #tpu.memory_space<vmem_shared>>)
    }
    %while3A_37 = arith.constant 1 : i32
    scf.for %while3A_43 = %while3A_35 to %while3A_31 step %while3A_37  : i32 {
      %mul3A_44 = arith.constant 8 : i32
      %mul3A_45 = arith.muli %while3A_43, %mul3A_44 : i32
      %add3A_46 = arith.addi %select_n3A, %mul3A_45 : i32
      "tpu.region"() ({
        %run_scoped3A = tpu.sem_alloc : memref<!tpu.dma_semaphore, #tpu.memory_space<semaphore_mem>>
        %dma_start3A_272 = arith.constant 0 : i32
        %dma_start3A_273 = tpu.memref_slice %arg3[%add3A_46, %dma_start3A_272] : memref<2560x128xi32, #tpu.memory_space<hbm>> -> memref<8x128xi32, #tpu.memory_space<hbm>>
        %dma_start3A_274 = arith.constant 0 : i32
        %dma_start3A_275 = tpu.memref_slice %arg3[%add3A_46, %dma_start3A_274] : memref<2560x128xi32, #tpu.memory_space<hbm>> -> memref<8x128xi32, #tpu.memory_space<hbm>>
        tpu.enqueue_dma source(%dma_start3A_275 : memref<8x128xi32, #tpu.memory_space<hbm>>) target(%arg7 : memref<8x128xi32, #tpu.memory_space<vmem>>) target_semaphore(%run_scoped3A : memref<!tpu.dma_semaphore, #tpu.memory_space<semaphore_mem>>)
        %dma_wait3A_276 = arith.constant 0 : i32
        %dma_wait3A_277 = tpu.memref_slice %arg3[%add3A_46, %dma_wait3A_276] : memref<2560x128xi32, #tpu.memory_space<hbm>> -> memref<8x128xi32, #tpu.memory_space<hbm>>
        %dma_wait3A_278 = arith.constant 0 : i32
        %dma_wait3A_279 = tpu.memref_slice %arg3[%add3A_46, %dma_wait3A_278] : memref<2560x128xi32, #tpu.memory_space<hbm>> -> memref<8x128xi32, #tpu.memory_space<hbm>>
        tpu.wait_dma2 semaphore(%run_scoped3A : memref<!tpu.dma_semaphore, #tpu.memory_space<semaphore_mem>>) src(%dma_wait3A_279 : memref<8x128xi32, #tpu.memory_space<hbm>>) dst(%arg7 : memref<8x128xi32, #tpu.memory_space<vmem>>)
        tpu.yield
      }) : () -> ()
      %mul3A_47 = arith.constant 8 : i32
      %mul3A_48 = arith.muli %while3A_43, %mul3A_47 : i32
      %add3A_49 = arith.addi %select_n3A, %mul3A_48 : i32
      "tpu.region"() ({
        %run_scoped3A = tpu.sem_alloc : memref<!tpu.dma_semaphore, #tpu.memory_space<semaphore_mem>>
        %dma_start3A_272 = arith.constant 0 : i32
        %dma_start3A_273 = tpu.memref_slice %arg4[%add3A_49, %dma_start3A_272] : memref<2560x128xi32, #tpu.memory_space<hbm>> -> memref<8x128xi32, #tpu.memory_space<hbm>>
        %dma_start3A_274 = arith.constant 0 : i32
        %dma_start3A_275 = tpu.memref_slice %arg4[%add3A_49, %dma_start3A_274] : memref<2560x128xi32, #tpu.memory_space<hbm>> -> memref<8x128xi32, #tpu.memory_space<hbm>>
        tpu.enqueue_dma source(%dma_start3A_275 : memref<8x128xi32, #tpu.memory_space<hbm>>) target(%arg8 : memref<8x128xi32, #tpu.memory_space<vmem>>) target_semaphore(%run_scoped3A : memref<!tpu.dma_semaphore, #tpu.memory_space<semaphore_mem>>)
        %dma_wait3A_276 = arith.constant 0 : i32
        %dma_wait3A_277 = tpu.memref_slice %arg4[%add3A_49, %dma_wait3A_276] : memref<2560x128xi32, #tpu.memory_space<hbm>> -> memref<8x128xi32, #tpu.memory_space<hbm>>
        %dma_wait3A_278 = arith.constant 0 : i32
        %dma_wait3A_279 = tpu.memref_slice %arg4[%add3A_49, %dma_wait3A_278] : memref<2560x128xi32, #tpu.memory_space<hbm>> -> memref<8x128xi32, #tpu.memory_space<hbm>>
        tpu.wait_dma2 semaphore(%run_scoped3A : memref<!tpu.dma_semaphore, #tpu.memory_space<semaphore_mem>>) src(%dma_wait3A_279 : memref<8x128xi32, #tpu.memory_space<hbm>>) dst(%arg8 : memref<8x128xi32, #tpu.memory_space<vmem>>)
        tpu.yield
      }) : () -> ()
      %dma_start3A = arith.constant 0 : i32
      %dma_start3A_50 = arith.constant 0 : i32
      %dma_start3A_51 = tpu.memref_slice %arg7[%dma_start3A, %dma_start3A_50] : memref<8x128xi32, #tpu.memory_space<vmem>> -> memref<1x128xi32, #tpu.memory_space<vmem>>
      %dma_start3A_52 = tpu.memref_squeeze %dma_start3A_51 : memref<1x128xi32, #tpu.memory_space<vmem>> -> memref<128xi32, #tpu.memory_space<vmem>>
      %dma_start3A_53 = arith.constant 0 : i32
      %dma_start3A_54 = arith.constant 0 : i32
      %dma_start3A_55 = tpu.memref_slice %arg2[%dma_start3A_53, %dma_start3A_54] : memref<10240x128xf32, #tpu.memory_space<hbm>> -> memref<10240x128xf32, #tpu.memory_space<hbm>>
      tpu.enqueue_indirect_dma source(%dma_start3A_55 : memref<10240x128xf32, #tpu.memory_space<hbm>>) target(%arg9 : memref<128x128xf32, #tpu.memory_space<vmem>>) offsets(%dma_start3A_52 : memref<128xi32, #tpu.memory_space<vmem>>) semaphore(%arg12 : memref<!tpu.dma_semaphore, #tpu.memory_space<semaphore_mem>>)
      %dma_start3A_56 = arith.constant 1 : i32
      %dma_start3A_57 = arith.constant 0 : i32
      %dma_start3A_58 = tpu.memref_slice %arg7[%dma_start3A_56, %dma_start3A_57] : memref<8x128xi32, #tpu.memory_space<vmem>> -> memref<1x128xi32, #tpu.memory_space<vmem>>
      %dma_start3A_59 = tpu.memref_squeeze %dma_start3A_58 : memref<1x128xi32, #tpu.memory_space<vmem>> -> memref<128xi32, #tpu.memory_space<vmem>>
      %dma_start3A_60 = arith.constant 0 : i32
      %dma_start3A_61 = arith.constant 0 : i32
      %dma_start3A_62 = tpu.memref_slice %arg2[%dma_start3A_60, %dma_start3A_61] : memref<10240x128xf32, #tpu.memory_space<hbm>> -> memref<10240x128xf32, #tpu.memory_space<hbm>>
      tpu.enqueue_indirect_dma source(%dma_start3A_62 : memref<10240x128xf32, #tpu.memory_space<hbm>>) target(%arg10 : memref<128x128xf32, #tpu.memory_space<vmem>>) offsets(%dma_start3A_59 : memref<128xi32, #tpu.memory_space<vmem>>) semaphore(%arg13 : memref<!tpu.dma_semaphore, #tpu.memory_space<semaphore_mem>>)
      %dma_wait3A = arith.constant 0 : i32
      %dma_wait3A_63 = arith.constant 0 : i32
      %dma_wait3A_64 = tpu.memref_slice %arg7[%dma_wait3A, %dma_wait3A_63] : memref<8x128xi32, #tpu.memory_space<vmem>> -> memref<1x128xi32, #tpu.memory_space<vmem>>
      %dma_wait3A_65 = tpu.memref_squeeze %dma_wait3A_64 : memref<1x128xi32, #tpu.memory_space<vmem>> -> memref<128xi32, #tpu.memory_space<vmem>>
      %dma_wait3A_66 = arith.constant 0 : i32
      %dma_wait3A_67 = arith.constant 0 : i32
      %dma_wait3A_68 = tpu.memref_slice %arg2[%dma_wait3A_66, %dma_wait3A_67] : memref<10240x128xf32, #tpu.memory_space<hbm>> -> memref<10240x128xf32, #tpu.memory_space<hbm>>
      tpu.wait_indirect_dma semaphore(%arg12 : memref<!tpu.dma_semaphore, #tpu.memory_space<semaphore_mem>>) src(%dma_wait3A_68 : memref<10240x128xf32, #tpu.memory_space<hbm>>) dst(%arg9 : memref<128x128xf32, #tpu.memory_space<vmem>>)
      %dma_start3A_69 = arith.constant 0 : i32
      %dma_start3A_70 = arith.constant 0 : i32
      %dma_start3A_71 = tpu.memref_slice %arg8[%dma_start3A_69, %dma_start3A_70] : memref<8x128xi32, #tpu.memory_space<vmem>> -> memref<1x128xi32, #tpu.memory_space<vmem>>
      %dma_start3A_72 = tpu.memref_squeeze %dma_start3A_71 : memref<1x128xi32, #tpu.memory_space<vmem>> -> memref<128xi32, #tpu.memory_space<vmem>>
      %dma_start3A_73 = arith.constant 0 : i32
      %dma_start3A_74 = arith.constant 0 : i32
      %dma_start3A_75 = tpu.memref_slice %arg11[%dma_start3A_73, %dma_start3A_74] : memref<10240x128xf32, #tpu.memory_space<vmem_shared>> -> memref<10240x128xf32, #tpu.memory_space<vmem_shared>>
      tpu.enqueue_indirect_dma source(%arg9 : memref<128x128xf32, #tpu.memory_space<vmem>>) target(%dma_start3A_75 : memref<10240x128xf32, #tpu.memory_space<vmem_shared>>) offsets(%dma_start3A_72 : memref<128xi32, #tpu.memory_space<vmem>>) semaphore(%arg14 : memref<!tpu.dma_semaphore, #tpu.memory_space<semaphore_mem>>) {add = true}
      %dma_wait3A_76 = arith.constant 1 : i32
      %dma_wait3A_77 = arith.constant 0 : i32
      %dma_wait3A_78 = tpu.memref_slice %arg7[%dma_wait3A_76, %dma_wait3A_77] : memref<8x128xi32, #tpu.memory_space<vmem>> -> memref<1x128xi32, #tpu.memory_space<vmem>>
      %dma_wait3A_79 = tpu.memref_squeeze %dma_wait3A_78 : memref<1x128xi32, #tpu.memory_space<vmem>> -> memref<128xi32, #tpu.memory_space<vmem>>
      %dma_wait3A_80 = arith.constant 0 : i32
      %dma_wait3A_81 = arith.constant 0 : i32
      %dma_wait3A_82 = tpu.memref_slice %arg2[%dma_wait3A_80, %dma_wait3A_81] : memref<10240x128xf32, #tpu.memory_space<hbm>> -> memref<10240x128xf32, #tpu.memory_space<hbm>>
      tpu.wait_indirect_dma semaphore(%arg13 : memref<!tpu.dma_semaphore, #tpu.memory_space<semaphore_mem>>) src(%dma_wait3A_82 : memref<10240x128xf32, #tpu.memory_space<hbm>>) dst(%arg10 : memref<128x128xf32, #tpu.memory_space<vmem>>)
      %dma_start3A_83 = arith.constant 1 : i32
      %dma_start3A_84 = arith.constant 0 : i32
      %dma_start3A_85 = tpu.memref_slice %arg8[%dma_start3A_83, %dma_start3A_84] : memref<8x128xi32, #tpu.memory_space<vmem>> -> memref<1x128xi32, #tpu.memory_space<vmem>>
      %dma_start3A_86 = tpu.memref_squeeze %dma_start3A_85 : memref<1x128xi32, #tpu.memory_space<vmem>> -> memref<128xi32, #tpu.memory_space<vmem>>
      %dma_start3A_87 = arith.constant 0 : i32
      %dma_start3A_88 = arith.constant 0 : i32
      %dma_start3A_89 = tpu.memref_slice %arg11[%dma_start3A_87, %dma_start3A_88] : memref<10240x128xf32, #tpu.memory_space<vmem_shared>> -> memref<10240x128xf32, #tpu.memory_space<vmem_shared>>
      tpu.enqueue_indirect_dma source(%arg10 : memref<128x128xf32, #tpu.memory_space<vmem>>) target(%dma_start3A_89 : memref<10240x128xf32, #tpu.memory_space<vmem_shared>>) offsets(%dma_start3A_86 : memref<128xi32, #tpu.memory_space<vmem>>) semaphore(%arg15 : memref<!tpu.dma_semaphore, #tpu.memory_space<semaphore_mem>>) {add = true}
      %dma_wait3A_90 = arith.constant 0 : i32
      %dma_wait3A_91 = arith.constant 0 : i32
      %dma_wait3A_92 = tpu.memref_slice %arg8[%dma_wait3A_90, %dma_wait3A_91] : memref<8x128xi32, #tpu.memory_space<vmem>> -> memref<1x128xi32, #tpu.memory_space<vmem>>
      %dma_wait3A_93 = tpu.memref_squeeze %dma_wait3A_92 : memref<1x128xi32, #tpu.memory_space<vmem>> -> memref<128xi32, #tpu.memory_space<vmem>>
      %dma_wait3A_94 = arith.constant 0 : i32
      %dma_wait3A_95 = arith.constant 0 : i32
      %dma_wait3A_96 = tpu.memref_slice %arg11[%dma_wait3A_94, %dma_wait3A_95] : memref<10240x128xf32, #tpu.memory_space<vmem_shared>> -> memref<10240x128xf32, #tpu.memory_space<vmem_shared>>
      tpu.wait_indirect_dma semaphore(%arg14 : memref<!tpu.dma_semaphore, #tpu.memory_space<semaphore_mem>>) src(%arg9 : memref<128x128xf32, #tpu.memory_space<vmem>>) dst(%dma_wait3A_96 : memref<10240x128xf32, #tpu.memory_space<vmem_shared>>)
      %dma_start3A_97 = arith.constant 2 : i32
      %dma_start3A_98 = arith.constant 0 : i32
      %dma_start3A_99 = tpu.memref_slice %arg7[%dma_start3A_97, %dma_start3A_98] : memref<8x128xi32, #tpu.memory_space<vmem>> -> memref<1x128xi32, #tpu.memory_space<vmem>>
      %dma_start3A_100 = tpu.memref_squeeze %dma_start3A_99 : memref<1x128xi32, #tpu.memory_space<vmem>> -> memref<128xi32, #tpu.memory_space<vmem>>
      %dma_start3A_101 = arith.constant 0 : i32
      %dma_start3A_102 = arith.constant 0 : i32
      %dma_start3A_103 = tpu.memref_slice %arg2[%dma_start3A_101, %dma_start3A_102] : memref<10240x128xf32, #tpu.memory_space<hbm>> -> memref<10240x128xf32, #tpu.memory_space<hbm>>
      tpu.enqueue_indirect_dma source(%dma_start3A_103 : memref<10240x128xf32, #tpu.memory_space<hbm>>) target(%arg9 : memref<128x128xf32, #tpu.memory_space<vmem>>) offsets(%dma_start3A_100 : memref<128xi32, #tpu.memory_space<vmem>>) semaphore(%arg12 : memref<!tpu.dma_semaphore, #tpu.memory_space<semaphore_mem>>)
      %dma_wait3A_104 = arith.constant 2 : i32
      %dma_wait3A_105 = arith.constant 0 : i32
      %dma_wait3A_106 = tpu.memref_slice %arg7[%dma_wait3A_104, %dma_wait3A_105] : memref<8x128xi32, #tpu.memory_space<vmem>> -> memref<1x128xi32, #tpu.memory_space<vmem>>
      %dma_wait3A_107 = tpu.memref_squeeze %dma_wait3A_106 : memref<1x128xi32, #tpu.memory_space<vmem>> -> memref<128xi32, #tpu.memory_space<vmem>>
      %dma_wait3A_108 = arith.constant 0 : i32
      %dma_wait3A_109 = arith.constant 0 : i32
      %dma_wait3A_110 = tpu.memref_slice %arg2[%dma_wait3A_108, %dma_wait3A_109] : memref<10240x128xf32, #tpu.memory_space<hbm>> -> memref<10240x128xf32, #tpu.memory_space<hbm>>
      tpu.wait_indirect_dma semaphore(%arg12 : memref<!tpu.dma_semaphore, #tpu.memory_space<semaphore_mem>>) src(%dma_wait3A_110 : memref<10240x128xf32, #tpu.memory_space<hbm>>) dst(%arg9 : memref<128x128xf32, #tpu.memory_space<vmem>>)
      %dma_start3A_111 = arith.constant 2 : i32
      %dma_start3A_112 = arith.constant 0 : i32
      %dma_start3A_113 = tpu.memref_slice %arg8[%dma_start3A_111, %dma_start3A_112] : memref<8x128xi32, #tpu.memory_space<vmem>> -> memref<1x128xi32, #tpu.memory_space<vmem>>
      %dma_start3A_114 = tpu.memref_squeeze %dma_start3A_113 : memref<1x128xi32, #tpu.memory_space<vmem>> -> memref<128xi32, #tpu.memory_space<vmem>>
      %dma_start3A_115 = arith.constant 0 : i32
      %dma_start3A_116 = arith.constant 0 : i32
      %dma_start3A_117 = tpu.memref_slice %arg11[%dma_start3A_115, %dma_start3A_116] : memref<10240x128xf32, #tpu.memory_space<vmem_shared>> -> memref<10240x128xf32, #tpu.memory_space<vmem_shared>>
      tpu.enqueue_indirect_dma source(%arg9 : memref<128x128xf32, #tpu.memory_space<vmem>>) target(%dma_start3A_117 : memref<10240x128xf32, #tpu.memory_space<vmem_shared>>) offsets(%dma_start3A_114 : memref<128xi32, #tpu.memory_space<vmem>>) semaphore(%arg14 : memref<!tpu.dma_semaphore, #tpu.memory_space<semaphore_mem>>) {add = true}
      %dma_wait3A_118 = arith.constant 1 : i32
      %dma_wait3A_119 = arith.constant 0 : i32
      %dma_wait3A_120 = tpu.memref_slice %arg8[%dma_wait3A_118, %dma_wait3A_119] : memref<8x128xi32, #tpu.memory_space<vmem>> -> memref<1x128xi32, #tpu.memory_space<vmem>>
      %dma_wait3A_121 = tpu.memref_squeeze %dma_wait3A_120 : memref<1x128xi32, #tpu.memory_space<vmem>> -> memref<128xi32, #tpu.memory_space<vmem>>
      %dma_wait3A_122 = arith.constant 0 : i32
      %dma_wait3A_123 = arith.constant 0 : i32
      %dma_wait3A_124 = tpu.memref_slice %arg11[%dma_wait3A_122, %dma_wait3A_123] : memref<10240x128xf32, #tpu.memory_space<vmem_shared>> -> memref<10240x128xf32, #tpu.memory_space<vmem_shared>>
      tpu.wait_indirect_dma semaphore(%arg15 : memref<!tpu.dma_semaphore, #tpu.memory_space<semaphore_mem>>) src(%arg10 : memref<128x128xf32, #tpu.memory_space<vmem>>) dst(%dma_wait3A_124 : memref<10240x128xf32, #tpu.memory_space<vmem_shared>>)
      %dma_start3A_125 = arith.constant 3 : i32
      %dma_start3A_126 = arith.constant 0 : i32
      %dma_start3A_127 = tpu.memref_slice %arg7[%dma_start3A_125, %dma_start3A_126] : memref<8x128xi32, #tpu.memory_space<vmem>> -> memref<1x128xi32, #tpu.memory_space<vmem>>
      %dma_start3A_128 = tpu.memref_squeeze %dma_start3A_127 : memref<1x128xi32, #tpu.memory_space<vmem>> -> memref<128xi32, #tpu.memory_space<vmem>>
      %dma_start3A_129 = arith.constant 0 : i32
      %dma_start3A_130 = arith.constant 0 : i32
      %dma_start3A_131 = tpu.memref_slice %arg2[%dma_start3A_129, %dma_start3A_130] : memref<10240x128xf32, #tpu.memory_space<hbm>> -> memref<10240x128xf32, #tpu.memory_space<hbm>>
      tpu.enqueue_indirect_dma source(%dma_start3A_131 : memref<10240x128xf32, #tpu.memory_space<hbm>>) target(%arg10 : memref<128x128xf32, #tpu.memory_space<vmem>>) offsets(%dma_start3A_128 : memref<128xi32, #tpu.memory_space<vmem>>) semaphore(%arg13 : memref<!tpu.dma_semaphore, #tpu.memory_space<semaphore_mem>>)
      %dma_wait3A_132 = arith.constant 3 : i32
      %dma_wait3A_133 = arith.constant 0 : i32
      %dma_wait3A_134 = tpu.memref_slice %arg7[%dma_wait3A_132, %dma_wait3A_133] : memref<8x128xi32, #tpu.memory_space<vmem>> -> memref<1x128xi32, #tpu.memory_space<vmem>>
      %dma_wait3A_135 = tpu.memref_squeeze %dma_wait3A_134 : memref<1x128xi32, #tpu.memory_space<vmem>> -> memref<128xi32, #tpu.memory_space<vmem>>
      %dma_wait3A_136 = arith.constant 0 : i32
      %dma_wait3A_137 = arith.constant 0 : i32
      %dma_wait3A_138 = tpu.memref_slice %arg2[%dma_wait3A_136, %dma_wait3A_137] : memref<10240x128xf32, #tpu.memory_space<hbm>> -> memref<10240x128xf32, #tpu.memory_space<hbm>>
      tpu.wait_indirect_dma semaphore(%arg13 : memref<!tpu.dma_semaphore, #tpu.memory_space<semaphore_mem>>) src(%dma_wait3A_138 : memref<10240x128xf32, #tpu.memory_space<hbm>>) dst(%arg10 : memref<128x128xf32, #tpu.memory_space<vmem>>)
      %dma_start3A_139 = arith.constant 3 : i32
      %dma_start3A_140 = arith.constant 0 : i32
      %dma_start3A_141 = tpu.memref_slice %arg8[%dma_start3A_139, %dma_start3A_140] : memref<8x128xi32, #tpu.memory_space<vmem>> -> memref<1x128xi32, #tpu.memory_space<vmem>>
      %dma_start3A_142 = tpu.memref_squeeze %dma_start3A_141 : memref<1x128xi32, #tpu.memory_space<vmem>> -> memref<128xi32, #tpu.memory_space<vmem>>
      %dma_start3A_143 = arith.constant 0 : i32
      %dma_start3A_144 = arith.constant 0 : i32
      %dma_start3A_145 = tpu.memref_slice %arg11[%dma_start3A_143, %dma_start3A_144] : memref<10240x128xf32, #tpu.memory_space<vmem_shared>> -> memref<10240x128xf32, #tpu.memory_space<vmem_shared>>
      tpu.enqueue_indirect_dma source(%arg10 : memref<128x128xf32, #tpu.memory_space<vmem>>) target(%dma_start3A_145 : memref<10240x128xf32, #tpu.memory_space<vmem_shared>>) offsets(%dma_start3A_142 : memref<128xi32, #tpu.memory_space<vmem>>) semaphore(%arg15 : memref<!tpu.dma_semaphore, #tpu.memory_space<semaphore_mem>>) {add = true}
      %dma_wait3A_146 = arith.constant 2 : i32
      %dma_wait3A_147 = arith.constant 0 : i32
      %dma_wait3A_148 = tpu.memref_slice %arg8[%dma_wait3A_146, %dma_wait3A_147] : memref<8x128xi32, #tpu.memory_space<vmem>> -> memref<1x128xi32, #tpu.memory_space<vmem>>
      %dma_wait3A_149 = tpu.memref_squeeze %dma_wait3A_148 : memref<1x128xi32, #tpu.memory_space<vmem>> -> memref<128xi32, #tpu.memory_space<vmem>>
      %dma_wait3A_150 = arith.constant 0 : i32
      %dma_wait3A_151 = arith.constant 0 : i32
      %dma_wait3A_152 = tpu.memref_slice %arg11[%dma_wait3A_150, %dma_wait3A_151] : memref<10240x128xf32, #tpu.memory_space<vmem_shared>> -> memref<10240x128xf32, #tpu.memory_space<vmem_shared>>
      tpu.wait_indirect_dma semaphore(%arg14 : memref<!tpu.dma_semaphore, #tpu.memory_space<semaphore_mem>>) src(%arg9 : memref<128x128xf32, #tpu.memory_space<vmem>>) dst(%dma_wait3A_152 : memref<10240x128xf32, #tpu.memory_space<vmem_shared>>)
      %dma_start3A_153 = arith.constant 4 : i32
      %dma_start3A_154 = arith.constant 0 : i32
      %dma_start3A_155 = tpu.memref_slice %arg7[%dma_start3A_153, %dma_start3A_154] : memref<8x128xi32, #tpu.memory_space<vmem>> -> memref<1x128xi32, #tpu.memory_space<vmem>>
      %dma_start3A_156 = tpu.memref_squeeze %dma_start3A_155 : memref<1x128xi32, #tpu.memory_space<vmem>> -> memref<128xi32, #tpu.memory_space<vmem>>
      %dma_start3A_157 = arith.constant 0 : i32
      %dma_start3A_158 = arith.constant 0 : i32
      %dma_start3A_159 = tpu.memref_slice %arg2[%dma_start3A_157, %dma_start3A_158] : memref<10240x128xf32, #tpu.memory_space<hbm>> -> memref<10240x128xf32, #tpu.memory_space<hbm>>
      tpu.enqueue_indirect_dma source(%dma_start3A_159 : memref<10240x128xf32, #tpu.memory_space<hbm>>) target(%arg9 : memref<128x128xf32, #tpu.memory_space<vmem>>) offsets(%dma_start3A_156 : memref<128xi32, #tpu.memory_space<vmem>>) semaphore(%arg12 : memref<!tpu.dma_semaphore, #tpu.memory_space<semaphore_mem>>)
      %dma_wait3A_160 = arith.constant 4 : i32
      %dma_wait3A_161 = arith.constant 0 : i32
      %dma_wait3A_162 = tpu.memref_slice %arg7[%dma_wait3A_160, %dma_wait3A_161] : memref<8x128xi32, #tpu.memory_space<vmem>> -> memref<1x128xi32, #tpu.memory_space<vmem>>
      %dma_wait3A_163 = tpu.memref_squeeze %dma_wait3A_162 : memref<1x128xi32, #tpu.memory_space<vmem>> -> memref<128xi32, #tpu.memory_space<vmem>>
      %dma_wait3A_164 = arith.constant 0 : i32
      %dma_wait3A_165 = arith.constant 0 : i32
      %dma_wait3A_166 = tpu.memref_slice %arg2[%dma_wait3A_164, %dma_wait3A_165] : memref<10240x128xf32, #tpu.memory_space<hbm>> -> memref<10240x128xf32, #tpu.memory_space<hbm>>
      tpu.wait_indirect_dma semaphore(%arg12 : memref<!tpu.dma_semaphore, #tpu.memory_space<semaphore_mem>>) src(%dma_wait3A_166 : memref<10240x128xf32, #tpu.memory_space<hbm>>) dst(%arg9 : memref<128x128xf32, #tpu.memory_space<vmem>>)
      %dma_start3A_167 = arith.constant 4 : i32
      %dma_start3A_168 = arith.constant 0 : i32
      %dma_start3A_169 = tpu.memref_slice %arg8[%dma_start3A_167, %dma_start3A_168] : memref<8x128xi32, #tpu.memory_space<vmem>> -> memref<1x128xi32, #tpu.memory_space<vmem>>
      %dma_start3A_170 = tpu.memref_squeeze %dma_start3A_169 : memref<1x128xi32, #tpu.memory_space<vmem>> -> memref<128xi32, #tpu.memory_space<vmem>>
      %dma_start3A_171 = arith.constant 0 : i32
      %dma_start3A_172 = arith.constant 0 : i32
      %dma_start3A_173 = tpu.memref_slice %arg11[%dma_start3A_171, %dma_start3A_172] : memref<10240x128xf32, #tpu.memory_space<vmem_shared>> -> memref<10240x128xf32, #tpu.memory_space<vmem_shared>>
      tpu.enqueue_indirect_dma source(%arg9 : memref<128x128xf32, #tpu.memory_space<vmem>>) target(%dma_start3A_173 : memref<10240x128xf32, #tpu.memory_space<vmem_shared>>) offsets(%dma_start3A_170 : memref<128xi32, #tpu.memory_space<vmem>>) semaphore(%arg14 : memref<!tpu.dma_semaphore, #tpu.memory_space<semaphore_mem>>) {add = true}
      %dma_wait3A_174 = arith.constant 3 : i32
      %dma_wait3A_175 = arith.constant 0 : i32
      %dma_wait3A_176 = tpu.memref_slice %arg8[%dma_wait3A_174, %dma_wait3A_175] : memref<8x128xi32, #tpu.memory_space<vmem>> -> memref<1x128xi32, #tpu.memory_space<vmem>>
      %dma_wait3A_177 = tpu.memref_squeeze %dma_wait3A_176 : memref<1x128xi32, #tpu.memory_space<vmem>> -> memref<128xi32, #tpu.memory_space<vmem>>
      %dma_wait3A_178 = arith.constant 0 : i32
      %dma_wait3A_179 = arith.constant 0 : i32
      %dma_wait3A_180 = tpu.memref_slice %arg11[%dma_wait3A_178, %dma_wait3A_179] : memref<10240x128xf32, #tpu.memory_space<vmem_shared>> -> memref<10240x128xf32, #tpu.memory_space<vmem_shared>>
      tpu.wait_indirect_dma semaphore(%arg15 : memref<!tpu.dma_semaphore, #tpu.memory_space<semaphore_mem>>) src(%arg10 : memref<128x128xf32, #tpu.memory_space<vmem>>) dst(%dma_wait3A_180 : memref<10240x128xf32, #tpu.memory_space<vmem_shared>>)
      %dma_start3A_181 = arith.constant 5 : i32
      %dma_start3A_182 = arith.constant 0 : i32
      %dma_start3A_183 = tpu.memref_slice %arg7[%dma_start3A_181, %dma_start3A_182] : memref<8x128xi32, #tpu.memory_space<vmem>> -> memref<1x128xi32, #tpu.memory_space<vmem>>
      %dma_start3A_184 = tpu.memref_squeeze %dma_start3A_183 : memref<1x128xi32, #tpu.memory_space<vmem>> -> memref<128xi32, #tpu.memory_space<vmem>>
      %dma_start3A_185 = arith.constant 0 : i32
      %dma_start3A_186 = arith.constant 0 : i32
      %dma_start3A_187 = tpu.memref_slice %arg2[%dma_start3A_185, %dma_start3A_186] : memref<10240x128xf32, #tpu.memory_space<hbm>> -> memref<10240x128xf32, #tpu.memory_space<hbm>>
      tpu.enqueue_indirect_dma source(%dma_start3A_187 : memref<10240x128xf32, #tpu.memory_space<hbm>>) target(%arg10 : memref<128x128xf32, #tpu.memory_space<vmem>>) offsets(%dma_start3A_184 : memref<128xi32, #tpu.memory_space<vmem>>) semaphore(%arg13 : memref<!tpu.dma_semaphore, #tpu.memory_space<semaphore_mem>>)
      %dma_wait3A_188 = arith.constant 5 : i32
      %dma_wait3A_189 = arith.constant 0 : i32
      %dma_wait3A_190 = tpu.memref_slice %arg7[%dma_wait3A_188, %dma_wait3A_189] : memref<8x128xi32, #tpu.memory_space<vmem>> -> memref<1x128xi32, #tpu.memory_space<vmem>>
      %dma_wait3A_191 = tpu.memref_squeeze %dma_wait3A_190 : memref<1x128xi32, #tpu.memory_space<vmem>> -> memref<128xi32, #tpu.memory_space<vmem>>
      %dma_wait3A_192 = arith.constant 0 : i32
      %dma_wait3A_193 = arith.constant 0 : i32
      %dma_wait3A_194 = tpu.memref_slice %arg2[%dma_wait3A_192, %dma_wait3A_193] : memref<10240x128xf32, #tpu.memory_space<hbm>> -> memref<10240x128xf32, #tpu.memory_space<hbm>>
      tpu.wait_indirect_dma semaphore(%arg13 : memref<!tpu.dma_semaphore, #tpu.memory_space<semaphore_mem>>) src(%dma_wait3A_194 : memref<10240x128xf32, #tpu.memory_space<hbm>>) dst(%arg10 : memref<128x128xf32, #tpu.memory_space<vmem>>)
      %dma_start3A_195 = arith.constant 5 : i32
      %dma_start3A_196 = arith.constant 0 : i32
      %dma_start3A_197 = tpu.memref_slice %arg8[%dma_start3A_195, %dma_start3A_196] : memref<8x128xi32, #tpu.memory_space<vmem>> -> memref<1x128xi32, #tpu.memory_space<vmem>>
      %dma_start3A_198 = tpu.memref_squeeze %dma_start3A_197 : memref<1x128xi32, #tpu.memory_space<vmem>> -> memref<128xi32, #tpu.memory_space<vmem>>
      %dma_start3A_199 = arith.constant 0 : i32
      %dma_start3A_200 = arith.constant 0 : i32
      %dma_start3A_201 = tpu.memref_slice %arg11[%dma_start3A_199, %dma_start3A_200] : memref<10240x128xf32, #tpu.memory_space<vmem_shared>> -> memref<10240x128xf32, #tpu.memory_space<vmem_shared>>
      tpu.enqueue_indirect_dma source(%arg10 : memref<128x128xf32, #tpu.memory_space<vmem>>) target(%dma_start3A_201 : memref<10240x128xf32, #tpu.memory_space<vmem_shared>>) offsets(%dma_start3A_198 : memref<128xi32, #tpu.memory_space<vmem>>) semaphore(%arg15 : memref<!tpu.dma_semaphore, #tpu.memory_space<semaphore_mem>>) {add = true}
      %dma_wait3A_202 = arith.constant 4 : i32
      %dma_wait3A_203 = arith.constant 0 : i32
      %dma_wait3A_204 = tpu.memref_slice %arg8[%dma_wait3A_202, %dma_wait3A_203] : memref<8x128xi32, #tpu.memory_space<vmem>> -> memref<1x128xi32, #tpu.memory_space<vmem>>
      %dma_wait3A_205 = tpu.memref_squeeze %dma_wait3A_204 : memref<1x128xi32, #tpu.memory_space<vmem>> -> memref<128xi32, #tpu.memory_space<vmem>>
      %dma_wait3A_206 = arith.constant 0 : i32
      %dma_wait3A_207 = arith.constant 0 : i32
      %dma_wait3A_208 = tpu.memref_slice %arg11[%dma_wait3A_206, %dma_wait3A_207] : memref<10240x128xf32, #tpu.memory_space<vmem_shared>> -> memref<10240x128xf32, #tpu.memory_space<vmem_shared>>
      tpu.wait_indirect_dma semaphore(%arg14 : memref<!tpu.dma_semaphore, #tpu.memory_space<semaphore_mem>>) src(%arg9 : memref<128x128xf32, #tpu.memory_space<vmem>>) dst(%dma_wait3A_208 : memref<10240x128xf32, #tpu.memory_space<vmem_shared>>)
      %dma_start3A_209 = arith.constant 6 : i32
      %dma_start3A_210 = arith.constant 0 : i32
      %dma_start3A_211 = tpu.memref_slice %arg7[%dma_start3A_209, %dma_start3A_210] : memref<8x128xi32, #tpu.memory_space<vmem>> -> memref<1x128xi32, #tpu.memory_space<vmem>>
      %dma_start3A_212 = tpu.memref_squeeze %dma_start3A_211 : memref<1x128xi32, #tpu.memory_space<vmem>> -> memref<128xi32, #tpu.memory_space<vmem>>
      %dma_start3A_213 = arith.constant 0 : i32
      %dma_start3A_214 = arith.constant 0 : i32
      %dma_start3A_215 = tpu.memref_slice %arg2[%dma_start3A_213, %dma_start3A_214] : memref<10240x128xf32, #tpu.memory_space<hbm>> -> memref<10240x128xf32, #tpu.memory_space<hbm>>
      tpu.enqueue_indirect_dma source(%dma_start3A_215 : memref<10240x128xf32, #tpu.memory_space<hbm>>) target(%arg9 : memref<128x128xf32, #tpu.memory_space<vmem>>) offsets(%dma_start3A_212 : memref<128xi32, #tpu.memory_space<vmem>>) semaphore(%arg12 : memref<!tpu.dma_semaphore, #tpu.memory_space<semaphore_mem>>)
      %dma_wait3A_216 = arith.constant 6 : i32
      %dma_wait3A_217 = arith.constant 0 : i32
      %dma_wait3A_218 = tpu.memref_slice %arg7[%dma_wait3A_216, %dma_wait3A_217] : memref<8x128xi32, #tpu.memory_space<vmem>> -> memref<1x128xi32, #tpu.memory_space<vmem>>
      %dma_wait3A_219 = tpu.memref_squeeze %dma_wait3A_218 : memref<1x128xi32, #tpu.memory_space<vmem>> -> memref<128xi32, #tpu.memory_space<vmem>>
      %dma_wait3A_220 = arith.constant 0 : i32
      %dma_wait3A_221 = arith.constant 0 : i32
      %dma_wait3A_222 = tpu.memref_slice %arg2[%dma_wait3A_220, %dma_wait3A_221] : memref<10240x128xf32, #tpu.memory_space<hbm>> -> memref<10240x128xf32, #tpu.memory_space<hbm>>
      tpu.wait_indirect_dma semaphore(%arg12 : memref<!tpu.dma_semaphore, #tpu.memory_space<semaphore_mem>>) src(%dma_wait3A_222 : memref<10240x128xf32, #tpu.memory_space<hbm>>) dst(%arg9 : memref<128x128xf32, #tpu.memory_space<vmem>>)
      %dma_start3A_223 = arith.constant 6 : i32
      %dma_start3A_224 = arith.constant 0 : i32
      %dma_start3A_225 = tpu.memref_slice %arg8[%dma_start3A_223, %dma_start3A_224] : memref<8x128xi32, #tpu.memory_space<vmem>> -> memref<1x128xi32, #tpu.memory_space<vmem>>
      %dma_start3A_226 = tpu.memref_squeeze %dma_start3A_225 : memref<1x128xi32, #tpu.memory_space<vmem>> -> memref<128xi32, #tpu.memory_space<vmem>>
      %dma_start3A_227 = arith.constant 0 : i32
      %dma_start3A_228 = arith.constant 0 : i32
      %dma_start3A_229 = tpu.memref_slice %arg11[%dma_start3A_227, %dma_start3A_228] : memref<10240x128xf32, #tpu.memory_space<vmem_shared>> -> memref<10240x128xf32, #tpu.memory_space<vmem_shared>>
      tpu.enqueue_indirect_dma source(%arg9 : memref<128x128xf32, #tpu.memory_space<vmem>>) target(%dma_start3A_229 : memref<10240x128xf32, #tpu.memory_space<vmem_shared>>) offsets(%dma_start3A_226 : memref<128xi32, #tpu.memory_space<vmem>>) semaphore(%arg14 : memref<!tpu.dma_semaphore, #tpu.memory_space<semaphore_mem>>) {add = true}
      %dma_wait3A_230 = arith.constant 5 : i32
      %dma_wait3A_231 = arith.constant 0 : i32
      %dma_wait3A_232 = tpu.memref_slice %arg8[%dma_wait3A_230, %dma_wait3A_231] : memref<8x128xi32, #tpu.memory_space<vmem>> -> memref<1x128xi32, #tpu.memory_space<vmem>>
      %dma_wait3A_233 = tpu.memref_squeeze %dma_wait3A_232 : memref<1x128xi32, #tpu.memory_space<vmem>> -> memref<128xi32, #tpu.memory_space<vmem>>
      %dma_wait3A_234 = arith.constant 0 : i32
      %dma_wait3A_235 = arith.constant 0 : i32
      %dma_wait3A_236 = tpu.memref_slice %arg11[%dma_wait3A_234, %dma_wait3A_235] : memref<10240x128xf32, #tpu.memory_space<vmem_shared>> -> memref<10240x128xf32, #tpu.memory_space<vmem_shared>>
      tpu.wait_indirect_dma semaphore(%arg15 : memref<!tpu.dma_semaphore, #tpu.memory_space<semaphore_mem>>) src(%arg10 : memref<128x128xf32, #tpu.memory_space<vmem>>) dst(%dma_wait3A_236 : memref<10240x128xf32, #tpu.memory_space<vmem_shared>>)
      %dma_start3A_237 = arith.constant 7 : i32
      %dma_start3A_238 = arith.constant 0 : i32
      %dma_start3A_239 = tpu.memref_slice %arg7[%dma_start3A_237, %dma_start3A_238] : memref<8x128xi32, #tpu.memory_space<vmem>> -> memref<1x128xi32, #tpu.memory_space<vmem>>
      %dma_start3A_240 = tpu.memref_squeeze %dma_start3A_239 : memref<1x128xi32, #tpu.memory_space<vmem>> -> memref<128xi32, #tpu.memory_space<vmem>>
      %dma_start3A_241 = arith.constant 0 : i32
      %dma_start3A_242 = arith.constant 0 : i32
      %dma_start3A_243 = tpu.memref_slice %arg2[%dma_start3A_241, %dma_start3A_242] : memref<10240x128xf32, #tpu.memory_space<hbm>> -> memref<10240x128xf32, #tpu.memory_space<hbm>>
      tpu.enqueue_indirect_dma source(%dma_start3A_243 : memref<10240x128xf32, #tpu.memory_space<hbm>>) target(%arg10 : memref<128x128xf32, #tpu.memory_space<vmem>>) offsets(%dma_start3A_240 : memref<128xi32, #tpu.memory_space<vmem>>) semaphore(%arg13 : memref<!tpu.dma_semaphore, #tpu.memory_space<semaphore_mem>>)
      %dma_wait3A_244 = arith.constant 7 : i32
      %dma_wait3A_245 = arith.constant 0 : i32
      %dma_wait3A_246 = tpu.memref_slice %arg7[%dma_wait3A_244, %dma_wait3A_245] : memref<8x128xi32, #tpu.memory_space<vmem>> -> memref<1x128xi32, #tpu.memory_space<vmem>>
      %dma_wait3A_247 = tpu.memref_squeeze %dma_wait3A_246 : memref<1x128xi32, #tpu.memory_space<vmem>> -> memref<128xi32, #tpu.memory_space<vmem>>
      %dma_wait3A_248 = arith.constant 0 : i32
      %dma_wait3A_249 = arith.constant 0 : i32
      %dma_wait3A_250 = tpu.memref_slice %arg2[%dma_wait3A_248, %dma_wait3A_249] : memref<10240x128xf32, #tpu.memory_space<hbm>> -> memref<10240x128xf32, #tpu.memory_space<hbm>>
      tpu.wait_indirect_dma semaphore(%arg13 : memref<!tpu.dma_semaphore, #tpu.memory_space<semaphore_mem>>) src(%dma_wait3A_250 : memref<10240x128xf32, #tpu.memory_space<hbm>>) dst(%arg10 : memref<128x128xf32, #tpu.memory_space<vmem>>)
      %dma_start3A_251 = arith.constant 7 : i32
      %dma_start3A_252 = arith.constant 0 : i32
      %dma_start3A_253 = tpu.memref_slice %arg8[%dma_start3A_251, %dma_start3A_252] : memref<8x128xi32, #tpu.memory_space<vmem>> -> memref<1x128xi32, #tpu.memory_space<vmem>>
      %dma_start3A_254 = tpu.memref_squeeze %dma_start3A_253 : memref<1x128xi32, #tpu.memory_space<vmem>> -> memref<128xi32, #tpu.memory_space<vmem>>
      %dma_start3A_255 = arith.constant 0 : i32
      %dma_start3A_256 = arith.constant 0 : i32
      %dma_start3A_257 = tpu.memref_slice %arg11[%dma_start3A_255, %dma_start3A_256] : memref<10240x128xf32, #tpu.memory_space<vmem_shared>> -> memref<10240x128xf32, #tpu.memory_space<vmem_shared>>
      tpu.enqueue_indirect_dma source(%arg10 : memref<128x128xf32, #tpu.memory_space<vmem>>) target(%dma_start3A_257 : memref<10240x128xf32, #tpu.memory_space<vmem_shared>>) offsets(%dma_start3A_254 : memref<128xi32, #tpu.memory_space<vmem>>) semaphore(%arg15 : memref<!tpu.dma_semaphore, #tpu.memory_space<semaphore_mem>>) {add = true}
      %dma_wait3A_258 = arith.constant 6 : i32
      %dma_wait3A_259 = arith.constant 0 : i32
      %dma_wait3A_260 = tpu.memref_slice %arg8[%dma_wait3A_258, %dma_wait3A_259] : memref<8x128xi32, #tpu.memory_space<vmem>> -> memref<1x128xi32, #tpu.memory_space<vmem>>
      %dma_wait3A_261 = tpu.memref_squeeze %dma_wait3A_260 : memref<1x128xi32, #tpu.memory_space<vmem>> -> memref<128xi32, #tpu.memory_space<vmem>>
      %dma_wait3A_262 = arith.constant 0 : i32
      %dma_wait3A_263 = arith.constant 0 : i32
      %dma_wait3A_264 = tpu.memref_slice %arg11[%dma_wait3A_262, %dma_wait3A_263] : memref<10240x128xf32, #tpu.memory_space<vmem_shared>> -> memref<10240x128xf32, #tpu.memory_space<vmem_shared>>
      tpu.wait_indirect_dma semaphore(%arg14 : memref<!tpu.dma_semaphore, #tpu.memory_space<semaphore_mem>>) src(%arg9 : memref<128x128xf32, #tpu.memory_space<vmem>>) dst(%dma_wait3A_264 : memref<10240x128xf32, #tpu.memory_space<vmem_shared>>)
      %dma_wait3A_265 = arith.constant 7 : i32
      %dma_wait3A_266 = arith.constant 0 : i32
      %dma_wait3A_267 = tpu.memref_slice %arg8[%dma_wait3A_265, %dma_wait3A_266] : memref<8x128xi32, #tpu.memory_space<vmem>> -> memref<1x128xi32, #tpu.memory_space<vmem>>
      %dma_wait3A_268 = tpu.memref_squeeze %dma_wait3A_267 : memref<1x128xi32, #tpu.memory_space<vmem>> -> memref<128xi32, #tpu.memory_space<vmem>>
      %dma_wait3A_269 = arith.constant 0 : i32
      %dma_wait3A_270 = arith.constant 0 : i32
      %dma_wait3A_271 = tpu.memref_slice %arg11[%dma_wait3A_269, %dma_wait3A_270] : memref<10240x128xf32, #tpu.memory_space<vmem_shared>> -> memref<10240x128xf32, #tpu.memory_space<vmem_shared>>
      tpu.wait_indirect_dma semaphore(%arg15 : memref<!tpu.dma_semaphore, #tpu.memory_space<semaphore_mem>>) src(%arg10 : memref<128x128xf32, #tpu.memory_space<vmem>>) dst(%dma_wait3A_271 : memref<10240x128xf32, #tpu.memory_space<vmem_shared>>)
    }
    %barrier3A_38 = arith.constant 0 : index
    tpu.barrier barrier_id(%barrier3A_38)
    %mul3A_39 = arith.constant 640 : i32
    %mul3A_40 = arith.muli %arg1, %mul3A_39 : i32
    %mul3A_41 = arith.constant 640 : i32
    %mul3A_42 = arith.muli %arg1, %mul3A_41 : i32
    "tpu.region"() ({
      %run_scoped3A = tpu.sem_alloc : memref<!tpu.dma_semaphore, #tpu.memory_space<semaphore_mem>>
      %dma_start3A = arith.constant 0 : i32
      %dma_start3A_43 = tpu.memref_slice %arg6[%arg0, %mul3A_42, %dma_start3A] : memref<2x10240x128xf32, #tpu.memory_space<hbm>> -> memref<1x640x128xf32, #tpu.memory_space<hbm>>
      %dma_start3A_44 = tpu.memref_squeeze %dma_start3A_43 : memref<1x640x128xf32, #tpu.memory_space<hbm>> -> memref<640x128xf32, #tpu.memory_space<hbm>>
      %dma_start3A_45 = arith.constant 0 : i32
      %dma_start3A_46 = tpu.memref_slice %arg11[%mul3A_40, %dma_start3A_45] : memref<10240x128xf32, #tpu.memory_space<vmem_shared>> -> memref<640x128xf32, #tpu.memory_space<vmem_shared>>
      tpu.enqueue_dma source(%dma_start3A_46 : memref<640x128xf32, #tpu.memory_space<vmem_shared>>) target(%dma_start3A_44 : memref<640x128xf32, #tpu.memory_space<hbm>>) target_semaphore(%run_scoped3A : memref<!tpu.dma_semaphore, #tpu.memory_space<semaphore_mem>>)
      %dma_wait3A = arith.constant 0 : i32
      %dma_wait3A_47 = tpu.memref_slice %arg6[%arg0, %mul3A_42, %dma_wait3A] : memref<2x10240x128xf32, #tpu.memory_space<hbm>> -> memref<1x640x128xf32, #tpu.memory_space<hbm>>
      %dma_wait3A_48 = tpu.memref_squeeze %dma_wait3A_47 : memref<1x640x128xf32, #tpu.memory_space<hbm>> -> memref<640x128xf32, #tpu.memory_space<hbm>>
      %dma_wait3A_49 = arith.constant 0 : i32
      %dma_wait3A_50 = tpu.memref_slice %arg11[%mul3A_40, %dma_wait3A_49] : memref<10240x128xf32, #tpu.memory_space<vmem_shared>> -> memref<640x128xf32, #tpu.memory_space<vmem_shared>>
      tpu.wait_dma2 semaphore(%run_scoped3A : memref<!tpu.dma_semaphore, #tpu.memory_space<semaphore_mem>>) src(%dma_wait3A_50 : memref<640x128xf32, #tpu.memory_space<vmem_shared>>) dst(%dma_wait3A_48 : memref<640x128xf32, #tpu.memory_space<hbm>>)
      tpu.yield
    }) : () -> ()
    return
  }
}

#map = affine_map<(d0, d1) -> (0, 0)>
#map1 = affine_map<(d0, d1) -> (0, 0, 0)>
module attributes {stable_mosaic.version = 14 : i64} {
  func.func @seg(%arg0: i32, %arg1: i32, %arg2: memref<10240x128xf32, #tpu.memory_space<hbm>>, %arg3: memref<2560x128xi32, #tpu.memory_space<hbm>>, %arg4: memref<2560x128xi32, #tpu.memory_space<hbm>>, %arg5: memref<128x128xf32, #tpu.memory_space<hbm>>, %arg6: memref<2x10240x128xf32, #tpu.memory_space<hbm>>, %arg7: memref<8x128xi32, #tpu.memory_space<vmem>>, %arg8: memref<8x128xi32, #tpu.memory_space<vmem>>, %arg9: memref<128x128xf32, #tpu.memory_space<vmem>>, %arg10: memref<128x128xf32, #tpu.memory_space<vmem>>, %arg11: memref<10240x128xf32, #tpu.memory_space<vmem_shared>>, %arg12: memref<!tpu.dma_semaphore, #tpu.memory_space<semaphore_mem>>, %arg13: memref<!tpu.dma_semaphore, #tpu.memory_space<semaphore_mem>>, %arg14: memref<!tpu.dma_semaphore, #tpu.memory_space<semaphore_mem>>, %arg15: memref<!tpu.dma_semaphore, #tpu.memory_space<semaphore_mem>>) attributes {dimension_semantics = [#tpu.dimension_semantics<core_parallel>, #tpu.dimension_semantics<subcore_parallel>], iteration_bounds = array<i64: 2, 16>, scalar_prefetch = 0 : i64, scratch_operands = 9 : i64, tpu.core_type = #tpu.core_type<sc_vector_subcore>, window_params = [{transform_indices = #map}, {transform_indices = #map}, {transform_indices = #map}, {transform_indices = #map}, {transform_indices = #map1}]} {
    "tpu.region"() ({
      %run_scoped3A = tpu.sem_alloc : memref<!tpu.dma_semaphore, #tpu.memory_space<semaphore_mem>>
      tpu.enqueue_dma source(%arg5 : memref<128x128xf32, #tpu.memory_space<hbm>>) target(%arg9 : memref<128x128xf32, #tpu.memory_space<vmem>>) target_semaphore(%run_scoped3A : memref<!tpu.dma_semaphore, #tpu.memory_space<semaphore_mem>>)
      tpu.wait_dma2 semaphore(%run_scoped3A : memref<!tpu.dma_semaphore, #tpu.memory_space<semaphore_mem>>) src(%arg5 : memref<128x128xf32, #tpu.memory_space<hbm>>) dst(%arg9 : memref<128x128xf32, #tpu.memory_space<vmem>>)
      tpu.yield
    }) : () -> ()
    %mul3A = arith.constant 640 : i32
    %mul3A_0 = arith.muli %arg1, %mul3A : i32
    %add3A = arith.constant 0 : i32
    %add3A_1 = arith.addi %mul3A_0, %add3A : i32
    "tpu.region"() ({
      %run_scoped3A = tpu.sem_alloc : memref<!tpu.dma_semaphore, #tpu.memory_space<semaphore_mem>>
      %dma_start3A = arith.constant 0 : i32
      %dma_start3A_43 = tpu.memref_slice %arg11[%add3A_1, %dma_start3A] : memref<10240x128xf32, #tpu.memory_space<vmem_shared>> -> memref<128x128xf32, #tpu.memory_space<vmem_shared>>
      %dma_start3A_44 = arith.constant 0 : i32
      %dma_start3A_45 = tpu.memref_slice %arg11[%add3A_1, %dma_start3A_44] : memref<10240x128xf32, #tpu.memory_space<vmem_shared>> -> memref<128x128xf32, #tpu.memory_space<vmem_shared>>
      tpu.enqueue_dma source(%arg9 : memref<128x128xf32, #tpu.memory_space<vmem>>) target(%dma_start3A_45 : memref<128x128xf32, #tpu.memory_space<vmem_shared>>) target_semaphore(%run_scoped3A : memref<!tpu.dma_semaphore, #tpu.memory_space<semaphore_mem>>)
      %dma_wait3A = arith.constant 0 : i32
      %dma_wait3A_46 = tpu.memref_slice %arg11[%add3A_1, %dma_wait3A] : memref<10240x128xf32, #tpu.memory_space<vmem_shared>> -> memref<128x128xf32, #tpu.memory_space<vmem_shared>>
      %dma_wait3A_47 = arith.constant 0 : i32
      %dma_wait3A_48 = tpu.memref_slice %arg11[%add3A_1, %dma_wait3A_47] : memref<10240x128xf32, #tpu.memory_space<vmem_shared>> -> memref<128x128xf32, #tpu.memory_space<vmem_shared>>
      tpu.wait_dma2 semaphore(%run_scoped3A : memref<!tpu.dma_semaphore, #tpu.memory_space<semaphore_mem>>) src(%arg9 : memref<128x128xf32, #tpu.memory_space<vmem>>) dst(%dma_wait3A_48 : memref<128x128xf32, #tpu.memory_space<vmem_shared>>)
      tpu.yield
    }) : () -> ()
    %mul3A_2 = arith.constant 640 : i32
    %mul3A_3 = arith.muli %arg1, %mul3A_2 : i32
    %add3A_4 = arith.constant 128 : i32
    %add3A_5 = arith.addi %mul3A_3, %add3A_4 : i32
    "tpu.region"() ({
      %run_scoped3A = tpu.sem_alloc : memref<!tpu.dma_semaphore, #tpu.memory_space<semaphore_mem>>
      %dma_start3A = arith.constant 0 : i32
      %dma_start3A_43 = tpu.memref_slice %arg11[%add3A_5, %dma_start3A] : memref<10240x128xf32, #tpu.memory_space<vmem_shared>> -> memref<128x128xf32, #tpu.memory_space<vmem_shared>>
      %dma_start3A_44 = arith.constant 0 : i32
      %dma_start3A_45 = tpu.memref_slice %arg11[%add3A_5, %dma_start3A_44] : memref<10240x128xf32, #tpu.memory_space<vmem_shared>> -> memref<128x128xf32, #tpu.memory_space<vmem_shared>>
      tpu.enqueue_dma source(%arg9 : memref<128x128xf32, #tpu.memory_space<vmem>>) target(%dma_start3A_45 : memref<128x128xf32, #tpu.memory_space<vmem_shared>>) target_semaphore(%run_scoped3A : memref<!tpu.dma_semaphore, #tpu.memory_space<semaphore_mem>>)
      %dma_wait3A = arith.constant 0 : i32
      %dma_wait3A_46 = tpu.memref_slice %arg11[%add3A_5, %dma_wait3A] : memref<10240x128xf32, #tpu.memory_space<vmem_shared>> -> memref<128x128xf32, #tpu.memory_space<vmem_shared>>
      %dma_wait3A_47 = arith.constant 0 : i32
      %dma_wait3A_48 = tpu.memref_slice %arg11[%add3A_5, %dma_wait3A_47] : memref<10240x128xf32, #tpu.memory_space<vmem_shared>> -> memref<128x128xf32, #tpu.memory_space<vmem_shared>>
      tpu.wait_dma2 semaphore(%run_scoped3A : memref<!tpu.dma_semaphore, #tpu.memory_space<semaphore_mem>>) src(%arg9 : memref<128x128xf32, #tpu.memory_space<vmem>>) dst(%dma_wait3A_48 : memref<128x128xf32, #tpu.memory_space<vmem_shared>>)
      tpu.yield
    }) : () -> ()
    %mul3A_6 = arith.constant 640 : i32
    %mul3A_7 = arith.muli %arg1, %mul3A_6 : i32
    %add3A_8 = arith.constant 256 : i32
    %add3A_9 = arith.addi %mul3A_7, %add3A_8 : i32
    "tpu.region"() ({
      %run_scoped3A = tpu.sem_alloc : memref<!tpu.dma_semaphore, #tpu.memory_space<semaphore_mem>>
      %dma_start3A = arith.constant 0 : i32
      %dma_start3A_43 = tpu.memref_slice %arg11[%add3A_9, %dma_start3A] : memref<10240x128xf32, #tpu.memory_space<vmem_shared>> -> memref<128x128xf32, #tpu.memory_space<vmem_shared>>
      %dma_start3A_44 = arith.constant 0 : i32
      %dma_start3A_45 = tpu.memref_slice %arg11[%add3A_9, %dma_start3A_44] : memref<10240x128xf32, #tpu.memory_space<vmem_shared>> -> memref<128x128xf32, #tpu.memory_space<vmem_shared>>
      tpu.enqueue_dma source(%arg9 : memref<128x128xf32, #tpu.memory_space<vmem>>) target(%dma_start3A_45 : memref<128x128xf32, #tpu.memory_space<vmem_shared>>) target_semaphore(%run_scoped3A : memref<!tpu.dma_semaphore, #tpu.memory_space<semaphore_mem>>)
      %dma_wait3A = arith.constant 0 : i32
      %dma_wait3A_46 = tpu.memref_slice %arg11[%add3A_9, %dma_wait3A] : memref<10240x128xf32, #tpu.memory_space<vmem_shared>> -> memref<128x128xf32, #tpu.memory_space<vmem_shared>>
      %dma_wait3A_47 = arith.constant 0 : i32
      %dma_wait3A_48 = tpu.memref_slice %arg11[%add3A_9, %dma_wait3A_47] : memref<10240x128xf32, #tpu.memory_space<vmem_shared>> -> memref<128x128xf32, #tpu.memory_space<vmem_shared>>
      tpu.wait_dma2 semaphore(%run_scoped3A : memref<!tpu.dma_semaphore, #tpu.memory_space<semaphore_mem>>) src(%arg9 : memref<128x128xf32, #tpu.memory_space<vmem>>) dst(%dma_wait3A_48 : memref<128x128xf32, #tpu.memory_space<vmem_shared>>)
      tpu.yield
    }) : () -> ()
    %mul3A_10 = arith.constant 640 : i32
    %mul3A_11 = arith.muli %arg1, %mul3A_10 : i32
    %add3A_12 = arith.constant 384 : i32
    %add3A_13 = arith.addi %mul3A_11, %add3A_12 : i32
    "tpu.region"() ({
      %run_scoped3A = tpu.sem_alloc : memref<!tpu.dma_semaphore, #tpu.memory_space<semaphore_mem>>
      %dma_start3A = arith.constant 0 : i32
      %dma_start3A_43 = tpu.memref_slice %arg11[%add3A_13, %dma_start3A] : memref<10240x128xf32, #tpu.memory_space<vmem_shared>> -> memref<128x128xf32, #tpu.memory_space<vmem_shared>>
      %dma_start3A_44 = arith.constant 0 : i32
      %dma_start3A_45 = tpu.memref_slice %arg11[%add3A_13, %dma_start3A_44] : memref<10240x128xf32, #tpu.memory_space<vmem_shared>> -> memref<128x128xf32, #tpu.memory_space<vmem_shared>>
      tpu.enqueue_dma source(%arg9 : memref<128x128xf32, #tpu.memory_space<vmem>>) target(%dma_start3A_45 : memref<128x128xf32, #tpu.memory_space<vmem_shared>>) target_semaphore(%run_scoped3A : memref<!tpu.dma_semaphore, #tpu.memory_space<semaphore_mem>>)
      %dma_wait3A = arith.constant 0 : i32
      %dma_wait3A_46 = tpu.memref_slice %arg11[%add3A_13, %dma_wait3A] : memref<10240x128xf32, #tpu.memory_space<vmem_shared>> -> memref<128x128xf32, #tpu.memory_space<vmem_shared>>
      %dma_wait3A_47 = arith.constant 0 : i32
      %dma_wait3A_48 = tpu.memref_slice %arg11[%add3A_13, %dma_wait3A_47] : memref<10240x128xf32, #tpu.memory_space<vmem_shared>> -> memref<128x128xf32, #tpu.memory_space<vmem_shared>>
      tpu.wait_dma2 semaphore(%run_scoped3A : memref<!tpu.dma_semaphore, #tpu.memory_space<semaphore_mem>>) src(%arg9 : memref<128x128xf32, #tpu.memory_space<vmem>>) dst(%dma_wait3A_48 : memref<128x128xf32, #tpu.memory_space<vmem_shared>>)
      tpu.yield
    }) : () -> ()
    %mul3A_14 = arith.constant 640 : i32
    %mul3A_15 = arith.muli %arg1, %mul3A_14 : i32
    %add3A_16 = arith.constant 512 : i32
    %add3A_17 = arith.addi %mul3A_15, %add3A_16 : i32
    "tpu.region"() ({
      %run_scoped3A = tpu.sem_alloc : memref<!tpu.dma_semaphore, #tpu.memory_space<semaphore_mem>>
      %dma_start3A = arith.constant 0 : i32
      %dma_start3A_43 = tpu.memref_slice %arg11[%add3A_17, %dma_start3A] : memref<10240x128xf32, #tpu.memory_space<vmem_shared>> -> memref<128x128xf32, #tpu.memory_space<vmem_shared>>
      %dma_start3A_44 = arith.constant 0 : i32
      %dma_start3A_45 = tpu.memref_slice %arg11[%add3A_17, %dma_start3A_44] : memref<10240x128xf32, #tpu.memory_space<vmem_shared>> -> memref<128x128xf32, #tpu.memory_space<vmem_shared>>
      tpu.enqueue_dma source(%arg9 : memref<128x128xf32, #tpu.memory_space<vmem>>) target(%dma_start3A_45 : memref<128x128xf32, #tpu.memory_space<vmem_shared>>) target_semaphore(%run_scoped3A : memref<!tpu.dma_semaphore, #tpu.memory_space<semaphore_mem>>)
      %dma_wait3A = arith.constant 0 : i32
      %dma_wait3A_46 = tpu.memref_slice %arg11[%add3A_17, %dma_wait3A] : memref<10240x128xf32, #tpu.memory_space<vmem_shared>> -> memref<128x128xf32, #tpu.memory_space<vmem_shared>>
      %dma_wait3A_47 = arith.constant 0 : i32
      %dma_wait3A_48 = tpu.memref_slice %arg11[%add3A_17, %dma_wait3A_47] : memref<10240x128xf32, #tpu.memory_space<vmem_shared>> -> memref<128x128xf32, #tpu.memory_space<vmem_shared>>
      tpu.wait_dma2 semaphore(%run_scoped3A : memref<!tpu.dma_semaphore, #tpu.memory_space<semaphore_mem>>) src(%arg9 : memref<128x128xf32, #tpu.memory_space<vmem>>) dst(%dma_wait3A_48 : memref<128x128xf32, #tpu.memory_space<vmem_shared>>)
      tpu.yield
    }) : () -> ()
    %barrier3A = arith.constant 0 : index
    tpu.barrier barrier_id(%barrier3A)
    %eq3A = arith.constant 0 : i32
    %eq3A_18 = arith.cmpi eq, %arg0, %eq3A : i32
    %mul3A_19 = arith.constant 120 : i32
    %mul3A_20 = arith.muli %arg1, %mul3A_19 : i32
    %mul3A_21 = arith.constant 40 : i32
    %mul3A_22 = arith.muli %arg1, %mul3A_21 : i32
    %add3A_23 = arith.constant 1920 : i32
    %add3A_24 = arith.addi %add3A_23, %mul3A_22 : i32
    %select_n3A = arith.select %eq3A_18, %mul3A_20, %add3A_24 : i32
    %eq3A_25 = arith.constant 0 : i32
    %eq3A_26 = arith.cmpi eq, %arg0, %eq3A_25 : i32
    %jit3A = arith.constant 15 : i32
    %jit3A_27 = arith.constant 5 : i32
    %select_n3A_28 = arith.select %eq3A_26, %jit3A, %jit3A_27 : i32
    %while3A = arith.constant 0 : i32
    %while3A_29 = arith.constant 0 : i32
    %while3A_30 = arith.subi %select_n3A_28, %while3A_29 : i32
    %while3A_31 = arith.addi %while3A_29, %while3A_30 : i32
    %while3A_32 = arith.constant 1 : i32
    %while3A_33 = arith.divsi %while3A_30, %while3A_32 : i32
    %while3A_34 = arith.muli %while3A_33, %while3A_32 : i32
    %while3A_35 = arith.addi %while3A_29, %while3A_34 : i32
    %while3A_36 = arith.constant 1 : i32
    scf.for %while3A_43 = %while3A_29 to %while3A_35 step %while3A_36  : i32 {
      %mul3A_44 = arith.constant 8 : i32
      %mul3A_45 = arith.muli %while3A_43, %mul3A_44 : i32
      %add3A_46 = arith.addi %select_n3A, %mul3A_45 : i32
      "tpu.region"() ({
        %run_scoped3A = tpu.sem_alloc : memref<!tpu.dma_semaphore, #tpu.memory_space<semaphore_mem>>
        %dma_start3A_272 = arith.constant 0 : i32
        %dma_start3A_273 = tpu.memref_slice %arg3[%add3A_46, %dma_start3A_272] : memref<2560x128xi32, #tpu.memory_space<hbm>> -> memref<8x128xi32, #tpu.memory_space<hbm>>
        %dma_start3A_274 = arith.constant 0 : i32
        %dma_start3A_275 = tpu.memref_slice %arg3[%add3A_46, %dma_start3A_274] : memref<2560x128xi32, #tpu.memory_space<hbm>> -> memref<8x128xi32, #tpu.memory_space<hbm>>
        tpu.enqueue_dma source(%dma_start3A_275 : memref<8x128xi32, #tpu.memory_space<hbm>>) target(%arg7 : memref<8x128xi32, #tpu.memory_space<vmem>>) target_semaphore(%run_scoped3A : memref<!tpu.dma_semaphore, #tpu.memory_space<semaphore_mem>>)
        %dma_wait3A_276 = arith.constant 0 : i32
        %dma_wait3A_277 = tpu.memref_slice %arg3[%add3A_46, %dma_wait3A_276] : memref<2560x128xi32, #tpu.memory_space<hbm>> -> memref<8x128xi32, #tpu.memory_space<hbm>>
        %dma_wait3A_278 = arith.constant 0 : i32
        %dma_wait3A_279 = tpu.memref_slice %arg3[%add3A_46, %dma_wait3A_278] : memref<2560x128xi32, #tpu.memory_space<hbm>> -> memref<8x128xi32, #tpu.memory_space<hbm>>
        tpu.wait_dma2 semaphore(%run_scoped3A : memref<!tpu.dma_semaphore, #tpu.memory_space<semaphore_mem>>) src(%dma_wait3A_279 : memref<8x128xi32, #tpu.memory_space<hbm>>) dst(%arg7 : memref<8x128xi32, #tpu.memory_space<vmem>>)
        tpu.yield
      }) : () -> ()
      %mul3A_47 = arith.constant 8 : i32
      %mul3A_48 = arith.muli %while3A_43, %mul3A_47 : i32
      %add3A_49 = arith.addi %select_n3A, %mul3A_48 : i32
      "tpu.region"() ({
        %run_scoped3A = tpu.sem_alloc : memref<!tpu.dma_semaphore, #tpu.memory_space<semaphore_mem>>
        %dma_start3A_272 = arith.constant 0 : i32
        %dma_start3A_273 = tpu.memref_slice %arg4[%add3A_49, %dma_start3A_272] : memref<2560x128xi32, #tpu.memory_space<hbm>> -> memref<8x128xi32, #tpu.memory_space<hbm>>
        %dma_start3A_274 = arith.constant 0 : i32
        %dma_start3A_275 = tpu.memref_slice %arg4[%add3A_49, %dma_start3A_274] : memref<2560x128xi32, #tpu.memory_space<hbm>> -> memref<8x128xi32, #tpu.memory_space<hbm>>
        tpu.enqueue_dma source(%dma_start3A_275 : memref<8x128xi32, #tpu.memory_space<hbm>>) target(%arg8 : memref<8x128xi32, #tpu.memory_space<vmem>>) target_semaphore(%run_scoped3A : memref<!tpu.dma_semaphore, #tpu.memory_space<semaphore_mem>>)
        %dma_wait3A_276 = arith.constant 0 : i32
        %dma_wait3A_277 = tpu.memref_slice %arg4[%add3A_49, %dma_wait3A_276] : memref<2560x128xi32, #tpu.memory_space<hbm>> -> memref<8x128xi32, #tpu.memory_space<hbm>>
        %dma_wait3A_278 = arith.constant 0 : i32
        %dma_wait3A_279 = tpu.memref_slice %arg4[%add3A_49, %dma_wait3A_278] : memref<2560x128xi32, #tpu.memory_space<hbm>> -> memref<8x128xi32, #tpu.memory_space<hbm>>
        tpu.wait_dma2 semaphore(%run_scoped3A : memref<!tpu.dma_semaphore, #tpu.memory_space<semaphore_mem>>) src(%dma_wait3A_279 : memref<8x128xi32, #tpu.memory_space<hbm>>) dst(%arg8 : memref<8x128xi32, #tpu.memory_space<vmem>>)
        tpu.yield
      }) : () -> ()
      %dma_start3A = arith.constant 0 : i32
      %dma_start3A_50 = arith.constant 0 : i32
      %dma_start3A_51 = tpu.memref_slice %arg7[%dma_start3A, %dma_start3A_50] : memref<8x128xi32, #tpu.memory_space<vmem>> -> memref<1x128xi32, #tpu.memory_space<vmem>>
      %dma_start3A_52 = tpu.memref_squeeze %dma_start3A_51 : memref<1x128xi32, #tpu.memory_space<vmem>> -> memref<128xi32, #tpu.memory_space<vmem>>
      %dma_start3A_53 = arith.constant 0 : i32
      %dma_start3A_54 = arith.constant 0 : i32
      %dma_start3A_55 = tpu.memref_slice %arg2[%dma_start3A_53, %dma_start3A_54] : memref<10240x128xf32, #tpu.memory_space<hbm>> -> memref<10240x128xf32, #tpu.memory_space<hbm>>
      tpu.enqueue_indirect_dma source(%dma_start3A_55 : memref<10240x128xf32, #tpu.memory_space<hbm>>) target(%arg9 : memref<128x128xf32, #tpu.memory_space<vmem>>) offsets(%dma_start3A_52 : memref<128xi32, #tpu.memory_space<vmem>>) semaphore(%arg12 : memref<!tpu.dma_semaphore, #tpu.memory_space<semaphore_mem>>)
      %dma_start3A_56 = arith.constant 1 : i32
      %dma_start3A_57 = arith.constant 0 : i32
      %dma_start3A_58 = tpu.memref_slice %arg7[%dma_start3A_56, %dma_start3A_57] : memref<8x128xi32, #tpu.memory_space<vmem>> -> memref<1x128xi32, #tpu.memory_space<vmem>>
      %dma_start3A_59 = tpu.memref_squeeze %dma_start3A_58 : memref<1x128xi32, #tpu.memory_space<vmem>> -> memref<128xi32, #tpu.memory_space<vmem>>
      %dma_start3A_60 = arith.constant 0 : i32
      %dma_start3A_61 = arith.constant 0 : i32
      %dma_start3A_62 = tpu.memref_slice %arg2[%dma_start3A_60, %dma_start3A_61] : memref<10240x128xf32, #tpu.memory_space<hbm>> -> memref<10240x128xf32, #tpu.memory_space<hbm>>
      tpu.enqueue_indirect_dma source(%dma_start3A_62 : memref<10240x128xf32, #tpu.memory_space<hbm>>) target(%arg10 : memref<128x128xf32, #tpu.memory_space<vmem>>) offsets(%dma_start3A_59 : memref<128xi32, #tpu.memory_space<vmem>>) semaphore(%arg13 : memref<!tpu.dma_semaphore, #tpu.memory_space<semaphore_mem>>)
      %dma_wait3A = arith.constant 0 : i32
      %dma_wait3A_63 = arith.constant 0 : i32
      %dma_wait3A_64 = tpu.memref_slice %arg7[%dma_wait3A, %dma_wait3A_63] : memref<8x128xi32, #tpu.memory_space<vmem>> -> memref<1x128xi32, #tpu.memory_space<vmem>>
      %dma_wait3A_65 = tpu.memref_squeeze %dma_wait3A_64 : memref<1x128xi32, #tpu.memory_space<vmem>> -> memref<128xi32, #tpu.memory_space<vmem>>
      %dma_wait3A_66 = arith.constant 0 : i32
      %dma_wait3A_67 = arith.constant 0 : i32
      %dma_wait3A_68 = tpu.memref_slice %arg2[%dma_wait3A_66, %dma_wait3A_67] : memref<10240x128xf32, #tpu.memory_space<hbm>> -> memref<10240x128xf32, #tpu.memory_space<hbm>>
      tpu.wait_indirect_dma semaphore(%arg12 : memref<!tpu.dma_semaphore, #tpu.memory_space<semaphore_mem>>) src(%dma_wait3A_68 : memref<10240x128xf32, #tpu.memory_space<hbm>>) dst(%arg9 : memref<128x128xf32, #tpu.memory_space<vmem>>)
      %dma_start3A_69 = arith.constant 0 : i32
      %dma_start3A_70 = arith.constant 0 : i32
      %dma_start3A_71 = tpu.memref_slice %arg8[%dma_start3A_69, %dma_start3A_70] : memref<8x128xi32, #tpu.memory_space<vmem>> -> memref<1x128xi32, #tpu.memory_space<vmem>>
      %dma_start3A_72 = tpu.memref_squeeze %dma_start3A_71 : memref<1x128xi32, #tpu.memory_space<vmem>> -> memref<128xi32, #tpu.memory_space<vmem>>
      %dma_start3A_73 = arith.constant 0 : i32
      %dma_start3A_74 = arith.constant 0 : i32
      %dma_start3A_75 = tpu.memref_slice %arg11[%dma_start3A_73, %dma_start3A_74] : memref<10240x128xf32, #tpu.memory_space<vmem_shared>> -> memref<10240x128xf32, #tpu.memory_space<vmem_shared>>
      tpu.enqueue_indirect_dma source(%arg9 : memref<128x128xf32, #tpu.memory_space<vmem>>) target(%dma_start3A_75 : memref<10240x128xf32, #tpu.memory_space<vmem_shared>>) offsets(%dma_start3A_72 : memref<128xi32, #tpu.memory_space<vmem>>) semaphore(%arg14 : memref<!tpu.dma_semaphore, #tpu.memory_space<semaphore_mem>>) {add = true}
      %dma_wait3A_76 = arith.constant 1 : i32
      %dma_wait3A_77 = arith.constant 0 : i32
      %dma_wait3A_78 = tpu.memref_slice %arg7[%dma_wait3A_76, %dma_wait3A_77] : memref<8x128xi32, #tpu.memory_space<vmem>> -> memref<1x128xi32, #tpu.memory_space<vmem>>
      %dma_wait3A_79 = tpu.memref_squeeze %dma_wait3A_78 : memref<1x128xi32, #tpu.memory_space<vmem>> -> memref<128xi32, #tpu.memory_space<vmem>>
      %dma_wait3A_80 = arith.constant 0 : i32
      %dma_wait3A_81 = arith.constant 0 : i32
      %dma_wait3A_82 = tpu.memref_slice %arg2[%dma_wait3A_80, %dma_wait3A_81] : memref<10240x128xf32, #tpu.memory_space<hbm>> -> memref<10240x128xf32, #tpu.memory_space<hbm>>
      tpu.wait_indirect_dma semaphore(%arg13 : memref<!tpu.dma_semaphore, #tpu.memory_space<semaphore_mem>>) src(%dma_wait3A_82 : memref<10240x128xf32, #tpu.memory_space<hbm>>) dst(%arg10 : memref<128x128xf32, #tpu.memory_space<vmem>>)
      %dma_start3A_83 = arith.constant 1 : i32
      %dma_start3A_84 = arith.constant 0 : i32
      %dma_start3A_85 = tpu.memref_slice %arg8[%dma_start3A_83, %dma_start3A_84] : memref<8x128xi32, #tpu.memory_space<vmem>> -> memref<1x128xi32, #tpu.memory_space<vmem>>
      %dma_start3A_86 = tpu.memref_squeeze %dma_start3A_85 : memref<1x128xi32, #tpu.memory_space<vmem>> -> memref<128xi32, #tpu.memory_space<vmem>>
      %dma_start3A_87 = arith.constant 0 : i32
      %dma_start3A_88 = arith.constant 0 : i32
      %dma_start3A_89 = tpu.memref_slice %arg11[%dma_start3A_87, %dma_start3A_88] : memref<10240x128xf32, #tpu.memory_space<vmem_shared>> -> memref<10240x128xf32, #tpu.memory_space<vmem_shared>>
      tpu.enqueue_indirect_dma source(%arg10 : memref<128x128xf32, #tpu.memory_space<vmem>>) target(%dma_start3A_89 : memref<10240x128xf32, #tpu.memory_space<vmem_shared>>) offsets(%dma_start3A_86 : memref<128xi32, #tpu.memory_space<vmem>>) semaphore(%arg15 : memref<!tpu.dma_semaphore, #tpu.memory_space<semaphore_mem>>) {add = true}
      %dma_wait3A_90 = arith.constant 0 : i32
      %dma_wait3A_91 = arith.constant 0 : i32
      %dma_wait3A_92 = tpu.memref_slice %arg8[%dma_wait3A_90, %dma_wait3A_91] : memref<8x128xi32, #tpu.memory_space<vmem>> -> memref<1x128xi32, #tpu.memory_space<vmem>>
      %dma_wait3A_93 = tpu.memref_squeeze %dma_wait3A_92 : memref<1x128xi32, #tpu.memory_space<vmem>> -> memref<128xi32, #tpu.memory_space<vmem>>
      %dma_wait3A_94 = arith.constant 0 : i32
      %dma_wait3A_95 = arith.constant 0 : i32
      %dma_wait3A_96 = tpu.memref_slice %arg11[%dma_wait3A_94, %dma_wait3A_95] : memref<10240x128xf32, #tpu.memory_space<vmem_shared>> -> memref<10240x128xf32, #tpu.memory_space<vmem_shared>>
      tpu.wait_indirect_dma semaphore(%arg14 : memref<!tpu.dma_semaphore, #tpu.memory_space<semaphore_mem>>) src(%arg9 : memref<128x128xf32, #tpu.memory_space<vmem>>) dst(%dma_wait3A_96 : memref<10240x128xf32, #tpu.memory_space<vmem_shared>>)
      %dma_start3A_97 = arith.constant 2 : i32
      %dma_start3A_98 = arith.constant 0 : i32
      %dma_start3A_99 = tpu.memref_slice %arg7[%dma_start3A_97, %dma_start3A_98] : memref<8x128xi32, #tpu.memory_space<vmem>> -> memref<1x128xi32, #tpu.memory_space<vmem>>
      %dma_start3A_100 = tpu.memref_squeeze %dma_start3A_99 : memref<1x128xi32, #tpu.memory_space<vmem>> -> memref<128xi32, #tpu.memory_space<vmem>>
      %dma_start3A_101 = arith.constant 0 : i32
      %dma_start3A_102 = arith.constant 0 : i32
      %dma_start3A_103 = tpu.memref_slice %arg2[%dma_start3A_101, %dma_start3A_102] : memref<10240x128xf32, #tpu.memory_space<hbm>> -> memref<10240x128xf32, #tpu.memory_space<hbm>>
      tpu.enqueue_indirect_dma source(%dma_start3A_103 : memref<10240x128xf32, #tpu.memory_space<hbm>>) target(%arg9 : memref<128x128xf32, #tpu.memory_space<vmem>>) offsets(%dma_start3A_100 : memref<128xi32, #tpu.memory_space<vmem>>) semaphore(%arg12 : memref<!tpu.dma_semaphore, #tpu.memory_space<semaphore_mem>>)
      %dma_wait3A_104 = arith.constant 2 : i32
      %dma_wait3A_105 = arith.constant 0 : i32
      %dma_wait3A_106 = tpu.memref_slice %arg7[%dma_wait3A_104, %dma_wait3A_105] : memref<8x128xi32, #tpu.memory_space<vmem>> -> memref<1x128xi32, #tpu.memory_space<vmem>>
      %dma_wait3A_107 = tpu.memref_squeeze %dma_wait3A_106 : memref<1x128xi32, #tpu.memory_space<vmem>> -> memref<128xi32, #tpu.memory_space<vmem>>
      %dma_wait3A_108 = arith.constant 0 : i32
      %dma_wait3A_109 = arith.constant 0 : i32
      %dma_wait3A_110 = tpu.memref_slice %arg2[%dma_wait3A_108, %dma_wait3A_109] : memref<10240x128xf32, #tpu.memory_space<hbm>> -> memref<10240x128xf32, #tpu.memory_space<hbm>>
      tpu.wait_indirect_dma semaphore(%arg12 : memref<!tpu.dma_semaphore, #tpu.memory_space<semaphore_mem>>) src(%dma_wait3A_110 : memref<10240x128xf32, #tpu.memory_space<hbm>>) dst(%arg9 : memref<128x128xf32, #tpu.memory_space<vmem>>)
      %dma_start3A_111 = arith.constant 2 : i32
      %dma_start3A_112 = arith.constant 0 : i32
      %dma_start3A_113 = tpu.memref_slice %arg8[%dma_start3A_111, %dma_start3A_112] : memref<8x128xi32, #tpu.memory_space<vmem>> -> memref<1x128xi32, #tpu.memory_space<vmem>>
      %dma_start3A_114 = tpu.memref_squeeze %dma_start3A_113 : memref<1x128xi32, #tpu.memory_space<vmem>> -> memref<128xi32, #tpu.memory_space<vmem>>
      %dma_start3A_115 = arith.constant 0 : i32
      %dma_start3A_116 = arith.constant 0 : i32
      %dma_start3A_117 = tpu.memref_slice %arg11[%dma_start3A_115, %dma_start3A_116] : memref<10240x128xf32, #tpu.memory_space<vmem_shared>> -> memref<10240x128xf32, #tpu.memory_space<vmem_shared>>
      tpu.enqueue_indirect_dma source(%arg9 : memref<128x128xf32, #tpu.memory_space<vmem>>) target(%dma_start3A_117 : memref<10240x128xf32, #tpu.memory_space<vmem_shared>>) offsets(%dma_start3A_114 : memref<128xi32, #tpu.memory_space<vmem>>) semaphore(%arg14 : memref<!tpu.dma_semaphore, #tpu.memory_space<semaphore_mem>>) {add = true}
      %dma_wait3A_118 = arith.constant 1 : i32
      %dma_wait3A_119 = arith.constant 0 : i32
      %dma_wait3A_120 = tpu.memref_slice %arg8[%dma_wait3A_118, %dma_wait3A_119] : memref<8x128xi32, #tpu.memory_space<vmem>> -> memref<1x128xi32, #tpu.memory_space<vmem>>
      %dma_wait3A_121 = tpu.memref_squeeze %dma_wait3A_120 : memref<1x128xi32, #tpu.memory_space<vmem>> -> memref<128xi32, #tpu.memory_space<vmem>>
      %dma_wait3A_122 = arith.constant 0 : i32
      %dma_wait3A_123 = arith.constant 0 : i32
      %dma_wait3A_124 = tpu.memref_slice %arg11[%dma_wait3A_122, %dma_wait3A_123] : memref<10240x128xf32, #tpu.memory_space<vmem_shared>> -> memref<10240x128xf32, #tpu.memory_space<vmem_shared>>
      tpu.wait_indirect_dma semaphore(%arg15 : memref<!tpu.dma_semaphore, #tpu.memory_space<semaphore_mem>>) src(%arg10 : memref<128x128xf32, #tpu.memory_space<vmem>>) dst(%dma_wait3A_124 : memref<10240x128xf32, #tpu.memory_space<vmem_shared>>)
      %dma_start3A_125 = arith.constant 3 : i32
      %dma_start3A_126 = arith.constant 0 : i32
      %dma_start3A_127 = tpu.memref_slice %arg7[%dma_start3A_125, %dma_start3A_126] : memref<8x128xi32, #tpu.memory_space<vmem>> -> memref<1x128xi32, #tpu.memory_space<vmem>>
      %dma_start3A_128 = tpu.memref_squeeze %dma_start3A_127 : memref<1x128xi32, #tpu.memory_space<vmem>> -> memref<128xi32, #tpu.memory_space<vmem>>
      %dma_start3A_129 = arith.constant 0 : i32
      %dma_start3A_130 = arith.constant 0 : i32
      %dma_start3A_131 = tpu.memref_slice %arg2[%dma_start3A_129, %dma_start3A_130] : memref<10240x128xf32, #tpu.memory_space<hbm>> -> memref<10240x128xf32, #tpu.memory_space<hbm>>
      tpu.enqueue_indirect_dma source(%dma_start3A_131 : memref<10240x128xf32, #tpu.memory_space<hbm>>) target(%arg10 : memref<128x128xf32, #tpu.memory_space<vmem>>) offsets(%dma_start3A_128 : memref<128xi32, #tpu.memory_space<vmem>>) semaphore(%arg13 : memref<!tpu.dma_semaphore, #tpu.memory_space<semaphore_mem>>)
      %dma_wait3A_132 = arith.constant 3 : i32
      %dma_wait3A_133 = arith.constant 0 : i32
      %dma_wait3A_134 = tpu.memref_slice %arg7[%dma_wait3A_132, %dma_wait3A_133] : memref<8x128xi32, #tpu.memory_space<vmem>> -> memref<1x128xi32, #tpu.memory_space<vmem>>
      %dma_wait3A_135 = tpu.memref_squeeze %dma_wait3A_134 : memref<1x128xi32, #tpu.memory_space<vmem>> -> memref<128xi32, #tpu.memory_space<vmem>>
      %dma_wait3A_136 = arith.constant 0 : i32
      %dma_wait3A_137 = arith.constant 0 : i32
      %dma_wait3A_138 = tpu.memref_slice %arg2[%dma_wait3A_136, %dma_wait3A_137] : memref<10240x128xf32, #tpu.memory_space<hbm>> -> memref<10240x128xf32, #tpu.memory_space<hbm>>
      tpu.wait_indirect_dma semaphore(%arg13 : memref<!tpu.dma_semaphore, #tpu.memory_space<semaphore_mem>>) src(%dma_wait3A_138 : memref<10240x128xf32, #tpu.memory_space<hbm>>) dst(%arg10 : memref<128x128xf32, #tpu.memory_space<vmem>>)
      %dma_start3A_139 = arith.constant 3 : i32
      %dma_start3A_140 = arith.constant 0 : i32
      %dma_start3A_141 = tpu.memref_slice %arg8[%dma_start3A_139, %dma_start3A_140] : memref<8x128xi32, #tpu.memory_space<vmem>> -> memref<1x128xi32, #tpu.memory_space<vmem>>
      %dma_start3A_142 = tpu.memref_squeeze %dma_start3A_141 : memref<1x128xi32, #tpu.memory_space<vmem>> -> memref<128xi32, #tpu.memory_space<vmem>>
      %dma_start3A_143 = arith.constant 0 : i32
      %dma_start3A_144 = arith.constant 0 : i32
      %dma_start3A_145 = tpu.memref_slice %arg11[%dma_start3A_143, %dma_start3A_144] : memref<10240x128xf32, #tpu.memory_space<vmem_shared>> -> memref<10240x128xf32, #tpu.memory_space<vmem_shared>>
      tpu.enqueue_indirect_dma source(%arg10 : memref<128x128xf32, #tpu.memory_space<vmem>>) target(%dma_start3A_145 : memref<10240x128xf32, #tpu.memory_space<vmem_shared>>) offsets(%dma_start3A_142 : memref<128xi32, #tpu.memory_space<vmem>>) semaphore(%arg15 : memref<!tpu.dma_semaphore, #tpu.memory_space<semaphore_mem>>) {add = true}
      %dma_wait3A_146 = arith.constant 2 : i32
      %dma_wait3A_147 = arith.constant 0 : i32
      %dma_wait3A_148 = tpu.memref_slice %arg8[%dma_wait3A_146, %dma_wait3A_147] : memref<8x128xi32, #tpu.memory_space<vmem>> -> memref<1x128xi32, #tpu.memory_space<vmem>>
      %dma_wait3A_149 = tpu.memref_squeeze %dma_wait3A_148 : memref<1x128xi32, #tpu.memory_space<vmem>> -> memref<128xi32, #tpu.memory_space<vmem>>
      %dma_wait3A_150 = arith.constant 0 : i32
      %dma_wait3A_151 = arith.constant 0 : i32
      %dma_wait3A_152 = tpu.memref_slice %arg11[%dma_wait3A_150, %dma_wait3A_151] : memref<10240x128xf32, #tpu.memory_space<vmem_shared>> -> memref<10240x128xf32, #tpu.memory_space<vmem_shared>>
      tpu.wait_indirect_dma semaphore(%arg14 : memref<!tpu.dma_semaphore, #tpu.memory_space<semaphore_mem>>) src(%arg9 : memref<128x128xf32, #tpu.memory_space<vmem>>) dst(%dma_wait3A_152 : memref<10240x128xf32, #tpu.memory_space<vmem_shared>>)
      %dma_start3A_153 = arith.constant 4 : i32
      %dma_start3A_154 = arith.constant 0 : i32
      %dma_start3A_155 = tpu.memref_slice %arg7[%dma_start3A_153, %dma_start3A_154] : memref<8x128xi32, #tpu.memory_space<vmem>> -> memref<1x128xi32, #tpu.memory_space<vmem>>
      %dma_start3A_156 = tpu.memref_squeeze %dma_start3A_155 : memref<1x128xi32, #tpu.memory_space<vmem>> -> memref<128xi32, #tpu.memory_space<vmem>>
      %dma_start3A_157 = arith.constant 0 : i32
      %dma_start3A_158 = arith.constant 0 : i32
      %dma_start3A_159 = tpu.memref_slice %arg2[%dma_start3A_157, %dma_start3A_158] : memref<10240x128xf32, #tpu.memory_space<hbm>> -> memref<10240x128xf32, #tpu.memory_space<hbm>>
      tpu.enqueue_indirect_dma source(%dma_start3A_159 : memref<10240x128xf32, #tpu.memory_space<hbm>>) target(%arg9 : memref<128x128xf32, #tpu.memory_space<vmem>>) offsets(%dma_start3A_156 : memref<128xi32, #tpu.memory_space<vmem>>) semaphore(%arg12 : memref<!tpu.dma_semaphore, #tpu.memory_space<semaphore_mem>>)
      %dma_wait3A_160 = arith.constant 4 : i32
      %dma_wait3A_161 = arith.constant 0 : i32
      %dma_wait3A_162 = tpu.memref_slice %arg7[%dma_wait3A_160, %dma_wait3A_161] : memref<8x128xi32, #tpu.memory_space<vmem>> -> memref<1x128xi32, #tpu.memory_space<vmem>>
      %dma_wait3A_163 = tpu.memref_squeeze %dma_wait3A_162 : memref<1x128xi32, #tpu.memory_space<vmem>> -> memref<128xi32, #tpu.memory_space<vmem>>
      %dma_wait3A_164 = arith.constant 0 : i32
      %dma_wait3A_165 = arith.constant 0 : i32
      %dma_wait3A_166 = tpu.memref_slice %arg2[%dma_wait3A_164, %dma_wait3A_165] : memref<10240x128xf32, #tpu.memory_space<hbm>> -> memref<10240x128xf32, #tpu.memory_space<hbm>>
      tpu.wait_indirect_dma semaphore(%arg12 : memref<!tpu.dma_semaphore, #tpu.memory_space<semaphore_mem>>) src(%dma_wait3A_166 : memref<10240x128xf32, #tpu.memory_space<hbm>>) dst(%arg9 : memref<128x128xf32, #tpu.memory_space<vmem>>)
      %dma_start3A_167 = arith.constant 4 : i32
      %dma_start3A_168 = arith.constant 0 : i32
      %dma_start3A_169 = tpu.memref_slice %arg8[%dma_start3A_167, %dma_start3A_168] : memref<8x128xi32, #tpu.memory_space<vmem>> -> memref<1x128xi32, #tpu.memory_space<vmem>>
      %dma_start3A_170 = tpu.memref_squeeze %dma_start3A_169 : memref<1x128xi32, #tpu.memory_space<vmem>> -> memref<128xi32, #tpu.memory_space<vmem>>
      %dma_start3A_171 = arith.constant 0 : i32
      %dma_start3A_172 = arith.constant 0 : i32
      %dma_start3A_173 = tpu.memref_slice %arg11[%dma_start3A_171, %dma_start3A_172] : memref<10240x128xf32, #tpu.memory_space<vmem_shared>> -> memref<10240x128xf32, #tpu.memory_space<vmem_shared>>
      tpu.enqueue_indirect_dma source(%arg9 : memref<128x128xf32, #tpu.memory_space<vmem>>) target(%dma_start3A_173 : memref<10240x128xf32, #tpu.memory_space<vmem_shared>>) offsets(%dma_start3A_170 : memref<128xi32, #tpu.memory_space<vmem>>) semaphore(%arg14 : memref<!tpu.dma_semaphore, #tpu.memory_space<semaphore_mem>>) {add = true}
      %dma_wait3A_174 = arith.constant 3 : i32
      %dma_wait3A_175 = arith.constant 0 : i32
      %dma_wait3A_176 = tpu.memref_slice %arg8[%dma_wait3A_174, %dma_wait3A_175] : memref<8x128xi32, #tpu.memory_space<vmem>> -> memref<1x128xi32, #tpu.memory_space<vmem>>
      %dma_wait3A_177 = tpu.memref_squeeze %dma_wait3A_176 : memref<1x128xi32, #tpu.memory_space<vmem>> -> memref<128xi32, #tpu.memory_space<vmem>>
      %dma_wait3A_178 = arith.constant 0 : i32
      %dma_wait3A_179 = arith.constant 0 : i32
      %dma_wait3A_180 = tpu.memref_slice %arg11[%dma_wait3A_178, %dma_wait3A_179] : memref<10240x128xf32, #tpu.memory_space<vmem_shared>> -> memref<10240x128xf32, #tpu.memory_space<vmem_shared>>
      tpu.wait_indirect_dma semaphore(%arg15 : memref<!tpu.dma_semaphore, #tpu.memory_space<semaphore_mem>>) src(%arg10 : memref<128x128xf32, #tpu.memory_space<vmem>>) dst(%dma_wait3A_180 : memref<10240x128xf32, #tpu.memory_space<vmem_shared>>)
      %dma_start3A_181 = arith.constant 5 : i32
      %dma_start3A_182 = arith.constant 0 : i32
      %dma_start3A_183 = tpu.memref_slice %arg7[%dma_start3A_181, %dma_start3A_182] : memref<8x128xi32, #tpu.memory_space<vmem>> -> memref<1x128xi32, #tpu.memory_space<vmem>>
      %dma_start3A_184 = tpu.memref_squeeze %dma_start3A_183 : memref<1x128xi32, #tpu.memory_space<vmem>> -> memref<128xi32, #tpu.memory_space<vmem>>
      %dma_start3A_185 = arith.constant 0 : i32
      %dma_start3A_186 = arith.constant 0 : i32
      %dma_start3A_187 = tpu.memref_slice %arg2[%dma_start3A_185, %dma_start3A_186] : memref<10240x128xf32, #tpu.memory_space<hbm>> -> memref<10240x128xf32, #tpu.memory_space<hbm>>
      tpu.enqueue_indirect_dma source(%dma_start3A_187 : memref<10240x128xf32, #tpu.memory_space<hbm>>) target(%arg10 : memref<128x128xf32, #tpu.memory_space<vmem>>) offsets(%dma_start3A_184 : memref<128xi32, #tpu.memory_space<vmem>>) semaphore(%arg13 : memref<!tpu.dma_semaphore, #tpu.memory_space<semaphore_mem>>)
      %dma_wait3A_188 = arith.constant 5 : i32
      %dma_wait3A_189 = arith.constant 0 : i32
      %dma_wait3A_190 = tpu.memref_slice %arg7[%dma_wait3A_188, %dma_wait3A_189] : memref<8x128xi32, #tpu.memory_space<vmem>> -> memref<1x128xi32, #tpu.memory_space<vmem>>
      %dma_wait3A_191 = tpu.memref_squeeze %dma_wait3A_190 : memref<1x128xi32, #tpu.memory_space<vmem>> -> memref<128xi32, #tpu.memory_space<vmem>>
      %dma_wait3A_192 = arith.constant 0 : i32
      %dma_wait3A_193 = arith.constant 0 : i32
      %dma_wait3A_194 = tpu.memref_slice %arg2[%dma_wait3A_192, %dma_wait3A_193] : memref<10240x128xf32, #tpu.memory_space<hbm>> -> memref<10240x128xf32, #tpu.memory_space<hbm>>
      tpu.wait_indirect_dma semaphore(%arg13 : memref<!tpu.dma_semaphore, #tpu.memory_space<semaphore_mem>>) src(%dma_wait3A_194 : memref<10240x128xf32, #tpu.memory_space<hbm>>) dst(%arg10 : memref<128x128xf32, #tpu.memory_space<vmem>>)
      %dma_start3A_195 = arith.constant 5 : i32
      %dma_start3A_196 = arith.constant 0 : i32
      %dma_start3A_197 = tpu.memref_slice %arg8[%dma_start3A_195, %dma_start3A_196] : memref<8x128xi32, #tpu.memory_space<vmem>> -> memref<1x128xi32, #tpu.memory_space<vmem>>
      %dma_start3A_198 = tpu.memref_squeeze %dma_start3A_197 : memref<1x128xi32, #tpu.memory_space<vmem>> -> memref<128xi32, #tpu.memory_space<vmem>>
      %dma_start3A_199 = arith.constant 0 : i32
      %dma_start3A_200 = arith.constant 0 : i32
      %dma_start3A_201 = tpu.memref_slice %arg11[%dma_start3A_199, %dma_start3A_200] : memref<10240x128xf32, #tpu.memory_space<vmem_shared>> -> memref<10240x128xf32, #tpu.memory_space<vmem_shared>>
      tpu.enqueue_indirect_dma source(%arg10 : memref<128x128xf32, #tpu.memory_space<vmem>>) target(%dma_start3A_201 : memref<10240x128xf32, #tpu.memory_space<vmem_shared>>) offsets(%dma_start3A_198 : memref<128xi32, #tpu.memory_space<vmem>>) semaphore(%arg15 : memref<!tpu.dma_semaphore, #tpu.memory_space<semaphore_mem>>) {add = true}
      %dma_wait3A_202 = arith.constant 4 : i32
      %dma_wait3A_203 = arith.constant 0 : i32
      %dma_wait3A_204 = tpu.memref_slice %arg8[%dma_wait3A_202, %dma_wait3A_203] : memref<8x128xi32, #tpu.memory_space<vmem>> -> memref<1x128xi32, #tpu.memory_space<vmem>>
      %dma_wait3A_205 = tpu.memref_squeeze %dma_wait3A_204 : memref<1x128xi32, #tpu.memory_space<vmem>> -> memref<128xi32, #tpu.memory_space<vmem>>
      %dma_wait3A_206 = arith.constant 0 : i32
      %dma_wait3A_207 = arith.constant 0 : i32
      %dma_wait3A_208 = tpu.memref_slice %arg11[%dma_wait3A_206, %dma_wait3A_207] : memref<10240x128xf32, #tpu.memory_space<vmem_shared>> -> memref<10240x128xf32, #tpu.memory_space<vmem_shared>>
      tpu.wait_indirect_dma semaphore(%arg14 : memref<!tpu.dma_semaphore, #tpu.memory_space<semaphore_mem>>) src(%arg9 : memref<128x128xf32, #tpu.memory_space<vmem>>) dst(%dma_wait3A_208 : memref<10240x128xf32, #tpu.memory_space<vmem_shared>>)
      %dma_start3A_209 = arith.constant 6 : i32
      %dma_start3A_210 = arith.constant 0 : i32
      %dma_start3A_211 = tpu.memref_slice %arg7[%dma_start3A_209, %dma_start3A_210] : memref<8x128xi32, #tpu.memory_space<vmem>> -> memref<1x128xi32, #tpu.memory_space<vmem>>
      %dma_start3A_212 = tpu.memref_squeeze %dma_start3A_211 : memref<1x128xi32, #tpu.memory_space<vmem>> -> memref<128xi32, #tpu.memory_space<vmem>>
      %dma_start3A_213 = arith.constant 0 : i32
      %dma_start3A_214 = arith.constant 0 : i32
      %dma_start3A_215 = tpu.memref_slice %arg2[%dma_start3A_213, %dma_start3A_214] : memref<10240x128xf32, #tpu.memory_space<hbm>> -> memref<10240x128xf32, #tpu.memory_space<hbm>>
      tpu.enqueue_indirect_dma source(%dma_start3A_215 : memref<10240x128xf32, #tpu.memory_space<hbm>>) target(%arg9 : memref<128x128xf32, #tpu.memory_space<vmem>>) offsets(%dma_start3A_212 : memref<128xi32, #tpu.memory_space<vmem>>) semaphore(%arg12 : memref<!tpu.dma_semaphore, #tpu.memory_space<semaphore_mem>>)
      %dma_wait3A_216 = arith.constant 6 : i32
      %dma_wait3A_217 = arith.constant 0 : i32
      %dma_wait3A_218 = tpu.memref_slice %arg7[%dma_wait3A_216, %dma_wait3A_217] : memref<8x128xi32, #tpu.memory_space<vmem>> -> memref<1x128xi32, #tpu.memory_space<vmem>>
      %dma_wait3A_219 = tpu.memref_squeeze %dma_wait3A_218 : memref<1x128xi32, #tpu.memory_space<vmem>> -> memref<128xi32, #tpu.memory_space<vmem>>
      %dma_wait3A_220 = arith.constant 0 : i32
      %dma_wait3A_221 = arith.constant 0 : i32
      %dma_wait3A_222 = tpu.memref_slice %arg2[%dma_wait3A_220, %dma_wait3A_221] : memref<10240x128xf32, #tpu.memory_space<hbm>> -> memref<10240x128xf32, #tpu.memory_space<hbm>>
      tpu.wait_indirect_dma semaphore(%arg12 : memref<!tpu.dma_semaphore, #tpu.memory_space<semaphore_mem>>) src(%dma_wait3A_222 : memref<10240x128xf32, #tpu.memory_space<hbm>>) dst(%arg9 : memref<128x128xf32, #tpu.memory_space<vmem>>)
      %dma_start3A_223 = arith.constant 6 : i32
      %dma_start3A_224 = arith.constant 0 : i32
      %dma_start3A_225 = tpu.memref_slice %arg8[%dma_start3A_223, %dma_start3A_224] : memref<8x128xi32, #tpu.memory_space<vmem>> -> memref<1x128xi32, #tpu.memory_space<vmem>>
      %dma_start3A_226 = tpu.memref_squeeze %dma_start3A_225 : memref<1x128xi32, #tpu.memory_space<vmem>> -> memref<128xi32, #tpu.memory_space<vmem>>
      %dma_start3A_227 = arith.constant 0 : i32
      %dma_start3A_228 = arith.constant 0 : i32
      %dma_start3A_229 = tpu.memref_slice %arg11[%dma_start3A_227, %dma_start3A_228] : memref<10240x128xf32, #tpu.memory_space<vmem_shared>> -> memref<10240x128xf32, #tpu.memory_space<vmem_shared>>
      tpu.enqueue_indirect_dma source(%arg9 : memref<128x128xf32, #tpu.memory_space<vmem>>) target(%dma_start3A_229 : memref<10240x128xf32, #tpu.memory_space<vmem_shared>>) offsets(%dma_start3A_226 : memref<128xi32, #tpu.memory_space<vmem>>) semaphore(%arg14 : memref<!tpu.dma_semaphore, #tpu.memory_space<semaphore_mem>>) {add = true}
      %dma_wait3A_230 = arith.constant 5 : i32
      %dma_wait3A_231 = arith.constant 0 : i32
      %dma_wait3A_232 = tpu.memref_slice %arg8[%dma_wait3A_230, %dma_wait3A_231] : memref<8x128xi32, #tpu.memory_space<vmem>> -> memref<1x128xi32, #tpu.memory_space<vmem>>
      %dma_wait3A_233 = tpu.memref_squeeze %dma_wait3A_232 : memref<1x128xi32, #tpu.memory_space<vmem>> -> memref<128xi32, #tpu.memory_space<vmem>>
      %dma_wait3A_234 = arith.constant 0 : i32
      %dma_wait3A_235 = arith.constant 0 : i32
      %dma_wait3A_236 = tpu.memref_slice %arg11[%dma_wait3A_234, %dma_wait3A_235] : memref<10240x128xf32, #tpu.memory_space<vmem_shared>> -> memref<10240x128xf32, #tpu.memory_space<vmem_shared>>
      tpu.wait_indirect_dma semaphore(%arg15 : memref<!tpu.dma_semaphore, #tpu.memory_space<semaphore_mem>>) src(%arg10 : memref<128x128xf32, #tpu.memory_space<vmem>>) dst(%dma_wait3A_236 : memref<10240x128xf32, #tpu.memory_space<vmem_shared>>)
      %dma_start3A_237 = arith.constant 7 : i32
      %dma_start3A_238 = arith.constant 0 : i32
      %dma_start3A_239 = tpu.memref_slice %arg7[%dma_start3A_237, %dma_start3A_238] : memref<8x128xi32, #tpu.memory_space<vmem>> -> memref<1x128xi32, #tpu.memory_space<vmem>>
      %dma_start3A_240 = tpu.memref_squeeze %dma_start3A_239 : memref<1x128xi32, #tpu.memory_space<vmem>> -> memref<128xi32, #tpu.memory_space<vmem>>
      %dma_start3A_241 = arith.constant 0 : i32
      %dma_start3A_242 = arith.constant 0 : i32
      %dma_start3A_243 = tpu.memref_slice %arg2[%dma_start3A_241, %dma_start3A_242] : memref<10240x128xf32, #tpu.memory_space<hbm>> -> memref<10240x128xf32, #tpu.memory_space<hbm>>
      tpu.enqueue_indirect_dma source(%dma_start3A_243 : memref<10240x128xf32, #tpu.memory_space<hbm>>) target(%arg10 : memref<128x128xf32, #tpu.memory_space<vmem>>) offsets(%dma_start3A_240 : memref<128xi32, #tpu.memory_space<vmem>>) semaphore(%arg13 : memref<!tpu.dma_semaphore, #tpu.memory_space<semaphore_mem>>)
      %dma_wait3A_244 = arith.constant 7 : i32
      %dma_wait3A_245 = arith.constant 0 : i32
      %dma_wait3A_246 = tpu.memref_slice %arg7[%dma_wait3A_244, %dma_wait3A_245] : memref<8x128xi32, #tpu.memory_space<vmem>> -> memref<1x128xi32, #tpu.memory_space<vmem>>
      %dma_wait3A_247 = tpu.memref_squeeze %dma_wait3A_246 : memref<1x128xi32, #tpu.memory_space<vmem>> -> memref<128xi32, #tpu.memory_space<vmem>>
      %dma_wait3A_248 = arith.constant 0 : i32
      %dma_wait3A_249 = arith.constant 0 : i32
      %dma_wait3A_250 = tpu.memref_slice %arg2[%dma_wait3A_248, %dma_wait3A_249] : memref<10240x128xf32, #tpu.memory_space<hbm>> -> memref<10240x128xf32, #tpu.memory_space<hbm>>
      tpu.wait_indirect_dma semaphore(%arg13 : memref<!tpu.dma_semaphore, #tpu.memory_space<semaphore_mem>>) src(%dma_wait3A_250 : memref<10240x128xf32, #tpu.memory_space<hbm>>) dst(%arg10 : memref<128x128xf32, #tpu.memory_space<vmem>>)
      %dma_start3A_251 = arith.constant 7 : i32
      %dma_start3A_252 = arith.constant 0 : i32
      %dma_start3A_253 = tpu.memref_slice %arg8[%dma_start3A_251, %dma_start3A_252] : memref<8x128xi32, #tpu.memory_space<vmem>> -> memref<1x128xi32, #tpu.memory_space<vmem>>
      %dma_start3A_254 = tpu.memref_squeeze %dma_start3A_253 : memref<1x128xi32, #tpu.memory_space<vmem>> -> memref<128xi32, #tpu.memory_space<vmem>>
      %dma_start3A_255 = arith.constant 0 : i32
      %dma_start3A_256 = arith.constant 0 : i32
      %dma_start3A_257 = tpu.memref_slice %arg11[%dma_start3A_255, %dma_start3A_256] : memref<10240x128xf32, #tpu.memory_space<vmem_shared>> -> memref<10240x128xf32, #tpu.memory_space<vmem_shared>>
      tpu.enqueue_indirect_dma source(%arg10 : memref<128x128xf32, #tpu.memory_space<vmem>>) target(%dma_start3A_257 : memref<10240x128xf32, #tpu.memory_space<vmem_shared>>) offsets(%dma_start3A_254 : memref<128xi32, #tpu.memory_space<vmem>>) semaphore(%arg15 : memref<!tpu.dma_semaphore, #tpu.memory_space<semaphore_mem>>) {add = true}
      %dma_wait3A_258 = arith.constant 6 : i32
      %dma_wait3A_259 = arith.constant 0 : i32
      %dma_wait3A_260 = tpu.memref_slice %arg8[%dma_wait3A_258, %dma_wait3A_259] : memref<8x128xi32, #tpu.memory_space<vmem>> -> memref<1x128xi32, #tpu.memory_space<vmem>>
      %dma_wait3A_261 = tpu.memref_squeeze %dma_wait3A_260 : memref<1x128xi32, #tpu.memory_space<vmem>> -> memref<128xi32, #tpu.memory_space<vmem>>
      %dma_wait3A_262 = arith.constant 0 : i32
      %dma_wait3A_263 = arith.constant 0 : i32
      %dma_wait3A_264 = tpu.memref_slice %arg11[%dma_wait3A_262, %dma_wait3A_263] : memref<10240x128xf32, #tpu.memory_space<vmem_shared>> -> memref<10240x128xf32, #tpu.memory_space<vmem_shared>>
      tpu.wait_indirect_dma semaphore(%arg14 : memref<!tpu.dma_semaphore, #tpu.memory_space<semaphore_mem>>) src(%arg9 : memref<128x128xf32, #tpu.memory_space<vmem>>) dst(%dma_wait3A_264 : memref<10240x128xf32, #tpu.memory_space<vmem_shared>>)
      %dma_wait3A_265 = arith.constant 7 : i32
      %dma_wait3A_266 = arith.constant 0 : i32
      %dma_wait3A_267 = tpu.memref_slice %arg8[%dma_wait3A_265, %dma_wait3A_266] : memref<8x128xi32, #tpu.memory_space<vmem>> -> memref<1x128xi32, #tpu.memory_space<vmem>>
      %dma_wait3A_268 = tpu.memref_squeeze %dma_wait3A_267 : memref<1x128xi32, #tpu.memory_space<vmem>> -> memref<128xi32, #tpu.memory_space<vmem>>
      %dma_wait3A_269 = arith.constant 0 : i32
      %dma_wait3A_270 = arith.constant 0 : i32
      %dma_wait3A_271 = tpu.memref_slice %arg11[%dma_wait3A_269, %dma_wait3A_270] : memref<10240x128xf32, #tpu.memory_space<vmem_shared>> -> memref<10240x128xf32, #tpu.memory_space<vmem_shared>>
      tpu.wait_indirect_dma semaphore(%arg15 : memref<!tpu.dma_semaphore, #tpu.memory_space<semaphore_mem>>) src(%arg10 : memref<128x128xf32, #tpu.memory_space<vmem>>) dst(%dma_wait3A_271 : memref<10240x128xf32, #tpu.memory_space<vmem_shared>>)
    }
    %while3A_37 = arith.constant 1 : i32
    scf.for %while3A_43 = %while3A_35 to %while3A_31 step %while3A_37  : i32 {
      %mul3A_44 = arith.constant 8 : i32
      %mul3A_45 = arith.muli %while3A_43, %mul3A_44 : i32
      %add3A_46 = arith.addi %select_n3A, %mul3A_45 : i32
      "tpu.region"() ({
        %run_scoped3A = tpu.sem_alloc : memref<!tpu.dma_semaphore, #tpu.memory_space<semaphore_mem>>
        %dma_start3A_272 = arith.constant 0 : i32
        %dma_start3A_273 = tpu.memref_slice %arg3[%add3A_46, %dma_start3A_272] : memref<2560x128xi32, #tpu.memory_space<hbm>> -> memref<8x128xi32, #tpu.memory_space<hbm>>
        %dma_start3A_274 = arith.constant 0 : i32
        %dma_start3A_275 = tpu.memref_slice %arg3[%add3A_46, %dma_start3A_274] : memref<2560x128xi32, #tpu.memory_space<hbm>> -> memref<8x128xi32, #tpu.memory_space<hbm>>
        tpu.enqueue_dma source(%dma_start3A_275 : memref<8x128xi32, #tpu.memory_space<hbm>>) target(%arg7 : memref<8x128xi32, #tpu.memory_space<vmem>>) target_semaphore(%run_scoped3A : memref<!tpu.dma_semaphore, #tpu.memory_space<semaphore_mem>>)
        %dma_wait3A_276 = arith.constant 0 : i32
        %dma_wait3A_277 = tpu.memref_slice %arg3[%add3A_46, %dma_wait3A_276] : memref<2560x128xi32, #tpu.memory_space<hbm>> -> memref<8x128xi32, #tpu.memory_space<hbm>>
        %dma_wait3A_278 = arith.constant 0 : i32
        %dma_wait3A_279 = tpu.memref_slice %arg3[%add3A_46, %dma_wait3A_278] : memref<2560x128xi32, #tpu.memory_space<hbm>> -> memref<8x128xi32, #tpu.memory_space<hbm>>
        tpu.wait_dma2 semaphore(%run_scoped3A : memref<!tpu.dma_semaphore, #tpu.memory_space<semaphore_mem>>) src(%dma_wait3A_279 : memref<8x128xi32, #tpu.memory_space<hbm>>) dst(%arg7 : memref<8x128xi32, #tpu.memory_space<vmem>>)
        tpu.yield
      }) : () -> ()
      %mul3A_47 = arith.constant 8 : i32
      %mul3A_48 = arith.muli %while3A_43, %mul3A_47 : i32
      %add3A_49 = arith.addi %select_n3A, %mul3A_48 : i32
      "tpu.region"() ({
        %run_scoped3A = tpu.sem_alloc : memref<!tpu.dma_semaphore, #tpu.memory_space<semaphore_mem>>
        %dma_start3A_272 = arith.constant 0 : i32
        %dma_start3A_273 = tpu.memref_slice %arg4[%add3A_49, %dma_start3A_272] : memref<2560x128xi32, #tpu.memory_space<hbm>> -> memref<8x128xi32, #tpu.memory_space<hbm>>
        %dma_start3A_274 = arith.constant 0 : i32
        %dma_start3A_275 = tpu.memref_slice %arg4[%add3A_49, %dma_start3A_274] : memref<2560x128xi32, #tpu.memory_space<hbm>> -> memref<8x128xi32, #tpu.memory_space<hbm>>
        tpu.enqueue_dma source(%dma_start3A_275 : memref<8x128xi32, #tpu.memory_space<hbm>>) target(%arg8 : memref<8x128xi32, #tpu.memory_space<vmem>>) target_semaphore(%run_scoped3A : memref<!tpu.dma_semaphore, #tpu.memory_space<semaphore_mem>>)
        %dma_wait3A_276 = arith.constant 0 : i32
        %dma_wait3A_277 = tpu.memref_slice %arg4[%add3A_49, %dma_wait3A_276] : memref<2560x128xi32, #tpu.memory_space<hbm>> -> memref<8x128xi32, #tpu.memory_space<hbm>>
        %dma_wait3A_278 = arith.constant 0 : i32
        %dma_wait3A_279 = tpu.memref_slice %arg4[%add3A_49, %dma_wait3A_278] : memref<2560x128xi32, #tpu.memory_space<hbm>> -> memref<8x128xi32, #tpu.memory_space<hbm>>
        tpu.wait_dma2 semaphore(%run_scoped3A : memref<!tpu.dma_semaphore, #tpu.memory_space<semaphore_mem>>) src(%dma_wait3A_279 : memref<8x128xi32, #tpu.memory_space<hbm>>) dst(%arg8 : memref<8x128xi32, #tpu.memory_space<vmem>>)
        tpu.yield
      }) : () -> ()
      %dma_start3A = arith.constant 0 : i32
      %dma_start3A_50 = arith.constant 0 : i32
      %dma_start3A_51 = tpu.memref_slice %arg7[%dma_start3A, %dma_start3A_50] : memref<8x128xi32, #tpu.memory_space<vmem>> -> memref<1x128xi32, #tpu.memory_space<vmem>>
      %dma_start3A_52 = tpu.memref_squeeze %dma_start3A_51 : memref<1x128xi32, #tpu.memory_space<vmem>> -> memref<128xi32, #tpu.memory_space<vmem>>
      %dma_start3A_53 = arith.constant 0 : i32
      %dma_start3A_54 = arith.constant 0 : i32
      %dma_start3A_55 = tpu.memref_slice %arg2[%dma_start3A_53, %dma_start3A_54] : memref<10240x128xf32, #tpu.memory_space<hbm>> -> memref<10240x128xf32, #tpu.memory_space<hbm>>
      tpu.enqueue_indirect_dma source(%dma_start3A_55 : memref<10240x128xf32, #tpu.memory_space<hbm>>) target(%arg9 : memref<128x128xf32, #tpu.memory_space<vmem>>) offsets(%dma_start3A_52 : memref<128xi32, #tpu.memory_space<vmem>>) semaphore(%arg12 : memref<!tpu.dma_semaphore, #tpu.memory_space<semaphore_mem>>)
      %dma_start3A_56 = arith.constant 1 : i32
      %dma_start3A_57 = arith.constant 0 : i32
      %dma_start3A_58 = tpu.memref_slice %arg7[%dma_start3A_56, %dma_start3A_57] : memref<8x128xi32, #tpu.memory_space<vmem>> -> memref<1x128xi32, #tpu.memory_space<vmem>>
      %dma_start3A_59 = tpu.memref_squeeze %dma_start3A_58 : memref<1x128xi32, #tpu.memory_space<vmem>> -> memref<128xi32, #tpu.memory_space<vmem>>
      %dma_start3A_60 = arith.constant 0 : i32
      %dma_start3A_61 = arith.constant 0 : i32
      %dma_start3A_62 = tpu.memref_slice %arg2[%dma_start3A_60, %dma_start3A_61] : memref<10240x128xf32, #tpu.memory_space<hbm>> -> memref<10240x128xf32, #tpu.memory_space<hbm>>
      tpu.enqueue_indirect_dma source(%dma_start3A_62 : memref<10240x128xf32, #tpu.memory_space<hbm>>) target(%arg10 : memref<128x128xf32, #tpu.memory_space<vmem>>) offsets(%dma_start3A_59 : memref<128xi32, #tpu.memory_space<vmem>>) semaphore(%arg13 : memref<!tpu.dma_semaphore, #tpu.memory_space<semaphore_mem>>)
      %dma_wait3A = arith.constant 0 : i32
      %dma_wait3A_63 = arith.constant 0 : i32
      %dma_wait3A_64 = tpu.memref_slice %arg7[%dma_wait3A, %dma_wait3A_63] : memref<8x128xi32, #tpu.memory_space<vmem>> -> memref<1x128xi32, #tpu.memory_space<vmem>>
      %dma_wait3A_65 = tpu.memref_squeeze %dma_wait3A_64 : memref<1x128xi32, #tpu.memory_space<vmem>> -> memref<128xi32, #tpu.memory_space<vmem>>
      %dma_wait3A_66 = arith.constant 0 : i32
      %dma_wait3A_67 = arith.constant 0 : i32
      %dma_wait3A_68 = tpu.memref_slice %arg2[%dma_wait3A_66, %dma_wait3A_67] : memref<10240x128xf32, #tpu.memory_space<hbm>> -> memref<10240x128xf32, #tpu.memory_space<hbm>>
      tpu.wait_indirect_dma semaphore(%arg12 : memref<!tpu.dma_semaphore, #tpu.memory_space<semaphore_mem>>) src(%dma_wait3A_68 : memref<10240x128xf32, #tpu.memory_space<hbm>>) dst(%arg9 : memref<128x128xf32, #tpu.memory_space<vmem>>)
      %dma_start3A_69 = arith.constant 0 : i32
      %dma_start3A_70 = arith.constant 0 : i32
      %dma_start3A_71 = tpu.memref_slice %arg8[%dma_start3A_69, %dma_start3A_70] : memref<8x128xi32, #tpu.memory_space<vmem>> -> memref<1x128xi32, #tpu.memory_space<vmem>>
      %dma_start3A_72 = tpu.memref_squeeze %dma_start3A_71 : memref<1x128xi32, #tpu.memory_space<vmem>> -> memref<128xi32, #tpu.memory_space<vmem>>
      %dma_start3A_73 = arith.constant 0 : i32
      %dma_start3A_74 = arith.constant 0 : i32
      %dma_start3A_75 = tpu.memref_slice %arg11[%dma_start3A_73, %dma_start3A_74] : memref<10240x128xf32, #tpu.memory_space<vmem_shared>> -> memref<10240x128xf32, #tpu.memory_space<vmem_shared>>
      tpu.enqueue_indirect_dma source(%arg9 : memref<128x128xf32, #tpu.memory_space<vmem>>) target(%dma_start3A_75 : memref<10240x128xf32, #tpu.memory_space<vmem_shared>>) offsets(%dma_start3A_72 : memref<128xi32, #tpu.memory_space<vmem>>) semaphore(%arg14 : memref<!tpu.dma_semaphore, #tpu.memory_space<semaphore_mem>>) {add = true}
      %dma_wait3A_76 = arith.constant 1 : i32
      %dma_wait3A_77 = arith.constant 0 : i32
      %dma_wait3A_78 = tpu.memref_slice %arg7[%dma_wait3A_76, %dma_wait3A_77] : memref<8x128xi32, #tpu.memory_space<vmem>> -> memref<1x128xi32, #tpu.memory_space<vmem>>
      %dma_wait3A_79 = tpu.memref_squeeze %dma_wait3A_78 : memref<1x128xi32, #tpu.memory_space<vmem>> -> memref<128xi32, #tpu.memory_space<vmem>>
      %dma_wait3A_80 = arith.constant 0 : i32
      %dma_wait3A_81 = arith.constant 0 : i32
      %dma_wait3A_82 = tpu.memref_slice %arg2[%dma_wait3A_80, %dma_wait3A_81] : memref<10240x128xf32, #tpu.memory_space<hbm>> -> memref<10240x128xf32, #tpu.memory_space<hbm>>
      tpu.wait_indirect_dma semaphore(%arg13 : memref<!tpu.dma_semaphore, #tpu.memory_space<semaphore_mem>>) src(%dma_wait3A_82 : memref<10240x128xf32, #tpu.memory_space<hbm>>) dst(%arg10 : memref<128x128xf32, #tpu.memory_space<vmem>>)
      %dma_start3A_83 = arith.constant 1 : i32
      %dma_start3A_84 = arith.constant 0 : i32
      %dma_start3A_85 = tpu.memref_slice %arg8[%dma_start3A_83, %dma_start3A_84] : memref<8x128xi32, #tpu.memory_space<vmem>> -> memref<1x128xi32, #tpu.memory_space<vmem>>
      %dma_start3A_86 = tpu.memref_squeeze %dma_start3A_85 : memref<1x128xi32, #tpu.memory_space<vmem>> -> memref<128xi32, #tpu.memory_space<vmem>>
      %dma_start3A_87 = arith.constant 0 : i32
      %dma_start3A_88 = arith.constant 0 : i32
      %dma_start3A_89 = tpu.memref_slice %arg11[%dma_start3A_87, %dma_start3A_88] : memref<10240x128xf32, #tpu.memory_space<vmem_shared>> -> memref<10240x128xf32, #tpu.memory_space<vmem_shared>>
      tpu.enqueue_indirect_dma source(%arg10 : memref<128x128xf32, #tpu.memory_space<vmem>>) target(%dma_start3A_89 : memref<10240x128xf32, #tpu.memory_space<vmem_shared>>) offsets(%dma_start3A_86 : memref<128xi32, #tpu.memory_space<vmem>>) semaphore(%arg15 : memref<!tpu.dma_semaphore, #tpu.memory_space<semaphore_mem>>) {add = true}
      %dma_wait3A_90 = arith.constant 0 : i32
      %dma_wait3A_91 = arith.constant 0 : i32
      %dma_wait3A_92 = tpu.memref_slice %arg8[%dma_wait3A_90, %dma_wait3A_91] : memref<8x128xi32, #tpu.memory_space<vmem>> -> memref<1x128xi32, #tpu.memory_space<vmem>>
      %dma_wait3A_93 = tpu.memref_squeeze %dma_wait3A_92 : memref<1x128xi32, #tpu.memory_space<vmem>> -> memref<128xi32, #tpu.memory_space<vmem>>
      %dma_wait3A_94 = arith.constant 0 : i32
      %dma_wait3A_95 = arith.constant 0 : i32
      %dma_wait3A_96 = tpu.memref_slice %arg11[%dma_wait3A_94, %dma_wait3A_95] : memref<10240x128xf32, #tpu.memory_space<vmem_shared>> -> memref<10240x128xf32, #tpu.memory_space<vmem_shared>>
      tpu.wait_indirect_dma semaphore(%arg14 : memref<!tpu.dma_semaphore, #tpu.memory_space<semaphore_mem>>) src(%arg9 : memref<128x128xf32, #tpu.memory_space<vmem>>) dst(%dma_wait3A_96 : memref<10240x128xf32, #tpu.memory_space<vmem_shared>>)
      %dma_start3A_97 = arith.constant 2 : i32
      %dma_start3A_98 = arith.constant 0 : i32
      %dma_start3A_99 = tpu.memref_slice %arg7[%dma_start3A_97, %dma_start3A_98] : memref<8x128xi32, #tpu.memory_space<vmem>> -> memref<1x128xi32, #tpu.memory_space<vmem>>
      %dma_start3A_100 = tpu.memref_squeeze %dma_start3A_99 : memref<1x128xi32, #tpu.memory_space<vmem>> -> memref<128xi32, #tpu.memory_space<vmem>>
      %dma_start3A_101 = arith.constant 0 : i32
      %dma_start3A_102 = arith.constant 0 : i32
      %dma_start3A_103 = tpu.memref_slice %arg2[%dma_start3A_101, %dma_start3A_102] : memref<10240x128xf32, #tpu.memory_space<hbm>> -> memref<10240x128xf32, #tpu.memory_space<hbm>>
      tpu.enqueue_indirect_dma source(%dma_start3A_103 : memref<10240x128xf32, #tpu.memory_space<hbm>>) target(%arg9 : memref<128x128xf32, #tpu.memory_space<vmem>>) offsets(%dma_start3A_100 : memref<128xi32, #tpu.memory_space<vmem>>) semaphore(%arg12 : memref<!tpu.dma_semaphore, #tpu.memory_space<semaphore_mem>>)
      %dma_wait3A_104 = arith.constant 2 : i32
      %dma_wait3A_105 = arith.constant 0 : i32
      %dma_wait3A_106 = tpu.memref_slice %arg7[%dma_wait3A_104, %dma_wait3A_105] : memref<8x128xi32, #tpu.memory_space<vmem>> -> memref<1x128xi32, #tpu.memory_space<vmem>>
      %dma_wait3A_107 = tpu.memref_squeeze %dma_wait3A_106 : memref<1x128xi32, #tpu.memory_space<vmem>> -> memref<128xi32, #tpu.memory_space<vmem>>
      %dma_wait3A_108 = arith.constant 0 : i32
      %dma_wait3A_109 = arith.constant 0 : i32
      %dma_wait3A_110 = tpu.memref_slice %arg2[%dma_wait3A_108, %dma_wait3A_109] : memref<10240x128xf32, #tpu.memory_space<hbm>> -> memref<10240x128xf32, #tpu.memory_space<hbm>>
      tpu.wait_indirect_dma semaphore(%arg12 : memref<!tpu.dma_semaphore, #tpu.memory_space<semaphore_mem>>) src(%dma_wait3A_110 : memref<10240x128xf32, #tpu.memory_space<hbm>>) dst(%arg9 : memref<128x128xf32, #tpu.memory_space<vmem>>)
      %dma_start3A_111 = arith.constant 2 : i32
      %dma_start3A_112 = arith.constant 0 : i32
      %dma_start3A_113 = tpu.memref_slice %arg8[%dma_start3A_111, %dma_start3A_112] : memref<8x128xi32, #tpu.memory_space<vmem>> -> memref<1x128xi32, #tpu.memory_space<vmem>>
      %dma_start3A_114 = tpu.memref_squeeze %dma_start3A_113 : memref<1x128xi32, #tpu.memory_space<vmem>> -> memref<128xi32, #tpu.memory_space<vmem>>
      %dma_start3A_115 = arith.constant 0 : i32
      %dma_start3A_116 = arith.constant 0 : i32
      %dma_start3A_117 = tpu.memref_slice %arg11[%dma_start3A_115, %dma_start3A_116] : memref<10240x128xf32, #tpu.memory_space<vmem_shared>> -> memref<10240x128xf32, #tpu.memory_space<vmem_shared>>
      tpu.enqueue_indirect_dma source(%arg9 : memref<128x128xf32, #tpu.memory_space<vmem>>) target(%dma_start3A_117 : memref<10240x128xf32, #tpu.memory_space<vmem_shared>>) offsets(%dma_start3A_114 : memref<128xi32, #tpu.memory_space<vmem>>) semaphore(%arg14 : memref<!tpu.dma_semaphore, #tpu.memory_space<semaphore_mem>>) {add = true}
      %dma_wait3A_118 = arith.constant 1 : i32
      %dma_wait3A_119 = arith.constant 0 : i32
      %dma_wait3A_120 = tpu.memref_slice %arg8[%dma_wait3A_118, %dma_wait3A_119] : memref<8x128xi32, #tpu.memory_space<vmem>> -> memref<1x128xi32, #tpu.memory_space<vmem>>
      %dma_wait3A_121 = tpu.memref_squeeze %dma_wait3A_120 : memref<1x128xi32, #tpu.memory_space<vmem>> -> memref<128xi32, #tpu.memory_space<vmem>>
      %dma_wait3A_122 = arith.constant 0 : i32
      %dma_wait3A_123 = arith.constant 0 : i32
      %dma_wait3A_124 = tpu.memref_slice %arg11[%dma_wait3A_122, %dma_wait3A_123] : memref<10240x128xf32, #tpu.memory_space<vmem_shared>> -> memref<10240x128xf32, #tpu.memory_space<vmem_shared>>
      tpu.wait_indirect_dma semaphore(%arg15 : memref<!tpu.dma_semaphore, #tpu.memory_space<semaphore_mem>>) src(%arg10 : memref<128x128xf32, #tpu.memory_space<vmem>>) dst(%dma_wait3A_124 : memref<10240x128xf32, #tpu.memory_space<vmem_shared>>)
      %dma_start3A_125 = arith.constant 3 : i32
      %dma_start3A_126 = arith.constant 0 : i32
      %dma_start3A_127 = tpu.memref_slice %arg7[%dma_start3A_125, %dma_start3A_126] : memref<8x128xi32, #tpu.memory_space<vmem>> -> memref<1x128xi32, #tpu.memory_space<vmem>>
      %dma_start3A_128 = tpu.memref_squeeze %dma_start3A_127 : memref<1x128xi32, #tpu.memory_space<vmem>> -> memref<128xi32, #tpu.memory_space<vmem>>
      %dma_start3A_129 = arith.constant 0 : i32
      %dma_start3A_130 = arith.constant 0 : i32
      %dma_start3A_131 = tpu.memref_slice %arg2[%dma_start3A_129, %dma_start3A_130] : memref<10240x128xf32, #tpu.memory_space<hbm>> -> memref<10240x128xf32, #tpu.memory_space<hbm>>
      tpu.enqueue_indirect_dma source(%dma_start3A_131 : memref<10240x128xf32, #tpu.memory_space<hbm>>) target(%arg10 : memref<128x128xf32, #tpu.memory_space<vmem>>) offsets(%dma_start3A_128 : memref<128xi32, #tpu.memory_space<vmem>>) semaphore(%arg13 : memref<!tpu.dma_semaphore, #tpu.memory_space<semaphore_mem>>)
      %dma_wait3A_132 = arith.constant 3 : i32
      %dma_wait3A_133 = arith.constant 0 : i32
      %dma_wait3A_134 = tpu.memref_slice %arg7[%dma_wait3A_132, %dma_wait3A_133] : memref<8x128xi32, #tpu.memory_space<vmem>> -> memref<1x128xi32, #tpu.memory_space<vmem>>
      %dma_wait3A_135 = tpu.memref_squeeze %dma_wait3A_134 : memref<1x128xi32, #tpu.memory_space<vmem>> -> memref<128xi32, #tpu.memory_space<vmem>>
      %dma_wait3A_136 = arith.constant 0 : i32
      %dma_wait3A_137 = arith.constant 0 : i32
      %dma_wait3A_138 = tpu.memref_slice %arg2[%dma_wait3A_136, %dma_wait3A_137] : memref<10240x128xf32, #tpu.memory_space<hbm>> -> memref<10240x128xf32, #tpu.memory_space<hbm>>
      tpu.wait_indirect_dma semaphore(%arg13 : memref<!tpu.dma_semaphore, #tpu.memory_space<semaphore_mem>>) src(%dma_wait3A_138 : memref<10240x128xf32, #tpu.memory_space<hbm>>) dst(%arg10 : memref<128x128xf32, #tpu.memory_space<vmem>>)
      %dma_start3A_139 = arith.constant 3 : i32
      %dma_start3A_140 = arith.constant 0 : i32
      %dma_start3A_141 = tpu.memref_slice %arg8[%dma_start3A_139, %dma_start3A_140] : memref<8x128xi32, #tpu.memory_space<vmem>> -> memref<1x128xi32, #tpu.memory_space<vmem>>
      %dma_start3A_142 = tpu.memref_squeeze %dma_start3A_141 : memref<1x128xi32, #tpu.memory_space<vmem>> -> memref<128xi32, #tpu.memory_space<vmem>>
      %dma_start3A_143 = arith.constant 0 : i32
      %dma_start3A_144 = arith.constant 0 : i32
      %dma_start3A_145 = tpu.memref_slice %arg11[%dma_start3A_143, %dma_start3A_144] : memref<10240x128xf32, #tpu.memory_space<vmem_shared>> -> memref<10240x128xf32, #tpu.memory_space<vmem_shared>>
      tpu.enqueue_indirect_dma source(%arg10 : memref<128x128xf32, #tpu.memory_space<vmem>>) target(%dma_start3A_145 : memref<10240x128xf32, #tpu.memory_space<vmem_shared>>) offsets(%dma_start3A_142 : memref<128xi32, #tpu.memory_space<vmem>>) semaphore(%arg15 : memref<!tpu.dma_semaphore, #tpu.memory_space<semaphore_mem>>) {add = true}
      %dma_wait3A_146 = arith.constant 2 : i32
      %dma_wait3A_147 = arith.constant 0 : i32
      %dma_wait3A_148 = tpu.memref_slice %arg8[%dma_wait3A_146, %dma_wait3A_147] : memref<8x128xi32, #tpu.memory_space<vmem>> -> memref<1x128xi32, #tpu.memory_space<vmem>>
      %dma_wait3A_149 = tpu.memref_squeeze %dma_wait3A_148 : memref<1x128xi32, #tpu.memory_space<vmem>> -> memref<128xi32, #tpu.memory_space<vmem>>
      %dma_wait3A_150 = arith.constant 0 : i32
      %dma_wait3A_151 = arith.constant 0 : i32
      %dma_wait3A_152 = tpu.memref_slice %arg11[%dma_wait3A_150, %dma_wait3A_151] : memref<10240x128xf32, #tpu.memory_space<vmem_shared>> -> memref<10240x128xf32, #tpu.memory_space<vmem_shared>>
      tpu.wait_indirect_dma semaphore(%arg14 : memref<!tpu.dma_semaphore, #tpu.memory_space<semaphore_mem>>) src(%arg9 : memref<128x128xf32, #tpu.memory_space<vmem>>) dst(%dma_wait3A_152 : memref<10240x128xf32, #tpu.memory_space<vmem_shared>>)
      %dma_start3A_153 = arith.constant 4 : i32
      %dma_start3A_154 = arith.constant 0 : i32
      %dma_start3A_155 = tpu.memref_slice %arg7[%dma_start3A_153, %dma_start3A_154] : memref<8x128xi32, #tpu.memory_space<vmem>> -> memref<1x128xi32, #tpu.memory_space<vmem>>
      %dma_start3A_156 = tpu.memref_squeeze %dma_start3A_155 : memref<1x128xi32, #tpu.memory_space<vmem>> -> memref<128xi32, #tpu.memory_space<vmem>>
      %dma_start3A_157 = arith.constant 0 : i32
      %dma_start3A_158 = arith.constant 0 : i32
      %dma_start3A_159 = tpu.memref_slice %arg2[%dma_start3A_157, %dma_start3A_158] : memref<10240x128xf32, #tpu.memory_space<hbm>> -> memref<10240x128xf32, #tpu.memory_space<hbm>>
      tpu.enqueue_indirect_dma source(%dma_start3A_159 : memref<10240x128xf32, #tpu.memory_space<hbm>>) target(%arg9 : memref<128x128xf32, #tpu.memory_space<vmem>>) offsets(%dma_start3A_156 : memref<128xi32, #tpu.memory_space<vmem>>) semaphore(%arg12 : memref<!tpu.dma_semaphore, #tpu.memory_space<semaphore_mem>>)
      %dma_wait3A_160 = arith.constant 4 : i32
      %dma_wait3A_161 = arith.constant 0 : i32
      %dma_wait3A_162 = tpu.memref_slice %arg7[%dma_wait3A_160, %dma_wait3A_161] : memref<8x128xi32, #tpu.memory_space<vmem>> -> memref<1x128xi32, #tpu.memory_space<vmem>>
      %dma_wait3A_163 = tpu.memref_squeeze %dma_wait3A_162 : memref<1x128xi32, #tpu.memory_space<vmem>> -> memref<128xi32, #tpu.memory_space<vmem>>
      %dma_wait3A_164 = arith.constant 0 : i32
      %dma_wait3A_165 = arith.constant 0 : i32
      %dma_wait3A_166 = tpu.memref_slice %arg2[%dma_wait3A_164, %dma_wait3A_165] : memref<10240x128xf32, #tpu.memory_space<hbm>> -> memref<10240x128xf32, #tpu.memory_space<hbm>>
      tpu.wait_indirect_dma semaphore(%arg12 : memref<!tpu.dma_semaphore, #tpu.memory_space<semaphore_mem>>) src(%dma_wait3A_166 : memref<10240x128xf32, #tpu.memory_space<hbm>>) dst(%arg9 : memref<128x128xf32, #tpu.memory_space<vmem>>)
      %dma_start3A_167 = arith.constant 4 : i32
      %dma_start3A_168 = arith.constant 0 : i32
      %dma_start3A_169 = tpu.memref_slice %arg8[%dma_start3A_167, %dma_start3A_168] : memref<8x128xi32, #tpu.memory_space<vmem>> -> memref<1x128xi32, #tpu.memory_space<vmem>>
      %dma_start3A_170 = tpu.memref_squeeze %dma_start3A_169 : memref<1x128xi32, #tpu.memory_space<vmem>> -> memref<128xi32, #tpu.memory_space<vmem>>
      %dma_start3A_171 = arith.constant 0 : i32
      %dma_start3A_172 = arith.constant 0 : i32
      %dma_start3A_173 = tpu.memref_slice %arg11[%dma_start3A_171, %dma_start3A_172] : memref<10240x128xf32, #tpu.memory_space<vmem_shared>> -> memref<10240x128xf32, #tpu.memory_space<vmem_shared>>
      tpu.enqueue_indirect_dma source(%arg9 : memref<128x128xf32, #tpu.memory_space<vmem>>) target(%dma_start3A_173 : memref<10240x128xf32, #tpu.memory_space<vmem_shared>>) offsets(%dma_start3A_170 : memref<128xi32, #tpu.memory_space<vmem>>) semaphore(%arg14 : memref<!tpu.dma_semaphore, #tpu.memory_space<semaphore_mem>>) {add = true}
      %dma_wait3A_174 = arith.constant 3 : i32
      %dma_wait3A_175 = arith.constant 0 : i32
      %dma_wait3A_176 = tpu.memref_slice %arg8[%dma_wait3A_174, %dma_wait3A_175] : memref<8x128xi32, #tpu.memory_space<vmem>> -> memref<1x128xi32, #tpu.memory_space<vmem>>
      %dma_wait3A_177 = tpu.memref_squeeze %dma_wait3A_176 : memref<1x128xi32, #tpu.memory_space<vmem>> -> memref<128xi32, #tpu.memory_space<vmem>>
      %dma_wait3A_178 = arith.constant 0 : i32
      %dma_wait3A_179 = arith.constant 0 : i32
      %dma_wait3A_180 = tpu.memref_slice %arg11[%dma_wait3A_178, %dma_wait3A_179] : memref<10240x128xf32, #tpu.memory_space<vmem_shared>> -> memref<10240x128xf32, #tpu.memory_space<vmem_shared>>
      tpu.wait_indirect_dma semaphore(%arg15 : memref<!tpu.dma_semaphore, #tpu.memory_space<semaphore_mem>>) src(%arg10 : memref<128x128xf32, #tpu.memory_space<vmem>>) dst(%dma_wait3A_180 : memref<10240x128xf32, #tpu.memory_space<vmem_shared>>)
      %dma_start3A_181 = arith.constant 5 : i32
      %dma_start3A_182 = arith.constant 0 : i32
      %dma_start3A_183 = tpu.memref_slice %arg7[%dma_start3A_181, %dma_start3A_182] : memref<8x128xi32, #tpu.memory_space<vmem>> -> memref<1x128xi32, #tpu.memory_space<vmem>>
      %dma_start3A_184 = tpu.memref_squeeze %dma_start3A_183 : memref<1x128xi32, #tpu.memory_space<vmem>> -> memref<128xi32, #tpu.memory_space<vmem>>
      %dma_start3A_185 = arith.constant 0 : i32
      %dma_start3A_186 = arith.constant 0 : i32
      %dma_start3A_187 = tpu.memref_slice %arg2[%dma_start3A_185, %dma_start3A_186] : memref<10240x128xf32, #tpu.memory_space<hbm>> -> memref<10240x128xf32, #tpu.memory_space<hbm>>
      tpu.enqueue_indirect_dma source(%dma_start3A_187 : memref<10240x128xf32, #tpu.memory_space<hbm>>) target(%arg10 : memref<128x128xf32, #tpu.memory_space<vmem>>) offsets(%dma_start3A_184 : memref<128xi32, #tpu.memory_space<vmem>>) semaphore(%arg13 : memref<!tpu.dma_semaphore, #tpu.memory_space<semaphore_mem>>)
      %dma_wait3A_188 = arith.constant 5 : i32
      %dma_wait3A_189 = arith.constant 0 : i32
      %dma_wait3A_190 = tpu.memref_slice %arg7[%dma_wait3A_188, %dma_wait3A_189] : memref<8x128xi32, #tpu.memory_space<vmem>> -> memref<1x128xi32, #tpu.memory_space<vmem>>
      %dma_wait3A_191 = tpu.memref_squeeze %dma_wait3A_190 : memref<1x128xi32, #tpu.memory_space<vmem>> -> memref<128xi32, #tpu.memory_space<vmem>>
      %dma_wait3A_192 = arith.constant 0 : i32
      %dma_wait3A_193 = arith.constant 0 : i32
      %dma_wait3A_194 = tpu.memref_slice %arg2[%dma_wait3A_192, %dma_wait3A_193] : memref<10240x128xf32, #tpu.memory_space<hbm>> -> memref<10240x128xf32, #tpu.memory_space<hbm>>
      tpu.wait_indirect_dma semaphore(%arg13 : memref<!tpu.dma_semaphore, #tpu.memory_space<semaphore_mem>>) src(%dma_wait3A_194 : memref<10240x128xf32, #tpu.memory_space<hbm>>) dst(%arg10 : memref<128x128xf32, #tpu.memory_space<vmem>>)
      %dma_start3A_195 = arith.constant 5 : i32
      %dma_start3A_196 = arith.constant 0 : i32
      %dma_start3A_197 = tpu.memref_slice %arg8[%dma_start3A_195, %dma_start3A_196] : memref<8x128xi32, #tpu.memory_space<vmem>> -> memref<1x128xi32, #tpu.memory_space<vmem>>
      %dma_start3A_198 = tpu.memref_squeeze %dma_start3A_197 : memref<1x128xi32, #tpu.memory_space<vmem>> -> memref<128xi32, #tpu.memory_space<vmem>>
      %dma_start3A_199 = arith.constant 0 : i32
      %dma_start3A_200 = arith.constant 0 : i32
      %dma_start3A_201 = tpu.memref_slice %arg11[%dma_start3A_199, %dma_start3A_200] : memref<10240x128xf32, #tpu.memory_space<vmem_shared>> -> memref<10240x128xf32, #tpu.memory_space<vmem_shared>>
      tpu.enqueue_indirect_dma source(%arg10 : memref<128x128xf32, #tpu.memory_space<vmem>>) target(%dma_start3A_201 : memref<10240x128xf32, #tpu.memory_space<vmem_shared>>) offsets(%dma_start3A_198 : memref<128xi32, #tpu.memory_space<vmem>>) semaphore(%arg15 : memref<!tpu.dma_semaphore, #tpu.memory_space<semaphore_mem>>) {add = true}
      %dma_wait3A_202 = arith.constant 4 : i32
      %dma_wait3A_203 = arith.constant 0 : i32
      %dma_wait3A_204 = tpu.memref_slice %arg8[%dma_wait3A_202, %dma_wait3A_203] : memref<8x128xi32, #tpu.memory_space<vmem>> -> memref<1x128xi32, #tpu.memory_space<vmem>>
      %dma_wait3A_205 = tpu.memref_squeeze %dma_wait3A_204 : memref<1x128xi32, #tpu.memory_space<vmem>> -> memref<128xi32, #tpu.memory_space<vmem>>
      %dma_wait3A_206 = arith.constant 0 : i32
      %dma_wait3A_207 = arith.constant 0 : i32
      %dma_wait3A_208 = tpu.memref_slice %arg11[%dma_wait3A_206, %dma_wait3A_207] : memref<10240x128xf32, #tpu.memory_space<vmem_shared>> -> memref<10240x128xf32, #tpu.memory_space<vmem_shared>>
      tpu.wait_indirect_dma semaphore(%arg14 : memref<!tpu.dma_semaphore, #tpu.memory_space<semaphore_mem>>) src(%arg9 : memref<128x128xf32, #tpu.memory_space<vmem>>) dst(%dma_wait3A_208 : memref<10240x128xf32, #tpu.memory_space<vmem_shared>>)
      %dma_start3A_209 = arith.constant 6 : i32
      %dma_start3A_210 = arith.constant 0 : i32
      %dma_start3A_211 = tpu.memref_slice %arg7[%dma_start3A_209, %dma_start3A_210] : memref<8x128xi32, #tpu.memory_space<vmem>> -> memref<1x128xi32, #tpu.memory_space<vmem>>
      %dma_start3A_212 = tpu.memref_squeeze %dma_start3A_211 : memref<1x128xi32, #tpu.memory_space<vmem>> -> memref<128xi32, #tpu.memory_space<vmem>>
      %dma_start3A_213 = arith.constant 0 : i32
      %dma_start3A_214 = arith.constant 0 : i32
      %dma_start3A_215 = tpu.memref_slice %arg2[%dma_start3A_213, %dma_start3A_214] : memref<10240x128xf32, #tpu.memory_space<hbm>> -> memref<10240x128xf32, #tpu.memory_space<hbm>>
      tpu.enqueue_indirect_dma source(%dma_start3A_215 : memref<10240x128xf32, #tpu.memory_space<hbm>>) target(%arg9 : memref<128x128xf32, #tpu.memory_space<vmem>>) offsets(%dma_start3A_212 : memref<128xi32, #tpu.memory_space<vmem>>) semaphore(%arg12 : memref<!tpu.dma_semaphore, #tpu.memory_space<semaphore_mem>>)
      %dma_wait3A_216 = arith.constant 6 : i32
      %dma_wait3A_217 = arith.constant 0 : i32
      %dma_wait3A_218 = tpu.memref_slice %arg7[%dma_wait3A_216, %dma_wait3A_217] : memref<8x128xi32, #tpu.memory_space<vmem>> -> memref<1x128xi32, #tpu.memory_space<vmem>>
      %dma_wait3A_219 = tpu.memref_squeeze %dma_wait3A_218 : memref<1x128xi32, #tpu.memory_space<vmem>> -> memref<128xi32, #tpu.memory_space<vmem>>
      %dma_wait3A_220 = arith.constant 0 : i32
      %dma_wait3A_221 = arith.constant 0 : i32
      %dma_wait3A_222 = tpu.memref_slice %arg2[%dma_wait3A_220, %dma_wait3A_221] : memref<10240x128xf32, #tpu.memory_space<hbm>> -> memref<10240x128xf32, #tpu.memory_space<hbm>>
      tpu.wait_indirect_dma semaphore(%arg12 : memref<!tpu.dma_semaphore, #tpu.memory_space<semaphore_mem>>) src(%dma_wait3A_222 : memref<10240x128xf32, #tpu.memory_space<hbm>>) dst(%arg9 : memref<128x128xf32, #tpu.memory_space<vmem>>)
      %dma_start3A_223 = arith.constant 6 : i32
      %dma_start3A_224 = arith.constant 0 : i32
      %dma_start3A_225 = tpu.memref_slice %arg8[%dma_start3A_223, %dma_start3A_224] : memref<8x128xi32, #tpu.memory_space<vmem>> -> memref<1x128xi32, #tpu.memory_space<vmem>>
      %dma_start3A_226 = tpu.memref_squeeze %dma_start3A_225 : memref<1x128xi32, #tpu.memory_space<vmem>> -> memref<128xi32, #tpu.memory_space<vmem>>
      %dma_start3A_227 = arith.constant 0 : i32
      %dma_start3A_228 = arith.constant 0 : i32
      %dma_start3A_229 = tpu.memref_slice %arg11[%dma_start3A_227, %dma_start3A_228] : memref<10240x128xf32, #tpu.memory_space<vmem_shared>> -> memref<10240x128xf32, #tpu.memory_space<vmem_shared>>
      tpu.enqueue_indirect_dma source(%arg9 : memref<128x128xf32, #tpu.memory_space<vmem>>) target(%dma_start3A_229 : memref<10240x128xf32, #tpu.memory_space<vmem_shared>>) offsets(%dma_start3A_226 : memref<128xi32, #tpu.memory_space<vmem>>) semaphore(%arg14 : memref<!tpu.dma_semaphore, #tpu.memory_space<semaphore_mem>>) {add = true}
      %dma_wait3A_230 = arith.constant 5 : i32
      %dma_wait3A_231 = arith.constant 0 : i32
      %dma_wait3A_232 = tpu.memref_slice %arg8[%dma_wait3A_230, %dma_wait3A_231] : memref<8x128xi32, #tpu.memory_space<vmem>> -> memref<1x128xi32, #tpu.memory_space<vmem>>
      %dma_wait3A_233 = tpu.memref_squeeze %dma_wait3A_232 : memref<1x128xi32, #tpu.memory_space<vmem>> -> memref<128xi32, #tpu.memory_space<vmem>>
      %dma_wait3A_234 = arith.constant 0 : i32
      %dma_wait3A_235 = arith.constant 0 : i32
      %dma_wait3A_236 = tpu.memref_slice %arg11[%dma_wait3A_234, %dma_wait3A_235] : memref<10240x128xf32, #tpu.memory_space<vmem_shared>> -> memref<10240x128xf32, #tpu.memory_space<vmem_shared>>
      tpu.wait_indirect_dma semaphore(%arg15 : memref<!tpu.dma_semaphore, #tpu.memory_space<semaphore_mem>>) src(%arg10 : memref<128x128xf32, #tpu.memory_space<vmem>>) dst(%dma_wait3A_236 : memref<10240x128xf32, #tpu.memory_space<vmem_shared>>)
      %dma_start3A_237 = arith.constant 7 : i32
      %dma_start3A_238 = arith.constant 0 : i32
      %dma_start3A_239 = tpu.memref_slice %arg7[%dma_start3A_237, %dma_start3A_238] : memref<8x128xi32, #tpu.memory_space<vmem>> -> memref<1x128xi32, #tpu.memory_space<vmem>>
      %dma_start3A_240 = tpu.memref_squeeze %dma_start3A_239 : memref<1x128xi32, #tpu.memory_space<vmem>> -> memref<128xi32, #tpu.memory_space<vmem>>
      %dma_start3A_241 = arith.constant 0 : i32
      %dma_start3A_242 = arith.constant 0 : i32
      %dma_start3A_243 = tpu.memref_slice %arg2[%dma_start3A_241, %dma_start3A_242] : memref<10240x128xf32, #tpu.memory_space<hbm>> -> memref<10240x128xf32, #tpu.memory_space<hbm>>
      tpu.enqueue_indirect_dma source(%dma_start3A_243 : memref<10240x128xf32, #tpu.memory_space<hbm>>) target(%arg10 : memref<128x128xf32, #tpu.memory_space<vmem>>) offsets(%dma_start3A_240 : memref<128xi32, #tpu.memory_space<vmem>>) semaphore(%arg13 : memref<!tpu.dma_semaphore, #tpu.memory_space<semaphore_mem>>)
      %dma_wait3A_244 = arith.constant 7 : i32
      %dma_wait3A_245 = arith.constant 0 : i32
      %dma_wait3A_246 = tpu.memref_slice %arg7[%dma_wait3A_244, %dma_wait3A_245] : memref<8x128xi32, #tpu.memory_space<vmem>> -> memref<1x128xi32, #tpu.memory_space<vmem>>
      %dma_wait3A_247 = tpu.memref_squeeze %dma_wait3A_246 : memref<1x128xi32, #tpu.memory_space<vmem>> -> memref<128xi32, #tpu.memory_space<vmem>>
      %dma_wait3A_248 = arith.constant 0 : i32
      %dma_wait3A_249 = arith.constant 0 : i32
      %dma_wait3A_250 = tpu.memref_slice %arg2[%dma_wait3A_248, %dma_wait3A_249] : memref<10240x128xf32, #tpu.memory_space<hbm>> -> memref<10240x128xf32, #tpu.memory_space<hbm>>
      tpu.wait_indirect_dma semaphore(%arg13 : memref<!tpu.dma_semaphore, #tpu.memory_space<semaphore_mem>>) src(%dma_wait3A_250 : memref<10240x128xf32, #tpu.memory_space<hbm>>) dst(%arg10 : memref<128x128xf32, #tpu.memory_space<vmem>>)
      %dma_start3A_251 = arith.constant 7 : i32
      %dma_start3A_252 = arith.constant 0 : i32
      %dma_start3A_253 = tpu.memref_slice %arg8[%dma_start3A_251, %dma_start3A_252] : memref<8x128xi32, #tpu.memory_space<vmem>> -> memref<1x128xi32, #tpu.memory_space<vmem>>
      %dma_start3A_254 = tpu.memref_squeeze %dma_start3A_253 : memref<1x128xi32, #tpu.memory_space<vmem>> -> memref<128xi32, #tpu.memory_space<vmem>>
      %dma_start3A_255 = arith.constant 0 : i32
      %dma_start3A_256 = arith.constant 0 : i32
      %dma_start3A_257 = tpu.memref_slice %arg11[%dma_start3A_255, %dma_start3A_256] : memref<10240x128xf32, #tpu.memory_space<vmem_shared>> -> memref<10240x128xf32, #tpu.memory_space<vmem_shared>>
      tpu.enqueue_indirect_dma source(%arg10 : memref<128x128xf32, #tpu.memory_space<vmem>>) target(%dma_start3A_257 : memref<10240x128xf32, #tpu.memory_space<vmem_shared>>) offsets(%dma_start3A_254 : memref<128xi32, #tpu.memory_space<vmem>>) semaphore(%arg15 : memref<!tpu.dma_semaphore, #tpu.memory_space<semaphore_mem>>) {add = true}
      %dma_wait3A_258 = arith.constant 6 : i32
      %dma_wait3A_259 = arith.constant 0 : i32
      %dma_wait3A_260 = tpu.memref_slice %arg8[%dma_wait3A_258, %dma_wait3A_259] : memref<8x128xi32, #tpu.memory_space<vmem>> -> memref<1x128xi32, #tpu.memory_space<vmem>>
      %dma_wait3A_261 = tpu.memref_squeeze %dma_wait3A_260 : memref<1x128xi32, #tpu.memory_space<vmem>> -> memref<128xi32, #tpu.memory_space<vmem>>
      %dma_wait3A_262 = arith.constant 0 : i32
      %dma_wait3A_263 = arith.constant 0 : i32
      %dma_wait3A_264 = tpu.memref_slice %arg11[%dma_wait3A_262, %dma_wait3A_263] : memref<10240x128xf32, #tpu.memory_space<vmem_shared>> -> memref<10240x128xf32, #tpu.memory_space<vmem_shared>>
      tpu.wait_indirect_dma semaphore(%arg14 : memref<!tpu.dma_semaphore, #tpu.memory_space<semaphore_mem>>) src(%arg9 : memref<128x128xf32, #tpu.memory_space<vmem>>) dst(%dma_wait3A_264 : memref<10240x128xf32, #tpu.memory_space<vmem_shared>>)
      %dma_wait3A_265 = arith.constant 7 : i32
      %dma_wait3A_266 = arith.constant 0 : i32
      %dma_wait3A_267 = tpu.memref_slice %arg8[%dma_wait3A_265, %dma_wait3A_266] : memref<8x128xi32, #tpu.memory_space<vmem>> -> memref<1x128xi32, #tpu.memory_space<vmem>>
      %dma_wait3A_268 = tpu.memref_squeeze %dma_wait3A_267 : memref<1x128xi32, #tpu.memory_space<vmem>> -> memref<128xi32, #tpu.memory_space<vmem>>
      %dma_wait3A_269 = arith.constant 0 : i32
      %dma_wait3A_270 = arith.constant 0 : i32
      %dma_wait3A_271 = tpu.memref_slice %arg11[%dma_wait3A_269, %dma_wait3A_270] : memref<10240x128xf32, #tpu.memory_space<vmem_shared>> -> memref<10240x128xf32, #tpu.memory_space<vmem_shared>>
      tpu.wait_indirect_dma semaphore(%arg15 : memref<!tpu.dma_semaphore, #tpu.memory_space<semaphore_mem>>) src(%arg10 : memref<128x128xf32, #tpu.memory_space<vmem>>) dst(%dma_wait3A_271 : memref<10240x128xf32, #tpu.memory_space<vmem_shared>>)
    }
    %barrier3A_38 = arith.constant 0 : index
    tpu.barrier barrier_id(%barrier3A_38)
    %mul3A_39 = arith.constant 640 : i32
    %mul3A_40 = arith.muli %arg1, %mul3A_39 : i32
    %mul3A_41 = arith.constant 640 : i32
    %mul3A_42 = arith.muli %arg1, %mul3A_41 : i32
    "tpu.region"() ({
      %run_scoped3A = tpu.sem_alloc : memref<!tpu.dma_semaphore, #tpu.memory_space<semaphore_mem>>
      %dma_start3A = arith.constant 0 : i32
      %dma_start3A_43 = tpu.memref_slice %arg6[%arg0, %mul3A_42, %dma_start3A] : memref<2x10240x128xf32, #tpu.memory_space<hbm>> -> memref<1x640x128xf32, #tpu.memory_space<hbm>>
      %dma_start3A_44 = tpu.memref_squeeze %dma_start3A_43 : memref<1x640x128xf32, #tpu.memory_space<hbm>> -> memref<640x128xf32, #tpu.memory_space<hbm>>
      %dma_start3A_45 = arith.constant 0 : i32
      %dma_start3A_46 = tpu.memref_slice %arg11[%mul3A_40, %dma_start3A_45] : memref<10240x128xf32, #tpu.memory_space<vmem_shared>> -> memref<640x128xf32, #tpu.memory_space<vmem_shared>>
      tpu.enqueue_dma source(%dma_start3A_46 : memref<640x128xf32, #tpu.memory_space<vmem_shared>>) target(%dma_start3A_44 : memref<640x128xf32, #tpu.memory_space<hbm>>) target_semaphore(%run_scoped3A : memref<!tpu.dma_semaphore, #tpu.memory_space<semaphore_mem>>)
      %dma_wait3A = arith.constant 0 : i32
      %dma_wait3A_47 = tpu.memref_slice %arg6[%arg0, %mul3A_42, %dma_wait3A] : memref<2x10240x128xf32, #tpu.memory_space<hbm>> -> memref<1x640x128xf32, #tpu.memory_space<hbm>>
      %dma_wait3A_48 = tpu.memref_squeeze %dma_wait3A_47 : memref<1x640x128xf32, #tpu.memory_space<hbm>> -> memref<640x128xf32, #tpu.memory_space<hbm>>
      %dma_wait3A_49 = arith.constant 0 : i32
      %dma_wait3A_50 = tpu.memref_slice %arg11[%mul3A_40, %dma_wait3A_49] : memref<10240x128xf32, #tpu.memory_space<vmem_shared>> -> memref<640x128xf32, #tpu.memory_space<vmem_shared>>
      tpu.wait_dma2 semaphore(%run_scoped3A : memref<!tpu.dma_semaphore, #tpu.memory_space<semaphore_mem>>) src(%dma_wait3A_50 : memref<640x128xf32, #tpu.memory_space<vmem_shared>>) dst(%dma_wait3A_48 : memref<640x128xf32, #tpu.memory_space<hbm>>)
      tpu.yield
    }) : () -> ()
    return
  }
}

#map = affine_map<(d0, d1) -> (0, 0)>
#map1 = affine_map<(d0, d1) -> (0, 0, 0)>
module attributes {stable_mosaic.version = 14 : i64} {
  func.func @seg(%arg0: i32, %arg1: i32, %arg2: memref<10240x128xf32, #tpu.memory_space<hbm>>, %arg3: memref<2560x128xi32, #tpu.memory_space<hbm>>, %arg4: memref<2560x128xi32, #tpu.memory_space<hbm>>, %arg5: memref<128x128xf32, #tpu.memory_space<hbm>>, %arg6: memref<2x10240x128xf32, #tpu.memory_space<hbm>>, %arg7: memref<8x128xi32, #tpu.memory_space<vmem>>, %arg8: memref<8x128xi32, #tpu.memory_space<vmem>>, %arg9: memref<128x128xf32, #tpu.memory_space<vmem>>, %arg10: memref<128x128xf32, #tpu.memory_space<vmem>>, %arg11: memref<10240x128xf32, #tpu.memory_space<vmem_shared>>, %arg12: memref<!tpu.dma_semaphore, #tpu.memory_space<semaphore_mem>>, %arg13: memref<!tpu.dma_semaphore, #tpu.memory_space<semaphore_mem>>, %arg14: memref<!tpu.dma_semaphore, #tpu.memory_space<semaphore_mem>>, %arg15: memref<!tpu.dma_semaphore, #tpu.memory_space<semaphore_mem>>) attributes {dimension_semantics = [#tpu.dimension_semantics<core_parallel>, #tpu.dimension_semantics<subcore_parallel>], iteration_bounds = array<i64: 2, 16>, scalar_prefetch = 0 : i64, scratch_operands = 9 : i64, tpu.core_type = #tpu.core_type<sc_vector_subcore>, window_params = [{transform_indices = #map}, {transform_indices = #map}, {transform_indices = #map}, {transform_indices = #map}, {transform_indices = #map1}]} {
    "tpu.region"() ({
      %run_scoped3A = tpu.sem_alloc : memref<!tpu.dma_semaphore, #tpu.memory_space<semaphore_mem>>
      tpu.enqueue_dma source(%arg5 : memref<128x128xf32, #tpu.memory_space<hbm>>) target(%arg9 : memref<128x128xf32, #tpu.memory_space<vmem>>) target_semaphore(%run_scoped3A : memref<!tpu.dma_semaphore, #tpu.memory_space<semaphore_mem>>)
      tpu.wait_dma2 semaphore(%run_scoped3A : memref<!tpu.dma_semaphore, #tpu.memory_space<semaphore_mem>>) src(%arg5 : memref<128x128xf32, #tpu.memory_space<hbm>>) dst(%arg9 : memref<128x128xf32, #tpu.memory_space<vmem>>)
      tpu.yield
    }) : () -> ()
    %mul3A = arith.constant 640 : i32
    %mul3A_0 = arith.muli %arg1, %mul3A : i32
    %add3A = arith.constant 0 : i32
    %add3A_1 = arith.addi %mul3A_0, %add3A : i32
    "tpu.region"() ({
      %run_scoped3A = tpu.sem_alloc : memref<!tpu.dma_semaphore, #tpu.memory_space<semaphore_mem>>
      %dma_start3A = arith.constant 0 : i32
      %dma_start3A_43 = tpu.memref_slice %arg11[%add3A_1, %dma_start3A] : memref<10240x128xf32, #tpu.memory_space<vmem_shared>> -> memref<128x128xf32, #tpu.memory_space<vmem_shared>>
      %dma_start3A_44 = arith.constant 0 : i32
      %dma_start3A_45 = tpu.memref_slice %arg11[%add3A_1, %dma_start3A_44] : memref<10240x128xf32, #tpu.memory_space<vmem_shared>> -> memref<128x128xf32, #tpu.memory_space<vmem_shared>>
      tpu.enqueue_dma source(%arg9 : memref<128x128xf32, #tpu.memory_space<vmem>>) target(%dma_start3A_45 : memref<128x128xf32, #tpu.memory_space<vmem_shared>>) target_semaphore(%run_scoped3A : memref<!tpu.dma_semaphore, #tpu.memory_space<semaphore_mem>>)
      %dma_wait3A = arith.constant 0 : i32
      %dma_wait3A_46 = tpu.memref_slice %arg11[%add3A_1, %dma_wait3A] : memref<10240x128xf32, #tpu.memory_space<vmem_shared>> -> memref<128x128xf32, #tpu.memory_space<vmem_shared>>
      %dma_wait3A_47 = arith.constant 0 : i32
      %dma_wait3A_48 = tpu.memref_slice %arg11[%add3A_1, %dma_wait3A_47] : memref<10240x128xf32, #tpu.memory_space<vmem_shared>> -> memref<128x128xf32, #tpu.memory_space<vmem_shared>>
      tpu.wait_dma2 semaphore(%run_scoped3A : memref<!tpu.dma_semaphore, #tpu.memory_space<semaphore_mem>>) src(%arg9 : memref<128x128xf32, #tpu.memory_space<vmem>>) dst(%dma_wait3A_48 : memref<128x128xf32, #tpu.memory_space<vmem_shared>>)
      tpu.yield
    }) : () -> ()
    %mul3A_2 = arith.constant 640 : i32
    %mul3A_3 = arith.muli %arg1, %mul3A_2 : i32
    %add3A_4 = arith.constant 128 : i32
    %add3A_5 = arith.addi %mul3A_3, %add3A_4 : i32
    "tpu.region"() ({
      %run_scoped3A = tpu.sem_alloc : memref<!tpu.dma_semaphore, #tpu.memory_space<semaphore_mem>>
      %dma_start3A = arith.constant 0 : i32
      %dma_start3A_43 = tpu.memref_slice %arg11[%add3A_5, %dma_start3A] : memref<10240x128xf32, #tpu.memory_space<vmem_shared>> -> memref<128x128xf32, #tpu.memory_space<vmem_shared>>
      %dma_start3A_44 = arith.constant 0 : i32
      %dma_start3A_45 = tpu.memref_slice %arg11[%add3A_5, %dma_start3A_44] : memref<10240x128xf32, #tpu.memory_space<vmem_shared>> -> memref<128x128xf32, #tpu.memory_space<vmem_shared>>
      tpu.enqueue_dma source(%arg9 : memref<128x128xf32, #tpu.memory_space<vmem>>) target(%dma_start3A_45 : memref<128x128xf32, #tpu.memory_space<vmem_shared>>) target_semaphore(%run_scoped3A : memref<!tpu.dma_semaphore, #tpu.memory_space<semaphore_mem>>)
      %dma_wait3A = arith.constant 0 : i32
      %dma_wait3A_46 = tpu.memref_slice %arg11[%add3A_5, %dma_wait3A] : memref<10240x128xf32, #tpu.memory_space<vmem_shared>> -> memref<128x128xf32, #tpu.memory_space<vmem_shared>>
      %dma_wait3A_47 = arith.constant 0 : i32
      %dma_wait3A_48 = tpu.memref_slice %arg11[%add3A_5, %dma_wait3A_47] : memref<10240x128xf32, #tpu.memory_space<vmem_shared>> -> memref<128x128xf32, #tpu.memory_space<vmem_shared>>
      tpu.wait_dma2 semaphore(%run_scoped3A : memref<!tpu.dma_semaphore, #tpu.memory_space<semaphore_mem>>) src(%arg9 : memref<128x128xf32, #tpu.memory_space<vmem>>) dst(%dma_wait3A_48 : memref<128x128xf32, #tpu.memory_space<vmem_shared>>)
      tpu.yield
    }) : () -> ()
    %mul3A_6 = arith.constant 640 : i32
    %mul3A_7 = arith.muli %arg1, %mul3A_6 : i32
    %add3A_8 = arith.constant 256 : i32
    %add3A_9 = arith.addi %mul3A_7, %add3A_8 : i32
    "tpu.region"() ({
      %run_scoped3A = tpu.sem_alloc : memref<!tpu.dma_semaphore, #tpu.memory_space<semaphore_mem>>
      %dma_start3A = arith.constant 0 : i32
      %dma_start3A_43 = tpu.memref_slice %arg11[%add3A_9, %dma_start3A] : memref<10240x128xf32, #tpu.memory_space<vmem_shared>> -> memref<128x128xf32, #tpu.memory_space<vmem_shared>>
      %dma_start3A_44 = arith.constant 0 : i32
      %dma_start3A_45 = tpu.memref_slice %arg11[%add3A_9, %dma_start3A_44] : memref<10240x128xf32, #tpu.memory_space<vmem_shared>> -> memref<128x128xf32, #tpu.memory_space<vmem_shared>>
      tpu.enqueue_dma source(%arg9 : memref<128x128xf32, #tpu.memory_space<vmem>>) target(%dma_start3A_45 : memref<128x128xf32, #tpu.memory_space<vmem_shared>>) target_semaphore(%run_scoped3A : memref<!tpu.dma_semaphore, #tpu.memory_space<semaphore_mem>>)
      %dma_wait3A = arith.constant 0 : i32
      %dma_wait3A_46 = tpu.memref_slice %arg11[%add3A_9, %dma_wait3A] : memref<10240x128xf32, #tpu.memory_space<vmem_shared>> -> memref<128x128xf32, #tpu.memory_space<vmem_shared>>
      %dma_wait3A_47 = arith.constant 0 : i32
      %dma_wait3A_48 = tpu.memref_slice %arg11[%add3A_9, %dma_wait3A_47] : memref<10240x128xf32, #tpu.memory_space<vmem_shared>> -> memref<128x128xf32, #tpu.memory_space<vmem_shared>>
      tpu.wait_dma2 semaphore(%run_scoped3A : memref<!tpu.dma_semaphore, #tpu.memory_space<semaphore_mem>>) src(%arg9 : memref<128x128xf32, #tpu.memory_space<vmem>>) dst(%dma_wait3A_48 : memref<128x128xf32, #tpu.memory_space<vmem_shared>>)
      tpu.yield
    }) : () -> ()
    %mul3A_10 = arith.constant 640 : i32
    %mul3A_11 = arith.muli %arg1, %mul3A_10 : i32
    %add3A_12 = arith.constant 384 : i32
    %add3A_13 = arith.addi %mul3A_11, %add3A_12 : i32
    "tpu.region"() ({
      %run_scoped3A = tpu.sem_alloc : memref<!tpu.dma_semaphore, #tpu.memory_space<semaphore_mem>>
      %dma_start3A = arith.constant 0 : i32
      %dma_start3A_43 = tpu.memref_slice %arg11[%add3A_13, %dma_start3A] : memref<10240x128xf32, #tpu.memory_space<vmem_shared>> -> memref<128x128xf32, #tpu.memory_space<vmem_shared>>
      %dma_start3A_44 = arith.constant 0 : i32
      %dma_start3A_45 = tpu.memref_slice %arg11[%add3A_13, %dma_start3A_44] : memref<10240x128xf32, #tpu.memory_space<vmem_shared>> -> memref<128x128xf32, #tpu.memory_space<vmem_shared>>
      tpu.enqueue_dma source(%arg9 : memref<128x128xf32, #tpu.memory_space<vmem>>) target(%dma_start3A_45 : memref<128x128xf32, #tpu.memory_space<vmem_shared>>) target_semaphore(%run_scoped3A : memref<!tpu.dma_semaphore, #tpu.memory_space<semaphore_mem>>)
      %dma_wait3A = arith.constant 0 : i32
      %dma_wait3A_46 = tpu.memref_slice %arg11[%add3A_13, %dma_wait3A] : memref<10240x128xf32, #tpu.memory_space<vmem_shared>> -> memref<128x128xf32, #tpu.memory_space<vmem_shared>>
      %dma_wait3A_47 = arith.constant 0 : i32
      %dma_wait3A_48 = tpu.memref_slice %arg11[%add3A_13, %dma_wait3A_47] : memref<10240x128xf32, #tpu.memory_space<vmem_shared>> -> memref<128x128xf32, #tpu.memory_space<vmem_shared>>
      tpu.wait_dma2 semaphore(%run_scoped3A : memref<!tpu.dma_semaphore, #tpu.memory_space<semaphore_mem>>) src(%arg9 : memref<128x128xf32, #tpu.memory_space<vmem>>) dst(%dma_wait3A_48 : memref<128x128xf32, #tpu.memory_space<vmem_shared>>)
      tpu.yield
    }) : () -> ()
    %mul3A_14 = arith.constant 640 : i32
    %mul3A_15 = arith.muli %arg1, %mul3A_14 : i32
    %add3A_16 = arith.constant 512 : i32
    %add3A_17 = arith.addi %mul3A_15, %add3A_16 : i32
    "tpu.region"() ({
      %run_scoped3A = tpu.sem_alloc : memref<!tpu.dma_semaphore, #tpu.memory_space<semaphore_mem>>
      %dma_start3A = arith.constant 0 : i32
      %dma_start3A_43 = tpu.memref_slice %arg11[%add3A_17, %dma_start3A] : memref<10240x128xf32, #tpu.memory_space<vmem_shared>> -> memref<128x128xf32, #tpu.memory_space<vmem_shared>>
      %dma_start3A_44 = arith.constant 0 : i32
      %dma_start3A_45 = tpu.memref_slice %arg11[%add3A_17, %dma_start3A_44] : memref<10240x128xf32, #tpu.memory_space<vmem_shared>> -> memref<128x128xf32, #tpu.memory_space<vmem_shared>>
      tpu.enqueue_dma source(%arg9 : memref<128x128xf32, #tpu.memory_space<vmem>>) target(%dma_start3A_45 : memref<128x128xf32, #tpu.memory_space<vmem_shared>>) target_semaphore(%run_scoped3A : memref<!tpu.dma_semaphore, #tpu.memory_space<semaphore_mem>>)
      %dma_wait3A = arith.constant 0 : i32
      %dma_wait3A_46 = tpu.memref_slice %arg11[%add3A_17, %dma_wait3A] : memref<10240x128xf32, #tpu.memory_space<vmem_shared>> -> memref<128x128xf32, #tpu.memory_space<vmem_shared>>
      %dma_wait3A_47 = arith.constant 0 : i32
      %dma_wait3A_48 = tpu.memref_slice %arg11[%add3A_17, %dma_wait3A_47] : memref<10240x128xf32, #tpu.memory_space<vmem_shared>> -> memref<128x128xf32, #tpu.memory_space<vmem_shared>>
      tpu.wait_dma2 semaphore(%run_scoped3A : memref<!tpu.dma_semaphore, #tpu.memory_space<semaphore_mem>>) src(%arg9 : memref<128x128xf32, #tpu.memory_space<vmem>>) dst(%dma_wait3A_48 : memref<128x128xf32, #tpu.memory_space<vmem_shared>>)
      tpu.yield
    }) : () -> ()
    %barrier3A = arith.constant 0 : index
    tpu.barrier barrier_id(%barrier3A)
    %eq3A = arith.constant 0 : i32
    %eq3A_18 = arith.cmpi eq, %arg0, %eq3A : i32
    %mul3A_19 = arith.constant 120 : i32
    %mul3A_20 = arith.muli %arg1, %mul3A_19 : i32
    %mul3A_21 = arith.constant 40 : i32
    %mul3A_22 = arith.muli %arg1, %mul3A_21 : i32
    %add3A_23 = arith.constant 1920 : i32
    %add3A_24 = arith.addi %add3A_23, %mul3A_22 : i32
    %select_n3A = arith.select %eq3A_18, %mul3A_20, %add3A_24 : i32
    %eq3A_25 = arith.constant 0 : i32
    %eq3A_26 = arith.cmpi eq, %arg0, %eq3A_25 : i32
    %jit3A = arith.constant 15 : i32
    %jit3A_27 = arith.constant 5 : i32
    %select_n3A_28 = arith.select %eq3A_26, %jit3A, %jit3A_27 : i32
    %while3A = arith.constant 0 : i32
    %while3A_29 = arith.constant 0 : i32
    %while3A_30 = arith.subi %select_n3A_28, %while3A_29 : i32
    %while3A_31 = arith.addi %while3A_29, %while3A_30 : i32
    %while3A_32 = arith.constant 1 : i32
    %while3A_33 = arith.divsi %while3A_30, %while3A_32 : i32
    %while3A_34 = arith.muli %while3A_33, %while3A_32 : i32
    %while3A_35 = arith.addi %while3A_29, %while3A_34 : i32
    %while3A_36 = arith.constant 1 : i32
    scf.for %while3A_43 = %while3A_29 to %while3A_35 step %while3A_36  : i32 {
      %mul3A_44 = arith.constant 8 : i32
      %mul3A_45 = arith.muli %while3A_43, %mul3A_44 : i32
      %add3A_46 = arith.addi %select_n3A, %mul3A_45 : i32
      "tpu.region"() ({
        %run_scoped3A = tpu.sem_alloc : memref<!tpu.dma_semaphore, #tpu.memory_space<semaphore_mem>>
        %dma_start3A_272 = arith.constant 0 : i32
        %dma_start3A_273 = tpu.memref_slice %arg3[%add3A_46, %dma_start3A_272] : memref<2560x128xi32, #tpu.memory_space<hbm>> -> memref<8x128xi32, #tpu.memory_space<hbm>>
        %dma_start3A_274 = arith.constant 0 : i32
        %dma_start3A_275 = tpu.memref_slice %arg3[%add3A_46, %dma_start3A_274] : memref<2560x128xi32, #tpu.memory_space<hbm>> -> memref<8x128xi32, #tpu.memory_space<hbm>>
        tpu.enqueue_dma source(%dma_start3A_275 : memref<8x128xi32, #tpu.memory_space<hbm>>) target(%arg7 : memref<8x128xi32, #tpu.memory_space<vmem>>) target_semaphore(%run_scoped3A : memref<!tpu.dma_semaphore, #tpu.memory_space<semaphore_mem>>)
        %dma_wait3A_276 = arith.constant 0 : i32
        %dma_wait3A_277 = tpu.memref_slice %arg3[%add3A_46, %dma_wait3A_276] : memref<2560x128xi32, #tpu.memory_space<hbm>> -> memref<8x128xi32, #tpu.memory_space<hbm>>
        %dma_wait3A_278 = arith.constant 0 : i32
        %dma_wait3A_279 = tpu.memref_slice %arg3[%add3A_46, %dma_wait3A_278] : memref<2560x128xi32, #tpu.memory_space<hbm>> -> memref<8x128xi32, #tpu.memory_space<hbm>>
        tpu.wait_dma2 semaphore(%run_scoped3A : memref<!tpu.dma_semaphore, #tpu.memory_space<semaphore_mem>>) src(%dma_wait3A_279 : memref<8x128xi32, #tpu.memory_space<hbm>>) dst(%arg7 : memref<8x128xi32, #tpu.memory_space<vmem>>)
        tpu.yield
      }) : () -> ()
      %mul3A_47 = arith.constant 8 : i32
      %mul3A_48 = arith.muli %while3A_43, %mul3A_47 : i32
      %add3A_49 = arith.addi %select_n3A, %mul3A_48 : i32
      "tpu.region"() ({
        %run_scoped3A = tpu.sem_alloc : memref<!tpu.dma_semaphore, #tpu.memory_space<semaphore_mem>>
        %dma_start3A_272 = arith.constant 0 : i32
        %dma_start3A_273 = tpu.memref_slice %arg4[%add3A_49, %dma_start3A_272] : memref<2560x128xi32, #tpu.memory_space<hbm>> -> memref<8x128xi32, #tpu.memory_space<hbm>>
        %dma_start3A_274 = arith.constant 0 : i32
        %dma_start3A_275 = tpu.memref_slice %arg4[%add3A_49, %dma_start3A_274] : memref<2560x128xi32, #tpu.memory_space<hbm>> -> memref<8x128xi32, #tpu.memory_space<hbm>>
        tpu.enqueue_dma source(%dma_start3A_275 : memref<8x128xi32, #tpu.memory_space<hbm>>) target(%arg8 : memref<8x128xi32, #tpu.memory_space<vmem>>) target_semaphore(%run_scoped3A : memref<!tpu.dma_semaphore, #tpu.memory_space<semaphore_mem>>)
        %dma_wait3A_276 = arith.constant 0 : i32
        %dma_wait3A_277 = tpu.memref_slice %arg4[%add3A_49, %dma_wait3A_276] : memref<2560x128xi32, #tpu.memory_space<hbm>> -> memref<8x128xi32, #tpu.memory_space<hbm>>
        %dma_wait3A_278 = arith.constant 0 : i32
        %dma_wait3A_279 = tpu.memref_slice %arg4[%add3A_49, %dma_wait3A_278] : memref<2560x128xi32, #tpu.memory_space<hbm>> -> memref<8x128xi32, #tpu.memory_space<hbm>>
        tpu.wait_dma2 semaphore(%run_scoped3A : memref<!tpu.dma_semaphore, #tpu.memory_space<semaphore_mem>>) src(%dma_wait3A_279 : memref<8x128xi32, #tpu.memory_space<hbm>>) dst(%arg8 : memref<8x128xi32, #tpu.memory_space<vmem>>)
        tpu.yield
      }) : () -> ()
      %dma_start3A = arith.constant 0 : i32
      %dma_start3A_50 = arith.constant 0 : i32
      %dma_start3A_51 = tpu.memref_slice %arg7[%dma_start3A, %dma_start3A_50] : memref<8x128xi32, #tpu.memory_space<vmem>> -> memref<1x128xi32, #tpu.memory_space<vmem>>
      %dma_start3A_52 = tpu.memref_squeeze %dma_start3A_51 : memref<1x128xi32, #tpu.memory_space<vmem>> -> memref<128xi32, #tpu.memory_space<vmem>>
      %dma_start3A_53 = arith.constant 0 : i32
      %dma_start3A_54 = arith.constant 0 : i32
      %dma_start3A_55 = tpu.memref_slice %arg2[%dma_start3A_53, %dma_start3A_54] : memref<10240x128xf32, #tpu.memory_space<hbm>> -> memref<10240x128xf32, #tpu.memory_space<hbm>>
      tpu.enqueue_indirect_dma source(%dma_start3A_55 : memref<10240x128xf32, #tpu.memory_space<hbm>>) target(%arg9 : memref<128x128xf32, #tpu.memory_space<vmem>>) offsets(%dma_start3A_52 : memref<128xi32, #tpu.memory_space<vmem>>) semaphore(%arg12 : memref<!tpu.dma_semaphore, #tpu.memory_space<semaphore_mem>>)
      %dma_start3A_56 = arith.constant 1 : i32
      %dma_start3A_57 = arith.constant 0 : i32
      %dma_start3A_58 = tpu.memref_slice %arg7[%dma_start3A_56, %dma_start3A_57] : memref<8x128xi32, #tpu.memory_space<vmem>> -> memref<1x128xi32, #tpu.memory_space<vmem>>
      %dma_start3A_59 = tpu.memref_squeeze %dma_start3A_58 : memref<1x128xi32, #tpu.memory_space<vmem>> -> memref<128xi32, #tpu.memory_space<vmem>>
      %dma_start3A_60 = arith.constant 0 : i32
      %dma_start3A_61 = arith.constant 0 : i32
      %dma_start3A_62 = tpu.memref_slice %arg2[%dma_start3A_60, %dma_start3A_61] : memref<10240x128xf32, #tpu.memory_space<hbm>> -> memref<10240x128xf32, #tpu.memory_space<hbm>>
      tpu.enqueue_indirect_dma source(%dma_start3A_62 : memref<10240x128xf32, #tpu.memory_space<hbm>>) target(%arg10 : memref<128x128xf32, #tpu.memory_space<vmem>>) offsets(%dma_start3A_59 : memref<128xi32, #tpu.memory_space<vmem>>) semaphore(%arg13 : memref<!tpu.dma_semaphore, #tpu.memory_space<semaphore_mem>>)
      %dma_wait3A = arith.constant 0 : i32
      %dma_wait3A_63 = arith.constant 0 : i32
      %dma_wait3A_64 = tpu.memref_slice %arg7[%dma_wait3A, %dma_wait3A_63] : memref<8x128xi32, #tpu.memory_space<vmem>> -> memref<1x128xi32, #tpu.memory_space<vmem>>
      %dma_wait3A_65 = tpu.memref_squeeze %dma_wait3A_64 : memref<1x128xi32, #tpu.memory_space<vmem>> -> memref<128xi32, #tpu.memory_space<vmem>>
      %dma_wait3A_66 = arith.constant 0 : i32
      %dma_wait3A_67 = arith.constant 0 : i32
      %dma_wait3A_68 = tpu.memref_slice %arg2[%dma_wait3A_66, %dma_wait3A_67] : memref<10240x128xf32, #tpu.memory_space<hbm>> -> memref<10240x128xf32, #tpu.memory_space<hbm>>
      tpu.wait_indirect_dma semaphore(%arg12 : memref<!tpu.dma_semaphore, #tpu.memory_space<semaphore_mem>>) src(%dma_wait3A_68 : memref<10240x128xf32, #tpu.memory_space<hbm>>) dst(%arg9 : memref<128x128xf32, #tpu.memory_space<vmem>>)
      %dma_start3A_69 = arith.constant 0 : i32
      %dma_start3A_70 = arith.constant 0 : i32
      %dma_start3A_71 = tpu.memref_slice %arg8[%dma_start3A_69, %dma_start3A_70] : memref<8x128xi32, #tpu.memory_space<vmem>> -> memref<1x128xi32, #tpu.memory_space<vmem>>
      %dma_start3A_72 = tpu.memref_squeeze %dma_start3A_71 : memref<1x128xi32, #tpu.memory_space<vmem>> -> memref<128xi32, #tpu.memory_space<vmem>>
      %dma_start3A_73 = arith.constant 0 : i32
      %dma_start3A_74 = arith.constant 0 : i32
      %dma_start3A_75 = tpu.memref_slice %arg11[%dma_start3A_73, %dma_start3A_74] : memref<10240x128xf32, #tpu.memory_space<vmem_shared>> -> memref<10240x128xf32, #tpu.memory_space<vmem_shared>>
      tpu.enqueue_indirect_dma source(%arg9 : memref<128x128xf32, #tpu.memory_space<vmem>>) target(%dma_start3A_75 : memref<10240x128xf32, #tpu.memory_space<vmem_shared>>) offsets(%dma_start3A_72 : memref<128xi32, #tpu.memory_space<vmem>>) semaphore(%arg14 : memref<!tpu.dma_semaphore, #tpu.memory_space<semaphore_mem>>) {add = true}
      %dma_wait3A_76 = arith.constant 1 : i32
      %dma_wait3A_77 = arith.constant 0 : i32
      %dma_wait3A_78 = tpu.memref_slice %arg7[%dma_wait3A_76, %dma_wait3A_77] : memref<8x128xi32, #tpu.memory_space<vmem>> -> memref<1x128xi32, #tpu.memory_space<vmem>>
      %dma_wait3A_79 = tpu.memref_squeeze %dma_wait3A_78 : memref<1x128xi32, #tpu.memory_space<vmem>> -> memref<128xi32, #tpu.memory_space<vmem>>
      %dma_wait3A_80 = arith.constant 0 : i32
      %dma_wait3A_81 = arith.constant 0 : i32
      %dma_wait3A_82 = tpu.memref_slice %arg2[%dma_wait3A_80, %dma_wait3A_81] : memref<10240x128xf32, #tpu.memory_space<hbm>> -> memref<10240x128xf32, #tpu.memory_space<hbm>>
      tpu.wait_indirect_dma semaphore(%arg13 : memref<!tpu.dma_semaphore, #tpu.memory_space<semaphore_mem>>) src(%dma_wait3A_82 : memref<10240x128xf32, #tpu.memory_space<hbm>>) dst(%arg10 : memref<128x128xf32, #tpu.memory_space<vmem>>)
      %dma_start3A_83 = arith.constant 1 : i32
      %dma_start3A_84 = arith.constant 0 : i32
      %dma_start3A_85 = tpu.memref_slice %arg8[%dma_start3A_83, %dma_start3A_84] : memref<8x128xi32, #tpu.memory_space<vmem>> -> memref<1x128xi32, #tpu.memory_space<vmem>>
      %dma_start3A_86 = tpu.memref_squeeze %dma_start3A_85 : memref<1x128xi32, #tpu.memory_space<vmem>> -> memref<128xi32, #tpu.memory_space<vmem>>
      %dma_start3A_87 = arith.constant 0 : i32
      %dma_start3A_88 = arith.constant 0 : i32
      %dma_start3A_89 = tpu.memref_slice %arg11[%dma_start3A_87, %dma_start3A_88] : memref<10240x128xf32, #tpu.memory_space<vmem_shared>> -> memref<10240x128xf32, #tpu.memory_space<vmem_shared>>
      tpu.enqueue_indirect_dma source(%arg10 : memref<128x128xf32, #tpu.memory_space<vmem>>) target(%dma_start3A_89 : memref<10240x128xf32, #tpu.memory_space<vmem_shared>>) offsets(%dma_start3A_86 : memref<128xi32, #tpu.memory_space<vmem>>) semaphore(%arg15 : memref<!tpu.dma_semaphore, #tpu.memory_space<semaphore_mem>>) {add = true}
      %dma_wait3A_90 = arith.constant 0 : i32
      %dma_wait3A_91 = arith.constant 0 : i32
      %dma_wait3A_92 = tpu.memref_slice %arg8[%dma_wait3A_90, %dma_wait3A_91] : memref<8x128xi32, #tpu.memory_space<vmem>> -> memref<1x128xi32, #tpu.memory_space<vmem>>
      %dma_wait3A_93 = tpu.memref_squeeze %dma_wait3A_92 : memref<1x128xi32, #tpu.memory_space<vmem>> -> memref<128xi32, #tpu.memory_space<vmem>>
      %dma_wait3A_94 = arith.constant 0 : i32
      %dma_wait3A_95 = arith.constant 0 : i32
      %dma_wait3A_96 = tpu.memref_slice %arg11[%dma_wait3A_94, %dma_wait3A_95] : memref<10240x128xf32, #tpu.memory_space<vmem_shared>> -> memref<10240x128xf32, #tpu.memory_space<vmem_shared>>
      tpu.wait_indirect_dma semaphore(%arg14 : memref<!tpu.dma_semaphore, #tpu.memory_space<semaphore_mem>>) src(%arg9 : memref<128x128xf32, #tpu.memory_space<vmem>>) dst(%dma_wait3A_96 : memref<10240x128xf32, #tpu.memory_space<vmem_shared>>)
      %dma_start3A_97 = arith.constant 2 : i32
      %dma_start3A_98 = arith.constant 0 : i32
      %dma_start3A_99 = tpu.memref_slice %arg7[%dma_start3A_97, %dma_start3A_98] : memref<8x128xi32, #tpu.memory_space<vmem>> -> memref<1x128xi32, #tpu.memory_space<vmem>>
      %dma_start3A_100 = tpu.memref_squeeze %dma_start3A_99 : memref<1x128xi32, #tpu.memory_space<vmem>> -> memref<128xi32, #tpu.memory_space<vmem>>
      %dma_start3A_101 = arith.constant 0 : i32
      %dma_start3A_102 = arith.constant 0 : i32
      %dma_start3A_103 = tpu.memref_slice %arg2[%dma_start3A_101, %dma_start3A_102] : memref<10240x128xf32, #tpu.memory_space<hbm>> -> memref<10240x128xf32, #tpu.memory_space<hbm>>
      tpu.enqueue_indirect_dma source(%dma_start3A_103 : memref<10240x128xf32, #tpu.memory_space<hbm>>) target(%arg9 : memref<128x128xf32, #tpu.memory_space<vmem>>) offsets(%dma_start3A_100 : memref<128xi32, #tpu.memory_space<vmem>>) semaphore(%arg12 : memref<!tpu.dma_semaphore, #tpu.memory_space<semaphore_mem>>)
      %dma_wait3A_104 = arith.constant 2 : i32
      %dma_wait3A_105 = arith.constant 0 : i32
      %dma_wait3A_106 = tpu.memref_slice %arg7[%dma_wait3A_104, %dma_wait3A_105] : memref<8x128xi32, #tpu.memory_space<vmem>> -> memref<1x128xi32, #tpu.memory_space<vmem>>
      %dma_wait3A_107 = tpu.memref_squeeze %dma_wait3A_106 : memref<1x128xi32, #tpu.memory_space<vmem>> -> memref<128xi32, #tpu.memory_space<vmem>>
      %dma_wait3A_108 = arith.constant 0 : i32
      %dma_wait3A_109 = arith.constant 0 : i32
      %dma_wait3A_110 = tpu.memref_slice %arg2[%dma_wait3A_108, %dma_wait3A_109] : memref<10240x128xf32, #tpu.memory_space<hbm>> -> memref<10240x128xf32, #tpu.memory_space<hbm>>
      tpu.wait_indirect_dma semaphore(%arg12 : memref<!tpu.dma_semaphore, #tpu.memory_space<semaphore_mem>>) src(%dma_wait3A_110 : memref<10240x128xf32, #tpu.memory_space<hbm>>) dst(%arg9 : memref<128x128xf32, #tpu.memory_space<vmem>>)
      %dma_start3A_111 = arith.constant 2 : i32
      %dma_start3A_112 = arith.constant 0 : i32
      %dma_start3A_113 = tpu.memref_slice %arg8[%dma_start3A_111, %dma_start3A_112] : memref<8x128xi32, #tpu.memory_space<vmem>> -> memref<1x128xi32, #tpu.memory_space<vmem>>
      %dma_start3A_114 = tpu.memref_squeeze %dma_start3A_113 : memref<1x128xi32, #tpu.memory_space<vmem>> -> memref<128xi32, #tpu.memory_space<vmem>>
      %dma_start3A_115 = arith.constant 0 : i32
      %dma_start3A_116 = arith.constant 0 : i32
      %dma_start3A_117 = tpu.memref_slice %arg11[%dma_start3A_115, %dma_start3A_116] : memref<10240x128xf32, #tpu.memory_space<vmem_shared>> -> memref<10240x128xf32, #tpu.memory_space<vmem_shared>>
      tpu.enqueue_indirect_dma source(%arg9 : memref<128x128xf32, #tpu.memory_space<vmem>>) target(%dma_start3A_117 : memref<10240x128xf32, #tpu.memory_space<vmem_shared>>) offsets(%dma_start3A_114 : memref<128xi32, #tpu.memory_space<vmem>>) semaphore(%arg14 : memref<!tpu.dma_semaphore, #tpu.memory_space<semaphore_mem>>) {add = true}
      %dma_wait3A_118 = arith.constant 1 : i32
      %dma_wait3A_119 = arith.constant 0 : i32
      %dma_wait3A_120 = tpu.memref_slice %arg8[%dma_wait3A_118, %dma_wait3A_119] : memref<8x128xi32, #tpu.memory_space<vmem>> -> memref<1x128xi32, #tpu.memory_space<vmem>>
      %dma_wait3A_121 = tpu.memref_squeeze %dma_wait3A_120 : memref<1x128xi32, #tpu.memory_space<vmem>> -> memref<128xi32, #tpu.memory_space<vmem>>
      %dma_wait3A_122 = arith.constant 0 : i32
      %dma_wait3A_123 = arith.constant 0 : i32
      %dma_wait3A_124 = tpu.memref_slice %arg11[%dma_wait3A_122, %dma_wait3A_123] : memref<10240x128xf32, #tpu.memory_space<vmem_shared>> -> memref<10240x128xf32, #tpu.memory_space<vmem_shared>>
      tpu.wait_indirect_dma semaphore(%arg15 : memref<!tpu.dma_semaphore, #tpu.memory_space<semaphore_mem>>) src(%arg10 : memref<128x128xf32, #tpu.memory_space<vmem>>) dst(%dma_wait3A_124 : memref<10240x128xf32, #tpu.memory_space<vmem_shared>>)
      %dma_start3A_125 = arith.constant 3 : i32
      %dma_start3A_126 = arith.constant 0 : i32
      %dma_start3A_127 = tpu.memref_slice %arg7[%dma_start3A_125, %dma_start3A_126] : memref<8x128xi32, #tpu.memory_space<vmem>> -> memref<1x128xi32, #tpu.memory_space<vmem>>
      %dma_start3A_128 = tpu.memref_squeeze %dma_start3A_127 : memref<1x128xi32, #tpu.memory_space<vmem>> -> memref<128xi32, #tpu.memory_space<vmem>>
      %dma_start3A_129 = arith.constant 0 : i32
      %dma_start3A_130 = arith.constant 0 : i32
      %dma_start3A_131 = tpu.memref_slice %arg2[%dma_start3A_129, %dma_start3A_130] : memref<10240x128xf32, #tpu.memory_space<hbm>> -> memref<10240x128xf32, #tpu.memory_space<hbm>>
      tpu.enqueue_indirect_dma source(%dma_start3A_131 : memref<10240x128xf32, #tpu.memory_space<hbm>>) target(%arg10 : memref<128x128xf32, #tpu.memory_space<vmem>>) offsets(%dma_start3A_128 : memref<128xi32, #tpu.memory_space<vmem>>) semaphore(%arg13 : memref<!tpu.dma_semaphore, #tpu.memory_space<semaphore_mem>>)
      %dma_wait3A_132 = arith.constant 3 : i32
      %dma_wait3A_133 = arith.constant 0 : i32
      %dma_wait3A_134 = tpu.memref_slice %arg7[%dma_wait3A_132, %dma_wait3A_133] : memref<8x128xi32, #tpu.memory_space<vmem>> -> memref<1x128xi32, #tpu.memory_space<vmem>>
      %dma_wait3A_135 = tpu.memref_squeeze %dma_wait3A_134 : memref<1x128xi32, #tpu.memory_space<vmem>> -> memref<128xi32, #tpu.memory_space<vmem>>
      %dma_wait3A_136 = arith.constant 0 : i32
      %dma_wait3A_137 = arith.constant 0 : i32
      %dma_wait3A_138 = tpu.memref_slice %arg2[%dma_wait3A_136, %dma_wait3A_137] : memref<10240x128xf32, #tpu.memory_space<hbm>> -> memref<10240x128xf32, #tpu.memory_space<hbm>>
      tpu.wait_indirect_dma semaphore(%arg13 : memref<!tpu.dma_semaphore, #tpu.memory_space<semaphore_mem>>) src(%dma_wait3A_138 : memref<10240x128xf32, #tpu.memory_space<hbm>>) dst(%arg10 : memref<128x128xf32, #tpu.memory_space<vmem>>)
      %dma_start3A_139 = arith.constant 3 : i32
      %dma_start3A_140 = arith.constant 0 : i32
      %dma_start3A_141 = tpu.memref_slice %arg8[%dma_start3A_139, %dma_start3A_140] : memref<8x128xi32, #tpu.memory_space<vmem>> -> memref<1x128xi32, #tpu.memory_space<vmem>>
      %dma_start3A_142 = tpu.memref_squeeze %dma_start3A_141 : memref<1x128xi32, #tpu.memory_space<vmem>> -> memref<128xi32, #tpu.memory_space<vmem>>
      %dma_start3A_143 = arith.constant 0 : i32
      %dma_start3A_144 = arith.constant 0 : i32
      %dma_start3A_145 = tpu.memref_slice %arg11[%dma_start3A_143, %dma_start3A_144] : memref<10240x128xf32, #tpu.memory_space<vmem_shared>> -> memref<10240x128xf32, #tpu.memory_space<vmem_shared>>
      tpu.enqueue_indirect_dma source(%arg10 : memref<128x128xf32, #tpu.memory_space<vmem>>) target(%dma_start3A_145 : memref<10240x128xf32, #tpu.memory_space<vmem_shared>>) offsets(%dma_start3A_142 : memref<128xi32, #tpu.memory_space<vmem>>) semaphore(%arg15 : memref<!tpu.dma_semaphore, #tpu.memory_space<semaphore_mem>>) {add = true}
      %dma_wait3A_146 = arith.constant 2 : i32
      %dma_wait3A_147 = arith.constant 0 : i32
      %dma_wait3A_148 = tpu.memref_slice %arg8[%dma_wait3A_146, %dma_wait3A_147] : memref<8x128xi32, #tpu.memory_space<vmem>> -> memref<1x128xi32, #tpu.memory_space<vmem>>
      %dma_wait3A_149 = tpu.memref_squeeze %dma_wait3A_148 : memref<1x128xi32, #tpu.memory_space<vmem>> -> memref<128xi32, #tpu.memory_space<vmem>>
      %dma_wait3A_150 = arith.constant 0 : i32
      %dma_wait3A_151 = arith.constant 0 : i32
      %dma_wait3A_152 = tpu.memref_slice %arg11[%dma_wait3A_150, %dma_wait3A_151] : memref<10240x128xf32, #tpu.memory_space<vmem_shared>> -> memref<10240x128xf32, #tpu.memory_space<vmem_shared>>
      tpu.wait_indirect_dma semaphore(%arg14 : memref<!tpu.dma_semaphore, #tpu.memory_space<semaphore_mem>>) src(%arg9 : memref<128x128xf32, #tpu.memory_space<vmem>>) dst(%dma_wait3A_152 : memref<10240x128xf32, #tpu.memory_space<vmem_shared>>)
      %dma_start3A_153 = arith.constant 4 : i32
      %dma_start3A_154 = arith.constant 0 : i32
      %dma_start3A_155 = tpu.memref_slice %arg7[%dma_start3A_153, %dma_start3A_154] : memref<8x128xi32, #tpu.memory_space<vmem>> -> memref<1x128xi32, #tpu.memory_space<vmem>>
      %dma_start3A_156 = tpu.memref_squeeze %dma_start3A_155 : memref<1x128xi32, #tpu.memory_space<vmem>> -> memref<128xi32, #tpu.memory_space<vmem>>
      %dma_start3A_157 = arith.constant 0 : i32
      %dma_start3A_158 = arith.constant 0 : i32
      %dma_start3A_159 = tpu.memref_slice %arg2[%dma_start3A_157, %dma_start3A_158] : memref<10240x128xf32, #tpu.memory_space<hbm>> -> memref<10240x128xf32, #tpu.memory_space<hbm>>
      tpu.enqueue_indirect_dma source(%dma_start3A_159 : memref<10240x128xf32, #tpu.memory_space<hbm>>) target(%arg9 : memref<128x128xf32, #tpu.memory_space<vmem>>) offsets(%dma_start3A_156 : memref<128xi32, #tpu.memory_space<vmem>>) semaphore(%arg12 : memref<!tpu.dma_semaphore, #tpu.memory_space<semaphore_mem>>)
      %dma_wait3A_160 = arith.constant 4 : i32
      %dma_wait3A_161 = arith.constant 0 : i32
      %dma_wait3A_162 = tpu.memref_slice %arg7[%dma_wait3A_160, %dma_wait3A_161] : memref<8x128xi32, #tpu.memory_space<vmem>> -> memref<1x128xi32, #tpu.memory_space<vmem>>
      %dma_wait3A_163 = tpu.memref_squeeze %dma_wait3A_162 : memref<1x128xi32, #tpu.memory_space<vmem>> -> memref<128xi32, #tpu.memory_space<vmem>>
      %dma_wait3A_164 = arith.constant 0 : i32
      %dma_wait3A_165 = arith.constant 0 : i32
      %dma_wait3A_166 = tpu.memref_slice %arg2[%dma_wait3A_164, %dma_wait3A_165] : memref<10240x128xf32, #tpu.memory_space<hbm>> -> memref<10240x128xf32, #tpu.memory_space<hbm>>
      tpu.wait_indirect_dma semaphore(%arg12 : memref<!tpu.dma_semaphore, #tpu.memory_space<semaphore_mem>>) src(%dma_wait3A_166 : memref<10240x128xf32, #tpu.memory_space<hbm>>) dst(%arg9 : memref<128x128xf32, #tpu.memory_space<vmem>>)
      %dma_start3A_167 = arith.constant 4 : i32
      %dma_start3A_168 = arith.constant 0 : i32
      %dma_start3A_169 = tpu.memref_slice %arg8[%dma_start3A_167, %dma_start3A_168] : memref<8x128xi32, #tpu.memory_space<vmem>> -> memref<1x128xi32, #tpu.memory_space<vmem>>
      %dma_start3A_170 = tpu.memref_squeeze %dma_start3A_169 : memref<1x128xi32, #tpu.memory_space<vmem>> -> memref<128xi32, #tpu.memory_space<vmem>>
      %dma_start3A_171 = arith.constant 0 : i32
      %dma_start3A_172 = arith.constant 0 : i32
      %dma_start3A_173 = tpu.memref_slice %arg11[%dma_start3A_171, %dma_start3A_172] : memref<10240x128xf32, #tpu.memory_space<vmem_shared>> -> memref<10240x128xf32, #tpu.memory_space<vmem_shared>>
      tpu.enqueue_indirect_dma source(%arg9 : memref<128x128xf32, #tpu.memory_space<vmem>>) target(%dma_start3A_173 : memref<10240x128xf32, #tpu.memory_space<vmem_shared>>) offsets(%dma_start3A_170 : memref<128xi32, #tpu.memory_space<vmem>>) semaphore(%arg14 : memref<!tpu.dma_semaphore, #tpu.memory_space<semaphore_mem>>) {add = true}
      %dma_wait3A_174 = arith.constant 3 : i32
      %dma_wait3A_175 = arith.constant 0 : i32
      %dma_wait3A_176 = tpu.memref_slice %arg8[%dma_wait3A_174, %dma_wait3A_175] : memref<8x128xi32, #tpu.memory_space<vmem>> -> memref<1x128xi32, #tpu.memory_space<vmem>>
      %dma_wait3A_177 = tpu.memref_squeeze %dma_wait3A_176 : memref<1x128xi32, #tpu.memory_space<vmem>> -> memref<128xi32, #tpu.memory_space<vmem>>
      %dma_wait3A_178 = arith.constant 0 : i32
      %dma_wait3A_179 = arith.constant 0 : i32
      %dma_wait3A_180 = tpu.memref_slice %arg11[%dma_wait3A_178, %dma_wait3A_179] : memref<10240x128xf32, #tpu.memory_space<vmem_shared>> -> memref<10240x128xf32, #tpu.memory_space<vmem_shared>>
      tpu.wait_indirect_dma semaphore(%arg15 : memref<!tpu.dma_semaphore, #tpu.memory_space<semaphore_mem>>) src(%arg10 : memref<128x128xf32, #tpu.memory_space<vmem>>) dst(%dma_wait3A_180 : memref<10240x128xf32, #tpu.memory_space<vmem_shared>>)
      %dma_start3A_181 = arith.constant 5 : i32
      %dma_start3A_182 = arith.constant 0 : i32
      %dma_start3A_183 = tpu.memref_slice %arg7[%dma_start3A_181, %dma_start3A_182] : memref<8x128xi32, #tpu.memory_space<vmem>> -> memref<1x128xi32, #tpu.memory_space<vmem>>
      %dma_start3A_184 = tpu.memref_squeeze %dma_start3A_183 : memref<1x128xi32, #tpu.memory_space<vmem>> -> memref<128xi32, #tpu.memory_space<vmem>>
      %dma_start3A_185 = arith.constant 0 : i32
      %dma_start3A_186 = arith.constant 0 : i32
      %dma_start3A_187 = tpu.memref_slice %arg2[%dma_start3A_185, %dma_start3A_186] : memref<10240x128xf32, #tpu.memory_space<hbm>> -> memref<10240x128xf32, #tpu.memory_space<hbm>>
      tpu.enqueue_indirect_dma source(%dma_start3A_187 : memref<10240x128xf32, #tpu.memory_space<hbm>>) target(%arg10 : memref<128x128xf32, #tpu.memory_space<vmem>>) offsets(%dma_start3A_184 : memref<128xi32, #tpu.memory_space<vmem>>) semaphore(%arg13 : memref<!tpu.dma_semaphore, #tpu.memory_space<semaphore_mem>>)
      %dma_wait3A_188 = arith.constant 5 : i32
      %dma_wait3A_189 = arith.constant 0 : i32
      %dma_wait3A_190 = tpu.memref_slice %arg7[%dma_wait3A_188, %dma_wait3A_189] : memref<8x128xi32, #tpu.memory_space<vmem>> -> memref<1x128xi32, #tpu.memory_space<vmem>>
      %dma_wait3A_191 = tpu.memref_squeeze %dma_wait3A_190 : memref<1x128xi32, #tpu.memory_space<vmem>> -> memref<128xi32, #tpu.memory_space<vmem>>
      %dma_wait3A_192 = arith.constant 0 : i32
      %dma_wait3A_193 = arith.constant 0 : i32
      %dma_wait3A_194 = tpu.memref_slice %arg2[%dma_wait3A_192, %dma_wait3A_193] : memref<10240x128xf32, #tpu.memory_space<hbm>> -> memref<10240x128xf32, #tpu.memory_space<hbm>>
      tpu.wait_indirect_dma semaphore(%arg13 : memref<!tpu.dma_semaphore, #tpu.memory_space<semaphore_mem>>) src(%dma_wait3A_194 : memref<10240x128xf32, #tpu.memory_space<hbm>>) dst(%arg10 : memref<128x128xf32, #tpu.memory_space<vmem>>)
      %dma_start3A_195 = arith.constant 5 : i32
      %dma_start3A_196 = arith.constant 0 : i32
      %dma_start3A_197 = tpu.memref_slice %arg8[%dma_start3A_195, %dma_start3A_196] : memref<8x128xi32, #tpu.memory_space<vmem>> -> memref<1x128xi32, #tpu.memory_space<vmem>>
      %dma_start3A_198 = tpu.memref_squeeze %dma_start3A_197 : memref<1x128xi32, #tpu.memory_space<vmem>> -> memref<128xi32, #tpu.memory_space<vmem>>
      %dma_start3A_199 = arith.constant 0 : i32
      %dma_start3A_200 = arith.constant 0 : i32
      %dma_start3A_201 = tpu.memref_slice %arg11[%dma_start3A_199, %dma_start3A_200] : memref<10240x128xf32, #tpu.memory_space<vmem_shared>> -> memref<10240x128xf32, #tpu.memory_space<vmem_shared>>
      tpu.enqueue_indirect_dma source(%arg10 : memref<128x128xf32, #tpu.memory_space<vmem>>) target(%dma_start3A_201 : memref<10240x128xf32, #tpu.memory_space<vmem_shared>>) offsets(%dma_start3A_198 : memref<128xi32, #tpu.memory_space<vmem>>) semaphore(%arg15 : memref<!tpu.dma_semaphore, #tpu.memory_space<semaphore_mem>>) {add = true}
      %dma_wait3A_202 = arith.constant 4 : i32
      %dma_wait3A_203 = arith.constant 0 : i32
      %dma_wait3A_204 = tpu.memref_slice %arg8[%dma_wait3A_202, %dma_wait3A_203] : memref<8x128xi32, #tpu.memory_space<vmem>> -> memref<1x128xi32, #tpu.memory_space<vmem>>
      %dma_wait3A_205 = tpu.memref_squeeze %dma_wait3A_204 : memref<1x128xi32, #tpu.memory_space<vmem>> -> memref<128xi32, #tpu.memory_space<vmem>>
      %dma_wait3A_206 = arith.constant 0 : i32
      %dma_wait3A_207 = arith.constant 0 : i32
      %dma_wait3A_208 = tpu.memref_slice %arg11[%dma_wait3A_206, %dma_wait3A_207] : memref<10240x128xf32, #tpu.memory_space<vmem_shared>> -> memref<10240x128xf32, #tpu.memory_space<vmem_shared>>
      tpu.wait_indirect_dma semaphore(%arg14 : memref<!tpu.dma_semaphore, #tpu.memory_space<semaphore_mem>>) src(%arg9 : memref<128x128xf32, #tpu.memory_space<vmem>>) dst(%dma_wait3A_208 : memref<10240x128xf32, #tpu.memory_space<vmem_shared>>)
      %dma_start3A_209 = arith.constant 6 : i32
      %dma_start3A_210 = arith.constant 0 : i32
      %dma_start3A_211 = tpu.memref_slice %arg7[%dma_start3A_209, %dma_start3A_210] : memref<8x128xi32, #tpu.memory_space<vmem>> -> memref<1x128xi32, #tpu.memory_space<vmem>>
      %dma_start3A_212 = tpu.memref_squeeze %dma_start3A_211 : memref<1x128xi32, #tpu.memory_space<vmem>> -> memref<128xi32, #tpu.memory_space<vmem>>
      %dma_start3A_213 = arith.constant 0 : i32
      %dma_start3A_214 = arith.constant 0 : i32
      %dma_start3A_215 = tpu.memref_slice %arg2[%dma_start3A_213, %dma_start3A_214] : memref<10240x128xf32, #tpu.memory_space<hbm>> -> memref<10240x128xf32, #tpu.memory_space<hbm>>
      tpu.enqueue_indirect_dma source(%dma_start3A_215 : memref<10240x128xf32, #tpu.memory_space<hbm>>) target(%arg9 : memref<128x128xf32, #tpu.memory_space<vmem>>) offsets(%dma_start3A_212 : memref<128xi32, #tpu.memory_space<vmem>>) semaphore(%arg12 : memref<!tpu.dma_semaphore, #tpu.memory_space<semaphore_mem>>)
      %dma_wait3A_216 = arith.constant 6 : i32
      %dma_wait3A_217 = arith.constant 0 : i32
      %dma_wait3A_218 = tpu.memref_slice %arg7[%dma_wait3A_216, %dma_wait3A_217] : memref<8x128xi32, #tpu.memory_space<vmem>> -> memref<1x128xi32, #tpu.memory_space<vmem>>
      %dma_wait3A_219 = tpu.memref_squeeze %dma_wait3A_218 : memref<1x128xi32, #tpu.memory_space<vmem>> -> memref<128xi32, #tpu.memory_space<vmem>>
      %dma_wait3A_220 = arith.constant 0 : i32
      %dma_wait3A_221 = arith.constant 0 : i32
      %dma_wait3A_222 = tpu.memref_slice %arg2[%dma_wait3A_220, %dma_wait3A_221] : memref<10240x128xf32, #tpu.memory_space<hbm>> -> memref<10240x128xf32, #tpu.memory_space<hbm>>
      tpu.wait_indirect_dma semaphore(%arg12 : memref<!tpu.dma_semaphore, #tpu.memory_space<semaphore_mem>>) src(%dma_wait3A_222 : memref<10240x128xf32, #tpu.memory_space<hbm>>) dst(%arg9 : memref<128x128xf32, #tpu.memory_space<vmem>>)
      %dma_start3A_223 = arith.constant 6 : i32
      %dma_start3A_224 = arith.constant 0 : i32
      %dma_start3A_225 = tpu.memref_slice %arg8[%dma_start3A_223, %dma_start3A_224] : memref<8x128xi32, #tpu.memory_space<vmem>> -> memref<1x128xi32, #tpu.memory_space<vmem>>
      %dma_start3A_226 = tpu.memref_squeeze %dma_start3A_225 : memref<1x128xi32, #tpu.memory_space<vmem>> -> memref<128xi32, #tpu.memory_space<vmem>>
      %dma_start3A_227 = arith.constant 0 : i32
      %dma_start3A_228 = arith.constant 0 : i32
      %dma_start3A_229 = tpu.memref_slice %arg11[%dma_start3A_227, %dma_start3A_228] : memref<10240x128xf32, #tpu.memory_space<vmem_shared>> -> memref<10240x128xf32, #tpu.memory_space<vmem_shared>>
      tpu.enqueue_indirect_dma source(%arg9 : memref<128x128xf32, #tpu.memory_space<vmem>>) target(%dma_start3A_229 : memref<10240x128xf32, #tpu.memory_space<vmem_shared>>) offsets(%dma_start3A_226 : memref<128xi32, #tpu.memory_space<vmem>>) semaphore(%arg14 : memref<!tpu.dma_semaphore, #tpu.memory_space<semaphore_mem>>) {add = true}
      %dma_wait3A_230 = arith.constant 5 : i32
      %dma_wait3A_231 = arith.constant 0 : i32
      %dma_wait3A_232 = tpu.memref_slice %arg8[%dma_wait3A_230, %dma_wait3A_231] : memref<8x128xi32, #tpu.memory_space<vmem>> -> memref<1x128xi32, #tpu.memory_space<vmem>>
      %dma_wait3A_233 = tpu.memref_squeeze %dma_wait3A_232 : memref<1x128xi32, #tpu.memory_space<vmem>> -> memref<128xi32, #tpu.memory_space<vmem>>
      %dma_wait3A_234 = arith.constant 0 : i32
      %dma_wait3A_235 = arith.constant 0 : i32
      %dma_wait3A_236 = tpu.memref_slice %arg11[%dma_wait3A_234, %dma_wait3A_235] : memref<10240x128xf32, #tpu.memory_space<vmem_shared>> -> memref<10240x128xf32, #tpu.memory_space<vmem_shared>>
      tpu.wait_indirect_dma semaphore(%arg15 : memref<!tpu.dma_semaphore, #tpu.memory_space<semaphore_mem>>) src(%arg10 : memref<128x128xf32, #tpu.memory_space<vmem>>) dst(%dma_wait3A_236 : memref<10240x128xf32, #tpu.memory_space<vmem_shared>>)
      %dma_start3A_237 = arith.constant 7 : i32
      %dma_start3A_238 = arith.constant 0 : i32
      %dma_start3A_239 = tpu.memref_slice %arg7[%dma_start3A_237, %dma_start3A_238] : memref<8x128xi32, #tpu.memory_space<vmem>> -> memref<1x128xi32, #tpu.memory_space<vmem>>
      %dma_start3A_240 = tpu.memref_squeeze %dma_start3A_239 : memref<1x128xi32, #tpu.memory_space<vmem>> -> memref<128xi32, #tpu.memory_space<vmem>>
      %dma_start3A_241 = arith.constant 0 : i32
      %dma_start3A_242 = arith.constant 0 : i32
      %dma_start3A_243 = tpu.memref_slice %arg2[%dma_start3A_241, %dma_start3A_242] : memref<10240x128xf32, #tpu.memory_space<hbm>> -> memref<10240x128xf32, #tpu.memory_space<hbm>>
      tpu.enqueue_indirect_dma source(%dma_start3A_243 : memref<10240x128xf32, #tpu.memory_space<hbm>>) target(%arg10 : memref<128x128xf32, #tpu.memory_space<vmem>>) offsets(%dma_start3A_240 : memref<128xi32, #tpu.memory_space<vmem>>) semaphore(%arg13 : memref<!tpu.dma_semaphore, #tpu.memory_space<semaphore_mem>>)
      %dma_wait3A_244 = arith.constant 7 : i32
      %dma_wait3A_245 = arith.constant 0 : i32
      %dma_wait3A_246 = tpu.memref_slice %arg7[%dma_wait3A_244, %dma_wait3A_245] : memref<8x128xi32, #tpu.memory_space<vmem>> -> memref<1x128xi32, #tpu.memory_space<vmem>>
      %dma_wait3A_247 = tpu.memref_squeeze %dma_wait3A_246 : memref<1x128xi32, #tpu.memory_space<vmem>> -> memref<128xi32, #tpu.memory_space<vmem>>
      %dma_wait3A_248 = arith.constant 0 : i32
      %dma_wait3A_249 = arith.constant 0 : i32
      %dma_wait3A_250 = tpu.memref_slice %arg2[%dma_wait3A_248, %dma_wait3A_249] : memref<10240x128xf32, #tpu.memory_space<hbm>> -> memref<10240x128xf32, #tpu.memory_space<hbm>>
      tpu.wait_indirect_dma semaphore(%arg13 : memref<!tpu.dma_semaphore, #tpu.memory_space<semaphore_mem>>) src(%dma_wait3A_250 : memref<10240x128xf32, #tpu.memory_space<hbm>>) dst(%arg10 : memref<128x128xf32, #tpu.memory_space<vmem>>)
      %dma_start3A_251 = arith.constant 7 : i32
      %dma_start3A_252 = arith.constant 0 : i32
      %dma_start3A_253 = tpu.memref_slice %arg8[%dma_start3A_251, %dma_start3A_252] : memref<8x128xi32, #tpu.memory_space<vmem>> -> memref<1x128xi32, #tpu.memory_space<vmem>>
      %dma_start3A_254 = tpu.memref_squeeze %dma_start3A_253 : memref<1x128xi32, #tpu.memory_space<vmem>> -> memref<128xi32, #tpu.memory_space<vmem>>
      %dma_start3A_255 = arith.constant 0 : i32
      %dma_start3A_256 = arith.constant 0 : i32
      %dma_start3A_257 = tpu.memref_slice %arg11[%dma_start3A_255, %dma_start3A_256] : memref<10240x128xf32, #tpu.memory_space<vmem_shared>> -> memref<10240x128xf32, #tpu.memory_space<vmem_shared>>
      tpu.enqueue_indirect_dma source(%arg10 : memref<128x128xf32, #tpu.memory_space<vmem>>) target(%dma_start3A_257 : memref<10240x128xf32, #tpu.memory_space<vmem_shared>>) offsets(%dma_start3A_254 : memref<128xi32, #tpu.memory_space<vmem>>) semaphore(%arg15 : memref<!tpu.dma_semaphore, #tpu.memory_space<semaphore_mem>>) {add = true}
      %dma_wait3A_258 = arith.constant 6 : i32
      %dma_wait3A_259 = arith.constant 0 : i32
      %dma_wait3A_260 = tpu.memref_slice %arg8[%dma_wait3A_258, %dma_wait3A_259] : memref<8x128xi32, #tpu.memory_space<vmem>> -> memref<1x128xi32, #tpu.memory_space<vmem>>
      %dma_wait3A_261 = tpu.memref_squeeze %dma_wait3A_260 : memref<1x128xi32, #tpu.memory_space<vmem>> -> memref<128xi32, #tpu.memory_space<vmem>>
      %dma_wait3A_262 = arith.constant 0 : i32
      %dma_wait3A_263 = arith.constant 0 : i32
      %dma_wait3A_264 = tpu.memref_slice %arg11[%dma_wait3A_262, %dma_wait3A_263] : memref<10240x128xf32, #tpu.memory_space<vmem_shared>> -> memref<10240x128xf32, #tpu.memory_space<vmem_shared>>
      tpu.wait_indirect_dma semaphore(%arg14 : memref<!tpu.dma_semaphore, #tpu.memory_space<semaphore_mem>>) src(%arg9 : memref<128x128xf32, #tpu.memory_space<vmem>>) dst(%dma_wait3A_264 : memref<10240x128xf32, #tpu.memory_space<vmem_shared>>)
      %dma_wait3A_265 = arith.constant 7 : i32
      %dma_wait3A_266 = arith.constant 0 : i32
      %dma_wait3A_267 = tpu.memref_slice %arg8[%dma_wait3A_265, %dma_wait3A_266] : memref<8x128xi32, #tpu.memory_space<vmem>> -> memref<1x128xi32, #tpu.memory_space<vmem>>
      %dma_wait3A_268 = tpu.memref_squeeze %dma_wait3A_267 : memref<1x128xi32, #tpu.memory_space<vmem>> -> memref<128xi32, #tpu.memory_space<vmem>>
      %dma_wait3A_269 = arith.constant 0 : i32
      %dma_wait3A_270 = arith.constant 0 : i32
      %dma_wait3A_271 = tpu.memref_slice %arg11[%dma_wait3A_269, %dma_wait3A_270] : memref<10240x128xf32, #tpu.memory_space<vmem_shared>> -> memref<10240x128xf32, #tpu.memory_space<vmem_shared>>
      tpu.wait_indirect_dma semaphore(%arg15 : memref<!tpu.dma_semaphore, #tpu.memory_space<semaphore_mem>>) src(%arg10 : memref<128x128xf32, #tpu.memory_space<vmem>>) dst(%dma_wait3A_271 : memref<10240x128xf32, #tpu.memory_space<vmem_shared>>)
    }
    %while3A_37 = arith.constant 1 : i32
    scf.for %while3A_43 = %while3A_35 to %while3A_31 step %while3A_37  : i32 {
      %mul3A_44 = arith.constant 8 : i32
      %mul3A_45 = arith.muli %while3A_43, %mul3A_44 : i32
      %add3A_46 = arith.addi %select_n3A, %mul3A_45 : i32
      "tpu.region"() ({
        %run_scoped3A = tpu.sem_alloc : memref<!tpu.dma_semaphore, #tpu.memory_space<semaphore_mem>>
        %dma_start3A_272 = arith.constant 0 : i32
        %dma_start3A_273 = tpu.memref_slice %arg3[%add3A_46, %dma_start3A_272] : memref<2560x128xi32, #tpu.memory_space<hbm>> -> memref<8x128xi32, #tpu.memory_space<hbm>>
        %dma_start3A_274 = arith.constant 0 : i32
        %dma_start3A_275 = tpu.memref_slice %arg3[%add3A_46, %dma_start3A_274] : memref<2560x128xi32, #tpu.memory_space<hbm>> -> memref<8x128xi32, #tpu.memory_space<hbm>>
        tpu.enqueue_dma source(%dma_start3A_275 : memref<8x128xi32, #tpu.memory_space<hbm>>) target(%arg7 : memref<8x128xi32, #tpu.memory_space<vmem>>) target_semaphore(%run_scoped3A : memref<!tpu.dma_semaphore, #tpu.memory_space<semaphore_mem>>)
        %dma_wait3A_276 = arith.constant 0 : i32
        %dma_wait3A_277 = tpu.memref_slice %arg3[%add3A_46, %dma_wait3A_276] : memref<2560x128xi32, #tpu.memory_space<hbm>> -> memref<8x128xi32, #tpu.memory_space<hbm>>
        %dma_wait3A_278 = arith.constant 0 : i32
        %dma_wait3A_279 = tpu.memref_slice %arg3[%add3A_46, %dma_wait3A_278] : memref<2560x128xi32, #tpu.memory_space<hbm>> -> memref<8x128xi32, #tpu.memory_space<hbm>>
        tpu.wait_dma2 semaphore(%run_scoped3A : memref<!tpu.dma_semaphore, #tpu.memory_space<semaphore_mem>>) src(%dma_wait3A_279 : memref<8x128xi32, #tpu.memory_space<hbm>>) dst(%arg7 : memref<8x128xi32, #tpu.memory_space<vmem>>)
        tpu.yield
      }) : () -> ()
      %mul3A_47 = arith.constant 8 : i32
      %mul3A_48 = arith.muli %while3A_43, %mul3A_47 : i32
      %add3A_49 = arith.addi %select_n3A, %mul3A_48 : i32
      "tpu.region"() ({
        %run_scoped3A = tpu.sem_alloc : memref<!tpu.dma_semaphore, #tpu.memory_space<semaphore_mem>>
        %dma_start3A_272 = arith.constant 0 : i32
        %dma_start3A_273 = tpu.memref_slice %arg4[%add3A_49, %dma_start3A_272] : memref<2560x128xi32, #tpu.memory_space<hbm>> -> memref<8x128xi32, #tpu.memory_space<hbm>>
        %dma_start3A_274 = arith.constant 0 : i32
        %dma_start3A_275 = tpu.memref_slice %arg4[%add3A_49, %dma_start3A_274] : memref<2560x128xi32, #tpu.memory_space<hbm>> -> memref<8x128xi32, #tpu.memory_space<hbm>>
        tpu.enqueue_dma source(%dma_start3A_275 : memref<8x128xi32, #tpu.memory_space<hbm>>) target(%arg8 : memref<8x128xi32, #tpu.memory_space<vmem>>) target_semaphore(%run_scoped3A : memref<!tpu.dma_semaphore, #tpu.memory_space<semaphore_mem>>)
        %dma_wait3A_276 = arith.constant 0 : i32
        %dma_wait3A_277 = tpu.memref_slice %arg4[%add3A_49, %dma_wait3A_276] : memref<2560x128xi32, #tpu.memory_space<hbm>> -> memref<8x128xi32, #tpu.memory_space<hbm>>
        %dma_wait3A_278 = arith.constant 0 : i32
        %dma_wait3A_279 = tpu.memref_slice %arg4[%add3A_49, %dma_wait3A_278] : memref<2560x128xi32, #tpu.memory_space<hbm>> -> memref<8x128xi32, #tpu.memory_space<hbm>>
        tpu.wait_dma2 semaphore(%run_scoped3A : memref<!tpu.dma_semaphore, #tpu.memory_space<semaphore_mem>>) src(%dma_wait3A_279 : memref<8x128xi32, #tpu.memory_space<hbm>>) dst(%arg8 : memref<8x128xi32, #tpu.memory_space<vmem>>)
        tpu.yield
      }) : () -> ()
      %dma_start3A = arith.constant 0 : i32
      %dma_start3A_50 = arith.constant 0 : i32
      %dma_start3A_51 = tpu.memref_slice %arg7[%dma_start3A, %dma_start3A_50] : memref<8x128xi32, #tpu.memory_space<vmem>> -> memref<1x128xi32, #tpu.memory_space<vmem>>
      %dma_start3A_52 = tpu.memref_squeeze %dma_start3A_51 : memref<1x128xi32, #tpu.memory_space<vmem>> -> memref<128xi32, #tpu.memory_space<vmem>>
      %dma_start3A_53 = arith.constant 0 : i32
      %dma_start3A_54 = arith.constant 0 : i32
      %dma_start3A_55 = tpu.memref_slice %arg2[%dma_start3A_53, %dma_start3A_54] : memref<10240x128xf32, #tpu.memory_space<hbm>> -> memref<10240x128xf32, #tpu.memory_space<hbm>>
      tpu.enqueue_indirect_dma source(%dma_start3A_55 : memref<10240x128xf32, #tpu.memory_space<hbm>>) target(%arg9 : memref<128x128xf32, #tpu.memory_space<vmem>>) offsets(%dma_start3A_52 : memref<128xi32, #tpu.memory_space<vmem>>) semaphore(%arg12 : memref<!tpu.dma_semaphore, #tpu.memory_space<semaphore_mem>>)
      %dma_start3A_56 = arith.constant 1 : i32
      %dma_start3A_57 = arith.constant 0 : i32
      %dma_start3A_58 = tpu.memref_slice %arg7[%dma_start3A_56, %dma_start3A_57] : memref<8x128xi32, #tpu.memory_space<vmem>> -> memref<1x128xi32, #tpu.memory_space<vmem>>
      %dma_start3A_59 = tpu.memref_squeeze %dma_start3A_58 : memref<1x128xi32, #tpu.memory_space<vmem>> -> memref<128xi32, #tpu.memory_space<vmem>>
      %dma_start3A_60 = arith.constant 0 : i32
      %dma_start3A_61 = arith.constant 0 : i32
      %dma_start3A_62 = tpu.memref_slice %arg2[%dma_start3A_60, %dma_start3A_61] : memref<10240x128xf32, #tpu.memory_space<hbm>> -> memref<10240x128xf32, #tpu.memory_space<hbm>>
      tpu.enqueue_indirect_dma source(%dma_start3A_62 : memref<10240x128xf32, #tpu.memory_space<hbm>>) target(%arg10 : memref<128x128xf32, #tpu.memory_space<vmem>>) offsets(%dma_start3A_59 : memref<128xi32, #tpu.memory_space<vmem>>) semaphore(%arg13 : memref<!tpu.dma_semaphore, #tpu.memory_space<semaphore_mem>>)
      %dma_wait3A = arith.constant 0 : i32
      %dma_wait3A_63 = arith.constant 0 : i32
      %dma_wait3A_64 = tpu.memref_slice %arg7[%dma_wait3A, %dma_wait3A_63] : memref<8x128xi32, #tpu.memory_space<vmem>> -> memref<1x128xi32, #tpu.memory_space<vmem>>
      %dma_wait3A_65 = tpu.memref_squeeze %dma_wait3A_64 : memref<1x128xi32, #tpu.memory_space<vmem>> -> memref<128xi32, #tpu.memory_space<vmem>>
      %dma_wait3A_66 = arith.constant 0 : i32
      %dma_wait3A_67 = arith.constant 0 : i32
      %dma_wait3A_68 = tpu.memref_slice %arg2[%dma_wait3A_66, %dma_wait3A_67] : memref<10240x128xf32, #tpu.memory_space<hbm>> -> memref<10240x128xf32, #tpu.memory_space<hbm>>
      tpu.wait_indirect_dma semaphore(%arg12 : memref<!tpu.dma_semaphore, #tpu.memory_space<semaphore_mem>>) src(%dma_wait3A_68 : memref<10240x128xf32, #tpu.memory_space<hbm>>) dst(%arg9 : memref<128x128xf32, #tpu.memory_space<vmem>>)
      %dma_start3A_69 = arith.constant 0 : i32
      %dma_start3A_70 = arith.constant 0 : i32
      %dma_start3A_71 = tpu.memref_slice %arg8[%dma_start3A_69, %dma_start3A_70] : memref<8x128xi32, #tpu.memory_space<vmem>> -> memref<1x128xi32, #tpu.memory_space<vmem>>
      %dma_start3A_72 = tpu.memref_squeeze %dma_start3A_71 : memref<1x128xi32, #tpu.memory_space<vmem>> -> memref<128xi32, #tpu.memory_space<vmem>>
      %dma_start3A_73 = arith.constant 0 : i32
      %dma_start3A_74 = arith.constant 0 : i32
      %dma_start3A_75 = tpu.memref_slice %arg11[%dma_start3A_73, %dma_start3A_74] : memref<10240x128xf32, #tpu.memory_space<vmem_shared>> -> memref<10240x128xf32, #tpu.memory_space<vmem_shared>>
      tpu.enqueue_indirect_dma source(%arg9 : memref<128x128xf32, #tpu.memory_space<vmem>>) target(%dma_start3A_75 : memref<10240x128xf32, #tpu.memory_space<vmem_shared>>) offsets(%dma_start3A_72 : memref<128xi32, #tpu.memory_space<vmem>>) semaphore(%arg14 : memref<!tpu.dma_semaphore, #tpu.memory_space<semaphore_mem>>) {add = true}
      %dma_wait3A_76 = arith.constant 1 : i32
      %dma_wait3A_77 = arith.constant 0 : i32
      %dma_wait3A_78 = tpu.memref_slice %arg7[%dma_wait3A_76, %dma_wait3A_77] : memref<8x128xi32, #tpu.memory_space<vmem>> -> memref<1x128xi32, #tpu.memory_space<vmem>>
      %dma_wait3A_79 = tpu.memref_squeeze %dma_wait3A_78 : memref<1x128xi32, #tpu.memory_space<vmem>> -> memref<128xi32, #tpu.memory_space<vmem>>
      %dma_wait3A_80 = arith.constant 0 : i32
      %dma_wait3A_81 = arith.constant 0 : i32
      %dma_wait3A_82 = tpu.memref_slice %arg2[%dma_wait3A_80, %dma_wait3A_81] : memref<10240x128xf32, #tpu.memory_space<hbm>> -> memref<10240x128xf32, #tpu.memory_space<hbm>>
      tpu.wait_indirect_dma semaphore(%arg13 : memref<!tpu.dma_semaphore, #tpu.memory_space<semaphore_mem>>) src(%dma_wait3A_82 : memref<10240x128xf32, #tpu.memory_space<hbm>>) dst(%arg10 : memref<128x128xf32, #tpu.memory_space<vmem>>)
      %dma_start3A_83 = arith.constant 1 : i32
      %dma_start3A_84 = arith.constant 0 : i32
      %dma_start3A_85 = tpu.memref_slice %arg8[%dma_start3A_83, %dma_start3A_84] : memref<8x128xi32, #tpu.memory_space<vmem>> -> memref<1x128xi32, #tpu.memory_space<vmem>>
      %dma_start3A_86 = tpu.memref_squeeze %dma_start3A_85 : memref<1x128xi32, #tpu.memory_space<vmem>> -> memref<128xi32, #tpu.memory_space<vmem>>
      %dma_start3A_87 = arith.constant 0 : i32
      %dma_start3A_88 = arith.constant 0 : i32
      %dma_start3A_89 = tpu.memref_slice %arg11[%dma_start3A_87, %dma_start3A_88] : memref<10240x128xf32, #tpu.memory_space<vmem_shared>> -> memref<10240x128xf32, #tpu.memory_space<vmem_shared>>
      tpu.enqueue_indirect_dma source(%arg10 : memref<128x128xf32, #tpu.memory_space<vmem>>) target(%dma_start3A_89 : memref<10240x128xf32, #tpu.memory_space<vmem_shared>>) offsets(%dma_start3A_86 : memref<128xi32, #tpu.memory_space<vmem>>) semaphore(%arg15 : memref<!tpu.dma_semaphore, #tpu.memory_space<semaphore_mem>>) {add = true}
      %dma_wait3A_90 = arith.constant 0 : i32
      %dma_wait3A_91 = arith.constant 0 : i32
      %dma_wait3A_92 = tpu.memref_slice %arg8[%dma_wait3A_90, %dma_wait3A_91] : memref<8x128xi32, #tpu.memory_space<vmem>> -> memref<1x128xi32, #tpu.memory_space<vmem>>
      %dma_wait3A_93 = tpu.memref_squeeze %dma_wait3A_92 : memref<1x128xi32, #tpu.memory_space<vmem>> -> memref<128xi32, #tpu.memory_space<vmem>>
      %dma_wait3A_94 = arith.constant 0 : i32
      %dma_wait3A_95 = arith.constant 0 : i32
      %dma_wait3A_96 = tpu.memref_slice %arg11[%dma_wait3A_94, %dma_wait3A_95] : memref<10240x128xf32, #tpu.memory_space<vmem_shared>> -> memref<10240x128xf32, #tpu.memory_space<vmem_shared>>
      tpu.wait_indirect_dma semaphore(%arg14 : memref<!tpu.dma_semaphore, #tpu.memory_space<semaphore_mem>>) src(%arg9 : memref<128x128xf32, #tpu.memory_space<vmem>>) dst(%dma_wait3A_96 : memref<10240x128xf32, #tpu.memory_space<vmem_shared>>)
      %dma_start3A_97 = arith.constant 2 : i32
      %dma_start3A_98 = arith.constant 0 : i32
      %dma_start3A_99 = tpu.memref_slice %arg7[%dma_start3A_97, %dma_start3A_98] : memref<8x128xi32, #tpu.memory_space<vmem>> -> memref<1x128xi32, #tpu.memory_space<vmem>>
      %dma_start3A_100 = tpu.memref_squeeze %dma_start3A_99 : memref<1x128xi32, #tpu.memory_space<vmem>> -> memref<128xi32, #tpu.memory_space<vmem>>
      %dma_start3A_101 = arith.constant 0 : i32
      %dma_start3A_102 = arith.constant 0 : i32
      %dma_start3A_103 = tpu.memref_slice %arg2[%dma_start3A_101, %dma_start3A_102] : memref<10240x128xf32, #tpu.memory_space<hbm>> -> memref<10240x128xf32, #tpu.memory_space<hbm>>
      tpu.enqueue_indirect_dma source(%dma_start3A_103 : memref<10240x128xf32, #tpu.memory_space<hbm>>) target(%arg9 : memref<128x128xf32, #tpu.memory_space<vmem>>) offsets(%dma_start3A_100 : memref<128xi32, #tpu.memory_space<vmem>>) semaphore(%arg12 : memref<!tpu.dma_semaphore, #tpu.memory_space<semaphore_mem>>)
      %dma_wait3A_104 = arith.constant 2 : i32
      %dma_wait3A_105 = arith.constant 0 : i32
      %dma_wait3A_106 = tpu.memref_slice %arg7[%dma_wait3A_104, %dma_wait3A_105] : memref<8x128xi32, #tpu.memory_space<vmem>> -> memref<1x128xi32, #tpu.memory_space<vmem>>
      %dma_wait3A_107 = tpu.memref_squeeze %dma_wait3A_106 : memref<1x128xi32, #tpu.memory_space<vmem>> -> memref<128xi32, #tpu.memory_space<vmem>>
      %dma_wait3A_108 = arith.constant 0 : i32
      %dma_wait3A_109 = arith.constant 0 : i32
      %dma_wait3A_110 = tpu.memref_slice %arg2[%dma_wait3A_108, %dma_wait3A_109] : memref<10240x128xf32, #tpu.memory_space<hbm>> -> memref<10240x128xf32, #tpu.memory_space<hbm>>
      tpu.wait_indirect_dma semaphore(%arg12 : memref<!tpu.dma_semaphore, #tpu.memory_space<semaphore_mem>>) src(%dma_wait3A_110 : memref<10240x128xf32, #tpu.memory_space<hbm>>) dst(%arg9 : memref<128x128xf32, #tpu.memory_space<vmem>>)
      %dma_start3A_111 = arith.constant 2 : i32
      %dma_start3A_112 = arith.constant 0 : i32
      %dma_start3A_113 = tpu.memref_slice %arg8[%dma_start3A_111, %dma_start3A_112] : memref<8x128xi32, #tpu.memory_space<vmem>> -> memref<1x128xi32, #tpu.memory_space<vmem>>
      %dma_start3A_114 = tpu.memref_squeeze %dma_start3A_113 : memref<1x128xi32, #tpu.memory_space<vmem>> -> memref<128xi32, #tpu.memory_space<vmem>>
      %dma_start3A_115 = arith.constant 0 : i32
      %dma_start3A_116 = arith.constant 0 : i32
      %dma_start3A_117 = tpu.memref_slice %arg11[%dma_start3A_115, %dma_start3A_116] : memref<10240x128xf32, #tpu.memory_space<vmem_shared>> -> memref<10240x128xf32, #tpu.memory_space<vmem_shared>>
      tpu.enqueue_indirect_dma source(%arg9 : memref<128x128xf32, #tpu.memory_space<vmem>>) target(%dma_start3A_117 : memref<10240x128xf32, #tpu.memory_space<vmem_shared>>) offsets(%dma_start3A_114 : memref<128xi32, #tpu.memory_space<vmem>>) semaphore(%arg14 : memref<!tpu.dma_semaphore, #tpu.memory_space<semaphore_mem>>) {add = true}
      %dma_wait3A_118 = arith.constant 1 : i32
      %dma_wait3A_119 = arith.constant 0 : i32
      %dma_wait3A_120 = tpu.memref_slice %arg8[%dma_wait3A_118, %dma_wait3A_119] : memref<8x128xi32, #tpu.memory_space<vmem>> -> memref<1x128xi32, #tpu.memory_space<vmem>>
      %dma_wait3A_121 = tpu.memref_squeeze %dma_wait3A_120 : memref<1x128xi32, #tpu.memory_space<vmem>> -> memref<128xi32, #tpu.memory_space<vmem>>
      %dma_wait3A_122 = arith.constant 0 : i32
      %dma_wait3A_123 = arith.constant 0 : i32
      %dma_wait3A_124 = tpu.memref_slice %arg11[%dma_wait3A_122, %dma_wait3A_123] : memref<10240x128xf32, #tpu.memory_space<vmem_shared>> -> memref<10240x128xf32, #tpu.memory_space<vmem_shared>>
      tpu.wait_indirect_dma semaphore(%arg15 : memref<!tpu.dma_semaphore, #tpu.memory_space<semaphore_mem>>) src(%arg10 : memref<128x128xf32, #tpu.memory_space<vmem>>) dst(%dma_wait3A_124 : memref<10240x128xf32, #tpu.memory_space<vmem_shared>>)
      %dma_start3A_125 = arith.constant 3 : i32
      %dma_start3A_126 = arith.constant 0 : i32
      %dma_start3A_127 = tpu.memref_slice %arg7[%dma_start3A_125, %dma_start3A_126] : memref<8x128xi32, #tpu.memory_space<vmem>> -> memref<1x128xi32, #tpu.memory_space<vmem>>
      %dma_start3A_128 = tpu.memref_squeeze %dma_start3A_127 : memref<1x128xi32, #tpu.memory_space<vmem>> -> memref<128xi32, #tpu.memory_space<vmem>>
      %dma_start3A_129 = arith.constant 0 : i32
      %dma_start3A_130 = arith.constant 0 : i32
      %dma_start3A_131 = tpu.memref_slice %arg2[%dma_start3A_129, %dma_start3A_130] : memref<10240x128xf32, #tpu.memory_space<hbm>> -> memref<10240x128xf32, #tpu.memory_space<hbm>>
      tpu.enqueue_indirect_dma source(%dma_start3A_131 : memref<10240x128xf32, #tpu.memory_space<hbm>>) target(%arg10 : memref<128x128xf32, #tpu.memory_space<vmem>>) offsets(%dma_start3A_128 : memref<128xi32, #tpu.memory_space<vmem>>) semaphore(%arg13 : memref<!tpu.dma_semaphore, #tpu.memory_space<semaphore_mem>>)
      %dma_wait3A_132 = arith.constant 3 : i32
      %dma_wait3A_133 = arith.constant 0 : i32
      %dma_wait3A_134 = tpu.memref_slice %arg7[%dma_wait3A_132, %dma_wait3A_133] : memref<8x128xi32, #tpu.memory_space<vmem>> -> memref<1x128xi32, #tpu.memory_space<vmem>>
      %dma_wait3A_135 = tpu.memref_squeeze %dma_wait3A_134 : memref<1x128xi32, #tpu.memory_space<vmem>> -> memref<128xi32, #tpu.memory_space<vmem>>
      %dma_wait3A_136 = arith.constant 0 : i32
      %dma_wait3A_137 = arith.constant 0 : i32
      %dma_wait3A_138 = tpu.memref_slice %arg2[%dma_wait3A_136, %dma_wait3A_137] : memref<10240x128xf32, #tpu.memory_space<hbm>> -> memref<10240x128xf32, #tpu.memory_space<hbm>>
      tpu.wait_indirect_dma semaphore(%arg13 : memref<!tpu.dma_semaphore, #tpu.memory_space<semaphore_mem>>) src(%dma_wait3A_138 : memref<10240x128xf32, #tpu.memory_space<hbm>>) dst(%arg10 : memref<128x128xf32, #tpu.memory_space<vmem>>)
      %dma_start3A_139 = arith.constant 3 : i32
      %dma_start3A_140 = arith.constant 0 : i32
      %dma_start3A_141 = tpu.memref_slice %arg8[%dma_start3A_139, %dma_start3A_140] : memref<8x128xi32, #tpu.memory_space<vmem>> -> memref<1x128xi32, #tpu.memory_space<vmem>>
      %dma_start3A_142 = tpu.memref_squeeze %dma_start3A_141 : memref<1x128xi32, #tpu.memory_space<vmem>> -> memref<128xi32, #tpu.memory_space<vmem>>
      %dma_start3A_143 = arith.constant 0 : i32
      %dma_start3A_144 = arith.constant 0 : i32
      %dma_start3A_145 = tpu.memref_slice %arg11[%dma_start3A_143, %dma_start3A_144] : memref<10240x128xf32, #tpu.memory_space<vmem_shared>> -> memref<10240x128xf32, #tpu.memory_space<vmem_shared>>
      tpu.enqueue_indirect_dma source(%arg10 : memref<128x128xf32, #tpu.memory_space<vmem>>) target(%dma_start3A_145 : memref<10240x128xf32, #tpu.memory_space<vmem_shared>>) offsets(%dma_start3A_142 : memref<128xi32, #tpu.memory_space<vmem>>) semaphore(%arg15 : memref<!tpu.dma_semaphore, #tpu.memory_space<semaphore_mem>>) {add = true}
      %dma_wait3A_146 = arith.constant 2 : i32
      %dma_wait3A_147 = arith.constant 0 : i32
      %dma_wait3A_148 = tpu.memref_slice %arg8[%dma_wait3A_146, %dma_wait3A_147] : memref<8x128xi32, #tpu.memory_space<vmem>> -> memref<1x128xi32, #tpu.memory_space<vmem>>
      %dma_wait3A_149 = tpu.memref_squeeze %dma_wait3A_148 : memref<1x128xi32, #tpu.memory_space<vmem>> -> memref<128xi32, #tpu.memory_space<vmem>>
      %dma_wait3A_150 = arith.constant 0 : i32
      %dma_wait3A_151 = arith.constant 0 : i32
      %dma_wait3A_152 = tpu.memref_slice %arg11[%dma_wait3A_150, %dma_wait3A_151] : memref<10240x128xf32, #tpu.memory_space<vmem_shared>> -> memref<10240x128xf32, #tpu.memory_space<vmem_shared>>
      tpu.wait_indirect_dma semaphore(%arg14 : memref<!tpu.dma_semaphore, #tpu.memory_space<semaphore_mem>>) src(%arg9 : memref<128x128xf32, #tpu.memory_space<vmem>>) dst(%dma_wait3A_152 : memref<10240x128xf32, #tpu.memory_space<vmem_shared>>)
      %dma_start3A_153 = arith.constant 4 : i32
      %dma_start3A_154 = arith.constant 0 : i32
      %dma_start3A_155 = tpu.memref_slice %arg7[%dma_start3A_153, %dma_start3A_154] : memref<8x128xi32, #tpu.memory_space<vmem>> -> memref<1x128xi32, #tpu.memory_space<vmem>>
      %dma_start3A_156 = tpu.memref_squeeze %dma_start3A_155 : memref<1x128xi32, #tpu.memory_space<vmem>> -> memref<128xi32, #tpu.memory_space<vmem>>
      %dma_start3A_157 = arith.constant 0 : i32
      %dma_start3A_158 = arith.constant 0 : i32
      %dma_start3A_159 = tpu.memref_slice %arg2[%dma_start3A_157, %dma_start3A_158] : memref<10240x128xf32, #tpu.memory_space<hbm>> -> memref<10240x128xf32, #tpu.memory_space<hbm>>
      tpu.enqueue_indirect_dma source(%dma_start3A_159 : memref<10240x128xf32, #tpu.memory_space<hbm>>) target(%arg9 : memref<128x128xf32, #tpu.memory_space<vmem>>) offsets(%dma_start3A_156 : memref<128xi32, #tpu.memory_space<vmem>>) semaphore(%arg12 : memref<!tpu.dma_semaphore, #tpu.memory_space<semaphore_mem>>)
      %dma_wait3A_160 = arith.constant 4 : i32
      %dma_wait3A_161 = arith.constant 0 : i32
      %dma_wait3A_162 = tpu.memref_slice %arg7[%dma_wait3A_160, %dma_wait3A_161] : memref<8x128xi32, #tpu.memory_space<vmem>> -> memref<1x128xi32, #tpu.memory_space<vmem>>
      %dma_wait3A_163 = tpu.memref_squeeze %dma_wait3A_162 : memref<1x128xi32, #tpu.memory_space<vmem>> -> memref<128xi32, #tpu.memory_space<vmem>>
      %dma_wait3A_164 = arith.constant 0 : i32
      %dma_wait3A_165 = arith.constant 0 : i32
      %dma_wait3A_166 = tpu.memref_slice %arg2[%dma_wait3A_164, %dma_wait3A_165] : memref<10240x128xf32, #tpu.memory_space<hbm>> -> memref<10240x128xf32, #tpu.memory_space<hbm>>
      tpu.wait_indirect_dma semaphore(%arg12 : memref<!tpu.dma_semaphore, #tpu.memory_space<semaphore_mem>>) src(%dma_wait3A_166 : memref<10240x128xf32, #tpu.memory_space<hbm>>) dst(%arg9 : memref<128x128xf32, #tpu.memory_space<vmem>>)
      %dma_start3A_167 = arith.constant 4 : i32
      %dma_start3A_168 = arith.constant 0 : i32
      %dma_start3A_169 = tpu.memref_slice %arg8[%dma_start3A_167, %dma_start3A_168] : memref<8x128xi32, #tpu.memory_space<vmem>> -> memref<1x128xi32, #tpu.memory_space<vmem>>
      %dma_start3A_170 = tpu.memref_squeeze %dma_start3A_169 : memref<1x128xi32, #tpu.memory_space<vmem>> -> memref<128xi32, #tpu.memory_space<vmem>>
      %dma_start3A_171 = arith.constant 0 : i32
      %dma_start3A_172 = arith.constant 0 : i32
      %dma_start3A_173 = tpu.memref_slice %arg11[%dma_start3A_171, %dma_start3A_172] : memref<10240x128xf32, #tpu.memory_space<vmem_shared>> -> memref<10240x128xf32, #tpu.memory_space<vmem_shared>>
      tpu.enqueue_indirect_dma source(%arg9 : memref<128x128xf32, #tpu.memory_space<vmem>>) target(%dma_start3A_173 : memref<10240x128xf32, #tpu.memory_space<vmem_shared>>) offsets(%dma_start3A_170 : memref<128xi32, #tpu.memory_space<vmem>>) semaphore(%arg14 : memref<!tpu.dma_semaphore, #tpu.memory_space<semaphore_mem>>) {add = true}
      %dma_wait3A_174 = arith.constant 3 : i32
      %dma_wait3A_175 = arith.constant 0 : i32
      %dma_wait3A_176 = tpu.memref_slice %arg8[%dma_wait3A_174, %dma_wait3A_175] : memref<8x128xi32, #tpu.memory_space<vmem>> -> memref<1x128xi32, #tpu.memory_space<vmem>>
      %dma_wait3A_177 = tpu.memref_squeeze %dma_wait3A_176 : memref<1x128xi32, #tpu.memory_space<vmem>> -> memref<128xi32, #tpu.memory_space<vmem>>
      %dma_wait3A_178 = arith.constant 0 : i32
      %dma_wait3A_179 = arith.constant 0 : i32
      %dma_wait3A_180 = tpu.memref_slice %arg11[%dma_wait3A_178, %dma_wait3A_179] : memref<10240x128xf32, #tpu.memory_space<vmem_shared>> -> memref<10240x128xf32, #tpu.memory_space<vmem_shared>>
      tpu.wait_indirect_dma semaphore(%arg15 : memref<!tpu.dma_semaphore, #tpu.memory_space<semaphore_mem>>) src(%arg10 : memref<128x128xf32, #tpu.memory_space<vmem>>) dst(%dma_wait3A_180 : memref<10240x128xf32, #tpu.memory_space<vmem_shared>>)
      %dma_start3A_181 = arith.constant 5 : i32
      %dma_start3A_182 = arith.constant 0 : i32
      %dma_start3A_183 = tpu.memref_slice %arg7[%dma_start3A_181, %dma_start3A_182] : memref<8x128xi32, #tpu.memory_space<vmem>> -> memref<1x128xi32, #tpu.memory_space<vmem>>
      %dma_start3A_184 = tpu.memref_squeeze %dma_start3A_183 : memref<1x128xi32, #tpu.memory_space<vmem>> -> memref<128xi32, #tpu.memory_space<vmem>>
      %dma_start3A_185 = arith.constant 0 : i32
      %dma_start3A_186 = arith.constant 0 : i32
      %dma_start3A_187 = tpu.memref_slice %arg2[%dma_start3A_185, %dma_start3A_186] : memref<10240x128xf32, #tpu.memory_space<hbm>> -> memref<10240x128xf32, #tpu.memory_space<hbm>>
      tpu.enqueue_indirect_dma source(%dma_start3A_187 : memref<10240x128xf32, #tpu.memory_space<hbm>>) target(%arg10 : memref<128x128xf32, #tpu.memory_space<vmem>>) offsets(%dma_start3A_184 : memref<128xi32, #tpu.memory_space<vmem>>) semaphore(%arg13 : memref<!tpu.dma_semaphore, #tpu.memory_space<semaphore_mem>>)
      %dma_wait3A_188 = arith.constant 5 : i32
      %dma_wait3A_189 = arith.constant 0 : i32
      %dma_wait3A_190 = tpu.memref_slice %arg7[%dma_wait3A_188, %dma_wait3A_189] : memref<8x128xi32, #tpu.memory_space<vmem>> -> memref<1x128xi32, #tpu.memory_space<vmem>>
      %dma_wait3A_191 = tpu.memref_squeeze %dma_wait3A_190 : memref<1x128xi32, #tpu.memory_space<vmem>> -> memref<128xi32, #tpu.memory_space<vmem>>
      %dma_wait3A_192 = arith.constant 0 : i32
      %dma_wait3A_193 = arith.constant 0 : i32
      %dma_wait3A_194 = tpu.memref_slice %arg2[%dma_wait3A_192, %dma_wait3A_193] : memref<10240x128xf32, #tpu.memory_space<hbm>> -> memref<10240x128xf32, #tpu.memory_space<hbm>>
      tpu.wait_indirect_dma semaphore(%arg13 : memref<!tpu.dma_semaphore, #tpu.memory_space<semaphore_mem>>) src(%dma_wait3A_194 : memref<10240x128xf32, #tpu.memory_space<hbm>>) dst(%arg10 : memref<128x128xf32, #tpu.memory_space<vmem>>)
      %dma_start3A_195 = arith.constant 5 : i32
      %dma_start3A_196 = arith.constant 0 : i32
      %dma_start3A_197 = tpu.memref_slice %arg8[%dma_start3A_195, %dma_start3A_196] : memref<8x128xi32, #tpu.memory_space<vmem>> -> memref<1x128xi32, #tpu.memory_space<vmem>>
      %dma_start3A_198 = tpu.memref_squeeze %dma_start3A_197 : memref<1x128xi32, #tpu.memory_space<vmem>> -> memref<128xi32, #tpu.memory_space<vmem>>
      %dma_start3A_199 = arith.constant 0 : i32
      %dma_start3A_200 = arith.constant 0 : i32
      %dma_start3A_201 = tpu.memref_slice %arg11[%dma_start3A_199, %dma_start3A_200] : memref<10240x128xf32, #tpu.memory_space<vmem_shared>> -> memref<10240x128xf32, #tpu.memory_space<vmem_shared>>
      tpu.enqueue_indirect_dma source(%arg10 : memref<128x128xf32, #tpu.memory_space<vmem>>) target(%dma_start3A_201 : memref<10240x128xf32, #tpu.memory_space<vmem_shared>>) offsets(%dma_start3A_198 : memref<128xi32, #tpu.memory_space<vmem>>) semaphore(%arg15 : memref<!tpu.dma_semaphore, #tpu.memory_space<semaphore_mem>>) {add = true}
      %dma_wait3A_202 = arith.constant 4 : i32
      %dma_wait3A_203 = arith.constant 0 : i32
      %dma_wait3A_204 = tpu.memref_slice %arg8[%dma_wait3A_202, %dma_wait3A_203] : memref<8x128xi32, #tpu.memory_space<vmem>> -> memref<1x128xi32, #tpu.memory_space<vmem>>
      %dma_wait3A_205 = tpu.memref_squeeze %dma_wait3A_204 : memref<1x128xi32, #tpu.memory_space<vmem>> -> memref<128xi32, #tpu.memory_space<vmem>>
      %dma_wait3A_206 = arith.constant 0 : i32
      %dma_wait3A_207 = arith.constant 0 : i32
      %dma_wait3A_208 = tpu.memref_slice %arg11[%dma_wait3A_206, %dma_wait3A_207] : memref<10240x128xf32, #tpu.memory_space<vmem_shared>> -> memref<10240x128xf32, #tpu.memory_space<vmem_shared>>
      tpu.wait_indirect_dma semaphore(%arg14 : memref<!tpu.dma_semaphore, #tpu.memory_space<semaphore_mem>>) src(%arg9 : memref<128x128xf32, #tpu.memory_space<vmem>>) dst(%dma_wait3A_208 : memref<10240x128xf32, #tpu.memory_space<vmem_shared>>)
      %dma_start3A_209 = arith.constant 6 : i32
      %dma_start3A_210 = arith.constant 0 : i32
      %dma_start3A_211 = tpu.memref_slice %arg7[%dma_start3A_209, %dma_start3A_210] : memref<8x128xi32, #tpu.memory_space<vmem>> -> memref<1x128xi32, #tpu.memory_space<vmem>>
      %dma_start3A_212 = tpu.memref_squeeze %dma_start3A_211 : memref<1x128xi32, #tpu.memory_space<vmem>> -> memref<128xi32, #tpu.memory_space<vmem>>
      %dma_start3A_213 = arith.constant 0 : i32
      %dma_start3A_214 = arith.constant 0 : i32
      %dma_start3A_215 = tpu.memref_slice %arg2[%dma_start3A_213, %dma_start3A_214] : memref<10240x128xf32, #tpu.memory_space<hbm>> -> memref<10240x128xf32, #tpu.memory_space<hbm>>
      tpu.enqueue_indirect_dma source(%dma_start3A_215 : memref<10240x128xf32, #tpu.memory_space<hbm>>) target(%arg9 : memref<128x128xf32, #tpu.memory_space<vmem>>) offsets(%dma_start3A_212 : memref<128xi32, #tpu.memory_space<vmem>>) semaphore(%arg12 : memref<!tpu.dma_semaphore, #tpu.memory_space<semaphore_mem>>)
      %dma_wait3A_216 = arith.constant 6 : i32
      %dma_wait3A_217 = arith.constant 0 : i32
      %dma_wait3A_218 = tpu.memref_slice %arg7[%dma_wait3A_216, %dma_wait3A_217] : memref<8x128xi32, #tpu.memory_space<vmem>> -> memref<1x128xi32, #tpu.memory_space<vmem>>
      %dma_wait3A_219 = tpu.memref_squeeze %dma_wait3A_218 : memref<1x128xi32, #tpu.memory_space<vmem>> -> memref<128xi32, #tpu.memory_space<vmem>>
      %dma_wait3A_220 = arith.constant 0 : i32
      %dma_wait3A_221 = arith.constant 0 : i32
      %dma_wait3A_222 = tpu.memref_slice %arg2[%dma_wait3A_220, %dma_wait3A_221] : memref<10240x128xf32, #tpu.memory_space<hbm>> -> memref<10240x128xf32, #tpu.memory_space<hbm>>
      tpu.wait_indirect_dma semaphore(%arg12 : memref<!tpu.dma_semaphore, #tpu.memory_space<semaphore_mem>>) src(%dma_wait3A_222 : memref<10240x128xf32, #tpu.memory_space<hbm>>) dst(%arg9 : memref<128x128xf32, #tpu.memory_space<vmem>>)
      %dma_start3A_223 = arith.constant 6 : i32
      %dma_start3A_224 = arith.constant 0 : i32
      %dma_start3A_225 = tpu.memref_slice %arg8[%dma_start3A_223, %dma_start3A_224] : memref<8x128xi32, #tpu.memory_space<vmem>> -> memref<1x128xi32, #tpu.memory_space<vmem>>
      %dma_start3A_226 = tpu.memref_squeeze %dma_start3A_225 : memref<1x128xi32, #tpu.memory_space<vmem>> -> memref<128xi32, #tpu.memory_space<vmem>>
      %dma_start3A_227 = arith.constant 0 : i32
      %dma_start3A_228 = arith.constant 0 : i32
      %dma_start3A_229 = tpu.memref_slice %arg11[%dma_start3A_227, %dma_start3A_228] : memref<10240x128xf32, #tpu.memory_space<vmem_shared>> -> memref<10240x128xf32, #tpu.memory_space<vmem_shared>>
      tpu.enqueue_indirect_dma source(%arg9 : memref<128x128xf32, #tpu.memory_space<vmem>>) target(%dma_start3A_229 : memref<10240x128xf32, #tpu.memory_space<vmem_shared>>) offsets(%dma_start3A_226 : memref<128xi32, #tpu.memory_space<vmem>>) semaphore(%arg14 : memref<!tpu.dma_semaphore, #tpu.memory_space<semaphore_mem>>) {add = true}
      %dma_wait3A_230 = arith.constant 5 : i32
      %dma_wait3A_231 = arith.constant 0 : i32
      %dma_wait3A_232 = tpu.memref_slice %arg8[%dma_wait3A_230, %dma_wait3A_231] : memref<8x128xi32, #tpu.memory_space<vmem>> -> memref<1x128xi32, #tpu.memory_space<vmem>>
      %dma_wait3A_233 = tpu.memref_squeeze %dma_wait3A_232 : memref<1x128xi32, #tpu.memory_space<vmem>> -> memref<128xi32, #tpu.memory_space<vmem>>
      %dma_wait3A_234 = arith.constant 0 : i32
      %dma_wait3A_235 = arith.constant 0 : i32
      %dma_wait3A_236 = tpu.memref_slice %arg11[%dma_wait3A_234, %dma_wait3A_235] : memref<10240x128xf32, #tpu.memory_space<vmem_shared>> -> memref<10240x128xf32, #tpu.memory_space<vmem_shared>>
      tpu.wait_indirect_dma semaphore(%arg15 : memref<!tpu.dma_semaphore, #tpu.memory_space<semaphore_mem>>) src(%arg10 : memref<128x128xf32, #tpu.memory_space<vmem>>) dst(%dma_wait3A_236 : memref<10240x128xf32, #tpu.memory_space<vmem_shared>>)
      %dma_start3A_237 = arith.constant 7 : i32
      %dma_start3A_238 = arith.constant 0 : i32
      %dma_start3A_239 = tpu.memref_slice %arg7[%dma_start3A_237, %dma_start3A_238] : memref<8x128xi32, #tpu.memory_space<vmem>> -> memref<1x128xi32, #tpu.memory_space<vmem>>
      %dma_start3A_240 = tpu.memref_squeeze %dma_start3A_239 : memref<1x128xi32, #tpu.memory_space<vmem>> -> memref<128xi32, #tpu.memory_space<vmem>>
      %dma_start3A_241 = arith.constant 0 : i32
      %dma_start3A_242 = arith.constant 0 : i32
      %dma_start3A_243 = tpu.memref_slice %arg2[%dma_start3A_241, %dma_start3A_242] : memref<10240x128xf32, #tpu.memory_space<hbm>> -> memref<10240x128xf32, #tpu.memory_space<hbm>>
      tpu.enqueue_indirect_dma source(%dma_start3A_243 : memref<10240x128xf32, #tpu.memory_space<hbm>>) target(%arg10 : memref<128x128xf32, #tpu.memory_space<vmem>>) offsets(%dma_start3A_240 : memref<128xi32, #tpu.memory_space<vmem>>) semaphore(%arg13 : memref<!tpu.dma_semaphore, #tpu.memory_space<semaphore_mem>>)
      %dma_wait3A_244 = arith.constant 7 : i32
      %dma_wait3A_245 = arith.constant 0 : i32
      %dma_wait3A_246 = tpu.memref_slice %arg7[%dma_wait3A_244, %dma_wait3A_245] : memref<8x128xi32, #tpu.memory_space<vmem>> -> memref<1x128xi32, #tpu.memory_space<vmem>>
      %dma_wait3A_247 = tpu.memref_squeeze %dma_wait3A_246 : memref<1x128xi32, #tpu.memory_space<vmem>> -> memref<128xi32, #tpu.memory_space<vmem>>
      %dma_wait3A_248 = arith.constant 0 : i32
      %dma_wait3A_249 = arith.constant 0 : i32
      %dma_wait3A_250 = tpu.memref_slice %arg2[%dma_wait3A_248, %dma_wait3A_249] : memref<10240x128xf32, #tpu.memory_space<hbm>> -> memref<10240x128xf32, #tpu.memory_space<hbm>>
      tpu.wait_indirect_dma semaphore(%arg13 : memref<!tpu.dma_semaphore, #tpu.memory_space<semaphore_mem>>) src(%dma_wait3A_250 : memref<10240x128xf32, #tpu.memory_space<hbm>>) dst(%arg10 : memref<128x128xf32, #tpu.memory_space<vmem>>)
      %dma_start3A_251 = arith.constant 7 : i32
      %dma_start3A_252 = arith.constant 0 : i32
      %dma_start3A_253 = tpu.memref_slice %arg8[%dma_start3A_251, %dma_start3A_252] : memref<8x128xi32, #tpu.memory_space<vmem>> -> memref<1x128xi32, #tpu.memory_space<vmem>>
      %dma_start3A_254 = tpu.memref_squeeze %dma_start3A_253 : memref<1x128xi32, #tpu.memory_space<vmem>> -> memref<128xi32, #tpu.memory_space<vmem>>
      %dma_start3A_255 = arith.constant 0 : i32
      %dma_start3A_256 = arith.constant 0 : i32
      %dma_start3A_257 = tpu.memref_slice %arg11[%dma_start3A_255, %dma_start3A_256] : memref<10240x128xf32, #tpu.memory_space<vmem_shared>> -> memref<10240x128xf32, #tpu.memory_space<vmem_shared>>
      tpu.enqueue_indirect_dma source(%arg10 : memref<128x128xf32, #tpu.memory_space<vmem>>) target(%dma_start3A_257 : memref<10240x128xf32, #tpu.memory_space<vmem_shared>>) offsets(%dma_start3A_254 : memref<128xi32, #tpu.memory_space<vmem>>) semaphore(%arg15 : memref<!tpu.dma_semaphore, #tpu.memory_space<semaphore_mem>>) {add = true}
      %dma_wait3A_258 = arith.constant 6 : i32
      %dma_wait3A_259 = arith.constant 0 : i32
      %dma_wait3A_260 = tpu.memref_slice %arg8[%dma_wait3A_258, %dma_wait3A_259] : memref<8x128xi32, #tpu.memory_space<vmem>> -> memref<1x128xi32, #tpu.memory_space<vmem>>
      %dma_wait3A_261 = tpu.memref_squeeze %dma_wait3A_260 : memref<1x128xi32, #tpu.memory_space<vmem>> -> memref<128xi32, #tpu.memory_space<vmem>>
      %dma_wait3A_262 = arith.constant 0 : i32
      %dma_wait3A_263 = arith.constant 0 : i32
      %dma_wait3A_264 = tpu.memref_slice %arg11[%dma_wait3A_262, %dma_wait3A_263] : memref<10240x128xf32, #tpu.memory_space<vmem_shared>> -> memref<10240x128xf32, #tpu.memory_space<vmem_shared>>
      tpu.wait_indirect_dma semaphore(%arg14 : memref<!tpu.dma_semaphore, #tpu.memory_space<semaphore_mem>>) src(%arg9 : memref<128x128xf32, #tpu.memory_space<vmem>>) dst(%dma_wait3A_264 : memref<10240x128xf32, #tpu.memory_space<vmem_shared>>)
      %dma_wait3A_265 = arith.constant 7 : i32
      %dma_wait3A_266 = arith.constant 0 : i32
      %dma_wait3A_267 = tpu.memref_slice %arg8[%dma_wait3A_265, %dma_wait3A_266] : memref<8x128xi32, #tpu.memory_space<vmem>> -> memref<1x128xi32, #tpu.memory_space<vmem>>
      %dma_wait3A_268 = tpu.memref_squeeze %dma_wait3A_267 : memref<1x128xi32, #tpu.memory_space<vmem>> -> memref<128xi32, #tpu.memory_space<vmem>>
      %dma_wait3A_269 = arith.constant 0 : i32
      %dma_wait3A_270 = arith.constant 0 : i32
      %dma_wait3A_271 = tpu.memref_slice %arg11[%dma_wait3A_269, %dma_wait3A_270] : memref<10240x128xf32, #tpu.memory_space<vmem_shared>> -> memref<10240x128xf32, #tpu.memory_space<vmem_shared>>
      tpu.wait_indirect_dma semaphore(%arg15 : memref<!tpu.dma_semaphore, #tpu.memory_space<semaphore_mem>>) src(%arg10 : memref<128x128xf32, #tpu.memory_space<vmem>>) dst(%dma_wait3A_271 : memref<10240x128xf32, #tpu.memory_space<vmem_shared>>)
    }
    %barrier3A_38 = arith.constant 0 : index
    tpu.barrier barrier_id(%barrier3A_38)
    %mul3A_39 = arith.constant 640 : i32
    %mul3A_40 = arith.muli %arg1, %mul3A_39 : i32
    %mul3A_41 = arith.constant 640 : i32
    %mul3A_42 = arith.muli %arg1, %mul3A_41 : i32
    "tpu.region"() ({
      %run_scoped3A = tpu.sem_alloc : memref<!tpu.dma_semaphore, #tpu.memory_space<semaphore_mem>>
      %dma_start3A = arith.constant 0 : i32
      %dma_start3A_43 = tpu.memref_slice %arg6[%arg0, %mul3A_42, %dma_start3A] : memref<2x10240x128xf32, #tpu.memory_space<hbm>> -> memref<1x640x128xf32, #tpu.memory_space<hbm>>
      %dma_start3A_44 = tpu.memref_squeeze %dma_start3A_43 : memref<1x640x128xf32, #tpu.memory_space<hbm>> -> memref<640x128xf32, #tpu.memory_space<hbm>>
      %dma_start3A_45 = arith.constant 0 : i32
      %dma_start3A_46 = tpu.memref_slice %arg11[%mul3A_40, %dma_start3A_45] : memref<10240x128xf32, #tpu.memory_space<vmem_shared>> -> memref<640x128xf32, #tpu.memory_space<vmem_shared>>
      tpu.enqueue_dma source(%dma_start3A_46 : memref<640x128xf32, #tpu.memory_space<vmem_shared>>) target(%dma_start3A_44 : memref<640x128xf32, #tpu.memory_space<hbm>>) target_semaphore(%run_scoped3A : memref<!tpu.dma_semaphore, #tpu.memory_space<semaphore_mem>>)
      %dma_wait3A = arith.constant 0 : i32
      %dma_wait3A_47 = tpu.memref_slice %arg6[%arg0, %mul3A_42, %dma_wait3A] : memref<2x10240x128xf32, #tpu.memory_space<hbm>> -> memref<1x640x128xf32, #tpu.memory_space<hbm>>
      %dma_wait3A_48 = tpu.memref_squeeze %dma_wait3A_47 : memref<1x640x128xf32, #tpu.memory_space<hbm>> -> memref<640x128xf32, #tpu.memory_space<hbm>>
      %dma_wait3A_49 = arith.constant 0 : i32
      %dma_wait3A_50 = tpu.memref_slice %arg11[%mul3A_40, %dma_wait3A_49] : memref<10240x128xf32, #tpu.memory_space<vmem_shared>> -> memref<640x128xf32, #tpu.memory_space<vmem_shared>>
      tpu.wait_dma2 semaphore(%run_scoped3A : memref<!tpu.dma_semaphore, #tpu.memory_space<semaphore_mem>>) src(%dma_wait3A_50 : memref<640x128xf32, #tpu.memory_space<vmem_shared>>) dst(%dma_wait3A_48 : memref<640x128xf32, #tpu.memory_space<hbm>>)
      tpu.yield
    }) : () -> ()
    return
  }
}

module attributes {stable_mosaic.version = 14 : i64} {
  func.func @_layer1_body(%arg0: i32, %arg1: memref<256x128xf32, #tpu.memory_space<vmem>>, %arg2: memref<256x128xf32, #tpu.memory_space<vmem>>, %arg3: memref<256x128xf32, #tpu.memory_space<vmem>>, %arg4: memref<128x96xf32, #tpu.memory_space<vmem>>, %arg5: memref<128x96xf32, #tpu.memory_space<vmem>>, %arg6: memref<1x96xf32, #tpu.memory_space<vmem>>, %arg7: memref<256x128xf32, #tpu.memory_space<vmem>>) attributes {dimension_semantics = [#tpu.dimension_semantics<arbitrary>], iteration_bounds = array<i64: 40>, scalar_prefetch = 0 : i64, scratch_operands = 0 : i64, tpu.core_type = #tpu.core_type<tc>, window_params = [{transform_indices = @transform_0, window_bounds = array<i64: 256, 128>}, {transform_indices = @transform_1, window_bounds = array<i64: 256, 128>}, {transform_indices = @transform_2, window_bounds = array<i64: 256, 128>}, {pipeline_mode = #tpu.pipeline_mode<synchronous>, transform_indices = @transform_3, window_bounds = array<i64: 128, 96>}, {pipeline_mode = #tpu.pipeline_mode<synchronous>, transform_indices = @transform_4, window_bounds = array<i64: 128, 96>}, {pipeline_mode = #tpu.pipeline_mode<synchronous>, transform_indices = @transform_5, window_bounds = array<i64: 1, 96>}, {transform_indices = @transform_6, window_bounds = array<i64: 256, 128>}]} {
    %get3A = arith.constant 0 : index
    %get3A_0 = arith.constant 0 : index
    %get3A_1 = vector.load %arg2[%get3A, %get3A_0] : memref<256x128xf32, #tpu.memory_space<vmem>>, vector<256x128xf32>
    %get3A_2 = arith.constant 0 : index
    %get3A_3 = arith.constant 0 : index
    %get3A_4 = vector.load %arg3[%get3A_2, %get3A_3] : memref<256x128xf32, #tpu.memory_space<vmem>>, vector<256x128xf32>
    %add3A = arith.addf %get3A_1, %get3A_4 : vector<256x128xf32>
    %get3A_5 = arith.constant 0 : index
    %get3A_6 = arith.constant 0 : index
    %get3A_7 = vector.load %arg1[%get3A_5, %get3A_6] : memref<256x128xf32, #tpu.memory_space<vmem>>, vector<256x128xf32>
    %get3A_8 = arith.constant 0 : index
    %get3A_9 = arith.constant 0 : index
    %get3A_10 = vector.load %arg4[%get3A_8, %get3A_9] : memref<128x96xf32, #tpu.memory_space<vmem>>, vector<128x96xf32>
    %dot_general3A = arith.constant dense<0.000000e+00> : vector<256x96xf32>
    %dot_general3A_11 = tpu.matmul %get3A_7, %get3A_10, %dot_general3A {dimension_numbers = #tpu.dot_dimension_numbers<[1], [0], [0], [1], [0, 0, 1, 1], [], []>, transpose_lhs_hint = false} : vector<256x128xf32>, vector<128x96xf32>, vector<256x96xf32> -> vector<256x96xf32>
    %get3A_12 = arith.constant 0 : index
    %get3A_13 = arith.constant 0 : index
    %get3A_14 = vector.load %arg5[%get3A_12, %get3A_13] : memref<128x96xf32, #tpu.memory_space<vmem>>, vector<128x96xf32>
    %dot_general3A_15 = arith.constant dense<0.000000e+00> : vector<256x96xf32>
    %dot_general3A_16 = tpu.matmul %add3A, %get3A_14, %dot_general3A_15 {dimension_numbers = #tpu.dot_dimension_numbers<[1], [0], [0], [1], [0, 0, 1, 1], [], []>, transpose_lhs_hint = false} : vector<256x128xf32>, vector<128x96xf32>, vector<256x96xf32> -> vector<256x96xf32>
    %add3A_17 = arith.addf %dot_general3A_11, %dot_general3A_16 : vector<256x96xf32>
    %get3A_18 = arith.constant 0 : index
    %get3A_19 = arith.constant 0 : index
    %get3A_20 = vector.load %arg6[%get3A_18, %get3A_19] : memref<1x96xf32, #tpu.memory_space<vmem>>, vector<1x96xf32>
    %add3A_21 = vector.broadcast %get3A_20 : vector<1x96xf32> to vector<256x96xf32>
    %add3A_22 = arith.addf %add3A_17, %add3A_21 : vector<256x96xf32>
    %max3A = arith.constant 0.000000e+00 : f32
    %max3A_23 = vector.broadcast %max3A : f32 to vector<256x96xf32>
    %max3A_24 = arith.maximumf %add3A_22, %max3A_23 : vector<256x96xf32>
    %broadcast_in_dim3A = arith.constant 0.000000e+00 : f32
    %broadcast_in_dim3A_25 = vector.broadcast %broadcast_in_dim3A : f32 to vector<256x31xf32>
    %broadcast_in_dim3A_26 = arith.constant 1.000000e+00 : f32
    %broadcast_in_dim3A_27 = vector.broadcast %broadcast_in_dim3A_26 : f32 to vector<256x1xf32>
    %concatenate3A = tpu.concatenate %max3A_24, %broadcast_in_dim3A_25, %broadcast_in_dim3A_27 in 1 : vector<256x96xf32>, vector<256x31xf32>, vector<256x1xf32> -> vector<256x128xf32>
    %swap3A = arith.constant 0 : index
    %swap3A_28 = arith.constant 0 : index
    %swap3A_29 = vector.load %arg7[%swap3A, %swap3A_28] : memref<256x128xf32, #tpu.memory_space<vmem>>, vector<256x128xf32>
    tpu.vector_store %arg7[%swap3A, %swap3A_28], %concatenate3A {strides = array<i32>} : memref<256x128xf32, #tpu.memory_space<vmem>>, vector<256x128xf32>,
    return
  }
  func.func @transform_0(%arg0: i32) -> (i32, i32) {
    %c0_i32 = arith.constant 0 : i32
    %c0_i32_0 = arith.constant 0 : i32
    return %arg0, %c0_i32 : i32, i32
  }
  func.func @transform_1(%arg0: i32) -> (i32, i32) {
    %c0_i32 = arith.constant 0 : i32
    %c0_i32_0 = arith.constant 0 : i32
    return %arg0, %c0_i32 : i32, i32
  }
  func.func @transform_2(%arg0: i32) -> (i32, i32) {
    %c0_i32 = arith.constant 0 : i32
    %c0_i32_0 = arith.constant 0 : i32
    return %arg0, %c0_i32 : i32, i32
  }
  func.func @transform_3(%arg0: i32) -> (i32, i32) {
    %c0_i32 = arith.constant 0 : i32
    %c0_i32_0 = arith.constant 0 : i32
    %c0_i32_1 = arith.constant 0 : i32
    return %c0_i32, %c0_i32_0 : i32, i32
  }
  func.func @transform_4(%arg0: i32) -> (i32, i32) {
    %c0_i32 = arith.constant 0 : i32
    %c0_i32_0 = arith.constant 0 : i32
    %c0_i32_1 = arith.constant 0 : i32
    return %c0_i32, %c0_i32_0 : i32, i32
  }
  func.func @transform_5(%arg0: i32) -> (i32, i32) {
    %c0_i32 = arith.constant 0 : i32
    %c0_i32_0 = arith.constant 0 : i32
    %c0_i32_1 = arith.constant 0 : i32
    return %c0_i32, %c0_i32_0 : i32, i32
  }
  func.func @transform_6(%arg0: i32) -> (i32, i32) {
    %c0_i32 = arith.constant 0 : i32
    %c0_i32_0 = arith.constant 0 : i32
    return %arg0, %c0_i32 : i32, i32
  }
}

module attributes {stable_mosaic.version = 14 : i64} {
  func.func @_layer2_body(%arg0: i32, %arg1: memref<256x128xf32, #tpu.memory_space<vmem>>, %arg2: memref<256x128xf32, #tpu.memory_space<vmem>>, %arg3: memref<256x128xf32, #tpu.memory_space<vmem>>, %arg4: memref<96x64xf32, #tpu.memory_space<vmem>>, %arg5: memref<96x64xf32, #tpu.memory_space<vmem>>, %arg6: memref<1x64xf32, #tpu.memory_space<vmem>>, %arg7: memref<256x128xf32, #tpu.memory_space<vmem>>, %arg8: memref<256x16xf32, #tpu.memory_space<vmem>>) attributes {dimension_semantics = [#tpu.dimension_semantics<arbitrary>], iteration_bounds = array<i64: 40>, scalar_prefetch = 0 : i64, scratch_operands = 0 : i64, tpu.core_type = #tpu.core_type<tc>, window_params = [{transform_indices = @transform_0, window_bounds = array<i64: 256, 128>}, {transform_indices = @transform_1, window_bounds = array<i64: 256, 128>}, {transform_indices = @transform_2, window_bounds = array<i64: 256, 128>}, {pipeline_mode = #tpu.pipeline_mode<synchronous>, transform_indices = @transform_3, window_bounds = array<i64: 96, 64>}, {pipeline_mode = #tpu.pipeline_mode<synchronous>, transform_indices = @transform_4, window_bounds = array<i64: 96, 64>}, {pipeline_mode = #tpu.pipeline_mode<synchronous>, transform_indices = @transform_5, window_bounds = array<i64: 1, 64>}, {transform_indices = @transform_6, window_bounds = array<i64: 256, 128>}, {transform_indices = @transform_7, window_bounds = array<i64: 256, 16>}]} {
    %get3A = arith.constant 0 : index
    %get3A_0 = arith.constant 0 : index
    %get3A_1 = vector.load %arg2[%get3A, %get3A_0] : memref<256x128xf32, #tpu.memory_space<vmem>>, vector<256x96xf32>
    %get3A_2 = arith.constant 0 : index
    %get3A_3 = arith.constant 0 : index
    %get3A_4 = vector.load %arg3[%get3A_2, %get3A_3] : memref<256x128xf32, #tpu.memory_space<vmem>>, vector<256x96xf32>
    %add3A = arith.addf %get3A_1, %get3A_4 : vector<256x96xf32>
    %get3A_5 = arith.constant 0 : index
    %get3A_6 = arith.constant 0 : index
    %get3A_7 = vector.load %arg1[%get3A_5, %get3A_6] : memref<256x128xf32, #tpu.memory_space<vmem>>, vector<256x96xf32>
    %get3A_8 = arith.constant 0 : index
    %get3A_9 = arith.constant 0 : index
    %get3A_10 = vector.load %arg4[%get3A_8, %get3A_9] : memref<96x64xf32, #tpu.memory_space<vmem>>, vector<96x64xf32>
    %dot_general3A = arith.constant dense<0.000000e+00> : vector<256x64xf32>
    %dot_general3A_11 = tpu.matmul %get3A_7, %get3A_10, %dot_general3A {dimension_numbers = #tpu.dot_dimension_numbers<[1], [0], [0], [1], [0, 0, 1, 1], [], []>, transpose_lhs_hint = false} : vector<256x96xf32>, vector<96x64xf32>, vector<256x64xf32> -> vector<256x64xf32>
    %get3A_12 = arith.constant 0 : index
    %get3A_13 = arith.constant 0 : index
    %get3A_14 = vector.load %arg5[%get3A_12, %get3A_13] : memref<96x64xf32, #tpu.memory_space<vmem>>, vector<96x64xf32>
    %dot_general3A_15 = arith.constant dense<0.000000e+00> : vector<256x64xf32>
    %dot_general3A_16 = tpu.matmul %add3A, %get3A_14, %dot_general3A_15 {dimension_numbers = #tpu.dot_dimension_numbers<[1], [0], [0], [1], [0, 0, 1, 1], [], []>, transpose_lhs_hint = false} : vector<256x96xf32>, vector<96x64xf32>, vector<256x64xf32> -> vector<256x64xf32>
    %add3A_17 = arith.addf %dot_general3A_11, %dot_general3A_16 : vector<256x64xf32>
    %get3A_18 = arith.constant 0 : index
    %get3A_19 = arith.constant 0 : index
    %get3A_20 = vector.load %arg6[%get3A_18, %get3A_19] : memref<1x64xf32, #tpu.memory_space<vmem>>, vector<1x64xf32>
    %add3A_21 = vector.broadcast %get3A_20 : vector<1x64xf32> to vector<256x64xf32>
    %add3A_22 = arith.addf %add3A_17, %add3A_21 : vector<256x64xf32>
    %max3A = arith.constant 0.000000e+00 : f32
    %max3A_23 = vector.broadcast %max3A : f32 to vector<256x64xf32>
    %max3A_24 = arith.maximumf %add3A_22, %max3A_23 : vector<256x64xf32>
    %get3A_25 = arith.constant 0 : index
    %get3A_26 = arith.constant 127 : index
    %get3A_27 = vector.load %arg2[%get3A_25, %get3A_26] : memref<256x128xf32, #tpu.memory_space<vmem>>, vector<256x1xf32>
    %get3A_28 = arith.constant 0 : index
    %get3A_29 = arith.constant 127 : index
    %get3A_30 = vector.load %arg3[%get3A_28, %get3A_29] : memref<256x128xf32, #tpu.memory_space<vmem>>, vector<256x1xf32>
    %add3A_31 = arith.addf %get3A_27, %get3A_30 : vector<256x1xf32>
    %add3A_32 = arith.constant 1.000000e+00 : f32
    %add3A_33 = vector.broadcast %add3A_32 : f32 to vector<256x1xf32>
    %add3A_34 = arith.addf %add3A_31, %add3A_33 : vector<256x1xf32>
    %rsqrt3A = math.rsqrt %add3A_34 : vector<256x1xf32>
    %broadcast_in_dim3A = vector.shape_cast %rsqrt3A : vector<256x1xf32> to vector<256x1xf32>
    %broadcast_in_dim3A_35 = vector.broadcast %broadcast_in_dim3A : vector<256x1xf32> to vector<256x16xf32>
    %swap3A = arith.constant 0 : index
    %swap3A_36 = arith.constant 0 : index
    %swap3A_37 = vector.load %arg8[%swap3A, %swap3A_36] : memref<256x16xf32, #tpu.memory_space<vmem>>, vector<256x16xf32>
    tpu.vector_store %arg8[%swap3A, %swap3A_36], %broadcast_in_dim3A_35 {strides = array<i32>} : memref<256x16xf32, #tpu.memory_space<vmem>>, vector<256x16xf32>,
    %slice3A = vector.extract_strided_slice %broadcast_in_dim3A_35 {offsets = [0, 0], sizes = [256, 1], strides = [1, 1]} : vector<256x16xf32> to vector<256x1xf32>
    %mul3A = vector.broadcast %slice3A : vector<256x1xf32> to vector<256x64xf32>
    %mul3A_38 = arith.mulf %mul3A, %max3A_24 : vector<256x64xf32>
    %broadcast_in_dim3A_39 = arith.constant 0.000000e+00 : f32
    %broadcast_in_dim3A_40 = vector.broadcast %broadcast_in_dim3A_39 : f32 to vector<256x64xf32>
    %concatenate3A = tpu.concatenate %mul3A_38, %broadcast_in_dim3A_40 in 1 : vector<256x64xf32>, vector<256x64xf32> -> vector<256x128xf32>
    %swap3A_41 = arith.constant 0 : index
    %swap3A_42 = arith.constant 0 : index
    %swap3A_43 = vector.load %arg7[%swap3A_41, %swap3A_42] : memref<256x128xf32, #tpu.memory_space<vmem>>, vector<256x128xf32>
    tpu.vector_store %arg7[%swap3A_41, %swap3A_42], %concatenate3A {strides = array<i32>} : memref<256x128xf32, #tpu.memory_space<vmem>>, vector<256x128xf32>,
    return
  }
  func.func @transform_0(%arg0: i32) -> (i32, i32) {
    %c0_i32 = arith.constant 0 : i32
    %c0_i32_0 = arith.constant 0 : i32
    return %arg0, %c0_i32 : i32, i32
  }
  func.func @transform_1(%arg0: i32) -> (i32, i32) {
    %c0_i32 = arith.constant 0 : i32
    %c0_i32_0 = arith.constant 0 : i32
    return %arg0, %c0_i32 : i32, i32
  }
  func.func @transform_2(%arg0: i32) -> (i32, i32) {
    %c0_i32 = arith.constant 0 : i32
    %c0_i32_0 = arith.constant 0 : i32
    return %arg0, %c0_i32 : i32, i32
  }
  func.func @transform_3(%arg0: i32) -> (i32, i32) {
    %c0_i32 = arith.constant 0 : i32
    %c0_i32_0 = arith.constant 0 : i32
    %c0_i32_1 = arith.constant 0 : i32
    return %c0_i32, %c0_i32_0 : i32, i32
  }
  func.func @transform_4(%arg0: i32) -> (i32, i32) {
    %c0_i32 = arith.constant 0 : i32
    %c0_i32_0 = arith.constant 0 : i32
    %c0_i32_1 = arith.constant 0 : i32
    return %c0_i32, %c0_i32_0 : i32, i32
  }
  func.func @transform_5(%arg0: i32) -> (i32, i32) {
    %c0_i32 = arith.constant 0 : i32
    %c0_i32_0 = arith.constant 0 : i32
    %c0_i32_1 = arith.constant 0 : i32
    return %c0_i32, %c0_i32_0 : i32, i32
  }
  func.func @transform_6(%arg0: i32) -> (i32, i32) {
    %c0_i32 = arith.constant 0 : i32
    %c0_i32_0 = arith.constant 0 : i32
    return %arg0, %c0_i32 : i32, i32
  }
  func.func @transform_7(%arg0: i32) -> (i32, i32) {
    %c0_i32 = arith.constant 0 : i32
    %c0_i32_0 = arith.constant 0 : i32
    return %arg0, %c0_i32 : i32, i32
  }
}

module attributes {stable_mosaic.version = 14 : i64} {
  func.func @_heads_body(%arg0: i32, %arg1: memref<256x128xf32, #tpu.memory_space<vmem>>, %arg2: memref<256x128xf32, #tpu.memory_space<vmem>>, %arg3: memref<256x128xf32, #tpu.memory_space<vmem>>, %arg4: memref<256x16xf32, #tpu.memory_space<vmem>>, %arg5: memref<64x32xf32, #tpu.memory_space<vmem>>, %arg6: memref<1x32xf32, #tpu.memory_space<vmem>>, %arg7: memref<64x32xf32, #tpu.memory_space<vmem>>, %arg8: memref<1x32xf32, #tpu.memory_space<vmem>>, %arg9: memref<256x32xf32, #tpu.memory_space<vmem>>, %arg10: memref<256x32xf32, #tpu.memory_space<vmem>>) attributes {dimension_semantics = [#tpu.dimension_semantics<arbitrary>], iteration_bounds = array<i64: 40>, scalar_prefetch = 0 : i64, scratch_operands = 0 : i64, tpu.core_type = #tpu.core_type<tc>, window_params = [{transform_indices = @transform_0, window_bounds = array<i64: 256, 128>}, {transform_indices = @transform_1, window_bounds = array<i64: 256, 128>}, {transform_indices = @transform_2, window_bounds = array<i64: 256, 128>}, {transform_indices = @transform_3, window_bounds = array<i64: 256, 16>}, {pipeline_mode = #tpu.pipeline_mode<synchronous>, transform_indices = @transform_4, window_bounds = array<i64: 64, 32>}, {pipeline_mode = #tpu.pipeline_mode<synchronous>, transform_indices = @transform_5, window_bounds = array<i64: 1, 32>}, {pipeline_mode = #tpu.pipeline_mode<synchronous>, transform_indices = @transform_6, window_bounds = array<i64: 64, 32>}, {pipeline_mode = #tpu.pipeline_mode<synchronous>, transform_indices = @transform_7, window_bounds = array<i64: 1, 32>}, {transform_indices = @transform_8, window_bounds = array<i64: 256, 32>}, {transform_indices = @transform_9, window_bounds = array<i64: 256, 32>}]} {
    %get3A = arith.constant 0 : index
    %get3A_0 = arith.constant 0 : index
    %get3A_1 = vector.load %arg4[%get3A, %get3A_0] : memref<256x16xf32, #tpu.memory_space<vmem>>, vector<256x1xf32>
    %get3A_2 = arith.constant 0 : index
    %get3A_3 = arith.constant 0 : index
    %get3A_4 = vector.load %arg2[%get3A_2, %get3A_3] : memref<256x128xf32, #tpu.memory_space<vmem>>, vector<256x64xf32>
    %get3A_5 = arith.constant 0 : index
    %get3A_6 = arith.constant 0 : index
    %get3A_7 = vector.load %arg3[%get3A_5, %get3A_6] : memref<256x128xf32, #tpu.memory_space<vmem>>, vector<256x64xf32>
    %add3A = arith.addf %get3A_4, %get3A_7 : vector<256x64xf32>
    %get3A_8 = arith.constant 0 : index
    %get3A_9 = arith.constant 0 : index
    %get3A_10 = vector.load %arg1[%get3A_8, %get3A_9] : memref<256x128xf32, #tpu.memory_space<vmem>>, vector<256x64xf32>
    %add3A_11 = arith.addf %add3A, %get3A_10 : vector<256x64xf32>
    %mul3A = vector.broadcast %get3A_1 : vector<256x1xf32> to vector<256x64xf32>
    %mul3A_12 = arith.mulf %mul3A, %add3A_11 : vector<256x64xf32>
    %get3A_13 = arith.constant 0 : index
    %get3A_14 = arith.constant 0 : index
    %get3A_15 = vector.load %arg5[%get3A_13, %get3A_14] : memref<64x32xf32, #tpu.memory_space<vmem>>, vector<64x32xf32>
    %dot_general3A = arith.constant dense<0.000000e+00> : vector<256x32xf32>
    %dot_general3A_16 = tpu.matmul %mul3A_12, %get3A_15, %dot_general3A {dimension_numbers = #tpu.dot_dimension_numbers<[1], [0], [0], [1], [0, 0, 1, 1], [], []>, transpose_lhs_hint = false} : vector<256x64xf32>, vector<64x32xf32>, vector<256x32xf32> -> vector<256x32xf32>
    %get3A_17 = arith.constant 0 : index
    %get3A_18 = arith.constant 0 : index
    %get3A_19 = vector.load %arg6[%get3A_17, %get3A_18] : memref<1x32xf32, #tpu.memory_space<vmem>>, vector<1x32xf32>
    %add3A_20 = vector.broadcast %get3A_19 : vector<1x32xf32> to vector<256x32xf32>
    %add3A_21 = arith.addf %dot_general3A_16, %add3A_20 : vector<256x32xf32>
    %swap3A = arith.constant 0 : index
    %swap3A_22 = arith.constant 0 : index
    %swap3A_23 = vector.load %arg9[%swap3A, %swap3A_22] : memref<256x32xf32, #tpu.memory_space<vmem>>, vector<256x32xf32>
    tpu.vector_store %arg9[%swap3A, %swap3A_22], %add3A_21 {strides = array<i32>} : memref<256x32xf32, #tpu.memory_space<vmem>>, vector<256x32xf32>,
    %get3A_24 = arith.constant 0 : index
    %get3A_25 = arith.constant 0 : index
    %get3A_26 = vector.load %arg7[%get3A_24, %get3A_25] : memref<64x32xf32, #tpu.memory_space<vmem>>, vector<64x32xf32>
    %dot_general3A_27 = arith.constant dense<0.000000e+00> : vector<256x32xf32>
    %dot_general3A_28 = tpu.matmul %mul3A_12, %get3A_26, %dot_general3A_27 {dimension_numbers = #tpu.dot_dimension_numbers<[1], [0], [0], [1], [0, 0, 1, 1], [], []>, transpose_lhs_hint = false} : vector<256x64xf32>, vector<64x32xf32>, vector<256x32xf32> -> vector<256x32xf32>
    %get3A_29 = arith.constant 0 : index
    %get3A_30 = arith.constant 0 : index
    %get3A_31 = vector.load %arg8[%get3A_29, %get3A_30] : memref<1x32xf32, #tpu.memory_space<vmem>>, vector<1x32xf32>
    %add3A_32 = vector.broadcast %get3A_31 : vector<1x32xf32> to vector<256x32xf32>
    %add3A_33 = arith.addf %dot_general3A_28, %add3A_32 : vector<256x32xf32>
    %swap3A_34 = arith.constant 0 : index
    %swap3A_35 = arith.constant 0 : index
    %swap3A_36 = vector.load %arg10[%swap3A_34, %swap3A_35] : memref<256x32xf32, #tpu.memory_space<vmem>>, vector<256x32xf32>
    tpu.vector_store %arg10[%swap3A_34, %swap3A_35], %add3A_33 {strides = array<i32>} : memref<256x32xf32, #tpu.memory_space<vmem>>, vector<256x32xf32>,
    return
  }
  func.func @transform_0(%arg0: i32) -> (i32, i32) {
    %c0_i32 = arith.constant 0 : i32
    %c0_i32_0 = arith.constant 0 : i32
    return %arg0, %c0_i32 : i32, i32
  }
  func.func @transform_1(%arg0: i32) -> (i32, i32) {
    %c0_i32 = arith.constant 0 : i32
    %c0_i32_0 = arith.constant 0 : i32
    return %arg0, %c0_i32 : i32, i32
  }
  func.func @transform_2(%arg0: i32) -> (i32, i32) {
    %c0_i32 = arith.constant 0 : i32
    %c0_i32_0 = arith.constant 0 : i32
    return %arg0, %c0_i32 : i32, i32
  }
  func.func @transform_3(%arg0: i32) -> (i32, i32) {
    %c0_i32 = arith.constant 0 : i32
    %c0_i32_0 = arith.constant 0 : i32
    return %arg0, %c0_i32 : i32, i32
  }
  func.func @transform_4(%arg0: i32) -> (i32, i32) {
    %c0_i32 = arith.constant 0 : i32
    %c0_i32_0 = arith.constant 0 : i32
    %c0_i32_1 = arith.constant 0 : i32
    return %c0_i32, %c0_i32_0 : i32, i32
  }
  func.func @transform_5(%arg0: i32) -> (i32, i32) {
    %c0_i32 = arith.constant 0 : i32
    %c0_i32_0 = arith.constant 0 : i32
    %c0_i32_1 = arith.constant 0 : i32
    return %c0_i32, %c0_i32_0 : i32, i32
  }
  func.func @transform_6(%arg0: i32) -> (i32, i32) {
    %c0_i32 = arith.constant 0 : i32
    %c0_i32_0 = arith.constant 0 : i32
    %c0_i32_1 = arith.constant 0 : i32
    return %c0_i32, %c0_i32_0 : i32, i32
  }
  func.func @transform_7(%arg0: i32) -> (i32, i32) {
    %c0_i32 = arith.constant 0 : i32
    %c0_i32_0 = arith.constant 0 : i32
    %c0_i32_1 = arith.constant 0 : i32
    return %c0_i32, %c0_i32_0 : i32, i32
  }
  func.func @transform_8(%arg0: i32) -> (i32, i32) {
    %c0_i32 = arith.constant 0 : i32
    %c0_i32_0 = arith.constant 0 : i32
    return %arg0, %c0_i32 : i32, i32
  }
  func.func @transform_9(%arg0: i32) -> (i32, i32) {
    %c0_i32 = arith.constant 0 : i32
    %c0_i32_0 = arith.constant 0 : i32
    return %arg0, %c0_i32 : i32, i32
  }
}

</mosaic_0001>

<sc_bundles>
// kernel: kernel.11.cloned.1.call-start
scs
__scs_entry_jumppad:
0x0: {  	(pc) =	sbr.rel $0x88, $3  }
0x1: {  	(tag) =	ssettag $0x0;
	lr =	simm.s32 $0x1  }
0x2: {  	[smem:$0x3F95] =	sst lr;
	_ =	strace $0xD0000000  }
0x3: {  	_ = 	snop  }
0x4: {  	_ = 	snop  }
0x5: {  	_ = 	snop  }
0x6: {  	_ = 	snop  }
0x7: {  	_ = 	snop  }
__scs_overlays_trampoline_lowered:
0x8: {  	[smem:$0x3FA4] =	sst s0  }
0x9: {  	[smem:$0x3FA5] =	sst s1  }
0xa: {  	[smem:$0x3FA6] =	sst s2  }
0xb: {  	[smem:$0x3FA7] =	sst s3  }
0xc: {  	[smem:$0x3FA8] =	sst s4  }
0xd: {  	[smem:$0x3FA9] =	sst s5  }
0xe: {  	[smem:$0x3FAA] =	sst s6  }
0xf: {  	[smem:$0x3FAB] =	sst s7  }
0x10: {  	[smem:$0x3FAC] =	sst s8  }
0x11: {  	[smem:$0x3FAD] =	sst s9;
	s0 =	simm.s32 @!p0 $0x0  }
0x12: {  	s1 =	sld [smem:$0x3F93];
	s0 =	simm.s32 @p0 $0x1  }
0x13: {  	[smem:$0x3FAE] =	sst s0;
	s0 =	simm.s32 @!p1 $0x0  }
0x14: {  	s2 =	sld [smem:$0x3F92];
	s0 =	simm.s32 @p1 $0x1  }
0x15: {  	[smem:$0x3FAF] =	sst s0;
	s0 =	simm.s32 @!p2 $0x0  }
0x16: {  	s3 =	sld [smem:$0x3FDB];
	s0 =	simm.s32 @p2 $0x1  }
0x17: {  	s4 =	simm.s32 $0x1BF5;
	[smem:$0x3FB1] =	sst s0  }
0x18: {  	s0 =	sld [smem:$0x3F94];
	_ =	swait.ge [sflag:s4], $0x0  }
0x19: {  	s7 =	sld [smem:$0x3F95]  }
0x1a: {  	s8 =	sadd.s32 $0xFFFFE003, lr  }
0x1b: {  	s9 =	sadd.s32 $0xFFFFFEF7, lr;
	s5 =	simm.s32 $0xFFFFFFFF;
	p2 =	slt.u32 s8, $0xFFFFF086  }
0x1c: {  	p1 =	slt.u32 s9, $0xF7A;
	s5 =	simm.s32 @!p2 $0x0  }
0x1d: {  	s5 =	simm.s32 @p1 $0x1;
	p0 =	seq.s32 s7, s2  }
0x1e: {  	s7 =	smul.u32 @!p0 $0xF7A, s2;
	p2 =	seq.s32 @!p0 s5, $0x0  }
0x1f: {  	s9 =	smul.u32 $0xF7A, s1;
	s8 =	simm.s32 @!p0 $0x1BF5;
	p2 =	por !p2, p0  }
0x20: {  	[sflag:s8] =	ssyncset.s32 @!p0 $0xFFFFF086;
	s6 =	sadd.s32 @!p0 s3, s7;
	s7 =	simm.s32 @!p0 $0x108  }
0x21: {  	s3 =	sadd.s32 s3, s9;
	s6 =	sadd.s32 @!p0 $0x88, s6;
	s7 =	simm.s32 @p2 $0x1082  }
0x22: {  	[simem:s7], [sflag:s8] =	dma.local @!p0 [hbm:s6], $0xF7A  }
0x23: {  	s9 =	sor.u32 $0xD0000000, s2;
	s6 =	simm.s32 $0x108;
	_ =	swait.ge @!p0 [sflag:s8], $0x0  }
0x24: {  	s3 =	sadd.s32 $0x88, s3;
	s6 =	simm.s32 @!p1 $0x1082;
	[sflag:s4] =	ssyncset.s32 $0xFFFFF086  }
0x25: {  	[simem:s6], [sflag:s4] =	dma.local [hbm:s3], $0xF7A  }
0x26: {  	[smem:$0x3F95] =	sst s1;
	(tag) =	ssettag s2;
	_ =	strace s9  }
0x27: {  	s1 =	sld [smem:$0x3FA5]  }
0x28: {  	s2 =	sld [smem:$0x3FA6]  }
0x29: {  	s4 =	sld [smem:$0x3FA8]  }
0x2a: {  	p0 =	seq.s32 s5, $0x0;
	s5 =	sld [smem:$0x3FA9]  }
0x2b: {  	s6 =	sld [smem:$0x3FAA]  }
0x2c: {  	s7 =	sld [smem:$0x3FAB]  }
0x2d: {  	s3 =	simm.s32 $0x108;
	s8 =	sld [smem:$0x3FAC]  }
0x2e: {  	s3 =	simm.s32 @!p0 $0x1082;
	s9 =	sld [smem:$0x3FAD]  }
0x2f: {  	lr =	sadd.s32 s0, s3;
	s0 =	sld [smem:$0x3FA4]  }
0x30: {  	s3 =	sld [smem:$0x3FA7]  }
0x31: {  	[smem:$0x3FB0] =	sst s10  }
0x32: {  	s10 =	sld [smem:$0x3FAE];
	_ =	sdelay $0x3  }
0x33: {  	p0 =	seq.s32 s10, $0x1;
	s10 =	sld [smem:$0x3FB0];
	_ =	sdelay $0x3  }
0x34: {  	[smem:$0x3FB0] =	sst s10  }
0x35: {  	s10 =	sld [smem:$0x3FAF];
	_ =	sdelay $0x3  }
0x36: {  	p1 =	seq.s32 s10, $0x1;
	s10 =	sld [smem:$0x3FB0];
	_ =	sdelay $0x3  }
0x37: {  	[smem:$0x3FB0] =	sst s10  }
0x38: {  	s10 =	sld [smem:$0x3FB1]  }
0x39: {  	_ = 	snop;
	(pc) =	sbr.ind lr, $3  }
0x3a: {  	_ = 	snop  }
0x3b: {  	_ = 	snop  }
0x3c: {  	p2 =	seq.s32 s10, $0x1;
	s10 =	sld [smem:$0x3FB0]  }
0x3d: {  	_ =	shalt  }
0x3e: {  	_ =	shalt  }
0x3f: {  	_ =	shalt  }
0x40: {  	_ =	shalt  }
0x41: {  	_ =	shalt  }
0x42: {  	_ =	shalt  }
0x43: {  	_ =	shalt  }
0x44: {  	_ =	shalt  }
0x45: {  	_ =	shalt  }
0x46: {  	_ =	shalt  }
0x47: {  	_ =	shalt  }
0x48: {  	_ =	shalt  }
0x49: {  	_ =	shalt  }
0x4a: {  	_ =	shalt  }
0x4b: {  	_ =	shalt  }
0x4c: {  	_ =	shalt  }
0x4d: {  	_ =	shalt  }
0x4e: {  	_ =	shalt  }
0x4f: {  	_ =	shalt  }
0x50: {  	_ =	shalt  }
0x51: {  	_ =	shalt  }
0x52: {  	_ =	shalt  }
0x53: {  	_ =	shalt  }
0x54: {  	_ =	shalt  }
0x55: {  	_ =	shalt  }
0x56: {  	_ =	shalt  }
0x57: {  	_ =	shalt  }
0x58: {  	_ =	shalt  }
0x59: {  	_ =	shalt  }
0x5a: {  	_ =	shalt  }
0x5b: {  	_ =	shalt  }
0x5c: {  	_ =	shalt  }
0x5d: {  	_ =	shalt  }
0x5e: {  	_ =	shalt  }
0x5f: {  	_ =	shalt  }
0x60: {  	_ =	shalt  }
0x61: {  	_ =	shalt  }
0x62: {  	_ =	shalt  }
0x63: {  	_ =	shalt  }
0x64: {  	_ =	shalt  }
0x65: {  	_ =	shalt  }
0x66: {  	_ =	shalt  }
0x67: {  	_ =	shalt  }
0x68: {  	_ =	shalt  }
0x69: {  	_ =	shalt  }
0x6a: {  	_ =	shalt  }
0x6b: {  	_ =	shalt  }
0x6c: {  	_ =	shalt  }
0x6d: {  	_ =	shalt  }
0x6e: {  	_ =	shalt  }
0x6f: {  	_ =	shalt  }
0x70: {  	_ =	shalt  }
0x71: {  	_ =	shalt  }
0x72: {  	_ =	shalt  }
0x73: {  	_ =	shalt  }
0x74: {  	_ =	shalt  }
0x75: {  	_ =	shalt  }
0x76: {  	_ =	shalt  }
0x77: {  	_ =	shalt  }
0x78: {  	_ =	shalt  }
0x79: {  	_ =	shalt  }
0x7a: {  	_ =	shalt  }
0x7b: {  	_ =	shalt  }
0x7c: {  	_ =	shalt  }
0x7d: {  	_ =	shalt  }
0x7e: {  	_ =	shalt  }
0x7f: {  	_ =	shalt  }
0x80: {  	_ =	shalt  }
0x81: {  	_ =	shalt  }
0x82: {  	_ =	shalt  }
0x83: {  	_ =	shalt  }
0x84: {  	_ =	shalt  }
0x85: {  	_ =	shalt  }
0x86: {  	_ =	shalt  }
0x87: {  	_ =	shalt  }
.Lfunc_end0:
.L_simem_size_0:
called_computation.1_lowered:
.L_overlay_start_0:
0x88: {  	s2 =	sld [smem:$0x3FD9]  }
0x89: {  	s3 =	sld [smem:$0x3FFE];
	_ =	sdelay $0x1  }
0x8a: {  	s1 =	srdreg.scid  }
0x8b: {  	s0 =	sand.u32 $0x1, s1  }
0x8c: {  	s14 =	sshll.u32 s0, $0xA;
	s2 =	sadd.s32 s3, s2  }
0x8d: {  	s2 =	sadd.s32 s2, s14  }
0x8e: {  	[smem:$0x3FBC] =	sst s2  }
0x8f: {  	_ = 	snop  }
0x90: {  	s2 =	sld [smem:$0x3FD0];
	_ =	sdelay $0x2  }
0x91: {  	s15 =	simm.s32 $0xA;
	s4 =	simm.s32 $0x10  }
0x92: {  	[smem:s4], [sflag:s15] =	dma.local [hbm:s2], $0x1  }
0x93: {  	_ =	swait.eq [sflag:s15], $0x1  }
0x94: {  	[sflag:s15] =	ssyncset.done $0x0  }
0x95: {  	[sflag:s15] =	ssyncadd.s32 $0xFFFFFFFF  }
0x96: {  	s16 =	sld [smem:$0x11];
	(tm) =	ssettm $0x1  }
0x97: {  	s17 =	sld [smem:$0x3FFB];
	_ =	sdelay $0x3  }
0x98: {  	_ =	strace s17  }
0x99: {  	s3 =	sld [smem:$0x3FFC];
	_ =	sdelay $0x3  }
0x9a: {  	_ =	strace s3  }
0x9b: {  	s3 =	sld [smem:$0x3FFD];
	_ =	sdelay $0x3  }
0x9c: {  	_ =	strace s3  }
0x9d: {  	_ =	strace $0x8FFFFFFF  }
0x9e: {  	s18 =	sld [smem:$0x3FDB];
	_ =	sdelay $0x1  }
0x9f: {  	s19 =	simm.s32 $_scs_section_size  }
0xa0: {  	s5 =	simm.s32 $_size__tile_overlayer_lowered;
	s6 =	simm.s32 $_tile_overlayer_lowered  }
0xa1: {  	s22 =	simm.s32 $0x1BFF;
	s21 =	sshll.u32 s6, $0x1;
	s3 =	sadd.s32 s19, s18  }
0xa2: {  	s7 =	simm.s32 $0x0;
	s20 =	sshll.u32 s5, $0x1;
	s5 =	sadd.s32 s21, s3  }
0xa3: {  	[timem:s7], [sflag:s22] =	dma.local [hbm:s5], s20  }
0xa4: {  	_ =	swait.ge [sflag:s22], s20  }
0xa5: {  	s4 =	ssub.s32 $0x0, s20;
	[sflag:s22] =	ssyncset.done $0x0  }
0xa6: {  	[sflag:s22] =	ssyncadd.s32 s4;
	_ =	sdelay $0x1  }
0xa7: {  	s23 =	simm.s32 $0x1B8B  }
0xa8: {  	_ =	swait.ge [sflag:s23], $0x1  }
0xa9: {  	[sflag:s23] =	ssyncset.done $0x0  }
0xaa: {  	s25 =	simm.s32 $0x1B8E;
	s24 =	sld [smem:$0x3FFE];
	[sflag:s23] =	ssyncadd.s32 $0xFFFFFFFF  }
0xab: {  	s26 =	simm.s32 $execute0_lowered;
	[smem:$0x3FD2] =	sst s25  }
0xac: {  	s5 =	sshll.u32 s26, $0x1;
	_ =	strace $0x80000049;
	[dreg:$0x1] =	wrdreg $0xFFFFFFFF  }
0xad: {  	s28 =	simm.s32 $_size_execute0_lowered;
	s3 =	sadd.s32 s3, s5;
	[dreg:$0x0] =	wrdreg $0x0  }
0xae: {  	s5 =	sshll.u32 s28, $0x1;
	[dreg:$0x2] =	wrdreg s3  }
0xaf: {  	[dreg:$0x3] =	wrdreg s5  }
0xb0: {  	[dreg:$0x4] =	wrdreg $0xC0  }
0xb1: {  	_ =	task [dreg:s7], $0x5FFFF  }
0xb2: {  	[dreg:$0x1] =	wrdreg $0xFFFFFFFF  }
0xb3: {  	[dreg:$0x0] =	wrdreg $0x60  }
0xb4: {  	[dreg:$0x2] =	wrdreg s24  }
0xb5: {  	[dreg:$0x3] =	wrdreg s16  }
0xb6: {  	[dreg:$0x4] =	wrdreg $0x88000  }
0xb7: {  	[dreg:$0x5] =	wrdreg $0x9  }
0xb8: {  	_ =	task.clear_ibuf [dreg:s7], $0x6FFFF;
	_ =	strace $0x90000049  }
0xb9: {  	s29 =	simm.s32 $0x9;
	_ =	strace $0x8000004B  }
0xba: {  	_ =	swait.ge [sflag:s29], $0x1  }
0xbb: {  	[sflag:s29] =	ssyncadd.s32 $0xFFFFFFFF  }
0xbc: {  	_ =	strace $0x9000004B  }
0xbd: {  	_ =	sfence  }
0xbe: {  	s30 =	sld [smem:$0x0];
	_ =	sdelay $0x2  }
0xbf: {  	s31 =	sshll.u32 s1, $0xD;
	s1 =	sshrl.u32 s1, $0x2  }
0xc0: {  	s3 =	sand.u32 $0x4000, s31;
	s1 =	sadd.s32 s1, s30  }
0xc1: {  	s0 =	sor.u32 s3, s0;
	s1 =	sshll.u32 s1, $0x11  }
0xc2: {  	s0 =	sor.u32 s1, s0  }
0xc3: {  	s0 =	sadd.s32 $0x8F2B, s0  }
0xc4: {  	[sflag:s0] =	ssyncadd.remote.s32 $0x1  }
0xc5: {  	_ =	sfence.sel $0xFFFF  }
0xc6: {  	[dreg:$0x0] =	wrdreg $0xFFFFFFFF;
	(pc) =	sbr.abs _section_cstart, $3  }
0xc7: {  	[dreg:$0x1] =	wrdreg $0xFFFFFFFF  }
0xc8: {  	_ =	task.clear_ibuf [dreg:s7], $0x2FFFF;
	_ =	strace $0x9FFFFFFF  }
0xc9: {  	(tm) =	ssettm $0x7FFFFFFF  }
tec
execute0_lowered:
.L_overlay_start_1:
0x0: {  	(tag) =	ssettag $0x1  }
0x1: {  	s0 =	rddreg [dreg:$0x0]  }
0x2: {  	s3 =	rddreg [dreg:$0x2];
	s8 =	stileid.u32  }
0x3: {  	s1 =	srdreg.scid;
	s4 =	simm.s32 $0x0;
	s10 =	simm.s32 $0xF  }
0x4: {  	s16 =	simm.s32 $0x800;
	s17 =	simm.s32 $0x5;
	s26 =	simm.s32 $0x480  }
0x5: {  	s28 =	simm.s32 $0x180;
	s29 =	simm.s32 $0x580;
	s2 =	smul.u32 $0x28, s8  }
0x6: {  	s30 =	simm.s32 $0x200;
	s31 =	simm.s32 $0x600;
	s5 =	smul.u32 $0x78, s8  }
0x7: {  	s11 =	simm.s32 $0x0;
	s1 =	sand.u32 $0x1, s1;
	s7 =	smul.u32 $0x14000, s8  }
0x8: {  	[smem:$0x7FF] =	sst s4;
	s8 =	smul.u32 $0x50000, s8;
	p0 =	seq.s32 s1, $0x0  }
0x9: {  	s6 =	smul.u32 $0x140000, s1;
	_ =	strace $0x8000004A;
	s1 =	ssub.s32 $0x2, s1  }
0xa: {  	[dreg:$0x4] =	wrdreg s26;
	s26 =	simm.s32 $0x4;
	s2 =	sadd.s32 $0x780, s2  }
0xb: {  	s18 =	sshrl.u32 s8, $0x2;
	s9 =	sshrl.u32 s1, $0x1;
	s10 =	simm.s32 @!p0 $0x5  }
0xc: {  	s8 =	simm.s32 $0x380;
	s2 =	smov.u32 @p0 s5;
	s5 =	sadd.s32 $0x18400, s0  }
0xd: {  	s6 =	sadd.s32 s7, s6;
	s1 =	ssub.s32 s1, s9;
	s9 =	simm.s32 $0x780  }
0xe: {  	s2 =	sshll.u32 s2, $0x4;
	s19 =	sshrl.u32 s6, $0x3;
	s6 =	sadd.s32 s18, s3  }
0xf: {  	s23 =	smax.u32 s1, $0x1;
	s18 =	simm.s32 $0x400;
	s1 =	simm.s32 $0x280  }
0x10: {  	s2 =	sadd.s32 s2, s0;
	s7 =	sadd.s32 $0x4000, s6;
	[dreg:$0xa] =	wrdreg s23  }
0x11: {  	s0 =	sadd.s32 s19, s0;
	s20 =	sadd.s32 $0x8000, s6;
	[dreg:$0x5] =	wrdreg s7  }
0x12: {  	s21 =	sadd.s32 $0xC000, s6;
	s22 =	sadd.s32 $0x10000, s6;
	[dreg:$0x6] =	wrdreg s20  }
0x13: {  	s19 =	simm.s32 $0x80;
	s23 =	simm.s32 $0x3;
	[dreg:$0x7] =	wrdreg s21  }
0x14: {  	[dreg:$0x8] =	wrdreg s22;
	s0 =	sadd.s32 $0x40400, s0;
	s24 =	sadd.s32 $0x4400, s2  }
0x15: {  	s25 =	sadd.s32 $0xE400, s2;
	s20 =	simm.s32 $0x4800;
	[dreg:$0x9] =	wrdreg s0  }
0x16: {  	s21 =	simm.s32 $0x1;
	s22 =	simm.s32 $0x2;
	[dreg:$0xb] =	wrdreg s24  }
0x17: {  	s2 =	simm.s32 $0x680;
	s7 =	simm.s32 $0x700;
	[dreg:$0xc] =	wrdreg s25  }
0x18: {  	s24 =	simm.s32 $0x100;
	s25 =	simm.s32 $0x500;
	s0 =	simm.s32 $0x300  }
.LBB2_1:
0x19: {  	s12 =	rddreg [dreg:$0x1]  }
0x1a: {  	[tilespmem:s16], [sflag:$0x5] =	stream.linear.gather [hbm4b:s12+s4], $0x4000, $0x38;
	[tilespmem:$0x1C800] =	vst v63  }
0x1b: {  	_ =	swait.ge [sflag:s17], $0x4000  }
0x1c: {  	[sflag:s17] =	ssyncset.done $0x0  }
0x1d: {  	[sflag:s17] =	ssyncadd.s32 $0xFFFFC000  }
0x1e: {  	[spmem:s6] =	stream.linear.scatter [tilespmem:s16], [sflag:$0x5], $0x4000, $0x38;
	[tilespmem:$0x1C800] =	vst v63  }
0x1f: {  	_ =	swait.ge [sflag:s17], $0x4000  }
0x20: {  	[sflag:s17] =	ssyncset.done $0x0  }
0x21: {  	s15 =	rddreg [dreg:$0x5];
	[sflag:s17] =	ssyncadd.s32 $0xFFFFC000  }
0x22: {  	[spmem:s15] =	stream.linear.scatter [tilespmem:s16], [sflag:$0x5], $0x4000, $0x38;
	[tilespmem:$0x1C800] =	vst v63  }
0x23: {  	_ =	swait.ge [sflag:s17], $0x4000  }
0x24: {  	[sflag:s17] =	ssyncset.done $0x0  }
0x25: {  	s13 =	rddreg [dreg:$0x6];
	[sflag:s17] =	ssyncadd.s32 $0xFFFFC000  }
0x26: {  	[spmem:s13] =	stream.linear.scatter [tilespmem:s16], [sflag:$0x5], $0x4000, $0x38;
	[tilespmem:$0x1C800] =	vst v63  }
0x27: {  	_ =	swait.ge [sflag:s17], $0x4000  }
0x28: {  	[sflag:s17] =	ssyncset.done $0x0  }
0x29: {  	s14 =	rddreg [dreg:$0x7];
	[sflag:s17] =	ssyncadd.s32 $0xFFFFC000  }
0x2a: {  	[spmem:s14] =	stream.linear.scatter [tilespmem:s16], [sflag:$0x5], $0x4000, $0x38;
	[tilespmem:$0x1C800] =	vst v63  }
0x2b: {  	_ =	swait.ge [sflag:s17], $0x4000  }
0x2c: {  	[sflag:s17] =	ssyncset.done $0x0  }
0x2d: {  	s15 =	rddreg [dreg:$0x8];
	[sflag:s17] =	ssyncadd.s32 $0xFFFFC000  }
0x2e: {  	[spmem:s15] =	stream.linear.scatter [tilespmem:s16], [sflag:$0x5], $0x4000, $0x38;
	[tilespmem:$0x1C800] =	vst v63  }
0x2f: {  	_ =	swait.ge [sflag:s17], $0x4000  }
0x30: {  	[sflag:s17] =	ssyncset.done $0x0  }
0x31: {  	[sflag:s17] =	ssyncadd.s32 $0xFFFFC000  }
0x32: {  	[bflag:$0x0] =	sbarrier.arrive $0xFFFF  }
0x33: {  	s15 =	rddreg [dreg:$0xc]  }
0x34: {  	[tilespmem:s4], [sflag:$0x5] =	stream.linear.gather [hbm4b:s15+s4], $0x400, $0x38;
	[tilespmem:$0x1C800] =	vst v63  }
0x35: {  	_ =	swait.ge [sflag:s17], $0x400  }
0x36: {  	[sflag:s17] =	ssyncset.done $0x0  }
0x37: {  	s14 =	rddreg [dreg:$0xb];
	[sflag:s17] =	ssyncadd.s32 $0xFFFFFC00  }
0x38: {  	[tilespmem:s18], [sflag:$0x5] =	stream.linear.gather [hbm4b:s14+s4], $0x400, $0x38;
	[tilespmem:$0x1C800] =	vst v63  }
0x39: {  	_ =	swait.ge [sflag:s17], $0x400  }
0x3a: {  	[sflag:s17] =	ssyncset.done $0x0  }
0x3b: {  	[sflag:s17] =	ssyncadd.s32 $0xFFFFFC00  }
0x3c: {  	[tilespmem:s16], [sflag:$0x1] =	stream.indirect.gather [hbm4b:s5+s19], $0x80, s4, s19, $0xb8;
	[tilespmem:$0x1C800] =	vst v63  }
0x3d: {  	_ = 	snop  }
0x3e: {  	[tilespmem:s20], [sflag:$0x2] =	stream.indirect.gather [hbm4b:s5+s19], $0x80, s19, s19, $0xb8;
	[tilespmem:$0x1C800] =	vst v63  }
0x3f: {  	_ =	swait.ge [sflag:s21], $0x4000  }
0x40: {  	[sflag:s21] =	ssyncset.done $0x0  }
0x41: {  	[sflag:s21] =	ssyncadd.s32 $0xFFFFC000  }
0x42: {  	[spmem:s3] =	stream.indirect.scatter.add.f32 [tilespmem:s16], [sflag:$0x3], $0x80, s18, s19, $0xb8;
	[tilespmem:$0x1C800] =	vst v63  }
0x43: {  	_ =	swait.ge [sflag:s22], $0x4000  }
0x44: {  	[sflag:s22] =	ssyncset.done $0x0  }
0x45: {  	s13 =	rddreg [dreg:$0x4];
	[sflag:s22] =	ssyncadd.s32 $0xFFFFC000  }
0x46: {  	[spmem:s3] =	stream.indirect.scatter.add.f32 [tilespmem:s20], [sflag:$0x4], $0x80, s13, s19, $0xb8;
	[tilespmem:$0x1C800] =	vst v63  }
0x47: {  	_ =	swait.ge [sflag:s23], $0x4000  }
0x48: {  	[sflag:s23] =	ssyncset.done $0x0  }
0x49: {  	[sflag:s23] =	ssyncadd.s32 $0xFFFFC000  }
0x4a: {  	[tilespmem:s16], [sflag:$0x1] =	stream.indirect.gather [hbm4b:s5+s19], $0x80, s24, s19, $0xb8;
	[tilespmem:$0x1C800] =	vst v63  }
0x4b: {  	_ =	swait.ge [sflag:s21], $0x4000  }
0x4c: {  	[sflag:s21] =	ssyncset.done $0x0  }
0x4d: {  	[sflag:s21] =	ssyncadd.s32 $0xFFFFC000  }
0x4e: {  	[spmem:s3] =	stream.indirect.scatter.add.f32 [tilespmem:s16], [sflag:$0x3], $0x80, s25, s19, $0xb8;
	[tilespmem:$0x1C800] =	vst v63  }
0x4f: {  	_ =	swait.ge [sflag:s26], $0x4000  }
0x50: {  	[sflag:s26] =	ssyncset.done $0x0  }
0x51: {  	[sflag:s26] =	ssyncadd.s32 $0xFFFFC000  }
0x52: {  	[tilespmem:s20], [sflag:$0x2] =	stream.indirect.gather [hbm4b:s5+s19], $0x80, s28, s19, $0xb8;
	[tilespmem:$0x1C800] =	vst v63  }
0x53: {  	_ =	swait.ge [sflag:s22], $0x4000  }
0x54: {  	[sflag:s22] =	ssyncset.done $0x0  }
0x55: {  	[sflag:s22] =	ssyncadd.s32 $0xFFFFC000  }
0x56: {  	[spmem:s3] =	stream.indirect.scatter.add.f32 [tilespmem:s20], [sflag:$0x4], $0x80, s29, s19, $0xb8;
	[tilespmem:$0x1C800] =	vst v63  }
0x57: {  	_ =	swait.ge [sflag:s23], $0x4000  }
0x58: {  	[sflag:s23] =	ssyncset.done $0x0  }
0x59: {  	[sflag:s23] =	ssyncadd.s32 $0xFFFFC000  }
0x5a: {  	[tilespmem:s16], [sflag:$0x1] =	stream.indirect.gather [hbm4b:s5+s19], $0x80, s30, s19, $0xb8;
	[tilespmem:$0x1C800] =	vst v63  }
0x5b: {  	_ =	swait.ge [sflag:s21], $0x4000  }
0x5c: {  	[sflag:s21] =	ssyncset.done $0x0  }
0x5d: {  	[sflag:s21] =	ssyncadd.s32 $0xFFFFC000  }
0x5e: {  	[spmem:s3] =	stream.indirect.scatter.add.f32 [tilespmem:s16], [sflag:$0x3], $0x80, s31, s19, $0xb8;
	[tilespmem:$0x1C800] =	vst v63  }
0x5f: {  	_ =	swait.ge [sflag:s26], $0x4000  }
0x60: {  	[sflag:s26] =	ssyncset.done $0x0  }
0x61: {  	[sflag:s26] =	ssyncadd.s32 $0xFFFFC000  }
0x62: {  	[tilespmem:s20], [sflag:$0x2] =	stream.indirect.gather [hbm4b:s5+s19], $0x80, s1, s19, $0xb8;
	[tilespmem:$0x1C800] =	vst v63  }
0x63: {  	_ =	swait.ge [sflag:s22], $0x4000  }
0x64: {  	[sflag:s22] =	ssyncset.done $0x0  }
0x65: {  	[sflag:s22] =	ssyncadd.s32 $0xFFFFC000  }
0x66: {  	[spmem:s3] =	stream.indirect.scatter.add.f32 [tilespmem:s20], [sflag:$0x4], $0x80, s2, s19, $0xb8;
	[tilespmem:$0x1C800] =	vst v63  }
0x67: {  	_ =	swait.ge [sflag:s23], $0x4000  }
0x68: {  	[sflag:s23] =	ssyncset.done $0x0  }
0x69: {  	[sflag:s23] =	ssyncadd.s32 $0xFFFFC000  }
0x6a: {  	[tilespmem:s16], [sflag:$0x1] =	stream.indirect.gather [hbm4b:s5+s19], $0x80, s0, s19, $0xb8;
	[tilespmem:$0x1C800] =	vst v63  }
0x6b: {  	_ =	swait.ge [sflag:s21], $0x4000  }
0x6c: {  	[sflag:s21] =	ssyncset.done $0x0  }
0x6d: {  	[sflag:s21] =	ssyncadd.s32 $0xFFFFC000  }
0x6e: {  	[spmem:s3] =	stream.indirect.scatter.add.f32 [tilespmem:s16], [sflag:$0x3], $0x80, s7, s19, $0xb8;
	[tilespmem:$0x1C800] =	vst v63  }
0x6f: {  	_ =	swait.ge [sflag:s26], $0x4000  }
0x70: {  	[sflag:s26] =	ssyncset.done $0x0  }
0x71: {  	[sflag:s26] =	ssyncadd.s32 $0xFFFFC000  }
0x72: {  	[tilespmem:s20], [sflag:$0x2] =	stream.indirect.gather [hbm4b:s5+s19], $0x80, s8, s19, $0xb8;
	[tilespmem:$0x1C800] =	vst v63  }
0x73: {  	_ =	swait.ge [sflag:s22], $0x4000  }
0x74: {  	[sflag:s22] =	ssyncset.done $0x0  }
0x75: {  	p0 =	sne.s32 s10, $0x1;
	[sflag:s22] =	ssyncadd.s32 $0xFFFFC000  }
0x76: {  	[spmem:s3] =	stream.indirect.scatter.add.f32 [tilespmem:s20], [sflag:$0x4], $0x80, s9, s19, $0xb8;
	[tilespmem:$0x1C800] =	vst v63  }
.Ltmp0:
0x77: {  	_ =	swait.ge [sflag:s23], $0x4000;
	(pc) =	sbr.rel @!p0 .LBB2_3-.Ltmp0, $4  }
0x78: {  	[sflag:s23] =	ssyncset.done $0x0  }
0x79: {  	[sflag:s23] =	ssyncadd.s32 $0xFFFFC000  }
0x7a: {  	_ =	swait.ge [sflag:s26], $0x4000  }
0x7b: {  	s12 =	sadd.s32 $0xFFFFFFFF, s10;
	[sflag:s26] =	ssyncset.done $0x0  }
.LBB2_2:
0x7c: {  	[sflag:s26] =	ssyncadd.s32 $0xFFFFC000;
	s15 =	sadd.s32 $0x80, s15  }
0x7d: {  	[tilespmem:s4], [sflag:$0x5] =	stream.linear.gather [hbm4b:s15+s4], $0x400, $0x38;
	[tilespmem:$0x1C800] =	vst v63  }
0x7e: {  	_ =	swait.ge [sflag:s17], $0x400  }
0x7f: {  	[sflag:s17] =	ssyncset.done $0x0  }
0x80: {  	s14 =	sadd.s32 $0x80, s14;
	[sflag:s17] =	ssyncadd.s32 $0xFFFFFC00  }
0x81: {  	[tilespmem:s18], [sflag:$0x5] =	stream.linear.gather [hbm4b:s14+s4], $0x400, $0x38;
	[tilespmem:$0x1C800] =	vst v63  }
0x82: {  	_ =	swait.ge [sflag:s17], $0x400  }
0x83: {  	[sflag:s17] =	ssyncset.done $0x0  }
0x84: {  	[sflag:s17] =	ssyncadd.s32 $0xFFFFFC00  }
0x85: {  	[tilespmem:s16], [sflag:$0x1] =	stream.indirect.gather [hbm4b:s5+s19], $0x80, s4, s19, $0xb8;
	[tilespmem:$0x1C800] =	vst v63  }
0x86: {  	_ = 	snop  }
0x87: {  	[tilespmem:s20], [sflag:$0x2] =	stream.indirect.gather [hbm4b:s5+s19], $0x80, s19, s19, $0xb8;
	[tilespmem:$0x1C800] =	vst v63  }
0x88: {  	_ =	swait.ge [sflag:s21], $0x4000  }
0x89: {  	[sflag:s21] =	ssyncset.done $0x0  }
0x8a: {  	[sflag:s21] =	ssyncadd.s32 $0xFFFFC000  }
0x8b: {  	[spmem:s3] =	stream.indirect.scatter.add.f32 [tilespmem:s16], [sflag:$0x3], $0x80, s18, s19, $0xb8;
	[tilespmem:$0x1C800] =	vst v63  }
0x8c: {  	_ =	swait.ge [sflag:s22], $0x4000  }
0x8d: {  	[sflag:s22] =	ssyncset.done $0x0  }
0x8e: {  	s13 =	rddreg [dreg:$0x4];
	[sflag:s22] =	ssyncadd.s32 $0xFFFFC000  }
0x8f: {  	[spmem:s3] =	stream.indirect.scatter.add.f32 [tilespmem:s20], [sflag:$0x4], $0x80, s13, s19, $0xb8;
	[tilespmem:$0x1C800] =	vst v63  }
0x90: {  	_ =	swait.ge [sflag:s23], $0x4000  }
0x91: {  	[sflag:s23] =	ssyncset.done $0x0  }
0x92: {  	[sflag:s23] =	ssyncadd.s32 $0xFFFFC000  }
0x93: {  	[tilespmem:s16], [sflag:$0x1] =	stream.indirect.gather [hbm4b:s5+s19], $0x80, s24, s19, $0xb8;
	[tilespmem:$0x1C800] =	vst v63  }
0x94: {  	_ =	swait.ge [sflag:s21], $0x4000  }
0x95: {  	[sflag:s21] =	ssyncset.done $0x0  }
0x96: {  	[sflag:s21] =	ssyncadd.s32 $0xFFFFC000  }
0x97: {  	[spmem:s3] =	stream.indirect.scatter.add.f32 [tilespmem:s16], [sflag:$0x3], $0x80, s25, s19, $0xb8;
	[tilespmem:$0x1C800] =	vst v63  }
0x98: {  	_ =	swait.ge [sflag:s26], $0x4000  }
0x99: {  	[sflag:s26] =	ssyncset.done $0x0  }
0x9a: {  	[sflag:s26] =	ssyncadd.s32 $0xFFFFC000  }
0x9b: {  	[tilespmem:s20], [sflag:$0x2] =	stream.indirect.gather [hbm4b:s5+s19], $0x80, s28, s19, $0xb8;
	[tilespmem:$0x1C800] =	vst v63  }
0x9c: {  	_ =	swait.ge [sflag:s22], $0x4000  }
0x9d: {  	[sflag:s22] =	ssyncset.done $0x0  }
0x9e: {  	[sflag:s22] =	ssyncadd.s32 $0xFFFFC000  }
0x9f: {  	[spmem:s3] =	stream.indirect.scatter.add.f32 [tilespmem:s20], [sflag:$0x4], $0x80, s29, s19, $0xb8;
	[tilespmem:$0x1C800] =	vst v63  }
0xa0: {  	_ =	swait.ge [sflag:s23], $0x4000  }
0xa1: {  	[sflag:s23] =	ssyncset.done $0x0  }
0xa2: {  	[sflag:s23] =	ssyncadd.s32 $0xFFFFC000  }
0xa3: {  	[tilespmem:s16], [sflag:$0x1] =	stream.indirect.gather [hbm4b:s5+s19], $0x80, s30, s19, $0xb8;
	[tilespmem:$0x1C800] =	vst v63  }
0xa4: {  	_ =	swait.ge [sflag:s21], $0x4000  }
0xa5: {  	[sflag:s21] =	ssyncset.done $0x0  }
0xa6: {  	[sflag:s21] =	ssyncadd.s32 $0xFFFFC000  }
0xa7: {  	[spmem:s3] =	stream.indirect.scatter.add.f32 [tilespmem:s16], [sflag:$0x3], $0x80, s31, s19, $0xb8;
	[tilespmem:$0x1C800] =	vst v63  }
0xa8: {  	_ =	swait.ge [sflag:s26], $0x4000  }
0xa9: {  	[sflag:s26] =	ssyncset.done $0x0  }
0xaa: {  	[sflag:s26] =	ssyncadd.s32 $0xFFFFC000  }
0xab: {  	[tilespmem:s20], [sflag:$0x2] =	stream.indirect.gather [hbm4b:s5+s19], $0x80, s1, s19, $0xb8;
	[tilespmem:$0x1C800] =	vst v63  }
0xac: {  	_ =	swait.ge [sflag:s22], $0x4000  }
0xad: {  	[sflag:s22] =	ssyncset.done $0x0  }
0xae: {  	[sflag:s22] =	ssyncadd.s32 $0xFFFFC000  }
0xaf: {  	[spmem:s3] =	stream.indirect.scatter.add.f32 [tilespmem:s20], [sflag:$0x4], $0x80, s2, s19, $0xb8;
	[tilespmem:$0x1C800] =	vst v63  }
0xb0: {  	_ =	swait.ge [sflag:s23], $0x4000  }
0xb1: {  	[sflag:s23] =	ssyncset.done $0x0  }
0xb2: {  	[sflag:s23] =	ssyncadd.s32 $0xFFFFC000  }
0xb3: {  	[tilespmem:s16], [sflag:$0x1] =	stream.indirect.gather [hbm4b:s5+s19], $0x80, s0, s19, $0xb8;
	[tilespmem:$0x1C800] =	vst v63  }
0xb4: {  	_ =	swait.ge [sflag:s21], $0x4000  }
0xb5: {  	[sflag:s21] =	ssyncset.done $0x0  }
0xb6: {  	[sflag:s21] =	ssyncadd.s32 $0xFFFFC000  }
0xb7: {  	[spmem:s3] =	stream.indirect.scatter.add.f32 [tilespmem:s16], [sflag:$0x3], $0x80, s7, s19, $0xb8;
	[tilespmem:$0x1C800] =	vst v63  }
0xb8: {  	_ =	swait.ge [sflag:s26], $0x4000  }
0xb9: {  	[sflag:s26] =	ssyncset.done $0x0  }
0xba: {  	[sflag:s26] =	ssyncadd.s32 $0xFFFFC000  }
0xbb: {  	[tilespmem:s20], [sflag:$0x2] =	stream.indirect.gather [hbm4b:s5+s19], $0x80, s8, s19, $0xb8;
	[tilespmem:$0x1C800] =	vst v63  }
0xbc: {  	_ =	swait.ge [sflag:s22], $0x4000  }
0xbd: {  	[sflag:s22] =	ssyncset.done $0x0  }
0xbe: {  	p0 =	sne.s32 s12, $0x1;
	[sflag:s22] =	ssyncadd.s32 $0xFFFFC000  }
0xbf: {  	[spmem:s3] =	stream.indirect.scatter.add.f32 [tilespmem:s20], [sflag:$0x4], $0x80, s9, s19, $0xb8;
	[tilespmem:$0x1C800] =	vst v63  }
.Ltmp1:
0xc0: {  	_ =	swait.ge [sflag:s23], $0x4000;
	(pc) =	sbr.rel @p0 .LBB2_2-.Ltmp1, $4  }
0xc1: {  	[sflag:s23] =	ssyncset.done $0x0  }
0xc2: {  	[sflag:s23] =	ssyncadd.s32 $0xFFFFC000  }
0xc3: {  	_ =	swait.ge [sflag:s26], $0x4000  }
0xc4: {  	s12 =	sadd.s32 $0xFFFFFFFF, s12;
	[sflag:s26] =	ssyncset.done $0x0  }
.LBB2_3:
0xc5: {  	[sflag:s26] =	ssyncadd.s32 $0xFFFFC000;
	s12 =	stileid.u32  }
0xc6: {  	s12 =	sshll.u32 s12, $0x6;
	[bflag:$0x0] =	sbarrier.arrive $0xFFFF  }
0xc7: {  	s13 =	sshrl.u32 s6, $0x3;
	s12 =	sor.u32 $0x1C05, s12;
	s14 =	rddreg [dreg:$0x9]  }
0xc8: {  	[hbm:s14], [sflag:s12] =	dma.local [spmem:s13], $0x2800  }
0xc9: {  	_ =	swait.ge [sflag:s17], $0x2800  }
0xca: {  	s11 =	sadd.s32 $0x1, s11;
	s15 =	rddreg [dreg:$0xa]  }
0xcb: {  	p0 =	sne.s32 s11, s15  }
.Ltmp2:
0xcc: {  	_ = 	snop;
	(pc) =	sbr.rel @p0 .LBB2_1-.Ltmp2, $3  }
0xcd: {  	_ =	sdelay $0x1  }
0xce: {  	[sflag:s17] =	ssyncset.done $0x0  }
0xcf: {  	[sflag:s17] =	ssyncadd.s32 $0xFFFFD800  }
0xd0: {  	_ =	sfence.sel $0x180000  }
0xd1: {  	[bflag:$0x0] =	sbarrier.arrive $0xFFFF  }
0xd2: {  	_ =	strace $0x9000004A  }
0xd3: {  	s0 =	stileid.u32;
	[bflag:$0x2] =	sbarrier.arrive $0xFFFF  }
0xd4: {  	p0 =	sne.s32 s0, $0x0;
	s0 =	rddreg [dreg:$0x3]  }
0xd5: {  	s0 =	sadd.s32 @!p0 $0x100000, s0  }
0xd6: {  	[sflag:s0] =	ssyncadd.tile.s32 @!p0 $0x1;
	_ =	shalt  }
.Lfunc_end2:
_tile_overlayer_lowered:
.L_overlay_start_2:
0xd7: {  	(tag) =	ssettag $0x2  }
0xd8: {  	s0 =	rddreg [dreg:$0x0];
	s2 =	stileid.u32  }
0xd9: {  	s1 =	rddreg [dreg:$0x1];
	p0 =	sne.s32 s2, $0x0  }
0xda: {  	s3 =	rddreg [dreg:$0x2];
	[bflag:$0x3] =	sbarrier.arrive $0xFFFF;
	s2 =	simm.s32 @!p0 $0x1C05  }
0xdb: {  	[timem:s3], [sflag:s2] =	dma.local @!p0 [hbm:s0], s1  }
0xdc: {  	s0 =	simm.s32 @!p0 $0x5  }
0xdd: {  	_ =	swait.ge @!p0 [sflag:s0], s1  }
0xde: {  	s1 =	ssub.s32 @!p0 $0x0, s1;
	[sflag:s0] =	ssyncset.done @!p0 $0x0  }
0xdf: {  	[sflag:s0] =	ssyncadd.s32 @!p0 s1  }
0xe0: {  	[bflag:$0x3] =	sbarrier.arrive $0xFFFF  }
0xe1: {  	_ =	shalt  }

// kernel: kernel.14.cloned.1.call-start
scs
__scs_entry_jumppad:
0x0: {  	(pc) =	sbr.rel $0x88, $3  }
0x1: {  	(tag) =	ssettag $0x0;
	lr =	simm.s32 $0x1  }
0x2: {  	[smem:$0x3F95] =	sst lr;
	_ =	strace $0xD0000000  }
0x3: {  	_ = 	snop  }
0x4: {  	_ = 	snop  }
0x5: {  	_ = 	snop  }
0x6: {  	_ = 	snop  }
0x7: {  	_ = 	snop  }
__scs_overlays_trampoline_lowered:
0x8: {  	[smem:$0x3FA4] =	sst s0  }
0x9: {  	[smem:$0x3FA5] =	sst s1  }
0xa: {  	[smem:$0x3FA6] =	sst s2  }
0xb: {  	[smem:$0x3FA7] =	sst s3  }
0xc: {  	[smem:$0x3FA8] =	sst s4  }
0xd: {  	[smem:$0x3FA9] =	sst s5  }
0xe: {  	[smem:$0x3FAA] =	sst s6  }
0xf: {  	[smem:$0x3FAB] =	sst s7  }
0x10: {  	[smem:$0x3FAC] =	sst s8  }
0x11: {  	[smem:$0x3FAD] =	sst s9;
	s0 =	simm.s32 @!p0 $0x0  }
0x12: {  	s1 =	sld [smem:$0x3F93];
	s0 =	simm.s32 @p0 $0x1  }
0x13: {  	[smem:$0x3FAE] =	sst s0;
	s0 =	simm.s32 @!p1 $0x0  }
0x14: {  	s2 =	sld [smem:$0x3F92];
	s0 =	simm.s32 @p1 $0x1  }
0x15: {  	[smem:$0x3FAF] =	sst s0;
	s0 =	simm.s32 @!p2 $0x0  }
0x16: {  	s3 =	sld [smem:$0x3FDB];
	s0 =	simm.s32 @p2 $0x1  }
0x17: {  	s4 =	simm.s32 $0x1BF5;
	[smem:$0x3FB1] =	sst s0  }
0x18: {  	s0 =	sld [smem:$0x3F94];
	_ =	swait.ge [sflag:s4], $0x0  }
0x19: {  	s7 =	sld [smem:$0x3F95]  }
0x1a: {  	s8 =	sadd.s32 $0xFFFFE003, lr  }
0x1b: {  	s9 =	sadd.s32 $0xFFFFFEF7, lr;
	s5 =	simm.s32 $0xFFFFFFFF;
	p2 =	slt.u32 s8, $0xFFFFF086  }
0x1c: {  	p1 =	slt.u32 s9, $0xF7A;
	s5 =	simm.s32 @!p2 $0x0  }
0x1d: {  	s5 =	simm.s32 @p1 $0x1;
	p0 =	seq.s32 s7, s2  }
0x1e: {  	s7 =	smul.u32 @!p0 $0xF7A, s2;
	p2 =	seq.s32 @!p0 s5, $0x0  }
0x1f: {  	s9 =	smul.u32 $0xF7A, s1;
	s8 =	simm.s32 @!p0 $0x1BF5;
	p2 =	por !p2, p0  }
0x20: {  	[sflag:s8] =	ssyncset.s32 @!p0 $0xFFFFF086;
	s6 =	sadd.s32 @!p0 s3, s7;
	s7 =	simm.s32 @!p0 $0x108  }
0x21: {  	s3 =	sadd.s32 s3, s9;
	s6 =	sadd.s32 @!p0 $0x88, s6;
	s7 =	simm.s32 @p2 $0x1082  }
0x22: {  	[simem:s7], [sflag:s8] =	dma.local @!p0 [hbm:s6], $0xF7A  }
0x23: {  	s9 =	sor.u32 $0xD0000000, s2;
	s6 =	simm.s32 $0x108;
	_ =	swait.ge @!p0 [sflag:s8], $0x0  }
0x24: {  	s3 =	sadd.s32 $0x88, s3;
	s6 =	simm.s32 @!p1 $0x1082;
	[sflag:s4] =	ssyncset.s32 $0xFFFFF086  }
0x25: {  	[simem:s6], [sflag:s4] =	dma.local [hbm:s3], $0xF7A  }
0x26: {  	[smem:$0x3F95] =	sst s1;
	(tag) =	ssettag s2;
	_ =	strace s9  }
0x27: {  	s1 =	sld [smem:$0x3FA5]  }
0x28: {  	s2 =	sld [smem:$0x3FA6]  }
0x29: {  	s4 =	sld [smem:$0x3FA8]  }
0x2a: {  	p0 =	seq.s32 s5, $0x0;
	s5 =	sld [smem:$0x3FA9]  }
0x2b: {  	s6 =	sld [smem:$0x3FAA]  }
0x2c: {  	s7 =	sld [smem:$0x3FAB]  }
0x2d: {  	s3 =	simm.s32 $0x108;
	s8 =	sld [smem:$0x3FAC]  }
0x2e: {  	s3 =	simm.s32 @!p0 $0x1082;
	s9 =	sld [smem:$0x3FAD]  }
0x2f: {  	lr =	sadd.s32 s0, s3;
	s0 =	sld [smem:$0x3FA4]  }
0x30: {  	s3 =	sld [smem:$0x3FA7]  }
0x31: {  	[smem:$0x3FB0] =	sst s10  }
0x32: {  	s10 =	sld [smem:$0x3FAE];
	_ =	sdelay $0x3  }
0x33: {  	p0 =	seq.s32 s10, $0x1;
	s10 =	sld [smem:$0x3FB0];
	_ =	sdelay $0x3  }
0x34: {  	[smem:$0x3FB0] =	sst s10  }
0x35: {  	s10 =	sld [smem:$0x3FAF];
	_ =	sdelay $0x3  }
0x36: {  	p1 =	seq.s32 s10, $0x1;
	s10 =	sld [smem:$0x3FB0];
	_ =	sdelay $0x3  }
0x37: {  	[smem:$0x3FB0] =	sst s10  }
0x38: {  	s10 =	sld [smem:$0x3FB1]  }
0x39: {  	_ = 	snop;
	(pc) =	sbr.ind lr, $3  }
0x3a: {  	_ = 	snop  }
0x3b: {  	_ = 	snop  }
0x3c: {  	p2 =	seq.s32 s10, $0x1;
	s10 =	sld [smem:$0x3FB0]  }
0x3d: {  	_ =	shalt  }
0x3e: {  	_ =	shalt  }
0x3f: {  	_ =	shalt  }
0x40: {  	_ =	shalt  }
0x41: {  	_ =	shalt  }
0x42: {  	_ =	shalt  }
0x43: {  	_ =	shalt  }
0x44: {  	_ =	shalt  }
0x45: {  	_ =	shalt  }
0x46: {  	_ =	shalt  }
0x47: {  	_ =	shalt  }
0x48: {  	_ =	shalt  }
0x49: {  	_ =	shalt  }
0x4a: {  	_ =	shalt  }
0x4b: {  	_ =	shalt  }
0x4c: {  	_ =	shalt  }
0x4d: {  	_ =	shalt  }
0x4e: {  	_ =	shalt  }
0x4f: {  	_ =	shalt  }
0x50: {  	_ =	shalt  }
0x51: {  	_ =	shalt  }
0x52: {  	_ =	shalt  }
0x53: {  	_ =	shalt  }
0x54: {  	_ =	shalt  }
0x55: {  	_ =	shalt  }
0x56: {  	_ =	shalt  }
0x57: {  	_ =	shalt  }
0x58: {  	_ =	shalt  }
0x59: {  	_ =	shalt  }
0x5a: {  	_ =	shalt  }
0x5b: {  	_ =	shalt  }
0x5c: {  	_ =	shalt  }
0x5d: {  	_ =	shalt  }
0x5e: {  	_ =	shalt  }
0x5f: {  	_ =	shalt  }
0x60: {  	_ =	shalt  }
0x61: {  	_ =	shalt  }
0x62: {  	_ =	shalt  }
0x63: {  	_ =	shalt  }
0x64: {  	_ =	shalt  }
0x65: {  	_ =	shalt  }
0x66: {  	_ =	shalt  }
0x67: {  	_ =	shalt  }
0x68: {  	_ =	shalt  }
0x69: {  	_ =	shalt  }
0x6a: {  	_ =	shalt  }
0x6b: {  	_ =	shalt  }
0x6c: {  	_ =	shalt  }
0x6d: {  	_ =	shalt  }
0x6e: {  	_ =	shalt  }
0x6f: {  	_ =	shalt  }
0x70: {  	_ =	shalt  }
0x71: {  	_ =	shalt  }
0x72: {  	_ =	shalt  }
0x73: {  	_ =	shalt  }
0x74: {  	_ =	shalt  }
0x75: {  	_ =	shalt  }
0x76: {  	_ =	shalt  }
0x77: {  	_ =	shalt  }
0x78: {  	_ =	shalt  }
0x79: {  	_ =	shalt  }
0x7a: {  	_ =	shalt  }
0x7b: {  	_ =	shalt  }
0x7c: {  	_ =	shalt  }
0x7d: {  	_ =	shalt  }
0x7e: {  	_ =	shalt  }
0x7f: {  	_ =	shalt  }
0x80: {  	_ =	shalt  }
0x81: {  	_ =	shalt  }
0x82: {  	_ =	shalt  }
0x83: {  	_ =	shalt  }
0x84: {  	_ =	shalt  }
0x85: {  	_ =	shalt  }
0x86: {  	_ =	shalt  }
0x87: {  	_ =	shalt  }
.Lfunc_end0:
.L_simem_size_0:
called_computation.2_lowered:
.L_overlay_start_0:
0x88: {  	s2 =	sld [smem:$0x3FD9]  }
0x89: {  	s3 =	sld [smem:$0x3FFE];
	_ =	sdelay $0x1  }
0x8a: {  	s1 =	srdreg.scid  }
0x8b: {  	s0 =	sand.u32 $0x1, s1  }
0x8c: {  	s14 =	sshll.u32 s0, $0xA;
	s2 =	sadd.s32 s3, s2  }
0x8d: {  	s2 =	sadd.s32 s2, s14  }
0x8e: {  	[smem:$0x3FBC] =	sst s2  }
0x8f: {  	_ = 	snop  }
0x90: {  	s2 =	sld [smem:$0x3FD0];
	_ =	sdelay $0x2  }
0x91: {  	s15 =	simm.s32 $0xA;
	s4 =	simm.s32 $0x10  }
0x92: {  	[smem:s4], [sflag:s15] =	dma.local [hbm:s2], $0x1  }
0x93: {  	_ =	swait.eq [sflag:s15], $0x1  }
0x94: {  	[sflag:s15] =	ssyncset.done $0x0  }
0x95: {  	[sflag:s15] =	ssyncadd.s32 $0xFFFFFFFF  }
0x96: {  	s16 =	sld [smem:$0x11];
	(tm) =	ssettm $0x1  }
0x97: {  	s17 =	sld [smem:$0x3FFB];
	_ =	sdelay $0x3  }
0x98: {  	_ =	strace s17  }
0x99: {  	s3 =	sld [smem:$0x3FFC];
	_ =	sdelay $0x3  }
0x9a: {  	_ =	strace s3  }
0x9b: {  	s3 =	sld [smem:$0x3FFD];
	_ =	sdelay $0x3  }
0x9c: {  	_ =	strace s3  }
0x9d: {  	_ =	strace $0x8FFFFFFF  }
0x9e: {  	s18 =	sld [smem:$0x3FDB];
	_ =	sdelay $0x1  }
0x9f: {  	s19 =	simm.s32 $_scs_section_size  }
0xa0: {  	s5 =	simm.s32 $_size__tile_overlayer_lowered;
	s6 =	simm.s32 $_tile_overlayer_lowered  }
0xa1: {  	s22 =	simm.s32 $0x1BFF;
	s21 =	sshll.u32 s6, $0x1;
	s3 =	sadd.s32 s19, s18  }
0xa2: {  	s7 =	simm.s32 $0x0;
	s20 =	sshll.u32 s5, $0x1;
	s5 =	sadd.s32 s21, s3  }
0xa3: {  	[timem:s7], [sflag:s22] =	dma.local [hbm:s5], s20  }
0xa4: {  	_ =	swait.ge [sflag:s22], s20  }
0xa5: {  	s4 =	ssub.s32 $0x0, s20;
	[sflag:s22] =	ssyncset.done $0x0  }
0xa6: {  	[sflag:s22] =	ssyncadd.s32 s4;
	_ =	sdelay $0x1  }
0xa7: {  	s23 =	simm.s32 $0x1B8B  }
0xa8: {  	_ =	swait.ge [sflag:s23], $0x1  }
0xa9: {  	[sflag:s23] =	ssyncset.done $0x0  }
0xaa: {  	s25 =	simm.s32 $0x1B8E;
	s24 =	sld [smem:$0x3FFE];
	[sflag:s23] =	ssyncadd.s32 $0xFFFFFFFF  }
0xab: {  	s26 =	simm.s32 $execute0_lowered;
	[smem:$0x3FD2] =	sst s25  }
0xac: {  	s5 =	sshll.u32 s26, $0x1;
	_ =	strace $0x8000004C;
	[dreg:$0x1] =	wrdreg $0xFFFFFFFF  }
0xad: {  	s28 =	simm.s32 $_size_execute0_lowered;
	s3 =	sadd.s32 s3, s5;
	[dreg:$0x0] =	wrdreg $0x0  }
0xae: {  	s5 =	sshll.u32 s28, $0x1;
	[dreg:$0x2] =	wrdreg s3  }
0xaf: {  	[dreg:$0x3] =	wrdreg s5  }
0xb0: {  	[dreg:$0x4] =	wrdreg $0xC0  }
0xb1: {  	_ =	task [dreg:s7], $0x5FFFF  }
0xb2: {  	[dreg:$0x1] =	wrdreg $0xFFFFFFFF  }
0xb3: {  	[dreg:$0x0] =	wrdreg $0x60  }
0xb4: {  	[dreg:$0x2] =	wrdreg s24  }
0xb5: {  	[dreg:$0x3] =	wrdreg s16  }
0xb6: {  	[dreg:$0x4] =	wrdreg $0x88000  }
0xb7: {  	[dreg:$0x5] =	wrdreg $0x9  }
0xb8: {  	_ =	task.clear_ibuf [dreg:s7], $0x6FFFF;
	_ =	strace $0x9000004C  }
0xb9: {  	s29 =	simm.s32 $0x9;
	_ =	strace $0x8000004E  }
0xba: {  	_ =	swait.ge [sflag:s29], $0x1  }
0xbb: {  	[sflag:s29] =	ssyncadd.s32 $0xFFFFFFFF  }
0xbc: {  	_ =	strace $0x9000004E  }
0xbd: {  	_ =	sfence  }
0xbe: {  	s30 =	sld [smem:$0x0];
	_ =	sdelay $0x2  }
0xbf: {  	s31 =	sshll.u32 s1, $0xD;
	s1 =	sshrl.u32 s1, $0x2  }
0xc0: {  	s3 =	sand.u32 $0x4000, s31;
	s1 =	sadd.s32 s1, s30  }
0xc1: {  	s0 =	sor.u32 s3, s0;
	s1 =	sshll.u32 s1, $0x11  }
0xc2: {  	s0 =	sor.u32 s1, s0  }
0xc3: {  	s0 =	sadd.s32 $0x8F2B, s0  }
0xc4: {  	[sflag:s0] =	ssyncadd.remote.s32 $0x1  }
0xc5: {  	_ =	sfence.sel $0xFFFF  }
0xc6: {  	[dreg:$0x0] =	wrdreg $0xFFFFFFFF;
	(pc) =	sbr.abs _section_cstart, $3  }
0xc7: {  	[dreg:$0x1] =	wrdreg $0xFFFFFFFF  }
0xc8: {  	_ =	task.clear_ibuf [dreg:s7], $0x2FFFF;
	_ =	strace $0x9FFFFFFF  }
0xc9: {  	(tm) =	ssettm $0x7FFFFFFF  }
tec
execute0_lowered:
.L_overlay_start_1:
0x0: {  	(tag) =	ssettag $0x1  }
0x1: {  	s0 =	rddreg [dreg:$0x0]  }
0x2: {  	s3 =	rddreg [dreg:$0x2];
	s8 =	stileid.u32  }
0x3: {  	s1 =	srdreg.scid;
	s4 =	simm.s32 $0x0;
	s10 =	simm.s32 $0xF  }
0x4: {  	s16 =	simm.s32 $0x800;
	s17 =	simm.s32 $0x5;
	s26 =	simm.s32 $0x480  }
0x5: {  	s28 =	simm.s32 $0x180;
	s29 =	simm.s32 $0x580;
	s2 =	smul.u32 $0x28, s8  }
0x6: {  	s30 =	simm.s32 $0x200;
	s31 =	simm.s32 $0x600;
	s5 =	smul.u32 $0x78, s8  }
0x7: {  	s11 =	simm.s32 $0x0;
	s1 =	sand.u32 $0x1, s1;
	s7 =	smul.u32 $0x14000, s8  }
0x8: {  	[smem:$0x7FF] =	sst s4;
	s8 =	smul.u32 $0x50000, s8;
	p0 =	seq.s32 s1, $0x0  }
0x9: {  	s6 =	smul.u32 $0x140000, s1;
	_ =	strace $0x8000004D;
	s1 =	ssub.s32 $0x2, s1  }
0xa: {  	[dreg:$0x4] =	wrdreg s26;
	s26 =	simm.s32 $0x4;
	s2 =	sadd.s32 $0x780, s2  }
0xb: {  	s18 =	sshrl.u32 s8, $0x2;
	s9 =	sshrl.u32 s1, $0x1;
	s10 =	simm.s32 @!p0 $0x5  }
0xc: {  	s8 =	simm.s32 $0x380;
	s2 =	smov.u32 @p0 s5;
	s5 =	sadd.s32 $0x18400, s0  }
0xd: {  	s6 =	sadd.s32 s7, s6;
	s1 =	ssub.s32 s1, s9;
	s9 =	simm.s32 $0x780  }
0xe: {  	s2 =	sshll.u32 s2, $0x4;
	s19 =	sshrl.u32 s6, $0x3;
	s6 =	sadd.s32 s18, s3  }
0xf: {  	s23 =	smax.u32 s1, $0x1;
	s18 =	simm.s32 $0x400;
	s1 =	simm.s32 $0x280  }
0x10: {  	s2 =	sadd.s32 s2, s0;
	s7 =	sadd.s32 $0x4000, s6;
	[dreg:$0xa] =	wrdreg s23  }
0x11: {  	s0 =	sadd.s32 s19, s0;
	s20 =	sadd.s32 $0x8000, s6;
	[dreg:$0x5] =	wrdreg s7  }
0x12: {  	s21 =	sadd.s32 $0xC000, s6;
	s22 =	sadd.s32 $0x10000, s6;
	[dreg:$0x6] =	wrdreg s20  }
0x13: {  	s19 =	simm.s32 $0x80;
	s23 =	simm.s32 $0x3;
	[dreg:$0x7] =	wrdreg s21  }
0x14: {  	[dreg:$0x8] =	wrdreg s22;
	s0 =	sadd.s32 $0x68400, s0;
	s24 =	sadd.s32 $0x4400, s2  }
0x15: {  	s25 =	sadd.s32 $0xE400, s2;
	s20 =	simm.s32 $0x4800;
	[dreg:$0x9] =	wrdreg s0  }
0x16: {  	s21 =	simm.s32 $0x1;
	s22 =	simm.s32 $0x2;
	[dreg:$0xb] =	wrdreg s24  }
0x17: {  	s2 =	simm.s32 $0x680;
	s7 =	simm.s32 $0x700;
	[dreg:$0xc] =	wrdreg s25  }
0x18: {  	s24 =	simm.s32 $0x100;
	s25 =	simm.s32 $0x500;
	s0 =	simm.s32 $0x300  }
.LBB2_1:
0x19: {  	s12 =	rddreg [dreg:$0x1]  }
0x1a: {  	[tilespmem:s16], [sflag:$0x5] =	stream.linear.gather [hbm4b:s12+s4], $0x4000, $0x38;
	[tilespmem:$0x1C800] =	vst v63  }
0x1b: {  	_ =	swait.ge [sflag:s17], $0x4000  }
0x1c: {  	[sflag:s17] =	ssyncset.done $0x0  }
0x1d: {  	[sflag:s17] =	ssyncadd.s32 $0xFFFFC000  }
0x1e: {  	[spmem:s6] =	stream.linear.scatter [tilespmem:s16], [sflag:$0x5], $0x4000, $0x38;
	[tilespmem:$0x1C800] =	vst v63  }
0x1f: {  	_ =	swait.ge [sflag:s17], $0x4000  }
0x20: {  	[sflag:s17] =	ssyncset.done $0x0  }
0x21: {  	s15 =	rddreg [dreg:$0x5];
	[sflag:s17] =	ssyncadd.s32 $0xFFFFC000  }
0x22: {  	[spmem:s15] =	stream.linear.scatter [tilespmem:s16], [sflag:$0x5], $0x4000, $0x38;
	[tilespmem:$0x1C800] =	vst v63  }
0x23: {  	_ =	swait.ge [sflag:s17], $0x4000  }
0x24: {  	[sflag:s17] =	ssyncset.done $0x0  }
0x25: {  	s13 =	rddreg [dreg:$0x6];
	[sflag:s17] =	ssyncadd.s32 $0xFFFFC000  }
0x26: {  	[spmem:s13] =	stream.linear.scatter [tilespmem:s16], [sflag:$0x5], $0x4000, $0x38;
	[tilespmem:$0x1C800] =	vst v63  }
0x27: {  	_ =	swait.ge [sflag:s17], $0x4000  }
0x28: {  	[sflag:s17] =	ssyncset.done $0x0  }
0x29: {  	s14 =	rddreg [dreg:$0x7];
	[sflag:s17] =	ssyncadd.s32 $0xFFFFC000  }
0x2a: {  	[spmem:s14] =	stream.linear.scatter [tilespmem:s16], [sflag:$0x5], $0x4000, $0x38;
	[tilespmem:$0x1C800] =	vst v63  }
0x2b: {  	_ =	swait.ge [sflag:s17], $0x4000  }
0x2c: {  	[sflag:s17] =	ssyncset.done $0x0  }
0x2d: {  	s15 =	rddreg [dreg:$0x8];
	[sflag:s17] =	ssyncadd.s32 $0xFFFFC000  }
0x2e: {  	[spmem:s15] =	stream.linear.scatter [tilespmem:s16], [sflag:$0x5], $0x4000, $0x38;
	[tilespmem:$0x1C800] =	vst v63  }
0x2f: {  	_ =	swait.ge [sflag:s17], $0x4000  }
0x30: {  	[sflag:s17] =	ssyncset.done $0x0  }
0x31: {  	[sflag:s17] =	ssyncadd.s32 $0xFFFFC000  }
0x32: {  	[bflag:$0x0] =	sbarrier.arrive $0xFFFF  }
0x33: {  	s15 =	rddreg [dreg:$0xc]  }
0x34: {  	[tilespmem:s4], [sflag:$0x5] =	stream.linear.gather [hbm4b:s15+s4], $0x400, $0x38;
	[tilespmem:$0x1C800] =	vst v63  }
0x35: {  	_ =	swait.ge [sflag:s17], $0x400  }
0x36: {  	[sflag:s17] =	ssyncset.done $0x0  }
0x37: {  	s14 =	rddreg [dreg:$0xb];
	[sflag:s17] =	ssyncadd.s32 $0xFFFFFC00  }
0x38: {  	[tilespmem:s18], [sflag:$0x5] =	stream.linear.gather [hbm4b:s14+s4], $0x400, $0x38;
	[tilespmem:$0x1C800] =	vst v63  }
0x39: {  	_ =	swait.ge [sflag:s17], $0x400  }
0x3a: {  	[sflag:s17] =	ssyncset.done $0x0  }
0x3b: {  	[sflag:s17] =	ssyncadd.s32 $0xFFFFFC00  }
0x3c: {  	[tilespmem:s16], [sflag:$0x1] =	stream.indirect.gather [hbm4b:s5+s19], $0x80, s4, s19, $0xb8;
	[tilespmem:$0x1C800] =	vst v63  }
0x3d: {  	_ = 	snop  }
0x3e: {  	[tilespmem:s20], [sflag:$0x2] =	stream.indirect.gather [hbm4b:s5+s19], $0x80, s19, s19, $0xb8;
	[tilespmem:$0x1C800] =	vst v63  }
0x3f: {  	_ =	swait.ge [sflag:s21], $0x4000  }
0x40: {  	[sflag:s21] =	ssyncset.done $0x0  }
0x41: {  	[sflag:s21] =	ssyncadd.s32 $0xFFFFC000  }
0x42: {  	[spmem:s3] =	stream.indirect.scatter.add.f32 [tilespmem:s16], [sflag:$0x3], $0x80, s18, s19, $0xb8;
	[tilespmem:$0x1C800] =	vst v63  }
0x43: {  	_ =	swait.ge [sflag:s22], $0x4000  }
0x44: {  	[sflag:s22] =	ssyncset.done $0x0  }
0x45: {  	s13 =	rddreg [dreg:$0x4];
	[sflag:s22] =	ssyncadd.s32 $0xFFFFC000  }
0x46: {  	[spmem:s3] =	stream.indirect.scatter.add.f32 [tilespmem:s20], [sflag:$0x4], $0x80, s13, s19, $0xb8;
	[tilespmem:$0x1C800] =	vst v63  }
0x47: {  	_ =	swait.ge [sflag:s23], $0x4000  }
0x48: {  	[sflag:s23] =	ssyncset.done $0x0  }
0x49: {  	[sflag:s23] =	ssyncadd.s32 $0xFFFFC000  }
0x4a: {  	[tilespmem:s16], [sflag:$0x1] =	stream.indirect.gather [hbm4b:s5+s19], $0x80, s24, s19, $0xb8;
	[tilespmem:$0x1C800] =	vst v63  }
0x4b: {  	_ =	swait.ge [sflag:s21], $0x4000  }
0x4c: {  	[sflag:s21] =	ssyncset.done $0x0  }
0x4d: {  	[sflag:s21] =	ssyncadd.s32 $0xFFFFC000  }
0x4e: {  	[spmem:s3] =	stream.indirect.scatter.add.f32 [tilespmem:s16], [sflag:$0x3], $0x80, s25, s19, $0xb8;
	[tilespmem:$0x1C800] =	vst v63  }
0x4f: {  	_ =	swait.ge [sflag:s26], $0x4000  }
0x50: {  	[sflag:s26] =	ssyncset.done $0x0  }
0x51: {  	[sflag:s26] =	ssyncadd.s32 $0xFFFFC000  }
0x52: {  	[tilespmem:s20], [sflag:$0x2] =	stream.indirect.gather [hbm4b:s5+s19], $0x80, s28, s19, $0xb8;
	[tilespmem:$0x1C800] =	vst v63  }
0x53: {  	_ =	swait.ge [sflag:s22], $0x4000  }
0x54: {  	[sflag:s22] =	ssyncset.done $0x0  }
0x55: {  	[sflag:s22] =	ssyncadd.s32 $0xFFFFC000  }
0x56: {  	[spmem:s3] =	stream.indirect.scatter.add.f32 [tilespmem:s20], [sflag:$0x4], $0x80, s29, s19, $0xb8;
	[tilespmem:$0x1C800] =	vst v63  }
0x57: {  	_ =	swait.ge [sflag:s23], $0x4000  }
0x58: {  	[sflag:s23] =	ssyncset.done $0x0  }
0x59: {  	[sflag:s23] =	ssyncadd.s32 $0xFFFFC000  }
0x5a: {  	[tilespmem:s16], [sflag:$0x1] =	stream.indirect.gather [hbm4b:s5+s19], $0x80, s30, s19, $0xb8;
	[tilespmem:$0x1C800] =	vst v63  }
0x5b: {  	_ =	swait.ge [sflag:s21], $0x4000  }
0x5c: {  	[sflag:s21] =	ssyncset.done $0x0  }
0x5d: {  	[sflag:s21] =	ssyncadd.s32 $0xFFFFC000  }
0x5e: {  	[spmem:s3] =	stream.indirect.scatter.add.f32 [tilespmem:s16], [sflag:$0x3], $0x80, s31, s19, $0xb8;
	[tilespmem:$0x1C800] =	vst v63  }
0x5f: {  	_ =	swait.ge [sflag:s26], $0x4000  }
0x60: {  	[sflag:s26] =	ssyncset.done $0x0  }
0x61: {  	[sflag:s26] =	ssyncadd.s32 $0xFFFFC000  }
0x62: {  	[tilespmem:s20], [sflag:$0x2] =	stream.indirect.gather [hbm4b:s5+s19], $0x80, s1, s19, $0xb8;
	[tilespmem:$0x1C800] =	vst v63  }
0x63: {  	_ =	swait.ge [sflag:s22], $0x4000  }
0x64: {  	[sflag:s22] =	ssyncset.done $0x0  }
0x65: {  	[sflag:s22] =	ssyncadd.s32 $0xFFFFC000  }
0x66: {  	[spmem:s3] =	stream.indirect.scatter.add.f32 [tilespmem:s20], [sflag:$0x4], $0x80, s2, s19, $0xb8;
	[tilespmem:$0x1C800] =	vst v63  }
0x67: {  	_ =	swait.ge [sflag:s23], $0x4000  }
0x68: {  	[sflag:s23] =	ssyncset.done $0x0  }
0x69: {  	[sflag:s23] =	ssyncadd.s32 $0xFFFFC000  }
0x6a: {  	[tilespmem:s16], [sflag:$0x1] =	stream.indirect.gather [hbm4b:s5+s19], $0x80, s0, s19, $0xb8;
	[tilespmem:$0x1C800] =	vst v63  }
0x6b: {  	_ =	swait.ge [sflag:s21], $0x4000  }
0x6c: {  	[sflag:s21] =	ssyncset.done $0x0  }
0x6d: {  	[sflag:s21] =	ssyncadd.s32 $0xFFFFC000  }
0x6e: {  	[spmem:s3] =	stream.indirect.scatter.add.f32 [tilespmem:s16], [sflag:$0x3], $0x80, s7, s19, $0xb8;
	[tilespmem:$0x1C800] =	vst v63  }
0x6f: {  	_ =	swait.ge [sflag:s26], $0x4000  }
0x70: {  	[sflag:s26] =	ssyncset.done $0x0  }
0x71: {  	[sflag:s26] =	ssyncadd.s32 $0xFFFFC000  }
0x72: {  	[tilespmem:s20], [sflag:$0x2] =	stream.indirect.gather [hbm4b:s5+s19], $0x80, s8, s19, $0xb8;
	[tilespmem:$0x1C800] =	vst v63  }
0x73: {  	_ =	swait.ge [sflag:s22], $0x4000  }
0x74: {  	[sflag:s22] =	ssyncset.done $0x0  }
0x75: {  	p0 =	sne.s32 s10, $0x1;
	[sflag:s22] =	ssyncadd.s32 $0xFFFFC000  }
0x76: {  	[spmem:s3] =	stream.indirect.scatter.add.f32 [tilespmem:s20], [sflag:$0x4], $0x80, s9, s19, $0xb8;
	[tilespmem:$0x1C800] =	vst v63  }
.Ltmp0:
0x77: {  	_ =	swait.ge [sflag:s23], $0x4000;
	(pc) =	sbr.rel @!p0 .LBB2_3-.Ltmp0, $4  }
0x78: {  	[sflag:s23] =	ssyncset.done $0x0  }
0x79: {  	[sflag:s23] =	ssyncadd.s32 $0xFFFFC000  }
0x7a: {  	_ =	swait.ge [sflag:s26], $0x4000  }
0x7b: {  	s12 =	sadd.s32 $0xFFFFFFFF, s10;
	[sflag:s26] =	ssyncset.done $0x0  }
.LBB2_2:
0x7c: {  	[sflag:s26] =	ssyncadd.s32 $0xFFFFC000;
	s15 =	sadd.s32 $0x80, s15  }
0x7d: {  	[tilespmem:s4], [sflag:$0x5] =	stream.linear.gather [hbm4b:s15+s4], $0x400, $0x38;
	[tilespmem:$0x1C800] =	vst v63  }
0x7e: {  	_ =	swait.ge [sflag:s17], $0x400  }
0x7f: {  	[sflag:s17] =	ssyncset.done $0x0  }
0x80: {  	s14 =	sadd.s32 $0x80, s14;
	[sflag:s17] =	ssyncadd.s32 $0xFFFFFC00  }
0x81: {  	[tilespmem:s18], [sflag:$0x5] =	stream.linear.gather [hbm4b:s14+s4], $0x400, $0x38;
	[tilespmem:$0x1C800] =	vst v63  }
0x82: {  	_ =	swait.ge [sflag:s17], $0x400  }
0x83: {  	[sflag:s17] =	ssyncset.done $0x0  }
0x84: {  	[sflag:s17] =	ssyncadd.s32 $0xFFFFFC00  }
0x85: {  	[tilespmem:s16], [sflag:$0x1] =	stream.indirect.gather [hbm4b:s5+s19], $0x80, s4, s19, $0xb8;
	[tilespmem:$0x1C800] =	vst v63  }
0x86: {  	_ = 	snop  }
0x87: {  	[tilespmem:s20], [sflag:$0x2] =	stream.indirect.gather [hbm4b:s5+s19], $0x80, s19, s19, $0xb8;
	[tilespmem:$0x1C800] =	vst v63  }
0x88: {  	_ =	swait.ge [sflag:s21], $0x4000  }
0x89: {  	[sflag:s21] =	ssyncset.done $0x0  }
0x8a: {  	[sflag:s21] =	ssyncadd.s32 $0xFFFFC000  }
0x8b: {  	[spmem:s3] =	stream.indirect.scatter.add.f32 [tilespmem:s16], [sflag:$0x3], $0x80, s18, s19, $0xb8;
	[tilespmem:$0x1C800] =	vst v63  }
0x8c: {  	_ =	swait.ge [sflag:s22], $0x4000  }
0x8d: {  	[sflag:s22] =	ssyncset.done $0x0  }
0x8e: {  	s13 =	rddreg [dreg:$0x4];
	[sflag:s22] =	ssyncadd.s32 $0xFFFFC000  }
0x8f: {  	[spmem:s3] =	stream.indirect.scatter.add.f32 [tilespmem:s20], [sflag:$0x4], $0x80, s13, s19, $0xb8;
	[tilespmem:$0x1C800] =	vst v63  }
0x90: {  	_ =	swait.ge [sflag:s23], $0x4000  }
0x91: {  	[sflag:s23] =	ssyncset.done $0x0  }
0x92: {  	[sflag:s23] =	ssyncadd.s32 $0xFFFFC000  }
0x93: {  	[tilespmem:s16], [sflag:$0x1] =	stream.indirect.gather [hbm4b:s5+s19], $0x80, s24, s19, $0xb8;
	[tilespmem:$0x1C800] =	vst v63  }
0x94: {  	_ =	swait.ge [sflag:s21], $0x4000  }
0x95: {  	[sflag:s21] =	ssyncset.done $0x0  }
0x96: {  	[sflag:s21] =	ssyncadd.s32 $0xFFFFC000  }
0x97: {  	[spmem:s3] =	stream.indirect.scatter.add.f32 [tilespmem:s16], [sflag:$0x3], $0x80, s25, s19, $0xb8;
	[tilespmem:$0x1C800] =	vst v63  }
0x98: {  	_ =	swait.ge [sflag:s26], $0x4000  }
0x99: {  	[sflag:s26] =	ssyncset.done $0x0  }
0x9a: {  	[sflag:s26] =	ssyncadd.s32 $0xFFFFC000  }
0x9b: {  	[tilespmem:s20], [sflag:$0x2] =	stream.indirect.gather [hbm4b:s5+s19], $0x80, s28, s19, $0xb8;
	[tilespmem:$0x1C800] =	vst v63  }
0x9c: {  	_ =	swait.ge [sflag:s22], $0x4000  }
0x9d: {  	[sflag:s22] =	ssyncset.done $0x0  }
0x9e: {  	[sflag:s22] =	ssyncadd.s32 $0xFFFFC000  }
0x9f: {  	[spmem:s3] =	stream.indirect.scatter.add.f32 [tilespmem:s20], [sflag:$0x4], $0x80, s29, s19, $0xb8;
	[tilespmem:$0x1C800] =	vst v63  }
0xa0: {  	_ =	swait.ge [sflag:s23], $0x4000  }
0xa1: {  	[sflag:s23] =	ssyncset.done $0x0  }
0xa2: {  	[sflag:s23] =	ssyncadd.s32 $0xFFFFC000  }
0xa3: {  	[tilespmem:s16], [sflag:$0x1] =	stream.indirect.gather [hbm4b:s5+s19], $0x80, s30, s19, $0xb8;
	[tilespmem:$0x1C800] =	vst v63  }
0xa4: {  	_ =	swait.ge [sflag:s21], $0x4000  }
0xa5: {  	[sflag:s21] =	ssyncset.done $0x0  }
0xa6: {  	[sflag:s21] =	ssyncadd.s32 $0xFFFFC000  }
0xa7: {  	[spmem:s3] =	stream.indirect.scatter.add.f32 [tilespmem:s16], [sflag:$0x3], $0x80, s31, s19, $0xb8;
	[tilespmem:$0x1C800] =	vst v63  }
0xa8: {  	_ =	swait.ge [sflag:s26], $0x4000  }
0xa9: {  	[sflag:s26] =	ssyncset.done $0x0  }
0xaa: {  	[sflag:s26] =	ssyncadd.s32 $0xFFFFC000  }
0xab: {  	[tilespmem:s20], [sflag:$0x2] =	stream.indirect.gather [hbm4b:s5+s19], $0x80, s1, s19, $0xb8;
	[tilespmem:$0x1C800] =	vst v63  }
0xac: {  	_ =	swait.ge [sflag:s22], $0x4000  }
0xad: {  	[sflag:s22] =	ssyncset.done $0x0  }
0xae: {  	[sflag:s22] =	ssyncadd.s32 $0xFFFFC000  }
0xaf: {  	[spmem:s3] =	stream.indirect.scatter.add.f32 [tilespmem:s20], [sflag:$0x4], $0x80, s2, s19, $0xb8;
	[tilespmem:$0x1C800] =	vst v63  }
0xb0: {  	_ =	swait.ge [sflag:s23], $0x4000  }
0xb1: {  	[sflag:s23] =	ssyncset.done $0x0  }
0xb2: {  	[sflag:s23] =	ssyncadd.s32 $0xFFFFC000  }
0xb3: {  	[tilespmem:s16], [sflag:$0x1] =	stream.indirect.gather [hbm4b:s5+s19], $0x80, s0, s19, $0xb8;
	[tilespmem:$0x1C800] =	vst v63  }
0xb4: {  	_ =	swait.ge [sflag:s21], $0x4000  }
0xb5: {  	[sflag:s21] =	ssyncset.done $0x0  }
0xb6: {  	[sflag:s21] =	ssyncadd.s32 $0xFFFFC000  }
0xb7: {  	[spmem:s3] =	stream.indirect.scatter.add.f32 [tilespmem:s16], [sflag:$0x3], $0x80, s7, s19, $0xb8;
	[tilespmem:$0x1C800] =	vst v63  }
0xb8: {  	_ =	swait.ge [sflag:s26], $0x4000  }
0xb9: {  	[sflag:s26] =	ssyncset.done $0x0  }
0xba: {  	[sflag:s26] =	ssyncadd.s32 $0xFFFFC000  }
0xbb: {  	[tilespmem:s20], [sflag:$0x2] =	stream.indirect.gather [hbm4b:s5+s19], $0x80, s8, s19, $0xb8;
	[tilespmem:$0x1C800] =	vst v63  }
0xbc: {  	_ =	swait.ge [sflag:s22], $0x4000  }
0xbd: {  	[sflag:s22] =	ssyncset.done $0x0  }
0xbe: {  	p0 =	sne.s32 s12, $0x1;
	[sflag:s22] =	ssyncadd.s32 $0xFFFFC000  }
0xbf: {  	[spmem:s3] =	stream.indirect.scatter.add.f32 [tilespmem:s20], [sflag:$0x4], $0x80, s9, s19, $0xb8;
	[tilespmem:$0x1C800] =	vst v63  }
.Ltmp1:
0xc0: {  	_ =	swait.ge [sflag:s23], $0x4000;
	(pc) =	sbr.rel @p0 .LBB2_2-.Ltmp1, $4  }
0xc1: {  	[sflag:s23] =	ssyncset.done $0x0  }
0xc2: {  	[sflag:s23] =	ssyncadd.s32 $0xFFFFC000  }
0xc3: {  	_ =	swait.ge [sflag:s26], $0x4000  }
0xc4: {  	s12 =	sadd.s32 $0xFFFFFFFF, s12;
	[sflag:s26] =	ssyncset.done $0x0  }
.LBB2_3:
0xc5: {  	[sflag:s26] =	ssyncadd.s32 $0xFFFFC000;
	s12 =	stileid.u32  }
0xc6: {  	s12 =	sshll.u32 s12, $0x6;
	[bflag:$0x0] =	sbarrier.arrive $0xFFFF  }
0xc7: {  	s13 =	sshrl.u32 s6, $0x3;
	s12 =	sor.u32 $0x1C05, s12;
	s14 =	rddreg [dreg:$0x9]  }
0xc8: {  	[hbm:s14], [sflag:s12] =	dma.local [spmem:s13], $0x2800  }
0xc9: {  	_ =	swait.ge [sflag:s17], $0x2800  }
0xca: {  	s11 =	sadd.s32 $0x1, s11;
	s15 =	rddreg [dreg:$0xa]  }
0xcb: {  	p0 =	sne.s32 s11, s15  }
.Ltmp2:
0xcc: {  	_ = 	snop;
	(pc) =	sbr.rel @p0 .LBB2_1-.Ltmp2, $3  }
0xcd: {  	_ =	sdelay $0x1  }
0xce: {  	[sflag:s17] =	ssyncset.done $0x0  }
0xcf: {  	[sflag:s17] =	ssyncadd.s32 $0xFFFFD800  }
0xd0: {  	_ =	sfence.sel $0x180000  }
0xd1: {  	[bflag:$0x0] =	sbarrier.arrive $0xFFFF  }
0xd2: {  	_ =	strace $0x9000004D  }
0xd3: {  	s0 =	stileid.u32;
	[bflag:$0x2] =	sbarrier.arrive $0xFFFF  }
0xd4: {  	p0 =	sne.s32 s0, $0x0;
	s0 =	rddreg [dreg:$0x3]  }
0xd5: {  	s0 =	sadd.s32 @!p0 $0x100000, s0  }
0xd6: {  	[sflag:s0] =	ssyncadd.tile.s32 @!p0 $0x1;
	_ =	shalt  }
.Lfunc_end2:
_tile_overlayer_lowered:
.L_overlay_start_2:
0xd7: {  	(tag) =	ssettag $0x2  }
0xd8: {  	s0 =	rddreg [dreg:$0x0];
	s2 =	stileid.u32  }
0xd9: {  	s1 =	rddreg [dreg:$0x1];
	p0 =	sne.s32 s2, $0x0  }
0xda: {  	s3 =	rddreg [dreg:$0x2];
	[bflag:$0x3] =	sbarrier.arrive $0xFFFF;
	s2 =	simm.s32 @!p0 $0x1C05  }
0xdb: {  	[timem:s3], [sflag:s2] =	dma.local @!p0 [hbm:s0], s1  }
0xdc: {  	s0 =	simm.s32 @!p0 $0x5  }
0xdd: {  	_ =	swait.ge @!p0 [sflag:s0], s1  }
0xde: {  	s1 =	ssub.s32 @!p0 $0x0, s1;
	[sflag:s0] =	ssyncset.done @!p0 $0x0  }
0xdf: {  	[sflag:s0] =	ssyncadd.s32 @!p0 s1  }
0xe0: {  	[bflag:$0x3] =	sbarrier.arrive $0xFFFF  }
0xe1: {  	_ =	shalt  }

// kernel: kernel.8.cloned.1.call-start
scs
__scs_entry_jumppad:
0x0: {  	(pc) =	sbr.rel $0x88, $3  }
0x1: {  	(tag) =	ssettag $0x0;
	lr =	simm.s32 $0x1  }
0x2: {  	[smem:$0x3F95] =	sst lr;
	_ =	strace $0xD0000000  }
0x3: {  	_ = 	snop  }
0x4: {  	_ = 	snop  }
0x5: {  	_ = 	snop  }
0x6: {  	_ = 	snop  }
0x7: {  	_ = 	snop  }
__scs_overlays_trampoline_lowered:
0x8: {  	[smem:$0x3FA4] =	sst s0  }
0x9: {  	[smem:$0x3FA5] =	sst s1  }
0xa: {  	[smem:$0x3FA6] =	sst s2  }
0xb: {  	[smem:$0x3FA7] =	sst s3  }
0xc: {  	[smem:$0x3FA8] =	sst s4  }
0xd: {  	[smem:$0x3FA9] =	sst s5  }
0xe: {  	[smem:$0x3FAA] =	sst s6  }
0xf: {  	[smem:$0x3FAB] =	sst s7  }
0x10: {  	[smem:$0x3FAC] =	sst s8  }
0x11: {  	[smem:$0x3FAD] =	sst s9;
	s0 =	simm.s32 @!p0 $0x0  }
0x12: {  	s1 =	sld [smem:$0x3F93];
	s0 =	simm.s32 @p0 $0x1  }
0x13: {  	[smem:$0x3FAE] =	sst s0;
	s0 =	simm.s32 @!p1 $0x0  }
0x14: {  	s2 =	sld [smem:$0x3F92];
	s0 =	simm.s32 @p1 $0x1  }
0x15: {  	[smem:$0x3FAF] =	sst s0;
	s0 =	simm.s32 @!p2 $0x0  }
0x16: {  	s3 =	sld [smem:$0x3FDB];
	s0 =	simm.s32 @p2 $0x1  }
0x17: {  	s4 =	simm.s32 $0x1BF5;
	[smem:$0x3FB1] =	sst s0  }
0x18: {  	s0 =	sld [smem:$0x3F94];
	_ =	swait.ge [sflag:s4], $0x0  }
0x19: {  	s7 =	sld [smem:$0x3F95]  }
0x1a: {  	s8 =	sadd.s32 $0xFFFFE003, lr  }
0x1b: {  	s9 =	sadd.s32 $0xFFFFFEF7, lr;
	s5 =	simm.s32 $0xFFFFFFFF;
	p2 =	slt.u32 s8, $0xFFFFF086  }
0x1c: {  	p1 =	slt.u32 s9, $0xF7A;
	s5 =	simm.s32 @!p2 $0x0  }
0x1d: {  	s5 =	simm.s32 @p1 $0x1;
	p0 =	seq.s32 s7, s2  }
0x1e: {  	s7 =	smul.u32 @!p0 $0xF7A, s2;
	p2 =	seq.s32 @!p0 s5, $0x0  }
0x1f: {  	s9 =	smul.u32 $0xF7A, s1;
	s8 =	simm.s32 @!p0 $0x1BF5;
	p2 =	por !p2, p0  }
0x20: {  	[sflag:s8] =	ssyncset.s32 @!p0 $0xFFFFF086;
	s6 =	sadd.s32 @!p0 s3, s7;
	s7 =	simm.s32 @!p0 $0x108  }
0x21: {  	s3 =	sadd.s32 s3, s9;
	s6 =	sadd.s32 @!p0 $0x88, s6;
	s7 =	simm.s32 @p2 $0x1082  }
0x22: {  	[simem:s7], [sflag:s8] =	dma.local @!p0 [hbm:s6], $0xF7A  }
0x23: {  	s9 =	sor.u32 $0xD0000000, s2;
	s6 =	simm.s32 $0x108;
	_ =	swait.ge @!p0 [sflag:s8], $0x0  }
0x24: {  	s3 =	sadd.s32 $0x88, s3;
	s6 =	simm.s32 @!p1 $0x1082;
	[sflag:s4] =	ssyncset.s32 $0xFFFFF086  }
0x25: {  	[simem:s6], [sflag:s4] =	dma.local [hbm:s3], $0xF7A  }
0x26: {  	[smem:$0x3F95] =	sst s1;
	(tag) =	ssettag s2;
	_ =	strace s9  }
0x27: {  	s1 =	sld [smem:$0x3FA5]  }
0x28: {  	s2 =	sld [smem:$0x3FA6]  }
0x29: {  	s4 =	sld [smem:$0x3FA8]  }
0x2a: {  	p0 =	seq.s32 s5, $0x0;
	s5 =	sld [smem:$0x3FA9]  }
0x2b: {  	s6 =	sld [smem:$0x3FAA]  }
0x2c: {  	s7 =	sld [smem:$0x3FAB]  }
0x2d: {  	s3 =	simm.s32 $0x108;
	s8 =	sld [smem:$0x3FAC]  }
0x2e: {  	s3 =	simm.s32 @!p0 $0x1082;
	s9 =	sld [smem:$0x3FAD]  }
0x2f: {  	lr =	sadd.s32 s0, s3;
	s0 =	sld [smem:$0x3FA4]  }
0x30: {  	s3 =	sld [smem:$0x3FA7]  }
0x31: {  	[smem:$0x3FB0] =	sst s10  }
0x32: {  	s10 =	sld [smem:$0x3FAE];
	_ =	sdelay $0x3  }
0x33: {  	p0 =	seq.s32 s10, $0x1;
	s10 =	sld [smem:$0x3FB0];
	_ =	sdelay $0x3  }
0x34: {  	[smem:$0x3FB0] =	sst s10  }
0x35: {  	s10 =	sld [smem:$0x3FAF];
	_ =	sdelay $0x3  }
0x36: {  	p1 =	seq.s32 s10, $0x1;
	s10 =	sld [smem:$0x3FB0];
	_ =	sdelay $0x3  }
0x37: {  	[smem:$0x3FB0] =	sst s10  }
0x38: {  	s10 =	sld [smem:$0x3FB1]  }
0x39: {  	_ = 	snop;
	(pc) =	sbr.ind lr, $3  }
0x3a: {  	_ = 	snop  }
0x3b: {  	_ = 	snop  }
0x3c: {  	p2 =	seq.s32 s10, $0x1;
	s10 =	sld [smem:$0x3FB0]  }
0x3d: {  	_ =	shalt  }
0x3e: {  	_ =	shalt  }
0x3f: {  	_ =	shalt  }
0x40: {  	_ =	shalt  }
0x41: {  	_ =	shalt  }
0x42: {  	_ =	shalt  }
0x43: {  	_ =	shalt  }
0x44: {  	_ =	shalt  }
0x45: {  	_ =	shalt  }
0x46: {  	_ =	shalt  }
0x47: {  	_ =	shalt  }
0x48: {  	_ =	shalt  }
0x49: {  	_ =	shalt  }
0x4a: {  	_ =	shalt  }
0x4b: {  	_ =	shalt  }
0x4c: {  	_ =	shalt  }
0x4d: {  	_ =	shalt  }
0x4e: {  	_ =	shalt  }
0x4f: {  	_ =	shalt  }
0x50: {  	_ =	shalt  }
0x51: {  	_ =	shalt  }
0x52: {  	_ =	shalt  }
0x53: {  	_ =	shalt  }
0x54: {  	_ =	shalt  }
0x55: {  	_ =	shalt  }
0x56: {  	_ =	shalt  }
0x57: {  	_ =	shalt  }
0x58: {  	_ =	shalt  }
0x59: {  	_ =	shalt  }
0x5a: {  	_ =	shalt  }
0x5b: {  	_ =	shalt  }
0x5c: {  	_ =	shalt  }
0x5d: {  	_ =	shalt  }
0x5e: {  	_ =	shalt  }
0x5f: {  	_ =	shalt  }
0x60: {  	_ =	shalt  }
0x61: {  	_ =	shalt  }
0x62: {  	_ =	shalt  }
0x63: {  	_ =	shalt  }
0x64: {  	_ =	shalt  }
0x65: {  	_ =	shalt  }
0x66: {  	_ =	shalt  }
0x67: {  	_ =	shalt  }
0x68: {  	_ =	shalt  }
0x69: {  	_ =	shalt  }
0x6a: {  	_ =	shalt  }
0x6b: {  	_ =	shalt  }
0x6c: {  	_ =	shalt  }
0x6d: {  	_ =	shalt  }
0x6e: {  	_ =	shalt  }
0x6f: {  	_ =	shalt  }
0x70: {  	_ =	shalt  }
0x71: {  	_ =	shalt  }
0x72: {  	_ =	shalt  }
0x73: {  	_ =	shalt  }
0x74: {  	_ =	shalt  }
0x75: {  	_ =	shalt  }
0x76: {  	_ =	shalt  }
0x77: {  	_ =	shalt  }
0x78: {  	_ =	shalt  }
0x79: {  	_ =	shalt  }
0x7a: {  	_ =	shalt  }
0x7b: {  	_ =	shalt  }
0x7c: {  	_ =	shalt  }
0x7d: {  	_ =	shalt  }
0x7e: {  	_ =	shalt  }
0x7f: {  	_ =	shalt  }
0x80: {  	_ =	shalt  }
0x81: {  	_ =	shalt  }
0x82: {  	_ =	shalt  }
0x83: {  	_ =	shalt  }
0x84: {  	_ =	shalt  }
0x85: {  	_ =	shalt  }
0x86: {  	_ =	shalt  }
0x87: {  	_ =	shalt  }
.Lfunc_end0:
.L_simem_size_0:
called_computation_lowered:
.L_overlay_start_0:
0x88: {  	s2 =	sld [smem:$0x3FD9]  }
0x89: {  	s3 =	sld [smem:$0x3FFE];
	_ =	sdelay $0x1  }
0x8a: {  	s1 =	srdreg.scid  }
0x8b: {  	s0 =	sand.u32 $0x1, s1  }
0x8c: {  	s14 =	sshll.u32 s0, $0xA;
	s2 =	sadd.s32 s3, s2  }
0x8d: {  	s2 =	sadd.s32 s2, s14  }
0x8e: {  	[smem:$0x3FBC] =	sst s2  }
0x8f: {  	_ = 	snop  }
0x90: {  	s2 =	sld [smem:$0x3FD0];
	_ =	sdelay $0x2  }
0x91: {  	s15 =	simm.s32 $0xA;
	s4 =	simm.s32 $0x10  }
0x92: {  	[smem:s4], [sflag:s15] =	dma.local [hbm:s2], $0x1  }
0x93: {  	_ =	swait.eq [sflag:s15], $0x1  }
0x94: {  	[sflag:s15] =	ssyncset.done $0x0  }
0x95: {  	[sflag:s15] =	ssyncadd.s32 $0xFFFFFFFF  }
0x96: {  	s16 =	sld [smem:$0x11];
	(tm) =	ssettm $0x1  }
0x97: {  	s17 =	sld [smem:$0x3FFB];
	_ =	sdelay $0x3  }
0x98: {  	_ =	strace s17  }
0x99: {  	s3 =	sld [smem:$0x3FFC];
	_ =	sdelay $0x3  }
0x9a: {  	_ =	strace s3  }
0x9b: {  	s3 =	sld [smem:$0x3FFD];
	_ =	sdelay $0x3  }
0x9c: {  	_ =	strace s3  }
0x9d: {  	_ =	strace $0x8FFFFFFF  }
0x9e: {  	s18 =	sld [smem:$0x3FDB];
	_ =	sdelay $0x1  }
0x9f: {  	s19 =	simm.s32 $_scs_section_size  }
0xa0: {  	s5 =	simm.s32 $_size__tile_overlayer_lowered;
	s6 =	simm.s32 $_tile_overlayer_lowered  }
0xa1: {  	s22 =	simm.s32 $0x1BFF;
	s21 =	sshll.u32 s6, $0x1;
	s3 =	sadd.s32 s19, s18  }
0xa2: {  	s7 =	simm.s32 $0x0;
	s20 =	sshll.u32 s5, $0x1;
	s5 =	sadd.s32 s21, s3  }
0xa3: {  	[timem:s7], [sflag:s22] =	dma.local [hbm:s5], s20  }
0xa4: {  	_ =	swait.ge [sflag:s22], s20  }
0xa5: {  	s4 =	ssub.s32 $0x0, s20;
	[sflag:s22] =	ssyncset.done $0x0  }
0xa6: {  	[sflag:s22] =	ssyncadd.s32 s4;
	_ =	sdelay $0x1  }
0xa7: {  	s23 =	simm.s32 $0x1B8B  }
0xa8: {  	_ =	swait.ge [sflag:s23], $0x1  }
0xa9: {  	[sflag:s23] =	ssyncset.done $0x0  }
0xaa: {  	s25 =	simm.s32 $0x1B8E;
	s24 =	sld [smem:$0x3FFE];
	[sflag:s23] =	ssyncadd.s32 $0xFFFFFFFF  }
0xab: {  	s26 =	simm.s32 $execute0_lowered;
	[smem:$0x3FD2] =	sst s25  }
0xac: {  	s5 =	sshll.u32 s26, $0x1;
	_ =	strace $0x80000046;
	[dreg:$0x1] =	wrdreg $0xFFFFFFFF  }
0xad: {  	s28 =	simm.s32 $_size_execute0_lowered;
	s3 =	sadd.s32 s3, s5;
	[dreg:$0x0] =	wrdreg $0x0  }
0xae: {  	s5 =	sshll.u32 s28, $0x1;
	[dreg:$0x2] =	wrdreg s3  }
0xaf: {  	[dreg:$0x3] =	wrdreg s5  }
0xb0: {  	[dreg:$0x4] =	wrdreg $0xC0  }
0xb1: {  	_ =	task [dreg:s7], $0x5FFFF  }
0xb2: {  	[dreg:$0x1] =	wrdreg $0xFFFFFFFF  }
0xb3: {  	[dreg:$0x0] =	wrdreg $0x60  }
0xb4: {  	[dreg:$0x2] =	wrdreg s24  }
0xb5: {  	[dreg:$0x3] =	wrdreg s16  }
0xb6: {  	[dreg:$0x4] =	wrdreg $0x88000  }
0xb7: {  	[dreg:$0x5] =	wrdreg $0x9  }
0xb8: {  	_ =	task.clear_ibuf [dreg:s7], $0x6FFFF;
	_ =	strace $0x90000046  }
0xb9: {  	s29 =	simm.s32 $0x9;
	_ =	strace $0x80000048  }
0xba: {  	_ =	swait.ge [sflag:s29], $0x1  }
0xbb: {  	[sflag:s29] =	ssyncadd.s32 $0xFFFFFFFF  }
0xbc: {  	_ =	strace $0x90000048  }
0xbd: {  	_ =	sfence  }
0xbe: {  	s30 =	sld [smem:$0x0];
	_ =	sdelay $0x2  }
0xbf: {  	s31 =	sshll.u32 s1, $0xD;
	s1 =	sshrl.u32 s1, $0x2  }
0xc0: {  	s3 =	sand.u32 $0x4000, s31;
	s1 =	sadd.s32 s1, s30  }
0xc1: {  	s0 =	sor.u32 s3, s0;
	s1 =	sshll.u32 s1, $0x11  }
0xc2: {  	s0 =	sor.u32 s1, s0  }
0xc3: {  	s0 =	sadd.s32 $0x8F2B, s0  }
0xc4: {  	[sflag:s0] =	ssyncadd.remote.s32 $0x1  }
0xc5: {  	_ =	sfence.sel $0xFFFF  }
0xc6: {  	[dreg:$0x0] =	wrdreg $0xFFFFFFFF;
	(pc) =	sbr.abs _section_cstart, $3  }
0xc7: {  	[dreg:$0x1] =	wrdreg $0xFFFFFFFF  }
0xc8: {  	_ =	task.clear_ibuf [dreg:s7], $0x2FFFF;
	_ =	strace $0x9FFFFFFF  }
0xc9: {  	(tm) =	ssettm $0x7FFFFFFF  }
tec
execute0_lowered:
.L_overlay_start_1:
0x0: {  	(tag) =	ssettag $0x1  }
0x1: {  	s0 =	rddreg [dreg:$0x0]  }
0x2: {  	s3 =	rddreg [dreg:$0x2];
	s8 =	stileid.u32  }
0x3: {  	s1 =	srdreg.scid;
	s4 =	simm.s32 $0x0;
	s10 =	simm.s32 $0xF  }
0x4: {  	s16 =	simm.s32 $0x800;
	s17 =	simm.s32 $0x5;
	s26 =	simm.s32 $0x480  }
0x5: {  	s28 =	simm.s32 $0x180;
	s29 =	simm.s32 $0x580;
	s2 =	smul.u32 $0x28, s8  }
0x6: {  	s30 =	simm.s32 $0x200;
	s31 =	simm.s32 $0x600;
	s5 =	smul.u32 $0x78, s8  }
0x7: {  	s11 =	simm.s32 $0x0;
	s1 =	sand.u32 $0x1, s1;
	s7 =	smul.u32 $0x14000, s8  }
0x8: {  	[smem:$0x7FF] =	sst s4;
	s8 =	smul.u32 $0x50000, s8;
	p0 =	seq.s32 s1, $0x0  }
0x9: {  	s6 =	smul.u32 $0x140000, s1;
	_ =	strace $0x80000047;
	s1 =	ssub.s32 $0x2, s1  }
0xa: {  	[dreg:$0x4] =	wrdreg s26;
	s26 =	simm.s32 $0x4;
	s2 =	sadd.s32 $0x780, s2  }
0xb: {  	s18 =	sshrl.u32 s8, $0x2;
	s9 =	sshrl.u32 s1, $0x1;
	s10 =	simm.s32 @!p0 $0x5  }
0xc: {  	s8 =	simm.s32 $0x380;
	s2 =	smov.u32 @p0 s5;
	s5 =	sadd.s32 $0x18400, s0  }
0xd: {  	s6 =	sadd.s32 s7, s6;
	s1 =	ssub.s32 s1, s9;
	s9 =	simm.s32 $0x780  }
0xe: {  	s2 =	sshll.u32 s2, $0x4;
	s19 =	sshrl.u32 s6, $0x3;
	s6 =	sadd.s32 s18, s3  }
0xf: {  	s23 =	smax.u32 s1, $0x1;
	s18 =	simm.s32 $0x400;
	s1 =	simm.s32 $0x280  }
0x10: {  	s2 =	sadd.s32 s2, s0;
	s7 =	sadd.s32 $0x4000, s6;
	[dreg:$0xa] =	wrdreg s23  }
0x11: {  	s0 =	sadd.s32 s19, s0;
	s20 =	sadd.s32 $0x8000, s6;
	[dreg:$0x5] =	wrdreg s7  }
0x12: {  	s21 =	sadd.s32 $0xC000, s6;
	s22 =	sadd.s32 $0x10000, s6;
	[dreg:$0x6] =	wrdreg s20  }
0x13: {  	s19 =	simm.s32 $0x80;
	s23 =	simm.s32 $0x3;
	[dreg:$0x7] =	wrdreg s21  }
0x14: {  	[dreg:$0x8] =	wrdreg s22;
	s0 =	sadd.s32 $0x40400, s0;
	s24 =	sadd.s32 $0x4400, s2  }
0x15: {  	s25 =	sadd.s32 $0xE400, s2;
	s20 =	simm.s32 $0x4800;
	[dreg:$0x9] =	wrdreg s0  }
0x16: {  	s21 =	simm.s32 $0x1;
	s22 =	simm.s32 $0x2;
	[dreg:$0xb] =	wrdreg s24  }
0x17: {  	s2 =	simm.s32 $0x680;
	s7 =	simm.s32 $0x700;
	[dreg:$0xc] =	wrdreg s25  }
0x18: {  	s24 =	simm.s32 $0x100;
	s25 =	simm.s32 $0x500;
	s0 =	simm.s32 $0x300  }
.LBB2_1:
0x19: {  	s12 =	rddreg [dreg:$0x1]  }
0x1a: {  	[tilespmem:s16], [sflag:$0x5] =	stream.linear.gather [hbm4b:s12+s4], $0x4000, $0x38;
	[tilespmem:$0x1C800] =	vst v63  }
0x1b: {  	_ =	swait.ge [sflag:s17], $0x4000  }
0x1c: {  	[sflag:s17] =	ssyncset.done $0x0  }
0x1d: {  	[sflag:s17] =	ssyncadd.s32 $0xFFFFC000  }
0x1e: {  	[spmem:s6] =	stream.linear.scatter [tilespmem:s16], [sflag:$0x5], $0x4000, $0x38;
	[tilespmem:$0x1C800] =	vst v63  }
0x1f: {  	_ =	swait.ge [sflag:s17], $0x4000  }
0x20: {  	[sflag:s17] =	ssyncset.done $0x0  }
0x21: {  	s15 =	rddreg [dreg:$0x5];
	[sflag:s17] =	ssyncadd.s32 $0xFFFFC000  }
0x22: {  	[spmem:s15] =	stream.linear.scatter [tilespmem:s16], [sflag:$0x5], $0x4000, $0x38;
	[tilespmem:$0x1C800] =	vst v63  }
0x23: {  	_ =	swait.ge [sflag:s17], $0x4000  }
0x24: {  	[sflag:s17] =	ssyncset.done $0x0  }
0x25: {  	s13 =	rddreg [dreg:$0x6];
	[sflag:s17] =	ssyncadd.s32 $0xFFFFC000  }
0x26: {  	[spmem:s13] =	stream.linear.scatter [tilespmem:s16], [sflag:$0x5], $0x4000, $0x38;
	[tilespmem:$0x1C800] =	vst v63  }
0x27: {  	_ =	swait.ge [sflag:s17], $0x4000  }
0x28: {  	[sflag:s17] =	ssyncset.done $0x0  }
0x29: {  	s14 =	rddreg [dreg:$0x7];
	[sflag:s17] =	ssyncadd.s32 $0xFFFFC000  }
0x2a: {  	[spmem:s14] =	stream.linear.scatter [tilespmem:s16], [sflag:$0x5], $0x4000, $0x38;
	[tilespmem:$0x1C800] =	vst v63  }
0x2b: {  	_ =	swait.ge [sflag:s17], $0x4000  }
0x2c: {  	[sflag:s17] =	ssyncset.done $0x0  }
0x2d: {  	s15 =	rddreg [dreg:$0x8];
	[sflag:s17] =	ssyncadd.s32 $0xFFFFC000  }
0x2e: {  	[spmem:s15] =	stream.linear.scatter [tilespmem:s16], [sflag:$0x5], $0x4000, $0x38;
	[tilespmem:$0x1C800] =	vst v63  }
0x2f: {  	_ =	swait.ge [sflag:s17], $0x4000  }
0x30: {  	[sflag:s17] =	ssyncset.done $0x0  }
0x31: {  	[sflag:s17] =	ssyncadd.s32 $0xFFFFC000  }
0x32: {  	[bflag:$0x0] =	sbarrier.arrive $0xFFFF  }
0x33: {  	s15 =	rddreg [dreg:$0xc]  }
0x34: {  	[tilespmem:s4], [sflag:$0x5] =	stream.linear.gather [hbm4b:s15+s4], $0x400, $0x38;
	[tilespmem:$0x1C800] =	vst v63  }
0x35: {  	_ =	swait.ge [sflag:s17], $0x400  }
0x36: {  	[sflag:s17] =	ssyncset.done $0x0  }
0x37: {  	s14 =	rddreg [dreg:$0xb];
	[sflag:s17] =	ssyncadd.s32 $0xFFFFFC00  }
0x38: {  	[tilespmem:s18], [sflag:$0x5] =	stream.linear.gather [hbm4b:s14+s4], $0x400, $0x38;
	[tilespmem:$0x1C800] =	vst v63  }
0x39: {  	_ =	swait.ge [sflag:s17], $0x400  }
0x3a: {  	[sflag:s17] =	ssyncset.done $0x0  }
0x3b: {  	[sflag:s17] =	ssyncadd.s32 $0xFFFFFC00  }
0x3c: {  	[tilespmem:s16], [sflag:$0x1] =	stream.indirect.gather [hbm4b:s5+s19], $0x80, s4, s19, $0xb8;
	[tilespmem:$0x1C800] =	vst v63  }
0x3d: {  	_ = 	snop  }
0x3e: {  	[tilespmem:s20], [sflag:$0x2] =	stream.indirect.gather [hbm4b:s5+s19], $0x80, s19, s19, $0xb8;
	[tilespmem:$0x1C800] =	vst v63  }
0x3f: {  	_ =	swait.ge [sflag:s21], $0x4000  }
0x40: {  	[sflag:s21] =	ssyncset.done $0x0  }
0x41: {  	[sflag:s21] =	ssyncadd.s32 $0xFFFFC000  }
0x42: {  	[spmem:s3] =	stream.indirect.scatter.add.f32 [tilespmem:s16], [sflag:$0x3], $0x80, s18, s19, $0xb8;
	[tilespmem:$0x1C800] =	vst v63  }
0x43: {  	_ =	swait.ge [sflag:s22], $0x4000  }
0x44: {  	[sflag:s22] =	ssyncset.done $0x0  }
0x45: {  	s13 =	rddreg [dreg:$0x4];
	[sflag:s22] =	ssyncadd.s32 $0xFFFFC000  }
0x46: {  	[spmem:s3] =	stream.indirect.scatter.add.f32 [tilespmem:s20], [sflag:$0x4], $0x80, s13, s19, $0xb8;
	[tilespmem:$0x1C800] =	vst v63  }
0x47: {  	_ =	swait.ge [sflag:s23], $0x4000  }
0x48: {  	[sflag:s23] =	ssyncset.done $0x0  }
0x49: {  	[sflag:s23] =	ssyncadd.s32 $0xFFFFC000  }
0x4a: {  	[tilespmem:s16], [sflag:$0x1] =	stream.indirect.gather [hbm4b:s5+s19], $0x80, s24, s19, $0xb8;
	[tilespmem:$0x1C800] =	vst v63  }
0x4b: {  	_ =	swait.ge [sflag:s21], $0x4000  }
0x4c: {  	[sflag:s21] =	ssyncset.done $0x0  }
0x4d: {  	[sflag:s21] =	ssyncadd.s32 $0xFFFFC000  }
0x4e: {  	[spmem:s3] =	stream.indirect.scatter.add.f32 [tilespmem:s16], [sflag:$0x3], $0x80, s25, s19, $0xb8;
	[tilespmem:$0x1C800] =	vst v63  }
0x4f: {  	_ =	swait.ge [sflag:s26], $0x4000  }
0x50: {  	[sflag:s26] =	ssyncset.done $0x0  }
0x51: {  	[sflag:s26] =	ssyncadd.s32 $0xFFFFC000  }
0x52: {  	[tilespmem:s20], [sflag:$0x2] =	stream.indirect.gather [hbm4b:s5+s19], $0x80, s28, s19, $0xb8;
	[tilespmem:$0x1C800] =	vst v63  }
0x53: {  	_ =	swait.ge [sflag:s22], $0x4000  }
0x54: {  	[sflag:s22] =	ssyncset.done $0x0  }
0x55: {  	[sflag:s22] =	ssyncadd.s32 $0xFFFFC000  }
0x56: {  	[spmem:s3] =	stream.indirect.scatter.add.f32 [tilespmem:s20], [sflag:$0x4], $0x80, s29, s19, $0xb8;
	[tilespmem:$0x1C800] =	vst v63  }
0x57: {  	_ =	swait.ge [sflag:s23], $0x4000  }
0x58: {  	[sflag:s23] =	ssyncset.done $0x0  }
0x59: {  	[sflag:s23] =	ssyncadd.s32 $0xFFFFC000  }
0x5a: {  	[tilespmem:s16], [sflag:$0x1] =	stream.indirect.gather [hbm4b:s5+s19], $0x80, s30, s19, $0xb8;
	[tilespmem:$0x1C800] =	vst v63  }
0x5b: {  	_ =	swait.ge [sflag:s21], $0x4000  }
0x5c: {  	[sflag:s21] =	ssyncset.done $0x0  }
0x5d: {  	[sflag:s21] =	ssyncadd.s32 $0xFFFFC000  }
0x5e: {  	[spmem:s3] =	stream.indirect.scatter.add.f32 [tilespmem:s16], [sflag:$0x3], $0x80, s31, s19, $0xb8;
	[tilespmem:$0x1C800] =	vst v63  }
0x5f: {  	_ =	swait.ge [sflag:s26], $0x4000  }
0x60: {  	[sflag:s26] =	ssyncset.done $0x0  }
0x61: {  	[sflag:s26] =	ssyncadd.s32 $0xFFFFC000  }
0x62: {  	[tilespmem:s20], [sflag:$0x2] =	stream.indirect.gather [hbm4b:s5+s19], $0x80, s1, s19, $0xb8;
	[tilespmem:$0x1C800] =	vst v63  }
0x63: {  	_ =	swait.ge [sflag:s22], $0x4000  }
0x64: {  	[sflag:s22] =	ssyncset.done $0x0  }
0x65: {  	[sflag:s22] =	ssyncadd.s32 $0xFFFFC000  }
0x66: {  	[spmem:s3] =	stream.indirect.scatter.add.f32 [tilespmem:s20], [sflag:$0x4], $0x80, s2, s19, $0xb8;
	[tilespmem:$0x1C800] =	vst v63  }
0x67: {  	_ =	swait.ge [sflag:s23], $0x4000  }
0x68: {  	[sflag:s23] =	ssyncset.done $0x0  }
0x69: {  	[sflag:s23] =	ssyncadd.s32 $0xFFFFC000  }
0x6a: {  	[tilespmem:s16], [sflag:$0x1] =	stream.indirect.gather [hbm4b:s5+s19], $0x80, s0, s19, $0xb8;
	[tilespmem:$0x1C800] =	vst v63  }
0x6b: {  	_ =	swait.ge [sflag:s21], $0x4000  }
0x6c: {  	[sflag:s21] =	ssyncset.done $0x0  }
0x6d: {  	[sflag:s21] =	ssyncadd.s32 $0xFFFFC000  }
0x6e: {  	[spmem:s3] =	stream.indirect.scatter.add.f32 [tilespmem:s16], [sflag:$0x3], $0x80, s7, s19, $0xb8;
	[tilespmem:$0x1C800] =	vst v63  }
0x6f: {  	_ =	swait.ge [sflag:s26], $0x4000  }
0x70: {  	[sflag:s26] =	ssyncset.done $0x0  }
0x71: {  	[sflag:s26] =	ssyncadd.s32 $0xFFFFC000  }
0x72: {  	[tilespmem:s20], [sflag:$0x2] =	stream.indirect.gather [hbm4b:s5+s19], $0x80, s8, s19, $0xb8;
	[tilespmem:$0x1C800] =	vst v63  }
0x73: {  	_ =	swait.ge [sflag:s22], $0x4000  }
0x74: {  	[sflag:s22] =	ssyncset.done $0x0  }
0x75: {  	p0 =	sne.s32 s10, $0x1;
	[sflag:s22] =	ssyncadd.s32 $0xFFFFC000  }
0x76: {  	[spmem:s3] =	stream.indirect.scatter.add.f32 [tilespmem:s20], [sflag:$0x4], $0x80, s9, s19, $0xb8;
	[tilespmem:$0x1C800] =	vst v63  }
.Ltmp0:
0x77: {  	_ =	swait.ge [sflag:s23], $0x4000;
	(pc) =	sbr.rel @!p0 .LBB2_3-.Ltmp0, $4  }
0x78: {  	[sflag:s23] =	ssyncset.done $0x0  }
0x79: {  	[sflag:s23] =	ssyncadd.s32 $0xFFFFC000  }
0x7a: {  	_ =	swait.ge [sflag:s26], $0x4000  }
0x7b: {  	s12 =	sadd.s32 $0xFFFFFFFF, s10;
	[sflag:s26] =	ssyncset.done $0x0  }
.LBB2_2:
0x7c: {  	[sflag:s26] =	ssyncadd.s32 $0xFFFFC000;
	s15 =	sadd.s32 $0x80, s15  }
0x7d: {  	[tilespmem:s4], [sflag:$0x5] =	stream.linear.gather [hbm4b:s15+s4], $0x400, $0x38;
	[tilespmem:$0x1C800] =	vst v63  }
0x7e: {  	_ =	swait.ge [sflag:s17], $0x400  }
0x7f: {  	[sflag:s17] =	ssyncset.done $0x0  }
0x80: {  	s14 =	sadd.s32 $0x80, s14;
	[sflag:s17] =	ssyncadd.s32 $0xFFFFFC00  }
0x81: {  	[tilespmem:s18], [sflag:$0x5] =	stream.linear.gather [hbm4b:s14+s4], $0x400, $0x38;
	[tilespmem:$0x1C800] =	vst v63  }
0x82: {  	_ =	swait.ge [sflag:s17], $0x400  }
0x83: {  	[sflag:s17] =	ssyncset.done $0x0  }
0x84: {  	[sflag:s17] =	ssyncadd.s32 $0xFFFFFC00  }
0x85: {  	[tilespmem:s16], [sflag:$0x1] =	stream.indirect.gather [hbm4b:s5+s19], $0x80, s4, s19, $0xb8;
	[tilespmem:$0x1C800] =	vst v63  }
0x86: {  	_ = 	snop  }
0x87: {  	[tilespmem:s20], [sflag:$0x2] =	stream.indirect.gather [hbm4b:s5+s19], $0x80, s19, s19, $0xb8;
	[tilespmem:$0x1C800] =	vst v63  }
0x88: {  	_ =	swait.ge [sflag:s21], $0x4000  }
0x89: {  	[sflag:s21] =	ssyncset.done $0x0  }
0x8a: {  	[sflag:s21] =	ssyncadd.s32 $0xFFFFC000  }
0x8b: {  	[spmem:s3] =	stream.indirect.scatter.add.f32 [tilespmem:s16], [sflag:$0x3], $0x80, s18, s19, $0xb8;
	[tilespmem:$0x1C800] =	vst v63  }
0x8c: {  	_ =	swait.ge [sflag:s22], $0x4000  }
0x8d: {  	[sflag:s22] =	ssyncset.done $0x0  }
0x8e: {  	s13 =	rddreg [dreg:$0x4];
	[sflag:s22] =	ssyncadd.s32 $0xFFFFC000  }
0x8f: {  	[spmem:s3] =	stream.indirect.scatter.add.f32 [tilespmem:s20], [sflag:$0x4], $0x80, s13, s19, $0xb8;
	[tilespmem:$0x1C800] =	vst v63  }
0x90: {  	_ =	swait.ge [sflag:s23], $0x4000  }
0x91: {  	[sflag:s23] =	ssyncset.done $0x0  }
0x92: {  	[sflag:s23] =	ssyncadd.s32 $0xFFFFC000  }
0x93: {  	[tilespmem:s16], [sflag:$0x1] =	stream.indirect.gather [hbm4b:s5+s19], $0x80, s24, s19, $0xb8;
	[tilespmem:$0x1C800] =	vst v63  }
0x94: {  	_ =	swait.ge [sflag:s21], $0x4000  }
0x95: {  	[sflag:s21] =	ssyncset.done $0x0  }
0x96: {  	[sflag:s21] =	ssyncadd.s32 $0xFFFFC000  }
0x97: {  	[spmem:s3] =	stream.indirect.scatter.add.f32 [tilespmem:s16], [sflag:$0x3], $0x80, s25, s19, $0xb8;
	[tilespmem:$0x1C800] =	vst v63  }
0x98: {  	_ =	swait.ge [sflag:s26], $0x4000  }
0x99: {  	[sflag:s26] =	ssyncset.done $0x0  }
0x9a: {  	[sflag:s26] =	ssyncadd.s32 $0xFFFFC000  }
0x9b: {  	[tilespmem:s20], [sflag:$0x2] =	stream.indirect.gather [hbm4b:s5+s19], $0x80, s28, s19, $0xb8;
	[tilespmem:$0x1C800] =	vst v63  }
0x9c: {  	_ =	swait.ge [sflag:s22], $0x4000  }
0x9d: {  	[sflag:s22] =	ssyncset.done $0x0  }
0x9e: {  	[sflag:s22] =	ssyncadd.s32 $0xFFFFC000  }
0x9f: {  	[spmem:s3] =	stream.indirect.scatter.add.f32 [tilespmem:s20], [sflag:$0x4], $0x80, s29, s19, $0xb8;
	[tilespmem:$0x1C800] =	vst v63  }
0xa0: {  	_ =	swait.ge [sflag:s23], $0x4000  }
0xa1: {  	[sflag:s23] =	ssyncset.done $0x0  }
0xa2: {  	[sflag:s23] =	ssyncadd.s32 $0xFFFFC000  }
0xa3: {  	[tilespmem:s16], [sflag:$0x1] =	stream.indirect.gather [hbm4b:s5+s19], $0x80, s30, s19, $0xb8;
	[tilespmem:$0x1C800] =	vst v63  }
0xa4: {  	_ =	swait.ge [sflag:s21], $0x4000  }
0xa5: {  	[sflag:s21] =	ssyncset.done $0x0  }
0xa6: {  	[sflag:s21] =	ssyncadd.s32 $0xFFFFC000  }
0xa7: {  	[spmem:s3] =	stream.indirect.scatter.add.f32 [tilespmem:s16], [sflag:$0x3], $0x80, s31, s19, $0xb8;
	[tilespmem:$0x1C800] =	vst v63  }
0xa8: {  	_ =	swait.ge [sflag:s26], $0x4000  }
0xa9: {  	[sflag:s26] =	ssyncset.done $0x0  }
0xaa: {  	[sflag:s26] =	ssyncadd.s32 $0xFFFFC000  }
0xab: {  	[tilespmem:s20], [sflag:$0x2] =	stream.indirect.gather [hbm4b:s5+s19], $0x80, s1, s19, $0xb8;
	[tilespmem:$0x1C800] =	vst v63  }
0xac: {  	_ =	swait.ge [sflag:s22], $0x4000  }
0xad: {  	[sflag:s22] =	ssyncset.done $0x0  }
0xae: {  	[sflag:s22] =	ssyncadd.s32 $0xFFFFC000  }
0xaf: {  	[spmem:s3] =	stream.indirect.scatter.add.f32 [tilespmem:s20], [sflag:$0x4], $0x80, s2, s19, $0xb8;
	[tilespmem:$0x1C800] =	vst v63  }
0xb0: {  	_ =	swait.ge [sflag:s23], $0x4000  }
0xb1: {  	[sflag:s23] =	ssyncset.done $0x0  }
0xb2: {  	[sflag:s23] =	ssyncadd.s32 $0xFFFFC000  }
0xb3: {  	[tilespmem:s16], [sflag:$0x1] =	stream.indirect.gather [hbm4b:s5+s19], $0x80, s0, s19, $0xb8;
	[tilespmem:$0x1C800] =	vst v63  }
0xb4: {  	_ =	swait.ge [sflag:s21], $0x4000  }
0xb5: {  	[sflag:s21] =	ssyncset.done $0x0  }
0xb6: {  	[sflag:s21] =	ssyncadd.s32 $0xFFFFC000  }
0xb7: {  	[spmem:s3] =	stream.indirect.scatter.add.f32 [tilespmem:s16], [sflag:$0x3], $0x80, s7, s19, $0xb8;
	[tilespmem:$0x1C800] =	vst v63  }
0xb8: {  	_ =	swait.ge [sflag:s26], $0x4000  }
0xb9: {  	[sflag:s26] =	ssyncset.done $0x0  }
0xba: {  	[sflag:s26] =	ssyncadd.s32 $0xFFFFC000  }
0xbb: {  	[tilespmem:s20], [sflag:$0x2] =	stream.indirect.gather [hbm4b:s5+s19], $0x80, s8, s19, $0xb8;
	[tilespmem:$0x1C800] =	vst v63  }
0xbc: {  	_ =	swait.ge [sflag:s22], $0x4000  }
0xbd: {  	[sflag:s22] =	ssyncset.done $0x0  }
0xbe: {  	p0 =	sne.s32 s12, $0x1;
	[sflag:s22] =	ssyncadd.s32 $0xFFFFC000  }
0xbf: {  	[spmem:s3] =	stream.indirect.scatter.add.f32 [tilespmem:s20], [sflag:$0x4], $0x80, s9, s19, $0xb8;
	[tilespmem:$0x1C800] =	vst v63  }
.Ltmp1:
0xc0: {  	_ =	swait.ge [sflag:s23], $0x4000;
	(pc) =	sbr.rel @p0 .LBB2_2-.Ltmp1, $4  }
0xc1: {  	[sflag:s23] =	ssyncset.done $0x0  }
0xc2: {  	[sflag:s23] =	ssyncadd.s32 $0xFFFFC000  }
0xc3: {  	_ =	swait.ge [sflag:s26], $0x4000  }
0xc4: {  	s12 =	sadd.s32 $0xFFFFFFFF, s12;
	[sflag:s26] =	ssyncset.done $0x0  }
.LBB2_3:
0xc5: {  	[sflag:s26] =	ssyncadd.s32 $0xFFFFC000;
	s12 =	stileid.u32  }
0xc6: {  	s12 =	sshll.u32 s12, $0x6;
	[bflag:$0x0] =	sbarrier.arrive $0xFFFF  }
0xc7: {  	s13 =	sshrl.u32 s6, $0x3;
	s12 =	sor.u32 $0x1C05, s12;
	s14 =	rddreg [dreg:$0x9]  }
0xc8: {  	[hbm:s14], [sflag:s12] =	dma.local [spmem:s13], $0x2800  }
0xc9: {  	_ =	swait.ge [sflag:s17], $0x2800  }
0xca: {  	s11 =	sadd.s32 $0x1, s11;
	s15 =	rddreg [dreg:$0xa]  }
0xcb: {  	p0 =	sne.s32 s11, s15  }
.Ltmp2:
0xcc: {  	_ = 	snop;
	(pc) =	sbr.rel @p0 .LBB2_1-.Ltmp2, $3  }
0xcd: {  	_ =	sdelay $0x1  }
0xce: {  	[sflag:s17] =	ssyncset.done $0x0  }
0xcf: {  	[sflag:s17] =	ssyncadd.s32 $0xFFFFD800  }
0xd0: {  	_ =	sfence.sel $0x180000  }
0xd1: {  	[bflag:$0x0] =	sbarrier.arrive $0xFFFF  }
0xd2: {  	_ =	strace $0x90000047  }
0xd3: {  	s0 =	stileid.u32;
	[bflag:$0x2] =	sbarrier.arrive $0xFFFF  }
0xd4: {  	p0 =	sne.s32 s0, $0x0;
	s0 =	rddreg [dreg:$0x3]  }
0xd5: {  	s0 =	sadd.s32 @!p0 $0x100000, s0  }
0xd6: {  	[sflag:s0] =	ssyncadd.tile.s32 @!p0 $0x1;
	_ =	shalt  }
.Lfunc_end2:
_tile_overlayer_lowered:
.L_overlay_start_2:
0xd7: {  	(tag) =	ssettag $0x2  }
0xd8: {  	s0 =	rddreg [dreg:$0x0];
	s2 =	stileid.u32  }
0xd9: {  	s1 =	rddreg [dreg:$0x1];
	p0 =	sne.s32 s2, $0x0  }
0xda: {  	s3 =	rddreg [dreg:$0x2];
	[bflag:$0x3] =	sbarrier.arrive $0xFFFF;
	s2 =	simm.s32 @!p0 $0x1C05  }
0xdb: {  	[timem:s3], [sflag:s2] =	dma.local @!p0 [hbm:s0], s1  }
0xdc: {  	s0 =	simm.s32 @!p0 $0x5  }
0xdd: {  	_ =	swait.ge @!p0 [sflag:s0], s1  }
0xde: {  	s1 =	ssub.s32 @!p0 $0x0, s1;
	[sflag:s0] =	ssyncset.done @!p0 $0x0  }
0xdf: {  	[sflag:s0] =	ssyncadd.s32 @!p0 s1  }
0xe0: {  	[bflag:$0x3] =	sbarrier.arrive $0xFFFF  }
0xe1: {  	_ =	shalt  }

</sc_bundles>
